<compile_context>
chip_gen: v7x
topology: tpu7x:2x2x1
jax: 0.10.2.dev20260603
libtpu: 0.0.44.dev20260713+nightly
codegen_flags: <defaults>
</compile_context>

<pallas_src>
import functools

import jax
import jax.numpy as jnp
from jax import lax
from jax.experimental import pallas as pl
from jax.experimental.pallas import tpu as pltpu
from jax.experimental.pallas import tpu_sc as plsc

N = 4096
D = 128
NRBF = 64
CUTOFF = 0.12
CELL = 1.0
NTYPES = 100

NC = 2
NS = 16
NW = NC * NS
L = 16

CAP = 4096
B = 64
NB = CAP // B
E_CAP = NW * CAP
BANK = 321

GAMMA = 1.0 / ((CUTOFF / NRBF) ** 2)
MUSTEP = CUTOFF / (NRBF - 1)
LOG2 = 0.6931471805599453


def _ssp(x):
    return jnp.maximum(x, 0.0) + jnp.log(1.0 + jnp.exp(-jnp.abs(x))) - LOG2


def _nbr_body(xs, ys, zs, xb, yb, zb, ei, ej, ed2, cnts,
              xv, yv, zv, xbv, ybv, zbv, bi, bj, bd, b2i, b2j, b2d, cbuf):
    c = lax.axis_index("c")
    s = lax.axis_index("s")
    wid = s * NC + c
    pltpu.sync_copy(xs, xv)
    pltpu.sync_copy(ys, yv)
    pltpu.sync_copy(zs, zv)
    pltpu.sync_copy(xb.at[wid], xbv)
    pltpu.sync_copy(yb.at[wid], ybv)
    pltpu.sync_copy(zb.at[wid], zbv)
    iot = lax.iota(jnp.int32, L)
    bankbase = iot * BANK

    def zero_idx(k, carry):
        z16 = jnp.zeros((L,), jnp.int32)
        bi[pl.ds(k * L, L)] = z16
        bj[pl.ds(k * L, L)] = z16
        return carry

    lax.fori_loop(0, (CAP + 2 * L) // L, zero_idx, 0)

    def row_body(r, cntv):
        i = wid + NW * r
        xi = xbv[pl.ds(r * L, L)]
        yi = ybv[pl.ds(r * L, L)]
        zi = zbv[pl.ds(r * L, L)]

        ivec = jnp.full((L,), i, jnp.int32)

        def jb_body(t, cntv):
            for u in range(2):
                j0 = (2 * t + u) * L
                dx = jnp.abs(xv[pl.ds(j0, L)] - xi)
                dx = jnp.minimum(dx, CELL - dx)
                dy = jnp.abs(yv[pl.ds(j0, L)] - yi)
                dy = jnp.minimum(dy, CELL - dy)
                dz = jnp.abs(zv[pl.ds(j0, L)] - zi)
                dz = jnp.minimum(dz, CELL - dz)
                d2 = dx * dx + dy * dy + dz * dz
                jvec = j0 + iot
                m = (d2 < CUTOFF * CUTOFF) & (d2 != 0.0) & (jvec > i)
                pos = bankbase + cntv
                plsc.store_scatter(b2i, [pos], ivec, mask=m)
                plsc.store_scatter(b2j, [pos], jvec, mask=m)
                plsc.store_scatter(b2d, [pos], d2, mask=m)
                cntv = jnp.minimum(cntv + m.astype(jnp.int32), BANK - 1)
            return cntv

        return lax.fori_loop((i // L) // 2, N // L // 2, jb_body, cntv)

    cntv = lax.fori_loop(0, N // NW, row_body, jnp.zeros((L,), jnp.int32))

    start = jnp.int32(0)
    for l in range(L):
        cl = jnp.sum(jnp.where(iot == l, cntv, 0))
        sl_ = start
        ub = jnp.maximum(
            0, jnp.minimum((cl + L - 1) // L, (CAP - sl_ + L - 1) // L))

        def cp(t, carry):
            src = pl.ds(l * BANK + t * L, L)
            dst = pl.ds(sl_ + t * L, L)
            bi[dst] = b2i[src]
            bj[dst] = b2j[src]
            bd[dst] = b2d[src]
            return carry

        lax.fori_loop(0, ub, cp, 0)
        start = start + cl

    cnt = jnp.minimum(jnp.sum(cntv), CAP)
    z16 = jnp.zeros((L,), jnp.int32)
    bi[pl.ds(cnt, L)] = z16
    bi[pl.ds(cnt + L, L)] = z16
    bj[pl.ds(cnt, L)] = z16
    bj[pl.ds(cnt + L, L)] = z16
    cbuf[...] = jnp.where(iot == 0, cnt, 0)
    pltpu.sync_copy(cbuf, cnts.at[wid])
    pltpu.sync_copy(bi.at[pl.ds(0, CAP)], ei.at[wid])
    pltpu.sync_copy(bj.at[pl.ds(0, CAP)], ej.at[wid])
    pltpu.sync_copy(bd.at[pl.ds(0, CAP)], ed2.at[wid])


@functools.lru_cache
def _nbr_call():
    return pl.kernel(
        _nbr_body,
        mesh=plsc.VectorSubcoreMesh(core_axis_name="c", subcore_axis_name="s",
                                    num_cores=NC, num_subcores=NS),
        compiler_params=pltpu.CompilerParams(use_tc_tiling_on_sc=False,
                                             needs_layout_passes=False),
        out_type=[
            jax.ShapeDtypeStruct((NW, CAP), jnp.int32),
            jax.ShapeDtypeStruct((NW, CAP), jnp.int32),
            jax.ShapeDtypeStruct((NW, CAP), jnp.float32),
            jax.ShapeDtypeStruct((NW, L), jnp.int32),
        ],
        scratch_types=[
            pltpu.VMEM((N,), jnp.float32),
            pltpu.VMEM((N,), jnp.float32),
            pltpu.VMEM((N,), jnp.float32),
            pltpu.VMEM(((N // NW) * L,), jnp.float32),
            pltpu.VMEM(((N // NW) * L,), jnp.float32),
            pltpu.VMEM(((N // NW) * L,), jnp.float32),
            pltpu.VMEM((CAP + 2 * L,), jnp.int32),
            pltpu.VMEM((CAP + 2 * L,), jnp.int32),
            pltpu.VMEM((CAP + 2 * L,), jnp.float32),
            pltpu.VMEM((L * BANK,), jnp.int32),
            pltpu.VMEM((L * BANK,), jnp.int32),
            pltpu.VMEM((L * BANK,), jnp.float32),
            pltpu.VMEM((L,), jnp.int32),
        ],
    )


def _prep_body(az_ref, emb_ref, win_ref, bin_ref, h_ref, hw_ref):
    az = az_ref[...]
    t = lax.broadcasted_iota(jnp.int32, (az.shape[0], 128), 1).astype(jnp.float32)
    oh = (az == t).astype(jnp.float32)
    h = jnp.dot(oh, emb_ref[...], preferred_element_type=jnp.float32)
    h_ref[...] = h
    hw_ref[...] = (jnp.dot(h, win_ref[...], preferred_element_type=jnp.float32)
                   + bin_ref[...])


BLK0 = 1024


def _prep_call(az_f, emb_pad, w_in, b_in_row):
    return pl.pallas_call(
        _prep_body,
        grid=(N // BLK0,),
        in_specs=[
            pl.BlockSpec((BLK0, 1), lambda g: (g, 0)),
            pl.BlockSpec((128, D), lambda g: (0, 0)),
            pl.BlockSpec((D, D), lambda g: (0, 0)),
            pl.BlockSpec((1, D), lambda g: (0, 0)),
        ],
        out_specs=[
            pl.BlockSpec((BLK0, D), lambda g: (g, 0)),
            pl.BlockSpec((BLK0, D), lambda g: (g, 0)),
        ],
        out_shape=[
            jax.ShapeDtypeStruct((N, D), jnp.float32),
            jax.ShapeDtypeStruct((N, D), jnp.float32),
        ],
    )(az_f, emb_pad, w_in, b_in_row)


def _filt_body(d2_ref, cnt_ref, wf1_ref, bf1_ref, wf2_ref, bf2_ref, f_ref):
    d2 = d2_ref[...]
    d = jnp.sqrt(d2)
    mu = lax.broadcasted_iota(jnp.int32, (CAP, NRBF), 1).astype(jnp.float32) * MUSTEP
    rbf = jnp.exp(-GAMMA * (d - mu) ** 2)
    x1 = jnp.dot(rbf, wf1_ref[...], preferred_element_type=jnp.float32) + bf1_ref[...]
    f = jnp.dot(_ssp(x1), wf2_ref[...], preferred_element_type=jnp.float32) + bf2_ref[...]
    cnt = cnt_ref[0, 0, 0]
    valid = lax.broadcasted_iota(jnp.int32, (CAP, 1), 0) < cnt
    f_ref[...] = jnp.where(valid, f, 0.0)


def _filt_call(d2_col, cnts3, wf1, bf1_row, wf2, bf2_row):
    return pl.pallas_call(
        _filt_body,
        grid=(NW,),
        in_specs=[
            pl.BlockSpec((CAP, 1), lambda g: (g, 0)),
            pl.BlockSpec((1, 1, L), lambda g: (g, 0, 0),
                         memory_space=pltpu.SMEM),
            pl.BlockSpec((NRBF, D), lambda g: (0, 0)),
            pl.BlockSpec((1, D), lambda g: (0, 0)),
            pl.BlockSpec((D, D), lambda g: (0, 0)),
            pl.BlockSpec((1, D), lambda g: (0, 0)),
        ],
        out_specs=pl.BlockSpec((CAP, D), lambda g: (g, 0)),
        out_shape=jax.ShapeDtypeStruct((E_CAP, D), jnp.float32),
    )(d2_col, cnts3, wf1, bf1_row, wf2, bf2_row)


def _msg_body(ei3, ej3, f4, hw, cnts, aggp,
              biv, bjv, cbuf, fb0, fb1, gi0, gi1, gj0, gj1,
              sf0, si0, sj0, sf1, si1, sj1, aggs):
    c = lax.axis_index("c")
    s = lax.axis_index("s")
    wid = s * NC + c
    base = s * (N // NS)

    def zrow(e, carry):
        for k in range(D // L):
            fb0[e, pl.ds(k * L, L)] = jnp.zeros((L,), jnp.float32)
        return carry

    lax.fori_loop(0, B, zrow, 0)
    for q in range((N // NS) // B):
        pltpu.sync_copy(fb0, aggs.at[pl.ds(base + q * B, B)])
    plsc.subcore_barrier()

    pltpu.sync_copy(ei3.at[wid], biv)
    pltpu.sync_copy(ej3.at[wid], bjv)
    pltpu.sync_copy(cnts.at[wid], cbuf)
    cnt = jnp.sum(cbuf[...])
    nb2 = ((cnt + 2 * B - 1) // (2 * B)) * 2

    slots = ((fb0, gi0, gj0, sf0, si0, sj0),
             (fb1, gi1, gj1, sf1, si1, sj1))

    def start(b, sl):
        fb, gi, gj, sf, si, sj = sl
        pltpu.async_copy(f4.at[wid, b], fb, sf)
        pltpu.async_copy(hw.at[biv.at[b]], gi, si)
        pltpu.async_copy(hw.at[bjv.at[b]], gj, sj)

    def wait(b, sl):
        fb, gi, gj, sf, si, sj = sl
        pltpu.make_async_copy(f4.at[wid, b], fb, sf).wait()
        pltpu.make_async_copy(hw.at[biv.at[b]], gi, si).wait()
        pltpu.make_async_copy(hw.at[bjv.at[b]], gj, sj).wait()

    @pl.when(nb2 > 0)
    def _prime():
        start(0, slots[0])
        start(1, slots[1])

    def do_batch(b, sl):
        fb, gi, gj, sf, si, sj = sl
        wait(b, sl)

        def edge(e, carry):
            for k in range(D // L):
                sk = pl.ds(k * L, L)
                fv = fb[e, sk]
                vi = gi[e, sk]
                vj = gj[e, sk]
                gj[e, sk] = fv * vj
                gi[e, sk] = fv * vi
            return carry

        lax.fori_loop(0, B, edge, 0)
        pltpu.sync_copy(gj, aggs.at[biv.at[b]], add=True)
        pltpu.sync_copy(gi, aggs.at[bjv.at[b]], add=True)

        @pl.when(b + 2 < nb2)
        def _next():
            start(b + 2, sl)

    @pl.loop(0, nb2, step=2)
    def _batches(g):
        do_batch(g, slots[0])
        do_batch(g + 1, slots[1])

    plsc.subcore_barrier()
    pltpu.sync_copy(aggs.at[pl.ds(base, N // NS)],
                    aggp.at[pl.ds(c * N + base, N // NS)])


@functools.lru_cache
def _msg_call():
    return pl.kernel(
        _msg_body,
        mesh=plsc.VectorSubcoreMesh(core_axis_name="c", subcore_axis_name="s",
                                    num_cores=NC, num_subcores=NS),
        compiler_params=pltpu.CompilerParams(use_tc_tiling_on_sc=False,
                                             needs_layout_passes=False),
        out_type=jax.ShapeDtypeStruct((NC * N, D), jnp.float32),
        scratch_types=[
            pltpu.VMEM((NB, B), jnp.int32),
            pltpu.VMEM((NB, B), jnp.int32),
            pltpu.VMEM((L,), jnp.int32),
            pltpu.VMEM((B, D), jnp.float32),
            pltpu.VMEM((B, D), jnp.float32),
            pltpu.VMEM((B, D), jnp.float32),
            pltpu.VMEM((B, D), jnp.float32),
            pltpu.VMEM((B, D), jnp.float32),
            pltpu.VMEM((B, D), jnp.float32),
            pltpu.SemaphoreType.DMA,
            pltpu.SemaphoreType.DMA,
            pltpu.SemaphoreType.DMA,
            pltpu.SemaphoreType.DMA,
            pltpu.SemaphoreType.DMA,
            pltpu.SemaphoreType.DMA,
            pltpu.VMEM_SHARED((N, D), jnp.float32),
        ],
    )


BLK4 = 512


def _final_body(h_ref, a0_ref, a1_ref, wo_ref, we1_ref, be1_ref, we2_ref, out_ref):
    agg = a0_ref[...] + a1_ref[...]
    hn = h_ref[...] + jnp.dot(agg, wo_ref[...], preferred_element_type=jnp.float32)
    x = jnp.dot(hn, we1_ref[...], preferred_element_type=jnp.float32) + be1_ref[...]
    e = jnp.dot(_ssp(x), we2_ref[...], preferred_element_type=jnp.float32)
    part = jnp.sum(e)
    prev = jnp.where(pl.program_id(0) == 0, 0.0, out_ref[0, 0])
    out_ref[0, 0] = prev + part


def _final_call(h, aggp, w_out, w_e1, b_e1_row, w_e2):
    return pl.pallas_call(
        _final_body,
        grid=(N // BLK4,),
        in_specs=[
            pl.BlockSpec((BLK4, D), lambda g: (g, 0)),
            pl.BlockSpec((BLK4, D), lambda g: (g, 0)),
            pl.BlockSpec((BLK4, D), lambda g: (N // BLK4 + g, 0)),
            pl.BlockSpec((D, D), lambda g: (0, 0)),
            pl.BlockSpec((D, D), lambda g: (0, 0)),
            pl.BlockSpec((1, D), lambda g: (0, 0)),
            pl.BlockSpec((D, 1), lambda g: (0, 0)),
        ],
        out_specs=pl.BlockSpec((1, 1), lambda g: (0, 0),
                               memory_space=pltpu.SMEM),
        out_shape=jax.ShapeDtypeStruct((1, 1), jnp.float32),
    )(h, aggp, aggp, w_out, w_e1, b_e1_row, w_e2)


def kernel(xyz, atom_z, embed, W_in, b_in, Wf1, bf1, Wf2, bf2, W_out, W_e1, b_e1, W_e2):
    xs = jnp.asarray(xyz[:, 0], jnp.float32)
    ys = jnp.asarray(xyz[:, 1], jnp.float32)
    zs = jnp.asarray(xyz[:, 2], jnp.float32)

    def rowbcast(v):
        rows = v.reshape(N // NW, NW).T
        return jnp.broadcast_to(rows[:, :, None], (NW, N // NW, L)).reshape(NW, (N // NW) * L)

    ei, ej, ed2, cnts = _nbr_call()(xs, ys, zs, rowbcast(xs), rowbcast(ys), rowbcast(zs))

    az_f = atom_z.astype(jnp.float32).reshape(N, 1)
    emb_pad = jnp.zeros((128, D), jnp.float32).at[:NTYPES].set(embed)
    h, hW = _prep_call(az_f, emb_pad, W_in, b_in.reshape(1, D))

    F = _filt_call(ed2.reshape(E_CAP, 1), cnts.reshape(NW, 1, L),
                   Wf1, bf1.reshape(1, D), Wf2, bf2.reshape(1, D))

    aggp = _msg_call()(ei.reshape(NW, NB, B), ej.reshape(NW, NB, B),
                     F.reshape(NW, NB, B, D), hW, cnts)

    out = _final_call(h, aggp, W_out, W_e1, b_e1.reshape(1, D), W_e2)
    return out[0, 0]

# --- scband reference (transcript-rebuilt; emitter-appended) ---
"""Pipeline reference for scband-gnnpotentials-16269336117270 (READ-ONLY COPY).

The authoritative reference and input builder live on the scoring server;
editing this copy changes nothing except your own understanding.
"""

import jax, jax.numpy as jnp
import numpy as np

N = 4096
D = 128
NRBF = 64
CUTOFF = 0.12
CELL = 1.0
NTYPES = 100


def ssp(x):
    return jax.nn.softplus(x) - jnp.log(2.0)


def generate_nbr_list(xyz, cutoff, cell):
    # dis_mat[i, j] = xyz[j] - xyz[i], with minimum-image PBC correction
    dis_mat = xyz[None, :, :] - xyz[:, None, :]
    offsets = -(dis_mat >= 0.5 * cell).astype(jnp.float32) + (dis_mat < -0.5 * cell).astype(jnp.float32)
    dis_mat = dis_mat + offsets * cell
    dis_sq = jnp.sum(dis_mat ** 2, axis=-1)
    mask = (dis_sq < cutoff ** 2) & (dis_sq != 0)
    mask = jnp.triu(mask)
    n = mask.shape[0]
    i, j = jnp.nonzero(mask, size=n * n, fill_value=0)
    return jnp.stack([i, j], axis=1), jnp.sum(mask)


def setup_inputs(seed: int = 0) -> dict:
    key = jax.random.key(seed)
    ks = [jax.random.fold_in(key, t) for t in range(16)]
    xyz = jax.random.uniform(ks[0], (N, 3), dtype=jnp.float32)  # positions in unit cell
    atom_z = jax.random.randint(ks[1], (N,), 0, NTYPES)
    s = 0.05
    return {
        'xyz': xyz,
        'atom_z': atom_z,
        'embed': jax.random.normal(ks[2], (NTYPES, D), dtype=jnp.float32) * s,
        'W_in': jax.random.normal(ks[3], (D, D), dtype=jnp.float32) * s,
        'b_in': jnp.zeros((D,), dtype=jnp.float32),
        'Wf1': jax.random.normal(ks[4], (NRBF, D), dtype=jnp.float32) * s,
        'bf1': jnp.zeros((D,), dtype=jnp.float32),
        'Wf2': jax.random.normal(ks[5], (D, D), dtype=jnp.float32) * s,
        'bf2': jnp.zeros((D,), dtype=jnp.float32),
        'W_out': jax.random.normal(ks[6], (D, D), dtype=jnp.float32) * s,
        'W_e1': jax.random.normal(ks[7], (D, D), dtype=jnp.float32) * s,
        'b_e1': jnp.zeros((D,), dtype=jnp.float32),
        'W_e2': jax.random.normal(ks[8], (D, 1), dtype=jnp.float32) * s,
    }


def reference(xyz, atom_z, embed, W_in, b_in, Wf1, bf1, Wf2, bf2, W_out, W_e1, b_e1, W_e2):
    # 1) neighbor list from O(N^2) pairwise distances with PBC (as in generate_nbr_list)
    nbr, num_edges = generate_nbr_list(xyz, CUTOFF, CELL)
    i = nbr[:, 0]
    j = nbr[:, 1]
    # 3) SchNet-style interaction block
    mu = jnp.linspace(0.0, CUTOFF, NRBF)
    gamma = 1.0 / ((CUTOFF / NRBF) ** 2)
    h = embed[atom_z]  # [N, D] embedding gather
    hW = h @ W_in + b_in

    E = N * N
    C = 16384
    num_chunks = E // C

    def edge_filter(i_c, j_c, v_c):
        # 2) recompute edge distances with minimum-image convention
        diff = xyz[j_c] - xyz[i_c]
        off = -(diff >= 0.5 * CELL).astype(jnp.float32) + (diff < -0.5 * CELL).astype(jnp.float32)
        diff = diff + off * CELL
        d = jnp.sqrt(jnp.sum(diff ** 2, axis=-1))
        rbf = jnp.exp(-gamma * (d[:, None] - mu[None, :]) ** 2)
        filt = ssp(rbf @ Wf1 + bf1) @ Wf2 + bf2  # [C, D]
        return filt * v_c[:, None]

    def add_ij(k, agg):
        start = k * C
        i_c = jax.lax.dynamic_slice(i, (start,), (C,))
        j_c = jax.lax.dynamic_slice(j, (start,), (C,))
        v_c = ((jnp.arange(C) + start) < num_edges).astype(jnp.float32)
        filt = edge_filter(i_c, j_c, v_c)
        return agg.at[i_c].add(hW[j_c] * filt)

    def add_ji(k, agg):
        start = k * C
        i_c = jax.lax.dynamic_slice(i, (start,), (C,))
        j_c = jax.lax.dynamic_slice(j, (start,), (C,))
        v_c = ((jnp.arange(C) + start) < num_edges).astype(jnp.float32)
        filt = edge_filter(i_c, j_c, v_c)
        return agg.at[j_c].add(hW[i_c] * filt)

    agg = jnp.zeros_like(h)  # symmetric scatter-add
    agg = jax.lax.fori_loop(0, num_chunks, add_ij, agg)
    agg = jax.lax.fori_loop(0, num_chunks, add_ji, agg)
    h = h + agg @ W_out
    # 4) per-atom energy head, summed to total energy
    e_atom = ssp(h @ W_e1 + b_e1) @ W_e2
    return jnp.sum(e_atom)

if __name__ == "__main__":
    import jax
    _d = setup_inputs()
    print(jax.jit(kernel)(*tuple(_d.values())))

</pallas_src>

<mosaic_0001>
#map = affine_map<(d0, d1) -> (0, 0, 0)>
#map1 = affine_map<(d0, d1) -> (0, 0, 0, 0)>
#map2 = affine_map<(d0, d1) -> (0, 0)>
module attributes {stable_mosaic.version = 14 : i64} {
  func.func @_msg_body(%arg0: i32, %arg1: i32, %arg2: memref<32x64x64xi32, #tpu.memory_space<hbm>>, %arg3: memref<32x64x64xi32, #tpu.memory_space<hbm>>, %arg4: memref<32x64x64x128xf32, #tpu.memory_space<hbm>>, %arg5: memref<4096x128xf32, #tpu.memory_space<hbm>>, %arg6: memref<32x16xi32, #tpu.memory_space<hbm>>, %arg7: memref<8192x128xf32, #tpu.memory_space<hbm>>, %arg8: memref<64x64xi32, #tpu.memory_space<vmem>>, %arg9: memref<64x64xi32, #tpu.memory_space<vmem>>, %arg10: memref<16xi32, #tpu.memory_space<vmem>>, %arg11: memref<64x128xf32, #tpu.memory_space<vmem>>, %arg12: memref<64x128xf32, #tpu.memory_space<vmem>>, %arg13: memref<64x128xf32, #tpu.memory_space<vmem>>, %arg14: memref<64x128xf32, #tpu.memory_space<vmem>>, %arg15: memref<64x128xf32, #tpu.memory_space<vmem>>, %arg16: memref<64x128xf32, #tpu.memory_space<vmem>>, %arg17: memref<!tpu.dma_semaphore, #tpu.memory_space<semaphore_mem>>, %arg18: memref<!tpu.dma_semaphore, #tpu.memory_space<semaphore_mem>>, %arg19: memref<!tpu.dma_semaphore, #tpu.memory_space<semaphore_mem>>, %arg20: memref<!tpu.dma_semaphore, #tpu.memory_space<semaphore_mem>>, %arg21: memref<!tpu.dma_semaphore, #tpu.memory_space<semaphore_mem>>, %arg22: memref<!tpu.dma_semaphore, #tpu.memory_space<semaphore_mem>>, %arg23: memref<4096x128xf32, #tpu.memory_space<vmem_shared>>) attributes {dimension_semantics = [#tpu.dimension_semantics<core_parallel>, #tpu.dimension_semantics<subcore_parallel>], iteration_bounds = array<i64: 2, 16>, scalar_prefetch = 0 : i64, scratch_operands = 16 : i64, tpu.core_type = #tpu.core_type<sc_vector_subcore>, window_params = [{transform_indices = #map}, {transform_indices = #map}, {transform_indices = #map1}, {transform_indices = #map2}, {transform_indices = #map2}, {transform_indices = #map2}]} {
    %mul3A = arith.constant 2 : i32
    %mul3A_0 = arith.muli %arg1, %mul3A : i32
    %add3A = arith.addi %mul3A_0, %arg0 : i32
    %mul3A_1 = arith.constant 256 : i32
    %mul3A_2 = arith.muli %arg1, %mul3A_1 : i32
    %scan3A = arith.constant 0 : i32
    %scan3A_3 = arith.constant 0 : i32
    %scan3A_4 = arith.constant 64 : i32
    %scan3A_5 = arith.addi %scan3A_3, %scan3A_4 : i32
    %scan3A_6 = arith.constant 1 : i32
    scf.for %scan3A_66 = %scan3A_3 to %scan3A_5 step %scan3A_6  : i32 {
      %broadcast_in_dim3A = arith.constant 0.000000e+00 : f32
      %broadcast_in_dim3A_67 = vector.broadcast %broadcast_in_dim3A : f32 to vector<16xf32>
      %swap3A = arith.index_cast %scan3A_66 : i32 to index
      %swap3A_68 = arith.constant 0 : index
      %swap3A_69 = tpu.vector_load %arg11[%swap3A, %swap3A_68] {strides = array<i32>} : memref<64x128xf32, #tpu.memory_space<vmem>>, vector<16xf32>,
      tpu.vector_store %arg11[%swap3A, %swap3A_68], %broadcast_in_dim3A_67 {strides = array<i32>} : memref<64x128xf32, #tpu.memory_space<vmem>>, vector<16xf32>,
      %broadcast_in_dim3A_70 = arith.constant 0.000000e+00 : f32
      %broadcast_in_dim3A_71 = vector.broadcast %broadcast_in_dim3A_70 : f32 to vector<16xf32>
      %swap3A_72 = arith.index_cast %scan3A_66 : i32 to index
      %swap3A_73 = arith.constant 16 : index
      %swap3A_74 = tpu.vector_load %arg11[%swap3A_72, %swap3A_73] {strides = array<i32>} : memref<64x128xf32, #tpu.memory_space<vmem>>, vector<16xf32>,
      tpu.vector_store %arg11[%swap3A_72, %swap3A_73], %broadcast_in_dim3A_71 {strides = array<i32>} : memref<64x128xf32, #tpu.memory_space<vmem>>, vector<16xf32>,
      %broadcast_in_dim3A_75 = arith.constant 0.000000e+00 : f32
      %broadcast_in_dim3A_76 = vector.broadcast %broadcast_in_dim3A_75 : f32 to vector<16xf32>
      %swap3A_77 = arith.index_cast %scan3A_66 : i32 to index
      %swap3A_78 = arith.constant 32 : index
      %swap3A_79 = tpu.vector_load %arg11[%swap3A_77, %swap3A_78] {strides = array<i32>} : memref<64x128xf32, #tpu.memory_space<vmem>>, vector<16xf32>,
      tpu.vector_store %arg11[%swap3A_77, %swap3A_78], %broadcast_in_dim3A_76 {strides = array<i32>} : memref<64x128xf32, #tpu.memory_space<vmem>>, vector<16xf32>,
      %broadcast_in_dim3A_80 = arith.constant 0.000000e+00 : f32
      %broadcast_in_dim3A_81 = vector.broadcast %broadcast_in_dim3A_80 : f32 to vector<16xf32>
      %swap3A_82 = arith.index_cast %scan3A_66 : i32 to index
      %swap3A_83 = arith.constant 48 : index
      %swap3A_84 = tpu.vector_load %arg11[%swap3A_82, %swap3A_83] {strides = array<i32>} : memref<64x128xf32, #tpu.memory_space<vmem>>, vector<16xf32>,
      tpu.vector_store %arg11[%swap3A_82, %swap3A_83], %broadcast_in_dim3A_81 {strides = array<i32>} : memref<64x128xf32, #tpu.memory_space<vmem>>, vector<16xf32>,
      %broadcast_in_dim3A_85 = arith.constant 0.000000e+00 : f32
      %broadcast_in_dim3A_86 = vector.broadcast %broadcast_in_dim3A_85 : f32 to vector<16xf32>
      %swap3A_87 = arith.index_cast %scan3A_66 : i32 to index
      %swap3A_88 = arith.constant 64 : index
      %swap3A_89 = tpu.vector_load %arg11[%swap3A_87, %swap3A_88] {strides = array<i32>} : memref<64x128xf32, #tpu.memory_space<vmem>>, vector<16xf32>,
      tpu.vector_store %arg11[%swap3A_87, %swap3A_88], %broadcast_in_dim3A_86 {strides = array<i32>} : memref<64x128xf32, #tpu.memory_space<vmem>>, vector<16xf32>,
      %broadcast_in_dim3A_90 = arith.constant 0.000000e+00 : f32
      %broadcast_in_dim3A_91 = vector.broadcast %broadcast_in_dim3A_90 : f32 to vector<16xf32>
      %swap3A_92 = arith.index_cast %scan3A_66 : i32 to index
      %swap3A_93 = arith.constant 80 : index
      %swap3A_94 = tpu.vector_load %arg11[%swap3A_92, %swap3A_93] {strides = array<i32>} : memref<64x128xf32, #tpu.memory_space<vmem>>, vector<16xf32>,
      tpu.vector_store %arg11[%swap3A_92, %swap3A_93], %broadcast_in_dim3A_91 {strides = array<i32>} : memref<64x128xf32, #tpu.memory_space<vmem>>, vector<16xf32>,
      %broadcast_in_dim3A_95 = arith.constant 0.000000e+00 : f32
      %broadcast_in_dim3A_96 = vector.broadcast %broadcast_in_dim3A_95 : f32 to vector<16xf32>
      %swap3A_97 = arith.index_cast %scan3A_66 : i32 to index
      %swap3A_98 = arith.constant 96 : index
      %swap3A_99 = tpu.vector_load %arg11[%swap3A_97, %swap3A_98] {strides = array<i32>} : memref<64x128xf32, #tpu.memory_space<vmem>>, vector<16xf32>,
      tpu.vector_store %arg11[%swap3A_97, %swap3A_98], %broadcast_in_dim3A_96 {strides = array<i32>} : memref<64x128xf32, #tpu.memory_space<vmem>>, vector<16xf32>,
      %broadcast_in_dim3A_100 = arith.constant 0.000000e+00 : f32
      %broadcast_in_dim3A_101 = vector.broadcast %broadcast_in_dim3A_100 : f32 to vector<16xf32>
      %swap3A_102 = arith.index_cast %scan3A_66 : i32 to index
      %swap3A_103 = arith.constant 112 : index
      %swap3A_104 = tpu.vector_load %arg11[%swap3A_102, %swap3A_103] {strides = array<i32>} : memref<64x128xf32, #tpu.memory_space<vmem>>, vector<16xf32>,
      tpu.vector_store %arg11[%swap3A_102, %swap3A_103], %broadcast_in_dim3A_101 {strides = array<i32>} : memref<64x128xf32, #tpu.memory_space<vmem>>, vector<16xf32>,
    }
    %scan3A_7 = arith.constant 64 : i32
    %add3A_8 = arith.constant 0 : i32
    %add3A_9 = arith.addi %mul3A_2, %add3A_8 : i32
    "tpu.region"() ({
      %run_scoped3A = tpu.sem_alloc : memref<!tpu.dma_semaphore, #tpu.memory_space<semaphore_mem>>
      %dma_start3A = arith.constant 0 : i32
      %dma_start3A_66 = tpu.memref_slice %arg23[%add3A_9, %dma_start3A] : memref<4096x128xf32, #tpu.memory_space<vmem_shared>> -> memref<64x128xf32, #tpu.memory_space<vmem_shared>>
      %dma_start3A_67 = arith.constant 0 : i32
      %dma_start3A_68 = tpu.memref_slice %arg23[%add3A_9, %dma_start3A_67] : memref<4096x128xf32, #tpu.memory_space<vmem_shared>> -> memref<64x128xf32, #tpu.memory_space<vmem_shared>>
      tpu.enqueue_dma source(%arg11 : memref<64x128xf32, #tpu.memory_space<vmem>>) target(%dma_start3A_68 : memref<64x128xf32, #tpu.memory_space<vmem_shared>>) target_semaphore(%run_scoped3A : memref<!tpu.dma_semaphore, #tpu.memory_space<semaphore_mem>>)
      %dma_wait3A = arith.constant 0 : i32
      %dma_wait3A_69 = tpu.memref_slice %arg23[%add3A_9, %dma_wait3A] : memref<4096x128xf32, #tpu.memory_space<vmem_shared>> -> memref<64x128xf32, #tpu.memory_space<vmem_shared>>
      %dma_wait3A_70 = arith.constant 0 : i32
      %dma_wait3A_71 = tpu.memref_slice %arg23[%add3A_9, %dma_wait3A_70] : memref<4096x128xf32, #tpu.memory_space<vmem_shared>> -> memref<64x128xf32, #tpu.memory_space<vmem_shared>>
      tpu.wait_dma2 semaphore(%run_scoped3A : memref<!tpu.dma_semaphore, #tpu.memory_space<semaphore_mem>>) src(%arg11 : memref<64x128xf32, #tpu.memory_space<vmem>>) dst(%dma_wait3A_71 : memref<64x128xf32, #tpu.memory_space<vmem_shared>>)
      tpu.yield
    }) : () -> ()
    %add3A_10 = arith.constant 64 : i32
    %add3A_11 = arith.addi %mul3A_2, %add3A_10 : i32
    "tpu.region"() ({
      %run_scoped3A = tpu.sem_alloc : memref<!tpu.dma_semaphore, #tpu.memory_space<semaphore_mem>>
      %dma_start3A = arith.constant 0 : i32
      %dma_start3A_66 = tpu.memref_slice %arg23[%add3A_11, %dma_start3A] : memref<4096x128xf32, #tpu.memory_space<vmem_shared>> -> memref<64x128xf32, #tpu.memory_space<vmem_shared>>
      %dma_start3A_67 = arith.constant 0 : i32
      %dma_start3A_68 = tpu.memref_slice %arg23[%add3A_11, %dma_start3A_67] : memref<4096x128xf32, #tpu.memory_space<vmem_shared>> -> memref<64x128xf32, #tpu.memory_space<vmem_shared>>
      tpu.enqueue_dma source(%arg11 : memref<64x128xf32, #tpu.memory_space<vmem>>) target(%dma_start3A_68 : memref<64x128xf32, #tpu.memory_space<vmem_shared>>) target_semaphore(%run_scoped3A : memref<!tpu.dma_semaphore, #tpu.memory_space<semaphore_mem>>)
      %dma_wait3A = arith.constant 0 : i32
      %dma_wait3A_69 = tpu.memref_slice %arg23[%add3A_11, %dma_wait3A] : memref<4096x128xf32, #tpu.memory_space<vmem_shared>> -> memref<64x128xf32, #tpu.memory_space<vmem_shared>>
      %dma_wait3A_70 = arith.constant 0 : i32
      %dma_wait3A_71 = tpu.memref_slice %arg23[%add3A_11, %dma_wait3A_70] : memref<4096x128xf32, #tpu.memory_space<vmem_shared>> -> memref<64x128xf32, #tpu.memory_space<vmem_shared>>
      tpu.wait_dma2 semaphore(%run_scoped3A : memref<!tpu.dma_semaphore, #tpu.memory_space<semaphore_mem>>) src(%arg11 : memref<64x128xf32, #tpu.memory_space<vmem>>) dst(%dma_wait3A_71 : memref<64x128xf32, #tpu.memory_space<vmem_shared>>)
      tpu.yield
    }) : () -> ()
    %add3A_12 = arith.constant 128 : i32
    %add3A_13 = arith.addi %mul3A_2, %add3A_12 : i32
    "tpu.region"() ({
      %run_scoped3A = tpu.sem_alloc : memref<!tpu.dma_semaphore, #tpu.memory_space<semaphore_mem>>
      %dma_start3A = arith.constant 0 : i32
      %dma_start3A_66 = tpu.memref_slice %arg23[%add3A_13, %dma_start3A] : memref<4096x128xf32, #tpu.memory_space<vmem_shared>> -> memref<64x128xf32, #tpu.memory_space<vmem_shared>>
      %dma_start3A_67 = arith.constant 0 : i32
      %dma_start3A_68 = tpu.memref_slice %arg23[%add3A_13, %dma_start3A_67] : memref<4096x128xf32, #tpu.memory_space<vmem_shared>> -> memref<64x128xf32, #tpu.memory_space<vmem_shared>>
      tpu.enqueue_dma source(%arg11 : memref<64x128xf32, #tpu.memory_space<vmem>>) target(%dma_start3A_68 : memref<64x128xf32, #tpu.memory_space<vmem_shared>>) target_semaphore(%run_scoped3A : memref<!tpu.dma_semaphore, #tpu.memory_space<semaphore_mem>>)
      %dma_wait3A = arith.constant 0 : i32
      %dma_wait3A_69 = tpu.memref_slice %arg23[%add3A_13, %dma_wait3A] : memref<4096x128xf32, #tpu.memory_space<vmem_shared>> -> memref<64x128xf32, #tpu.memory_space<vmem_shared>>
      %dma_wait3A_70 = arith.constant 0 : i32
      %dma_wait3A_71 = tpu.memref_slice %arg23[%add3A_13, %dma_wait3A_70] : memref<4096x128xf32, #tpu.memory_space<vmem_shared>> -> memref<64x128xf32, #tpu.memory_space<vmem_shared>>
      tpu.wait_dma2 semaphore(%run_scoped3A : memref<!tpu.dma_semaphore, #tpu.memory_space<semaphore_mem>>) src(%arg11 : memref<64x128xf32, #tpu.memory_space<vmem>>) dst(%dma_wait3A_71 : memref<64x128xf32, #tpu.memory_space<vmem_shared>>)
      tpu.yield
    }) : () -> ()
    %add3A_14 = arith.constant 192 : i32
    %add3A_15 = arith.addi %mul3A_2, %add3A_14 : i32
    "tpu.region"() ({
      %run_scoped3A = tpu.sem_alloc : memref<!tpu.dma_semaphore, #tpu.memory_space<semaphore_mem>>
      %dma_start3A = arith.constant 0 : i32
      %dma_start3A_66 = tpu.memref_slice %arg23[%add3A_15, %dma_start3A] : memref<4096x128xf32, #tpu.memory_space<vmem_shared>> -> memref<64x128xf32, #tpu.memory_space<vmem_shared>>
      %dma_start3A_67 = arith.constant 0 : i32
      %dma_start3A_68 = tpu.memref_slice %arg23[%add3A_15, %dma_start3A_67] : memref<4096x128xf32, #tpu.memory_space<vmem_shared>> -> memref<64x128xf32, #tpu.memory_space<vmem_shared>>
      tpu.enqueue_dma source(%arg11 : memref<64x128xf32, #tpu.memory_space<vmem>>) target(%dma_start3A_68 : memref<64x128xf32, #tpu.memory_space<vmem_shared>>) target_semaphore(%run_scoped3A : memref<!tpu.dma_semaphore, #tpu.memory_space<semaphore_mem>>)
      %dma_wait3A = arith.constant 0 : i32
      %dma_wait3A_69 = tpu.memref_slice %arg23[%add3A_15, %dma_wait3A] : memref<4096x128xf32, #tpu.memory_space<vmem_shared>> -> memref<64x128xf32, #tpu.memory_space<vmem_shared>>
      %dma_wait3A_70 = arith.constant 0 : i32
      %dma_wait3A_71 = tpu.memref_slice %arg23[%add3A_15, %dma_wait3A_70] : memref<4096x128xf32, #tpu.memory_space<vmem_shared>> -> memref<64x128xf32, #tpu.memory_space<vmem_shared>>
      tpu.wait_dma2 semaphore(%run_scoped3A : memref<!tpu.dma_semaphore, #tpu.memory_space<semaphore_mem>>) src(%arg11 : memref<64x128xf32, #tpu.memory_space<vmem>>) dst(%dma_wait3A_71 : memref<64x128xf32, #tpu.memory_space<vmem_shared>>)
      tpu.yield
    }) : () -> ()
    %barrier3A = arith.constant 0 : index
    tpu.barrier barrier_id(%barrier3A)
    "tpu.region"() ({
      %run_scoped3A = tpu.sem_alloc : memref<!tpu.dma_semaphore, #tpu.memory_space<semaphore_mem>>
      %dma_start3A = arith.constant 0 : i32
      %dma_start3A_66 = arith.constant 0 : i32
      %dma_start3A_67 = tpu.memref_slice %arg2[%add3A, %dma_start3A, %dma_start3A_66] : memref<32x64x64xi32, #tpu.memory_space<hbm>> -> memref<1x64x64xi32, #tpu.memory_space<hbm>>
      %dma_start3A_68 = tpu.memref_squeeze %dma_start3A_67 : memref<1x64x64xi32, #tpu.memory_space<hbm>> -> memref<64x64xi32, #tpu.memory_space<hbm>>
      %dma_start3A_69 = arith.constant 0 : i32
      %dma_start3A_70 = arith.constant 0 : i32
      %dma_start3A_71 = tpu.memref_slice %arg2[%add3A, %dma_start3A_69, %dma_start3A_70] : memref<32x64x64xi32, #tpu.memory_space<hbm>> -> memref<1x64x64xi32, #tpu.memory_space<hbm>>
      %dma_start3A_72 = tpu.memref_squeeze %dma_start3A_71 : memref<1x64x64xi32, #tpu.memory_space<hbm>> -> memref<64x64xi32, #tpu.memory_space<hbm>>
      tpu.enqueue_dma source(%dma_start3A_72 : memref<64x64xi32, #tpu.memory_space<hbm>>) target(%arg8 : memref<64x64xi32, #tpu.memory_space<vmem>>) target_semaphore(%run_scoped3A : memref<!tpu.dma_semaphore, #tpu.memory_space<semaphore_mem>>)
      %dma_wait3A = arith.constant 0 : i32
      %dma_wait3A_73 = arith.constant 0 : i32
      %dma_wait3A_74 = tpu.memref_slice %arg2[%add3A, %dma_wait3A, %dma_wait3A_73] : memref<32x64x64xi32, #tpu.memory_space<hbm>> -> memref<1x64x64xi32, #tpu.memory_space<hbm>>
      %dma_wait3A_75 = tpu.memref_squeeze %dma_wait3A_74 : memref<1x64x64xi32, #tpu.memory_space<hbm>> -> memref<64x64xi32, #tpu.memory_space<hbm>>
      %dma_wait3A_76 = arith.constant 0 : i32
      %dma_wait3A_77 = arith.constant 0 : i32
      %dma_wait3A_78 = tpu.memref_slice %arg2[%add3A, %dma_wait3A_76, %dma_wait3A_77] : memref<32x64x64xi32, #tpu.memory_space<hbm>> -> memref<1x64x64xi32, #tpu.memory_space<hbm>>
      %dma_wait3A_79 = tpu.memref_squeeze %dma_wait3A_78 : memref<1x64x64xi32, #tpu.memory_space<hbm>> -> memref<64x64xi32, #tpu.memory_space<hbm>>
      tpu.wait_dma2 semaphore(%run_scoped3A : memref<!tpu.dma_semaphore, #tpu.memory_space<semaphore_mem>>) src(%dma_wait3A_79 : memref<64x64xi32, #tpu.memory_space<hbm>>) dst(%arg8 : memref<64x64xi32, #tpu.memory_space<vmem>>)
      tpu.yield
    }) : () -> ()
    "tpu.region"() ({
      %run_scoped3A = tpu.sem_alloc : memref<!tpu.dma_semaphore, #tpu.memory_space<semaphore_mem>>
      %dma_start3A = arith.constant 0 : i32
      %dma_start3A_66 = arith.constant 0 : i32
      %dma_start3A_67 = tpu.memref_slice %arg3[%add3A, %dma_start3A, %dma_start3A_66] : memref<32x64x64xi32, #tpu.memory_space<hbm>> -> memref<1x64x64xi32, #tpu.memory_space<hbm>>
      %dma_start3A_68 = tpu.memref_squeeze %dma_start3A_67 : memref<1x64x64xi32, #tpu.memory_space<hbm>> -> memref<64x64xi32, #tpu.memory_space<hbm>>
      %dma_start3A_69 = arith.constant 0 : i32
      %dma_start3A_70 = arith.constant 0 : i32
      %dma_start3A_71 = tpu.memref_slice %arg3[%add3A, %dma_start3A_69, %dma_start3A_70] : memref<32x64x64xi32, #tpu.memory_space<hbm>> -> memref<1x64x64xi32, #tpu.memory_space<hbm>>
      %dma_start3A_72 = tpu.memref_squeeze %dma_start3A_71 : memref<1x64x64xi32, #tpu.memory_space<hbm>> -> memref<64x64xi32, #tpu.memory_space<hbm>>
      tpu.enqueue_dma source(%dma_start3A_72 : memref<64x64xi32, #tpu.memory_space<hbm>>) target(%arg9 : memref<64x64xi32, #tpu.memory_space<vmem>>) target_semaphore(%run_scoped3A : memref<!tpu.dma_semaphore, #tpu.memory_space<semaphore_mem>>)
      %dma_wait3A = arith.constant 0 : i32
      %dma_wait3A_73 = arith.constant 0 : i32
      %dma_wait3A_74 = tpu.memref_slice %arg3[%add3A, %dma_wait3A, %dma_wait3A_73] : memref<32x64x64xi32, #tpu.memory_space<hbm>> -> memref<1x64x64xi32, #tpu.memory_space<hbm>>
      %dma_wait3A_75 = tpu.memref_squeeze %dma_wait3A_74 : memref<1x64x64xi32, #tpu.memory_space<hbm>> -> memref<64x64xi32, #tpu.memory_space<hbm>>
      %dma_wait3A_76 = arith.constant 0 : i32
      %dma_wait3A_77 = arith.constant 0 : i32
      %dma_wait3A_78 = tpu.memref_slice %arg3[%add3A, %dma_wait3A_76, %dma_wait3A_77] : memref<32x64x64xi32, #tpu.memory_space<hbm>> -> memref<1x64x64xi32, #tpu.memory_space<hbm>>
      %dma_wait3A_79 = tpu.memref_squeeze %dma_wait3A_78 : memref<1x64x64xi32, #tpu.memory_space<hbm>> -> memref<64x64xi32, #tpu.memory_space<hbm>>
      tpu.wait_dma2 semaphore(%run_scoped3A : memref<!tpu.dma_semaphore, #tpu.memory_space<semaphore_mem>>) src(%dma_wait3A_79 : memref<64x64xi32, #tpu.memory_space<hbm>>) dst(%arg9 : memref<64x64xi32, #tpu.memory_space<vmem>>)
      tpu.yield
    }) : () -> ()
    "tpu.region"() ({
      %run_scoped3A = tpu.sem_alloc : memref<!tpu.dma_semaphore, #tpu.memory_space<semaphore_mem>>
      %dma_start3A = arith.constant 0 : i32
      %dma_start3A_66 = tpu.memref_slice %arg6[%add3A, %dma_start3A] : memref<32x16xi32, #tpu.memory_space<hbm>> -> memref<1x16xi32, #tpu.memory_space<hbm>>
      %dma_start3A_67 = tpu.memref_squeeze %dma_start3A_66 : memref<1x16xi32, #tpu.memory_space<hbm>> -> memref<16xi32, #tpu.memory_space<hbm>>
      %dma_start3A_68 = arith.constant 0 : i32
      %dma_start3A_69 = tpu.memref_slice %arg6[%add3A, %dma_start3A_68] : memref<32x16xi32, #tpu.memory_space<hbm>> -> memref<1x16xi32, #tpu.memory_space<hbm>>
      %dma_start3A_70 = tpu.memref_squeeze %dma_start3A_69 : memref<1x16xi32, #tpu.memory_space<hbm>> -> memref<16xi32, #tpu.memory_space<hbm>>
      tpu.enqueue_dma source(%dma_start3A_70 : memref<16xi32, #tpu.memory_space<hbm>>) target(%arg10 : memref<16xi32, #tpu.memory_space<vmem>>) target_semaphore(%run_scoped3A : memref<!tpu.dma_semaphore, #tpu.memory_space<semaphore_mem>>)
      %dma_wait3A = arith.constant 0 : i32
      %dma_wait3A_71 = tpu.memref_slice %arg6[%add3A, %dma_wait3A] : memref<32x16xi32, #tpu.memory_space<hbm>> -> memref<1x16xi32, #tpu.memory_space<hbm>>
      %dma_wait3A_72 = tpu.memref_squeeze %dma_wait3A_71 : memref<1x16xi32, #tpu.memory_space<hbm>> -> memref<16xi32, #tpu.memory_space<hbm>>
      %dma_wait3A_73 = arith.constant 0 : i32
      %dma_wait3A_74 = tpu.memref_slice %arg6[%add3A, %dma_wait3A_73] : memref<32x16xi32, #tpu.memory_space<hbm>> -> memref<1x16xi32, #tpu.memory_space<hbm>>
      %dma_wait3A_75 = tpu.memref_squeeze %dma_wait3A_74 : memref<1x16xi32, #tpu.memory_space<hbm>> -> memref<16xi32, #tpu.memory_space<hbm>>
      tpu.wait_dma2 semaphore(%run_scoped3A : memref<!tpu.dma_semaphore, #tpu.memory_space<semaphore_mem>>) src(%dma_wait3A_75 : memref<16xi32, #tpu.memory_space<hbm>>) dst(%arg10 : memref<16xi32, #tpu.memory_space<vmem>>)
      tpu.yield
    }) : () -> ()
    %get3A = arith.constant 0 : index
    %get3A_16 = tpu.vector_load %arg10[%get3A] {strides = array<i32>} : memref<16xi32, #tpu.memory_space<vmem>>, vector<16xi32>,
    %reduce_sum3A = arith.constant true
    %reduce_sum3A_17 = vector.broadcast %reduce_sum3A : i1 to vector<16xi1>
    %reduce_sum3A_18 = tpu.scan <sum>, %get3A_16 masked %reduce_sum3A_17 : vector<16xi32>, vector<16xi1> -> vector<16xi32>
    %reduce_sum3A_19 = vector.extract %reduce_sum3A_18[15] : i32 from vector<16xi32>
    %add3A_20 = arith.constant 128 : i32
    %add3A_21 = arith.addi %reduce_sum3A_19, %add3A_20 : i32
    %sub3A = arith.constant 1 : i32
    %sub3A_22 = arith.subi %add3A_21, %sub3A : i32
    %jit3A = arith.constant 128 : i32
    %div3A = arith.divsi %sub3A_22, %jit3A : i32
    %sign3A = arith.constant 0 : i32
    %sign3A_23 = arith.cmpi sgt, %sub3A_22, %sign3A : i32
    %sign3A_24 = arith.extui %sign3A_23 : i1 to i32
    %sign3A_25 = arith.constant 0 : i32
    %sign3A_26 = arith.cmpi slt, %sub3A_22, %sign3A_25 : i32
    %sign3A_27 = arith.extui %sign3A_26 : i1 to i32
    %sign3A_28 = arith.subi %sign3A_24, %sign3A_27 : i32
    %sign3A_29 = arith.constant 0 : i32
    %sign3A_30 = arith.cmpi sgt, %jit3A, %sign3A_29 : i32
    %sign3A_31 = arith.extui %sign3A_30 : i1 to i32
    %sign3A_32 = arith.constant 0 : i32
    %sign3A_33 = arith.cmpi slt, %jit3A, %sign3A_32 : i32
    %sign3A_34 = arith.extui %sign3A_33 : i1 to i32
    %sign3A_35 = arith.subi %sign3A_31, %sign3A_34 : i32
    %ne3A = arith.cmpi ne, %sign3A_28, %sign3A_35 : i32
    %rem3A = arith.remsi %sub3A_22, %jit3A : i32
    %ne3A_36 = arith.constant 0 : i32
    %ne3A_37 = arith.cmpi ne, %rem3A, %ne3A_36 : i32
    %and3A = arith.andi %ne3A, %ne3A_37 : i1
    %sub3A_38 = arith.constant 1 : i32
    %sub3A_39 = arith.subi %div3A, %sub3A_38 : i32
    %select_n3A = arith.select %and3A, %sub3A_39, %div3A : i32
    %mul3A_40 = arith.constant 2 : i32
    %mul3A_41 = arith.muli %select_n3A, %mul3A_40 : i32
    %gt3A = arith.constant 0 : i32
    %gt3A_42 = arith.cmpi sgt, %mul3A_41, %gt3A : i32
    %convert_element_type3A = arith.extui %gt3A_42 : i1 to i32
    %cond3A = arith.constant 0 : i32
    %cond3A_43 = arith.cmpi ne, %convert_element_type3A, %cond3A : i32
    scf.if %cond3A_43 {
      %dma_start3A = arith.constant 0 : i32
      %dma_start3A_66 = arith.constant 0 : i32
      %dma_start3A_67 = arith.constant 0 : i32
      %dma_start3A_68 = tpu.memref_slice %arg4[%add3A, %dma_start3A, %dma_start3A_66, %dma_start3A_67] : memref<32x64x64x128xf32, #tpu.memory_space<hbm>> -> memref<1x1x64x128xf32, #tpu.memory_space<hbm>>
      %dma_start3A_69 = tpu.memref_squeeze %dma_start3A_68 : memref<1x1x64x128xf32, #tpu.memory_space<hbm>> -> memref<64x128xf32, #tpu.memory_space<hbm>>
      %dma_start3A_70 = arith.constant 0 : i32
      %dma_start3A_71 = arith.constant 0 : i32
      %dma_start3A_72 = tpu.memref_slice %arg4[%add3A, %dma_start3A, %dma_start3A_70, %dma_start3A_71] : memref<32x64x64x128xf32, #tpu.memory_space<hbm>> -> memref<1x1x64x128xf32, #tpu.memory_space<hbm>>
      %dma_start3A_73 = tpu.memref_squeeze %dma_start3A_72 : memref<1x1x64x128xf32, #tpu.memory_space<hbm>> -> memref<64x128xf32, #tpu.memory_space<hbm>>
      tpu.enqueue_dma source(%dma_start3A_73 : memref<64x128xf32, #tpu.memory_space<hbm>>) target(%arg11 : memref<64x128xf32, #tpu.memory_space<vmem>>) target_semaphore(%arg17 : memref<!tpu.dma_semaphore, #tpu.memory_space<semaphore_mem>>)
      %dma_start3A_74 = arith.constant 0 : i32
      %dma_start3A_75 = arith.constant 0 : i32
      %dma_start3A_76 = tpu.memref_slice %arg8[%dma_start3A_74, %dma_start3A_75] : memref<64x64xi32, #tpu.memory_space<vmem>> -> memref<1x64xi32, #tpu.memory_space<vmem>>
      %dma_start3A_77 = tpu.memref_squeeze %dma_start3A_76 : memref<1x64xi32, #tpu.memory_space<vmem>> -> memref<64xi32, #tpu.memory_space<vmem>>
      %dma_start3A_78 = arith.constant 0 : i32
      %dma_start3A_79 = arith.constant 0 : i32
      %dma_start3A_80 = tpu.memref_slice %arg5[%dma_start3A_78, %dma_start3A_79] : memref<4096x128xf32, #tpu.memory_space<hbm>> -> memref<4096x128xf32, #tpu.memory_space<hbm>>
      tpu.enqueue_indirect_dma source(%dma_start3A_80 : memref<4096x128xf32, #tpu.memory_space<hbm>>) target(%arg13 : memref<64x128xf32, #tpu.memory_space<vmem>>) offsets(%dma_start3A_77 : memref<64xi32, #tpu.memory_space<vmem>>) semaphore(%arg18 : memref<!tpu.dma_semaphore, #tpu.memory_space<semaphore_mem>>)
      %dma_start3A_81 = arith.constant 0 : i32
      %dma_start3A_82 = arith.constant 0 : i32
      %dma_start3A_83 = tpu.memref_slice %arg9[%dma_start3A_81, %dma_start3A_82] : memref<64x64xi32, #tpu.memory_space<vmem>> -> memref<1x64xi32, #tpu.memory_space<vmem>>
      %dma_start3A_84 = tpu.memref_squeeze %dma_start3A_83 : memref<1x64xi32, #tpu.memory_space<vmem>> -> memref<64xi32, #tpu.memory_space<vmem>>
      %dma_start3A_85 = arith.constant 0 : i32
      %dma_start3A_86 = arith.constant 0 : i32
      %dma_start3A_87 = tpu.memref_slice %arg5[%dma_start3A_85, %dma_start3A_86] : memref<4096x128xf32, #tpu.memory_space<hbm>> -> memref<4096x128xf32, #tpu.memory_space<hbm>>
      tpu.enqueue_indirect_dma source(%dma_start3A_87 : memref<4096x128xf32, #tpu.memory_space<hbm>>) target(%arg15 : memref<64x128xf32, #tpu.memory_space<vmem>>) offsets(%dma_start3A_84 : memref<64xi32, #tpu.memory_space<vmem>>) semaphore(%arg19 : memref<!tpu.dma_semaphore, #tpu.memory_space<semaphore_mem>>)
      %dma_start3A_88 = arith.constant 1 : i32
      %dma_start3A_89 = arith.constant 0 : i32
      %dma_start3A_90 = arith.constant 0 : i32
      %dma_start3A_91 = tpu.memref_slice %arg4[%add3A, %dma_start3A_88, %dma_start3A_89, %dma_start3A_90] : memref<32x64x64x128xf32, #tpu.memory_space<hbm>> -> memref<1x1x64x128xf32, #tpu.memory_space<hbm>>
      %dma_start3A_92 = tpu.memref_squeeze %dma_start3A_91 : memref<1x1x64x128xf32, #tpu.memory_space<hbm>> -> memref<64x128xf32, #tpu.memory_space<hbm>>
      %dma_start3A_93 = arith.constant 0 : i32
      %dma_start3A_94 = arith.constant 0 : i32
      %dma_start3A_95 = tpu.memref_slice %arg4[%add3A, %dma_start3A_88, %dma_start3A_93, %dma_start3A_94] : memref<32x64x64x128xf32, #tpu.memory_space<hbm>> -> memref<1x1x64x128xf32, #tpu.memory_space<hbm>>
      %dma_start3A_96 = tpu.memref_squeeze %dma_start3A_95 : memref<1x1x64x128xf32, #tpu.memory_space<hbm>> -> memref<64x128xf32, #tpu.memory_space<hbm>>
      tpu.enqueue_dma source(%dma_start3A_96 : memref<64x128xf32, #tpu.memory_space<hbm>>) target(%arg12 : memref<64x128xf32, #tpu.memory_space<vmem>>) target_semaphore(%arg20 : memref<!tpu.dma_semaphore, #tpu.memory_space<semaphore_mem>>)
      %dma_start3A_97 = arith.constant 1 : i32
      %dma_start3A_98 = arith.constant 0 : i32
      %dma_start3A_99 = tpu.memref_slice %arg8[%dma_start3A_97, %dma_start3A_98] : memref<64x64xi32, #tpu.memory_space<vmem>> -> memref<1x64xi32, #tpu.memory_space<vmem>>
      %dma_start3A_100 = tpu.memref_squeeze %dma_start3A_99 : memref<1x64xi32, #tpu.memory_space<vmem>> -> memref<64xi32, #tpu.memory_space<vmem>>
      %dma_start3A_101 = arith.constant 0 : i32
      %dma_start3A_102 = arith.constant 0 : i32
      %dma_start3A_103 = tpu.memref_slice %arg5[%dma_start3A_101, %dma_start3A_102] : memref<4096x128xf32, #tpu.memory_space<hbm>> -> memref<4096x128xf32, #tpu.memory_space<hbm>>
      tpu.enqueue_indirect_dma source(%dma_start3A_103 : memref<4096x128xf32, #tpu.memory_space<hbm>>) target(%arg14 : memref<64x128xf32, #tpu.memory_space<vmem>>) offsets(%dma_start3A_100 : memref<64xi32, #tpu.memory_space<vmem>>) semaphore(%arg21 : memref<!tpu.dma_semaphore, #tpu.memory_space<semaphore_mem>>)
      %dma_start3A_104 = arith.constant 1 : i32
      %dma_start3A_105 = arith.constant 0 : i32
      %dma_start3A_106 = tpu.memref_slice %arg9[%dma_start3A_104, %dma_start3A_105] : memref<64x64xi32, #tpu.memory_space<vmem>> -> memref<1x64xi32, #tpu.memory_space<vmem>>
      %dma_start3A_107 = tpu.memref_squeeze %dma_start3A_106 : memref<1x64xi32, #tpu.memory_space<vmem>> -> memref<64xi32, #tpu.memory_space<vmem>>
      %dma_start3A_108 = arith.constant 0 : i32
      %dma_start3A_109 = arith.constant 0 : i32
      %dma_start3A_110 = tpu.memref_slice %arg5[%dma_start3A_108, %dma_start3A_109] : memref<4096x128xf32, #tpu.memory_space<hbm>> -> memref<4096x128xf32, #tpu.memory_space<hbm>>
      tpu.enqueue_indirect_dma source(%dma_start3A_110 : memref<4096x128xf32, #tpu.memory_space<hbm>>) target(%arg16 : memref<64x128xf32, #tpu.memory_space<vmem>>) offsets(%dma_start3A_107 : memref<64xi32, #tpu.memory_space<vmem>>) semaphore(%arg22 : memref<!tpu.dma_semaphore, #tpu.memory_space<semaphore_mem>>)
    } else {
    }
    %sub3A_44 = arith.constant 0 : i32
    %sub3A_45 = arith.subi %mul3A_41, %sub3A_44 : i32
    %sub3A_46 = arith.constant 2 : i32
    %sub3A_47 = arith.constant 1 : i32
    %sub3A_48 = arith.subi %sub3A_46, %sub3A_47 : i32
    %add3A_49 = arith.addi %sub3A_45, %sub3A_48 : i32
    %div3A_50 = arith.constant 2 : i32
    %div3A_51 = arith.divsi %add3A_49, %div3A_50 : i32
    %while3A = arith.constant 2 : i32
    %while3A_52 = arith.constant 0 : i32
    %while3A_53 = arith.constant 0 : i32
    %while3A_54 = arith.subi %div3A_51, %while3A_53 : i32
    %while3A_55 = arith.addi %while3A_53, %while3A_54 : i32
    %while3A_56 = arith.constant 1 : i32
    %while3A_57 = arith.divsi %while3A_54, %while3A_56 : i32
    %while3A_58 = arith.muli %while3A_57, %while3A_56 : i32
    %while3A_59 = arith.addi %while3A_53, %while3A_58 : i32
    %while3A_60 = arith.constant 1 : i32
    scf.for %while3A_66 = %while3A_53 to %while3A_59 step %while3A_60  : i32 {
      %mul3A_67 = arith.muli %while3A_66, %while3A : i32
      %add3A_68 = arith.addi %while3A_52, %mul3A_67 : i32
      %dma_wait3A = arith.constant 0 : i32
      %dma_wait3A_69 = arith.constant 0 : i32
      %dma_wait3A_70 = tpu.memref_slice %arg4[%add3A, %add3A_68, %dma_wait3A, %dma_wait3A_69] : memref<32x64x64x128xf32, #tpu.memory_space<hbm>> -> memref<1x1x64x128xf32, #tpu.memory_space<hbm>>
      %dma_wait3A_71 = tpu.memref_squeeze %dma_wait3A_70 : memref<1x1x64x128xf32, #tpu.memory_space<hbm>> -> memref<64x128xf32, #tpu.memory_space<hbm>>
      %dma_wait3A_72 = arith.constant 0 : i32
      %dma_wait3A_73 = arith.constant 0 : i32
      %dma_wait3A_74 = tpu.memref_slice %arg4[%add3A, %add3A_68, %dma_wait3A_72, %dma_wait3A_73] : memref<32x64x64x128xf32, #tpu.memory_space<hbm>> -> memref<1x1x64x128xf32, #tpu.memory_space<hbm>>
      %dma_wait3A_75 = tpu.memref_squeeze %dma_wait3A_74 : memref<1x1x64x128xf32, #tpu.memory_space<hbm>> -> memref<64x128xf32, #tpu.memory_space<hbm>>
      tpu.wait_dma2 semaphore(%arg17 : memref<!tpu.dma_semaphore, #tpu.memory_space<semaphore_mem>>) src(%dma_wait3A_75 : memref<64x128xf32, #tpu.memory_space<hbm>>) dst(%arg11 : memref<64x128xf32, #tpu.memory_space<vmem>>)
      %dma_wait3A_76 = arith.constant 0 : i32
      %dma_wait3A_77 = tpu.memref_slice %arg8[%add3A_68, %dma_wait3A_76] : memref<64x64xi32, #tpu.memory_space<vmem>> -> memref<1x64xi32, #tpu.memory_space<vmem>>
      %dma_wait3A_78 = tpu.memref_squeeze %dma_wait3A_77 : memref<1x64xi32, #tpu.memory_space<vmem>> -> memref<64xi32, #tpu.memory_space<vmem>>
      %dma_wait3A_79 = arith.constant 0 : i32
      %dma_wait3A_80 = arith.constant 0 : i32
      %dma_wait3A_81 = tpu.memref_slice %arg5[%dma_wait3A_79, %dma_wait3A_80] : memref<4096x128xf32, #tpu.memory_space<hbm>> -> memref<4096x128xf32, #tpu.memory_space<hbm>>
      tpu.wait_indirect_dma semaphore(%arg18 : memref<!tpu.dma_semaphore, #tpu.memory_space<semaphore_mem>>) src(%dma_wait3A_81 : memref<4096x128xf32, #tpu.memory_space<hbm>>) dst(%arg13 : memref<64x128xf32, #tpu.memory_space<vmem>>)
      %dma_wait3A_82 = arith.constant 0 : i32
      %dma_wait3A_83 = tpu.memref_slice %arg9[%add3A_68, %dma_wait3A_82] : memref<64x64xi32, #tpu.memory_space<vmem>> -> memref<1x64xi32, #tpu.memory_space<vmem>>
      %dma_wait3A_84 = tpu.memref_squeeze %dma_wait3A_83 : memref<1x64xi32, #tpu.memory_space<vmem>> -> memref<64xi32, #tpu.memory_space<vmem>>
      %dma_wait3A_85 = arith.constant 0 : i32
      %dma_wait3A_86 = arith.constant 0 : i32
      %dma_wait3A_87 = tpu.memref_slice %arg5[%dma_wait3A_85, %dma_wait3A_86] : memref<4096x128xf32, #tpu.memory_space<hbm>> -> memref<4096x128xf32, #tpu.memory_space<hbm>>
      tpu.wait_indirect_dma semaphore(%arg19 : memref<!tpu.dma_semaphore, #tpu.memory_space<semaphore_mem>>) src(%dma_wait3A_87 : memref<4096x128xf32, #tpu.memory_space<hbm>>) dst(%arg15 : memref<64x128xf32, #tpu.memory_space<vmem>>)
      %scan3A_88 = arith.constant 0 : i32
      %scan3A_89 = arith.constant 0 : i32
      %scan3A_90 = arith.constant 64 : i32
      %scan3A_91 = arith.addi %scan3A_89, %scan3A_90 : i32
      %scan3A_92 = arith.constant 1 : i32
      scf.for %scan3A_133 = %scan3A_89 to %scan3A_91 step %scan3A_92  : i32 {
        %get3A_134 = arith.index_cast %scan3A_133 : i32 to index
        %get3A_135 = arith.constant 0 : index
        %get3A_136 = tpu.vector_load %arg11[%get3A_134, %get3A_135] {strides = array<i32>} : memref<64x128xf32, #tpu.memory_space<vmem>>, vector<16xf32>,
        %get3A_137 = arith.index_cast %scan3A_133 : i32 to index
        %get3A_138 = arith.constant 0 : index
        %get3A_139 = tpu.vector_load %arg13[%get3A_137, %get3A_138] {strides = array<i32>} : memref<64x128xf32, #tpu.memory_space<vmem>>, vector<16xf32>,
        %get3A_140 = arith.index_cast %scan3A_133 : i32 to index
        %get3A_141 = arith.constant 0 : index
        %get3A_142 = tpu.vector_load %arg15[%get3A_140, %get3A_141] {strides = array<i32>} : memref<64x128xf32, #tpu.memory_space<vmem>>, vector<16xf32>,
        %mul3A_143 = arith.mulf %get3A_136, %get3A_142 : vector<16xf32>
        %swap3A = arith.index_cast %scan3A_133 : i32 to index
        %swap3A_144 = arith.constant 0 : index
        %swap3A_145 = tpu.vector_load %arg15[%swap3A, %swap3A_144] {strides = array<i32>} : memref<64x128xf32, #tpu.memory_space<vmem>>, vector<16xf32>,
        tpu.vector_store %arg15[%swap3A, %swap3A_144], %mul3A_143 {strides = array<i32>} : memref<64x128xf32, #tpu.memory_space<vmem>>, vector<16xf32>,
        %mul3A_146 = arith.mulf %get3A_136, %get3A_139 : vector<16xf32>
        %swap3A_147 = arith.index_cast %scan3A_133 : i32 to index
        %swap3A_148 = arith.constant 0 : index
        %swap3A_149 = tpu.vector_load %arg13[%swap3A_147, %swap3A_148] {strides = array<i32>} : memref<64x128xf32, #tpu.memory_space<vmem>>, vector<16xf32>,
        tpu.vector_store %arg13[%swap3A_147, %swap3A_148], %mul3A_146 {strides = array<i32>} : memref<64x128xf32, #tpu.memory_space<vmem>>, vector<16xf32>,
        %get3A_150 = arith.index_cast %scan3A_133 : i32 to index
        %get3A_151 = arith.constant 16 : index
        %get3A_152 = tpu.vector_load %arg11[%get3A_150, %get3A_151] {strides = array<i32>} : memref<64x128xf32, #tpu.memory_space<vmem>>, vector<16xf32>,
        %get3A_153 = arith.index_cast %scan3A_133 : i32 to index
        %get3A_154 = arith.constant 16 : index
        %get3A_155 = tpu.vector_load %arg13[%get3A_153, %get3A_154] {strides = array<i32>} : memref<64x128xf32, #tpu.memory_space<vmem>>, vector<16xf32>,
        %get3A_156 = arith.index_cast %scan3A_133 : i32 to index
        %get3A_157 = arith.constant 16 : index
        %get3A_158 = tpu.vector_load %arg15[%get3A_156, %get3A_157] {strides = array<i32>} : memref<64x128xf32, #tpu.memory_space<vmem>>, vector<16xf32>,
        %mul3A_159 = arith.mulf %get3A_152, %get3A_158 : vector<16xf32>
        %swap3A_160 = arith.index_cast %scan3A_133 : i32 to index
        %swap3A_161 = arith.constant 16 : index
        %swap3A_162 = tpu.vector_load %arg15[%swap3A_160, %swap3A_161] {strides = array<i32>} : memref<64x128xf32, #tpu.memory_space<vmem>>, vector<16xf32>,
        tpu.vector_store %arg15[%swap3A_160, %swap3A_161], %mul3A_159 {strides = array<i32>} : memref<64x128xf32, #tpu.memory_space<vmem>>, vector<16xf32>,
        %mul3A_163 = arith.mulf %get3A_152, %get3A_155 : vector<16xf32>
        %swap3A_164 = arith.index_cast %scan3A_133 : i32 to index
        %swap3A_165 = arith.constant 16 : index
        %swap3A_166 = tpu.vector_load %arg13[%swap3A_164, %swap3A_165] {strides = array<i32>} : memref<64x128xf32, #tpu.memory_space<vmem>>, vector<16xf32>,
        tpu.vector_store %arg13[%swap3A_164, %swap3A_165], %mul3A_163 {strides = array<i32>} : memref<64x128xf32, #tpu.memory_space<vmem>>, vector<16xf32>,
        %get3A_167 = arith.index_cast %scan3A_133 : i32 to index
        %get3A_168 = arith.constant 32 : index
        %get3A_169 = tpu.vector_load %arg11[%get3A_167, %get3A_168] {strides = array<i32>} : memref<64x128xf32, #tpu.memory_space<vmem>>, vector<16xf32>,
        %get3A_170 = arith.index_cast %scan3A_133 : i32 to index
        %get3A_171 = arith.constant 32 : index
        %get3A_172 = tpu.vector_load %arg13[%get3A_170, %get3A_171] {strides = array<i32>} : memref<64x128xf32, #tpu.memory_space<vmem>>, vector<16xf32>,
        %get3A_173 = arith.index_cast %scan3A_133 : i32 to index
        %get3A_174 = arith.constant 32 : index
        %get3A_175 = tpu.vector_load %arg15[%get3A_173, %get3A_174] {strides = array<i32>} : memref<64x128xf32, #tpu.memory_space<vmem>>, vector<16xf32>,
        %mul3A_176 = arith.mulf %get3A_169, %get3A_175 : vector<16xf32>
        %swap3A_177 = arith.index_cast %scan3A_133 : i32 to index
        %swap3A_178 = arith.constant 32 : index
        %swap3A_179 = tpu.vector_load %arg15[%swap3A_177, %swap3A_178] {strides = array<i32>} : memref<64x128xf32, #tpu.memory_space<vmem>>, vector<16xf32>,
        tpu.vector_store %arg15[%swap3A_177, %swap3A_178], %mul3A_176 {strides = array<i32>} : memref<64x128xf32, #tpu.memory_space<vmem>>, vector<16xf32>,
        %mul3A_180 = arith.mulf %get3A_169, %get3A_172 : vector<16xf32>
        %swap3A_181 = arith.index_cast %scan3A_133 : i32 to index
        %swap3A_182 = arith.constant 32 : index
        %swap3A_183 = tpu.vector_load %arg13[%swap3A_181, %swap3A_182] {strides = array<i32>} : memref<64x128xf32, #tpu.memory_space<vmem>>, vector<16xf32>,
        tpu.vector_store %arg13[%swap3A_181, %swap3A_182], %mul3A_180 {strides = array<i32>} : memref<64x128xf32, #tpu.memory_space<vmem>>, vector<16xf32>,
        %get3A_184 = arith.index_cast %scan3A_133 : i32 to index
        %get3A_185 = arith.constant 48 : index
        %get3A_186 = tpu.vector_load %arg11[%get3A_184, %get3A_185] {strides = array<i32>} : memref<64x128xf32, #tpu.memory_space<vmem>>, vector<16xf32>,
        %get3A_187 = arith.index_cast %scan3A_133 : i32 to index
        %get3A_188 = arith.constant 48 : index
        %get3A_189 = tpu.vector_load %arg13[%get3A_187, %get3A_188] {strides = array<i32>} : memref<64x128xf32, #tpu.memory_space<vmem>>, vector<16xf32>,
        %get3A_190 = arith.index_cast %scan3A_133 : i32 to index
        %get3A_191 = arith.constant 48 : index
        %get3A_192 = tpu.vector_load %arg15[%get3A_190, %get3A_191] {strides = array<i32>} : memref<64x128xf32, #tpu.memory_space<vmem>>, vector<16xf32>,
        %mul3A_193 = arith.mulf %get3A_186, %get3A_192 : vector<16xf32>
        %swap3A_194 = arith.index_cast %scan3A_133 : i32 to index
        %swap3A_195 = arith.constant 48 : index
        %swap3A_196 = tpu.vector_load %arg15[%swap3A_194, %swap3A_195] {strides = array<i32>} : memref<64x128xf32, #tpu.memory_space<vmem>>, vector<16xf32>,
        tpu.vector_store %arg15[%swap3A_194, %swap3A_195], %mul3A_193 {strides = array<i32>} : memref<64x128xf32, #tpu.memory_space<vmem>>, vector<16xf32>,
        %mul3A_197 = arith.mulf %get3A_186, %get3A_189 : vector<16xf32>
        %swap3A_198 = arith.index_cast %scan3A_133 : i32 to index
        %swap3A_199 = arith.constant 48 : index
        %swap3A_200 = tpu.vector_load %arg13[%swap3A_198, %swap3A_199] {strides = array<i32>} : memref<64x128xf32, #tpu.memory_space<vmem>>, vector<16xf32>,
        tpu.vector_store %arg13[%swap3A_198, %swap3A_199], %mul3A_197 {strides = array<i32>} : memref<64x128xf32, #tpu.memory_space<vmem>>, vector<16xf32>,
        %get3A_201 = arith.index_cast %scan3A_133 : i32 to index
        %get3A_202 = arith.constant 64 : index
        %get3A_203 = tpu.vector_load %arg11[%get3A_201, %get3A_202] {strides = array<i32>} : memref<64x128xf32, #tpu.memory_space<vmem>>, vector<16xf32>,
        %get3A_204 = arith.index_cast %scan3A_133 : i32 to index
        %get3A_205 = arith.constant 64 : index
        %get3A_206 = tpu.vector_load %arg13[%get3A_204, %get3A_205] {strides = array<i32>} : memref<64x128xf32, #tpu.memory_space<vmem>>, vector<16xf32>,
        %get3A_207 = arith.index_cast %scan3A_133 : i32 to index
        %get3A_208 = arith.constant 64 : index
        %get3A_209 = tpu.vector_load %arg15[%get3A_207, %get3A_208] {strides = array<i32>} : memref<64x128xf32, #tpu.memory_space<vmem>>, vector<16xf32>,
        %mul3A_210 = arith.mulf %get3A_203, %get3A_209 : vector<16xf32>
        %swap3A_211 = arith.index_cast %scan3A_133 : i32 to index
        %swap3A_212 = arith.constant 64 : index
        %swap3A_213 = tpu.vector_load %arg15[%swap3A_211, %swap3A_212] {strides = array<i32>} : memref<64x128xf32, #tpu.memory_space<vmem>>, vector<16xf32>,
        tpu.vector_store %arg15[%swap3A_211, %swap3A_212], %mul3A_210 {strides = array<i32>} : memref<64x128xf32, #tpu.memory_space<vmem>>, vector<16xf32>,
        %mul3A_214 = arith.mulf %get3A_203, %get3A_206 : vector<16xf32>
        %swap3A_215 = arith.index_cast %scan3A_133 : i32 to index
        %swap3A_216 = arith.constant 64 : index
        %swap3A_217 = tpu.vector_load %arg13[%swap3A_215, %swap3A_216] {strides = array<i32>} : memref<64x128xf32, #tpu.memory_space<vmem>>, vector<16xf32>,
        tpu.vector_store %arg13[%swap3A_215, %swap3A_216], %mul3A_214 {strides = array<i32>} : memref<64x128xf32, #tpu.memory_space<vmem>>, vector<16xf32>,
        %get3A_218 = arith.index_cast %scan3A_133 : i32 to index
        %get3A_219 = arith.constant 80 : index
        %get3A_220 = tpu.vector_load %arg11[%get3A_218, %get3A_219] {strides = array<i32>} : memref<64x128xf32, #tpu.memory_space<vmem>>, vector<16xf32>,
        %get3A_221 = arith.index_cast %scan3A_133 : i32 to index
        %get3A_222 = arith.constant 80 : index
        %get3A_223 = tpu.vector_load %arg13[%get3A_221, %get3A_222] {strides = array<i32>} : memref<64x128xf32, #tpu.memory_space<vmem>>, vector<16xf32>,
        %get3A_224 = arith.index_cast %scan3A_133 : i32 to index
        %get3A_225 = arith.constant 80 : index
        %get3A_226 = tpu.vector_load %arg15[%get3A_224, %get3A_225] {strides = array<i32>} : memref<64x128xf32, #tpu.memory_space<vmem>>, vector<16xf32>,
        %mul3A_227 = arith.mulf %get3A_220, %get3A_226 : vector<16xf32>
        %swap3A_228 = arith.index_cast %scan3A_133 : i32 to index
        %swap3A_229 = arith.constant 80 : index
        %swap3A_230 = tpu.vector_load %arg15[%swap3A_228, %swap3A_229] {strides = array<i32>} : memref<64x128xf32, #tpu.memory_space<vmem>>, vector<16xf32>,
        tpu.vector_store %arg15[%swap3A_228, %swap3A_229], %mul3A_227 {strides = array<i32>} : memref<64x128xf32, #tpu.memory_space<vmem>>, vector<16xf32>,
        %mul3A_231 = arith.mulf %get3A_220, %get3A_223 : vector<16xf32>
        %swap3A_232 = arith.index_cast %scan3A_133 : i32 to index
        %swap3A_233 = arith.constant 80 : index
        %swap3A_234 = tpu.vector_load %arg13[%swap3A_232, %swap3A_233] {strides = array<i32>} : memref<64x128xf32, #tpu.memory_space<vmem>>, vector<16xf32>,
        tpu.vector_store %arg13[%swap3A_232, %swap3A_233], %mul3A_231 {strides = array<i32>} : memref<64x128xf32, #tpu.memory_space<vmem>>, vector<16xf32>,
        %get3A_235 = arith.index_cast %scan3A_133 : i32 to index
        %get3A_236 = arith.constant 96 : index
        %get3A_237 = tpu.vector_load %arg11[%get3A_235, %get3A_236] {strides = array<i32>} : memref<64x128xf32, #tpu.memory_space<vmem>>, vector<16xf32>,
        %get3A_238 = arith.index_cast %scan3A_133 : i32 to index
        %get3A_239 = arith.constant 96 : index
        %get3A_240 = tpu.vector_load %arg13[%get3A_238, %get3A_239] {strides = array<i32>} : memref<64x128xf32, #tpu.memory_space<vmem>>, vector<16xf32>,
        %get3A_241 = arith.index_cast %scan3A_133 : i32 to index
        %get3A_242 = arith.constant 96 : index
        %get3A_243 = tpu.vector_load %arg15[%get3A_241, %get3A_242] {strides = array<i32>} : memref<64x128xf32, #tpu.memory_space<vmem>>, vector<16xf32>,
        %mul3A_244 = arith.mulf %get3A_237, %get3A_243 : vector<16xf32>
        %swap3A_245 = arith.index_cast %scan3A_133 : i32 to index
        %swap3A_246 = arith.constant 96 : index
        %swap3A_247 = tpu.vector_load %arg15[%swap3A_245, %swap3A_246] {strides = array<i32>} : memref<64x128xf32, #tpu.memory_space<vmem>>, vector<16xf32>,
        tpu.vector_store %arg15[%swap3A_245, %swap3A_246], %mul3A_244 {strides = array<i32>} : memref<64x128xf32, #tpu.memory_space<vmem>>, vector<16xf32>,
        %mul3A_248 = arith.mulf %get3A_237, %get3A_240 : vector<16xf32>
        %swap3A_249 = arith.index_cast %scan3A_133 : i32 to index
        %swap3A_250 = arith.constant 96 : index
        %swap3A_251 = tpu.vector_load %arg13[%swap3A_249, %swap3A_250] {strides = array<i32>} : memref<64x128xf32, #tpu.memory_space<vmem>>, vector<16xf32>,
        tpu.vector_store %arg13[%swap3A_249, %swap3A_250], %mul3A_248 {strides = array<i32>} : memref<64x128xf32, #tpu.memory_space<vmem>>, vector<16xf32>,
        %get3A_252 = arith.index_cast %scan3A_133 : i32 to index
        %get3A_253 = arith.constant 112 : index
        %get3A_254 = tpu.vector_load %arg11[%get3A_252, %get3A_253] {strides = array<i32>} : memref<64x128xf32, #tpu.memory_space<vmem>>, vector<16xf32>,
        %get3A_255 = arith.index_cast %scan3A_133 : i32 to index
        %get3A_256 = arith.constant 112 : index
        %get3A_257 = tpu.vector_load %arg13[%get3A_255, %get3A_256] {strides = array<i32>} : memref<64x128xf32, #tpu.memory_space<vmem>>, vector<16xf32>,
        %get3A_258 = arith.index_cast %scan3A_133 : i32 to index
        %get3A_259 = arith.constant 112 : index
        %get3A_260 = tpu.vector_load %arg15[%get3A_258, %get3A_259] {strides = array<i32>} : memref<64x128xf32, #tpu.memory_space<vmem>>, vector<16xf32>,
        %mul3A_261 = arith.mulf %get3A_254, %get3A_260 : vector<16xf32>
        %swap3A_262 = arith.index_cast %scan3A_133 : i32 to index
        %swap3A_263 = arith.constant 112 : index
        %swap3A_264 = tpu.vector_load %arg15[%swap3A_262, %swap3A_263] {strides = array<i32>} : memref<64x128xf32, #tpu.memory_space<vmem>>, vector<16xf32>,
        tpu.vector_store %arg15[%swap3A_262, %swap3A_263], %mul3A_261 {strides = array<i32>} : memref<64x128xf32, #tpu.memory_space<vmem>>, vector<16xf32>,
        %mul3A_265 = arith.mulf %get3A_254, %get3A_257 : vector<16xf32>
        %swap3A_266 = arith.index_cast %scan3A_133 : i32 to index
        %swap3A_267 = arith.constant 112 : index
        %swap3A_268 = tpu.vector_load %arg13[%swap3A_266, %swap3A_267] {strides = array<i32>} : memref<64x128xf32, #tpu.memory_space<vmem>>, vector<16xf32>,
        tpu.vector_store %arg13[%swap3A_266, %swap3A_267], %mul3A_265 {strides = array<i32>} : memref<64x128xf32, #tpu.memory_space<vmem>>, vector<16xf32>,
      }
      %scan3A_93 = arith.constant 64 : i32
      "tpu.region"() ({
        %run_scoped3A = tpu.sem_alloc : memref<!tpu.dma_semaphore, #tpu.memory_space<semaphore_mem>>
        %dma_start3A = arith.constant 0 : i32
        %dma_start3A_133 = tpu.memref_slice %arg8[%add3A_68, %dma_start3A] : memref<64x64xi32, #tpu.memory_space<vmem>> -> memref<1x64xi32, #tpu.memory_space<vmem>>
        %dma_start3A_134 = tpu.memref_squeeze %dma_start3A_133 : memref<1x64xi32, #tpu.memory_space<vmem>> -> memref<64xi32, #tpu.memory_space<vmem>>
        %dma_start3A_135 = arith.constant 0 : i32
        %dma_start3A_136 = arith.constant 0 : i32
        %dma_start3A_137 = tpu.memref_slice %arg23[%dma_start3A_135, %dma_start3A_136] : memref<4096x128xf32, #tpu.memory_space<vmem_shared>> -> memref<4096x128xf32, #tpu.memory_space<vmem_shared>>
        tpu.enqueue_indirect_dma source(%arg15 : memref<64x128xf32, #tpu.memory_space<vmem>>) target(%dma_start3A_137 : memref<4096x128xf32, #tpu.memory_space<vmem_shared>>) offsets(%dma_start3A_134 : memref<64xi32, #tpu.memory_space<vmem>>) semaphore(%run_scoped3A : memref<!tpu.dma_semaphore, #tpu.memory_space<semaphore_mem>>) {add = true}
        %dma_wait3A_138 = arith.constant 0 : i32
        %dma_wait3A_139 = tpu.memref_slice %arg8[%add3A_68, %dma_wait3A_138] : memref<64x64xi32, #tpu.memory_space<vmem>> -> memref<1x64xi32, #tpu.memory_space<vmem>>
        %dma_wait3A_140 = tpu.memref_squeeze %dma_wait3A_139 : memref<1x64xi32, #tpu.memory_space<vmem>> -> memref<64xi32, #tpu.memory_space<vmem>>
        %dma_wait3A_141 = arith.constant 0 : i32
        %dma_wait3A_142 = arith.constant 0 : i32
        %dma_wait3A_143 = tpu.memref_slice %arg23[%dma_wait3A_141, %dma_wait3A_142] : memref<4096x128xf32, #tpu.memory_space<vmem_shared>> -> memref<4096x128xf32, #tpu.memory_space<vmem_shared>>
        tpu.wait_indirect_dma semaphore(%run_scoped3A : memref<!tpu.dma_semaphore, #tpu.memory_space<semaphore_mem>>) src(%arg15 : memref<64x128xf32, #tpu.memory_space<vmem>>) dst(%dma_wait3A_143 : memref<4096x128xf32, #tpu.memory_space<vmem_shared>>)
        tpu.yield
      }) : () -> ()
      "tpu.region"() ({
        %run_scoped3A = tpu.sem_alloc : memref<!tpu.dma_semaphore, #tpu.memory_space<semaphore_mem>>
        %dma_start3A = arith.constant 0 : i32
        %dma_start3A_133 = tpu.memref_slice %arg9[%add3A_68, %dma_start3A] : memref<64x64xi32, #tpu.memory_space<vmem>> -> memref<1x64xi32, #tpu.memory_space<vmem>>
        %dma_start3A_134 = tpu.memref_squeeze %dma_start3A_133 : memref<1x64xi32, #tpu.memory_space<vmem>> -> memref<64xi32, #tpu.memory_space<vmem>>
        %dma_start3A_135 = arith.constant 0 : i32
        %dma_start3A_136 = arith.constant 0 : i32
        %dma_start3A_137 = tpu.memref_slice %arg23[%dma_start3A_135, %dma_start3A_136] : memref<4096x128xf32, #tpu.memory_space<vmem_shared>> -> memref<4096x128xf32, #tpu.memory_space<vmem_shared>>
        tpu.enqueue_indirect_dma source(%arg13 : memref<64x128xf32, #tpu.memory_space<vmem>>) target(%dma_start3A_137 : memref<4096x128xf32, #tpu.memory_space<vmem_shared>>) offsets(%dma_start3A_134 : memref<64xi32, #tpu.memory_space<vmem>>) semaphore(%run_scoped3A : memref<!tpu.dma_semaphore, #tpu.memory_space<semaphore_mem>>) {add = true}
        %dma_wait3A_138 = arith.constant 0 : i32
        %dma_wait3A_139 = tpu.memref_slice %arg9[%add3A_68, %dma_wait3A_138] : memref<64x64xi32, #tpu.memory_space<vmem>> -> memref<1x64xi32, #tpu.memory_space<vmem>>
        %dma_wait3A_140 = tpu.memref_squeeze %dma_wait3A_139 : memref<1x64xi32, #tpu.memory_space<vmem>> -> memref<64xi32, #tpu.memory_space<vmem>>
        %dma_wait3A_141 = arith.constant 0 : i32
        %dma_wait3A_142 = arith.constant 0 : i32
        %dma_wait3A_143 = tpu.memref_slice %arg23[%dma_wait3A_141, %dma_wait3A_142] : memref<4096x128xf32, #tpu.memory_space<vmem_shared>> -> memref<4096x128xf32, #tpu.memory_space<vmem_shared>>
        tpu.wait_indirect_dma semaphore(%run_scoped3A : memref<!tpu.dma_semaphore, #tpu.memory_space<semaphore_mem>>) src(%arg13 : memref<64x128xf32, #tpu.memory_space<vmem>>) dst(%dma_wait3A_143 : memref<4096x128xf32, #tpu.memory_space<vmem_shared>>)
        tpu.yield
      }) : () -> ()
      %add3A_94 = arith.constant 2 : i32
      %add3A_95 = arith.addi %add3A_68, %add3A_94 : i32
      %lt3A = arith.cmpi slt, %add3A_95, %mul3A_41 : i32
      %convert_element_type3A_96 = arith.extui %lt3A : i1 to i32
      %cond3A_97 = arith.constant 0 : i32
      %cond3A_98 = arith.cmpi ne, %convert_element_type3A_96, %cond3A_97 : i32
      scf.if %cond3A_98 {
        %add3A_133 = arith.constant 2 : i32
        %add3A_134 = arith.addi %add3A_68, %add3A_133 : i32
        %dma_start3A = arith.constant 0 : i32
        %dma_start3A_135 = arith.constant 0 : i32
        %dma_start3A_136 = tpu.memref_slice %arg4[%add3A, %add3A_134, %dma_start3A, %dma_start3A_135] : memref<32x64x64x128xf32, #tpu.memory_space<hbm>> -> memref<1x1x64x128xf32, #tpu.memory_space<hbm>>
        %dma_start3A_137 = tpu.memref_squeeze %dma_start3A_136 : memref<1x1x64x128xf32, #tpu.memory_space<hbm>> -> memref<64x128xf32, #tpu.memory_space<hbm>>
        %dma_start3A_138 = arith.constant 0 : i32
        %dma_start3A_139 = arith.constant 0 : i32
        %dma_start3A_140 = tpu.memref_slice %arg4[%add3A, %add3A_134, %dma_start3A_138, %dma_start3A_139] : memref<32x64x64x128xf32, #tpu.memory_space<hbm>> -> memref<1x1x64x128xf32, #tpu.memory_space<hbm>>
        %dma_start3A_141 = tpu.memref_squeeze %dma_start3A_140 : memref<1x1x64x128xf32, #tpu.memory_space<hbm>> -> memref<64x128xf32, #tpu.memory_space<hbm>>
        tpu.enqueue_dma source(%dma_start3A_141 : memref<64x128xf32, #tpu.memory_space<hbm>>) target(%arg11 : memref<64x128xf32, #tpu.memory_space<vmem>>) target_semaphore(%arg17 : memref<!tpu.dma_semaphore, #tpu.memory_space<semaphore_mem>>)
        %dma_start3A_142 = arith.constant 0 : i32
        %dma_start3A_143 = tpu.memref_slice %arg8[%add3A_134, %dma_start3A_142] : memref<64x64xi32, #tpu.memory_space<vmem>> -> memref<1x64xi32, #tpu.memory_space<vmem>>
        %dma_start3A_144 = tpu.memref_squeeze %dma_start3A_143 : memref<1x64xi32, #tpu.memory_space<vmem>> -> memref<64xi32, #tpu.memory_space<vmem>>
        %dma_start3A_145 = arith.constant 0 : i32
        %dma_start3A_146 = arith.constant 0 : i32
        %dma_start3A_147 = tpu.memref_slice %arg5[%dma_start3A_145, %dma_start3A_146] : memref<4096x128xf32, #tpu.memory_space<hbm>> -> memref<4096x128xf32, #tpu.memory_space<hbm>>
        tpu.enqueue_indirect_dma source(%dma_start3A_147 : memref<4096x128xf32, #tpu.memory_space<hbm>>) target(%arg13 : memref<64x128xf32, #tpu.memory_space<vmem>>) offsets(%dma_start3A_144 : memref<64xi32, #tpu.memory_space<vmem>>) semaphore(%arg18 : memref<!tpu.dma_semaphore, #tpu.memory_space<semaphore_mem>>)
        %dma_start3A_148 = arith.constant 0 : i32
        %dma_start3A_149 = tpu.memref_slice %arg9[%add3A_134, %dma_start3A_148] : memref<64x64xi32, #tpu.memory_space<vmem>> -> memref<1x64xi32, #tpu.memory_space<vmem>>
        %dma_start3A_150 = tpu.memref_squeeze %dma_start3A_149 : memref<1x64xi32, #tpu.memory_space<vmem>> -> memref<64xi32, #tpu.memory_space<vmem>>
        %dma_start3A_151 = arith.constant 0 : i32
        %dma_start3A_152 = arith.constant 0 : i32
        %dma_start3A_153 = tpu.memref_slice %arg5[%dma_start3A_151, %dma_start3A_152] : memref<4096x128xf32, #tpu.memory_space<hbm>> -> memref<4096x128xf32, #tpu.memory_space<hbm>>
        tpu.enqueue_indirect_dma source(%dma_start3A_153 : memref<4096x128xf32, #tpu.memory_space<hbm>>) target(%arg15 : memref<64x128xf32, #tpu.memory_space<vmem>>) offsets(%dma_start3A_150 : memref<64xi32, #tpu.memory_space<vmem>>) semaphore(%arg19 : memref<!tpu.dma_semaphore, #tpu.memory_space<semaphore_mem>>)
      } else {
      }
      %add3A_99 = arith.constant 1 : i32
      %add3A_100 = arith.addi %add3A_68, %add3A_99 : i32
      %dma_wait3A_101 = arith.constant 0 : i32
      %dma_wait3A_102 = arith.constant 0 : i32
      %dma_wait3A_103 = tpu.memref_slice %arg4[%add3A, %add3A_100, %dma_wait3A_101, %dma_wait3A_102] : memref<32x64x64x128xf32, #tpu.memory_space<hbm>> -> memref<1x1x64x128xf32, #tpu.memory_space<hbm>>
      %dma_wait3A_104 = tpu.memref_squeeze %dma_wait3A_103 : memref<1x1x64x128xf32, #tpu.memory_space<hbm>> -> memref<64x128xf32, #tpu.memory_space<hbm>>
      %dma_wait3A_105 = arith.constant 0 : i32
      %dma_wait3A_106 = arith.constant 0 : i32
      %dma_wait3A_107 = tpu.memref_slice %arg4[%add3A, %add3A_100, %dma_wait3A_105, %dma_wait3A_106] : memref<32x64x64x128xf32, #tpu.memory_space<hbm>> -> memref<1x1x64x128xf32, #tpu.memory_space<hbm>>
      %dma_wait3A_108 = tpu.memref_squeeze %dma_wait3A_107 : memref<1x1x64x128xf32, #tpu.memory_space<hbm>> -> memref<64x128xf32, #tpu.memory_space<hbm>>
      tpu.wait_dma2 semaphore(%arg20 : memref<!tpu.dma_semaphore, #tpu.memory_space<semaphore_mem>>) src(%dma_wait3A_108 : memref<64x128xf32, #tpu.memory_space<hbm>>) dst(%arg12 : memref<64x128xf32, #tpu.memory_space<vmem>>)
      %dma_wait3A_109 = arith.constant 0 : i32
      %dma_wait3A_110 = tpu.memref_slice %arg8[%add3A_100, %dma_wait3A_109] : memref<64x64xi32, #tpu.memory_space<vmem>> -> memref<1x64xi32, #tpu.memory_space<vmem>>
      %dma_wait3A_111 = tpu.memref_squeeze %dma_wait3A_110 : memref<1x64xi32, #tpu.memory_space<vmem>> -> memref<64xi32, #tpu.memory_space<vmem>>
      %dma_wait3A_112 = arith.constant 0 : i32
      %dma_wait3A_113 = arith.constant 0 : i32
      %dma_wait3A_114 = tpu.memref_slice %arg5[%dma_wait3A_112, %dma_wait3A_113] : memref<4096x128xf32, #tpu.memory_space<hbm>> -> memref<4096x128xf32, #tpu.memory_space<hbm>>
      tpu.wait_indirect_dma semaphore(%arg21 : memref<!tpu.dma_semaphore, #tpu.memory_space<semaphore_mem>>) src(%dma_wait3A_114 : memref<4096x128xf32, #tpu.memory_space<hbm>>) dst(%arg14 : memref<64x128xf32, #tpu.memory_space<vmem>>)
      %dma_wait3A_115 = arith.constant 0 : i32
      %dma_wait3A_116 = tpu.memref_slice %arg9[%add3A_100, %dma_wait3A_115] : memref<64x64xi32, #tpu.memory_space<vmem>> -> memref<1x64xi32, #tpu.memory_space<vmem>>
      %dma_wait3A_117 = tpu.memref_squeeze %dma_wait3A_116 : memref<1x64xi32, #tpu.memory_space<vmem>> -> memref<64xi32, #tpu.memory_space<vmem>>
      %dma_wait3A_118 = arith.constant 0 : i32
      %dma_wait3A_119 = arith.constant 0 : i32
      %dma_wait3A_120 = tpu.memref_slice %arg5[%dma_wait3A_118, %dma_wait3A_119] : memref<4096x128xf32, #tpu.memory_space<hbm>> -> memref<4096x128xf32, #tpu.memory_space<hbm>>
      tpu.wait_indirect_dma semaphore(%arg22 : memref<!tpu.dma_semaphore, #tpu.memory_space<semaphore_mem>>) src(%dma_wait3A_120 : memref<4096x128xf32, #tpu.memory_space<hbm>>) dst(%arg16 : memref<64x128xf32, #tpu.memory_space<vmem>>)
      %scan3A_121 = arith.constant 0 : i32
      %scan3A_122 = arith.constant 0 : i32
      %scan3A_123 = arith.constant 64 : i32
      %scan3A_124 = arith.addi %scan3A_122, %scan3A_123 : i32
      %scan3A_125 = arith.constant 1 : i32
      scf.for %scan3A_133 = %scan3A_122 to %scan3A_124 step %scan3A_125  : i32 {
        %get3A_134 = arith.index_cast %scan3A_133 : i32 to index
        %get3A_135 = arith.constant 0 : index
        %get3A_136 = tpu.vector_load %arg12[%get3A_134, %get3A_135] {strides = array<i32>} : memref<64x128xf32, #tpu.memory_space<vmem>>, vector<16xf32>,
        %get3A_137 = arith.index_cast %scan3A_133 : i32 to index
        %get3A_138 = arith.constant 0 : index
        %get3A_139 = tpu.vector_load %arg14[%get3A_137, %get3A_138] {strides = array<i32>} : memref<64x128xf32, #tpu.memory_space<vmem>>, vector<16xf32>,
        %get3A_140 = arith.index_cast %scan3A_133 : i32 to index
        %get3A_141 = arith.constant 0 : index
        %get3A_142 = tpu.vector_load %arg16[%get3A_140, %get3A_141] {strides = array<i32>} : memref<64x128xf32, #tpu.memory_space<vmem>>, vector<16xf32>,
        %mul3A_143 = arith.mulf %get3A_136, %get3A_142 : vector<16xf32>
        %swap3A = arith.index_cast %scan3A_133 : i32 to index
        %swap3A_144 = arith.constant 0 : index
        %swap3A_145 = tpu.vector_load %arg16[%swap3A, %swap3A_144] {strides = array<i32>} : memref<64x128xf32, #tpu.memory_space<vmem>>, vector<16xf32>,
        tpu.vector_store %arg16[%swap3A, %swap3A_144], %mul3A_143 {strides = array<i32>} : memref<64x128xf32, #tpu.memory_space<vmem>>, vector<16xf32>,
        %mul3A_146 = arith.mulf %get3A_136, %get3A_139 : vector<16xf32>
        %swap3A_147 = arith.index_cast %scan3A_133 : i32 to index
        %swap3A_148 = arith.constant 0 : index
        %swap3A_149 = tpu.vector_load %arg14[%swap3A_147, %swap3A_148] {strides = array<i32>} : memref<64x128xf32, #tpu.memory_space<vmem>>, vector<16xf32>,
        tpu.vector_store %arg14[%swap3A_147, %swap3A_148], %mul3A_146 {strides = array<i32>} : memref<64x128xf32, #tpu.memory_space<vmem>>, vector<16xf32>,
        %get3A_150 = arith.index_cast %scan3A_133 : i32 to index
        %get3A_151 = arith.constant 16 : index
        %get3A_152 = tpu.vector_load %arg12[%get3A_150, %get3A_151] {strides = array<i32>} : memref<64x128xf32, #tpu.memory_space<vmem>>, vector<16xf32>,
        %get3A_153 = arith.index_cast %scan3A_133 : i32 to index
        %get3A_154 = arith.constant 16 : index
        %get3A_155 = tpu.vector_load %arg14[%get3A_153, %get3A_154] {strides = array<i32>} : memref<64x128xf32, #tpu.memory_space<vmem>>, vector<16xf32>,
        %get3A_156 = arith.index_cast %scan3A_133 : i32 to index
        %get3A_157 = arith.constant 16 : index
        %get3A_158 = tpu.vector_load %arg16[%get3A_156, %get3A_157] {strides = array<i32>} : memref<64x128xf32, #tpu.memory_space<vmem>>, vector<16xf32>,
        %mul3A_159 = arith.mulf %get3A_152, %get3A_158 : vector<16xf32>
        %swap3A_160 = arith.index_cast %scan3A_133 : i32 to index
        %swap3A_161 = arith.constant 16 : index
        %swap3A_162 = tpu.vector_load %arg16[%swap3A_160, %swap3A_161] {strides = array<i32>} : memref<64x128xf32, #tpu.memory_space<vmem>>, vector<16xf32>,
        tpu.vector_store %arg16[%swap3A_160, %swap3A_161], %mul3A_159 {strides = array<i32>} : memref<64x128xf32, #tpu.memory_space<vmem>>, vector<16xf32>,
        %mul3A_163 = arith.mulf %get3A_152, %get3A_155 : vector<16xf32>
        %swap3A_164 = arith.index_cast %scan3A_133 : i32 to index
        %swap3A_165 = arith.constant 16 : index
        %swap3A_166 = tpu.vector_load %arg14[%swap3A_164, %swap3A_165] {strides = array<i32>} : memref<64x128xf32, #tpu.memory_space<vmem>>, vector<16xf32>,
        tpu.vector_store %arg14[%swap3A_164, %swap3A_165], %mul3A_163 {strides = array<i32>} : memref<64x128xf32, #tpu.memory_space<vmem>>, vector<16xf32>,
        %get3A_167 = arith.index_cast %scan3A_133 : i32 to index
        %get3A_168 = arith.constant 32 : index
        %get3A_169 = tpu.vector_load %arg12[%get3A_167, %get3A_168] {strides = array<i32>} : memref<64x128xf32, #tpu.memory_space<vmem>>, vector<16xf32>,
        %get3A_170 = arith.index_cast %scan3A_133 : i32 to index
        %get3A_171 = arith.constant 32 : index
        %get3A_172 = tpu.vector_load %arg14[%get3A_170, %get3A_171] {strides = array<i32>} : memref<64x128xf32, #tpu.memory_space<vmem>>, vector<16xf32>,
        %get3A_173 = arith.index_cast %scan3A_133 : i32 to index
        %get3A_174 = arith.constant 32 : index
        %get3A_175 = tpu.vector_load %arg16[%get3A_173, %get3A_174] {strides = array<i32>} : memref<64x128xf32, #tpu.memory_space<vmem>>, vector<16xf32>,
        %mul3A_176 = arith.mulf %get3A_169, %get3A_175 : vector<16xf32>
        %swap3A_177 = arith.index_cast %scan3A_133 : i32 to index
        %swap3A_178 = arith.constant 32 : index
        %swap3A_179 = tpu.vector_load %arg16[%swap3A_177, %swap3A_178] {strides = array<i32>} : memref<64x128xf32, #tpu.memory_space<vmem>>, vector<16xf32>,
        tpu.vector_store %arg16[%swap3A_177, %swap3A_178], %mul3A_176 {strides = array<i32>} : memref<64x128xf32, #tpu.memory_space<vmem>>, vector<16xf32>,
        %mul3A_180 = arith.mulf %get3A_169, %get3A_172 : vector<16xf32>
        %swap3A_181 = arith.index_cast %scan3A_133 : i32 to index
        %swap3A_182 = arith.constant 32 : index
        %swap3A_183 = tpu.vector_load %arg14[%swap3A_181, %swap3A_182] {strides = array<i32>} : memref<64x128xf32, #tpu.memory_space<vmem>>, vector<16xf32>,
        tpu.vector_store %arg14[%swap3A_181, %swap3A_182], %mul3A_180 {strides = array<i32>} : memref<64x128xf32, #tpu.memory_space<vmem>>, vector<16xf32>,
        %get3A_184 = arith.index_cast %scan3A_133 : i32 to index
        %get3A_185 = arith.constant 48 : index
        %get3A_186 = tpu.vector_load %arg12[%get3A_184, %get3A_185] {strides = array<i32>} : memref<64x128xf32, #tpu.memory_space<vmem>>, vector<16xf32>,
        %get3A_187 = arith.index_cast %scan3A_133 : i32 to index
        %get3A_188 = arith.constant 48 : index
        %get3A_189 = tpu.vector_load %arg14[%get3A_187, %get3A_188] {strides = array<i32>} : memref<64x128xf32, #tpu.memory_space<vmem>>, vector<16xf32>,
        %get3A_190 = arith.index_cast %scan3A_133 : i32 to index
        %get3A_191 = arith.constant 48 : index
        %get3A_192 = tpu.vector_load %arg16[%get3A_190, %get3A_191] {strides = array<i32>} : memref<64x128xf32, #tpu.memory_space<vmem>>, vector<16xf32>,
        %mul3A_193 = arith.mulf %get3A_186, %get3A_192 : vector<16xf32>
        %swap3A_194 = arith.index_cast %scan3A_133 : i32 to index
        %swap3A_195 = arith.constant 48 : index
        %swap3A_196 = tpu.vector_load %arg16[%swap3A_194, %swap3A_195] {strides = array<i32>} : memref<64x128xf32, #tpu.memory_space<vmem>>, vector<16xf32>,
        tpu.vector_store %arg16[%swap3A_194, %swap3A_195], %mul3A_193 {strides = array<i32>} : memref<64x128xf32, #tpu.memory_space<vmem>>, vector<16xf32>,
        %mul3A_197 = arith.mulf %get3A_186, %get3A_189 : vector<16xf32>
        %swap3A_198 = arith.index_cast %scan3A_133 : i32 to index
        %swap3A_199 = arith.constant 48 : index
        %swap3A_200 = tpu.vector_load %arg14[%swap3A_198, %swap3A_199] {strides = array<i32>} : memref<64x128xf32, #tpu.memory_space<vmem>>, vector<16xf32>,
        tpu.vector_store %arg14[%swap3A_198, %swap3A_199], %mul3A_197 {strides = array<i32>} : memref<64x128xf32, #tpu.memory_space<vmem>>, vector<16xf32>,
        %get3A_201 = arith.index_cast %scan3A_133 : i32 to index
        %get3A_202 = arith.constant 64 : index
        %get3A_203 = tpu.vector_load %arg12[%get3A_201, %get3A_202] {strides = array<i32>} : memref<64x128xf32, #tpu.memory_space<vmem>>, vector<16xf32>,
        %get3A_204 = arith.index_cast %scan3A_133 : i32 to index
        %get3A_205 = arith.constant 64 : index
        %get3A_206 = tpu.vector_load %arg14[%get3A_204, %get3A_205] {strides = array<i32>} : memref<64x128xf32, #tpu.memory_space<vmem>>, vector<16xf32>,
        %get3A_207 = arith.index_cast %scan3A_133 : i32 to index
        %get3A_208 = arith.constant 64 : index
        %get3A_209 = tpu.vector_load %arg16[%get3A_207, %get3A_208] {strides = array<i32>} : memref<64x128xf32, #tpu.memory_space<vmem>>, vector<16xf32>,
        %mul3A_210 = arith.mulf %get3A_203, %get3A_209 : vector<16xf32>
        %swap3A_211 = arith.index_cast %scan3A_133 : i32 to index
        %swap3A_212 = arith.constant 64 : index
        %swap3A_213 = tpu.vector_load %arg16[%swap3A_211, %swap3A_212] {strides = array<i32>} : memref<64x128xf32, #tpu.memory_space<vmem>>, vector<16xf32>,
        tpu.vector_store %arg16[%swap3A_211, %swap3A_212], %mul3A_210 {strides = array<i32>} : memref<64x128xf32, #tpu.memory_space<vmem>>, vector<16xf32>,
        %mul3A_214 = arith.mulf %get3A_203, %get3A_206 : vector<16xf32>
        %swap3A_215 = arith.index_cast %scan3A_133 : i32 to index
        %swap3A_216 = arith.constant 64 : index
        %swap3A_217 = tpu.vector_load %arg14[%swap3A_215, %swap3A_216] {strides = array<i32>} : memref<64x128xf32, #tpu.memory_space<vmem>>, vector<16xf32>,
        tpu.vector_store %arg14[%swap3A_215, %swap3A_216], %mul3A_214 {strides = array<i32>} : memref<64x128xf32, #tpu.memory_space<vmem>>, vector<16xf32>,
        %get3A_218 = arith.index_cast %scan3A_133 : i32 to index
        %get3A_219 = arith.constant 80 : index
        %get3A_220 = tpu.vector_load %arg12[%get3A_218, %get3A_219] {strides = array<i32>} : memref<64x128xf32, #tpu.memory_space<vmem>>, vector<16xf32>,
        %get3A_221 = arith.index_cast %scan3A_133 : i32 to index
        %get3A_222 = arith.constant 80 : index
        %get3A_223 = tpu.vector_load %arg14[%get3A_221, %get3A_222] {strides = array<i32>} : memref<64x128xf32, #tpu.memory_space<vmem>>, vector<16xf32>,
        %get3A_224 = arith.index_cast %scan3A_133 : i32 to index
        %get3A_225 = arith.constant 80 : index
        %get3A_226 = tpu.vector_load %arg16[%get3A_224, %get3A_225] {strides = array<i32>} : memref<64x128xf32, #tpu.memory_space<vmem>>, vector<16xf32>,
        %mul3A_227 = arith.mulf %get3A_220, %get3A_226 : vector<16xf32>
        %swap3A_228 = arith.index_cast %scan3A_133 : i32 to index
        %swap3A_229 = arith.constant 80 : index
        %swap3A_230 = tpu.vector_load %arg16[%swap3A_228, %swap3A_229] {strides = array<i32>} : memref<64x128xf32, #tpu.memory_space<vmem>>, vector<16xf32>,
        tpu.vector_store %arg16[%swap3A_228, %swap3A_229], %mul3A_227 {strides = array<i32>} : memref<64x128xf32, #tpu.memory_space<vmem>>, vector<16xf32>,
        %mul3A_231 = arith.mulf %get3A_220, %get3A_223 : vector<16xf32>
        %swap3A_232 = arith.index_cast %scan3A_133 : i32 to index
        %swap3A_233 = arith.constant 80 : index
        %swap3A_234 = tpu.vector_load %arg14[%swap3A_232, %swap3A_233] {strides = array<i32>} : memref<64x128xf32, #tpu.memory_space<vmem>>, vector<16xf32>,
        tpu.vector_store %arg14[%swap3A_232, %swap3A_233], %mul3A_231 {strides = array<i32>} : memref<64x128xf32, #tpu.memory_space<vmem>>, vector<16xf32>,
        %get3A_235 = arith.index_cast %scan3A_133 : i32 to index
        %get3A_236 = arith.constant 96 : index
        %get3A_237 = tpu.vector_load %arg12[%get3A_235, %get3A_236] {strides = array<i32>} : memref<64x128xf32, #tpu.memory_space<vmem>>, vector<16xf32>,
        %get3A_238 = arith.index_cast %scan3A_133 : i32 to index
        %get3A_239 = arith.constant 96 : index
        %get3A_240 = tpu.vector_load %arg14[%get3A_238, %get3A_239] {strides = array<i32>} : memref<64x128xf32, #tpu.memory_space<vmem>>, vector<16xf32>,
        %get3A_241 = arith.index_cast %scan3A_133 : i32 to index
        %get3A_242 = arith.constant 96 : index
        %get3A_243 = tpu.vector_load %arg16[%get3A_241, %get3A_242] {strides = array<i32>} : memref<64x128xf32, #tpu.memory_space<vmem>>, vector<16xf32>,
        %mul3A_244 = arith.mulf %get3A_237, %get3A_243 : vector<16xf32>
        %swap3A_245 = arith.index_cast %scan3A_133 : i32 to index
        %swap3A_246 = arith.constant 96 : index
        %swap3A_247 = tpu.vector_load %arg16[%swap3A_245, %swap3A_246] {strides = array<i32>} : memref<64x128xf32, #tpu.memory_space<vmem>>, vector<16xf32>,
        tpu.vector_store %arg16[%swap3A_245, %swap3A_246], %mul3A_244 {strides = array<i32>} : memref<64x128xf32, #tpu.memory_space<vmem>>, vector<16xf32>,
        %mul3A_248 = arith.mulf %get3A_237, %get3A_240 : vector<16xf32>
        %swap3A_249 = arith.index_cast %scan3A_133 : i32 to index
        %swap3A_250 = arith.constant 96 : index
        %swap3A_251 = tpu.vector_load %arg14[%swap3A_249, %swap3A_250] {strides = array<i32>} : memref<64x128xf32, #tpu.memory_space<vmem>>, vector<16xf32>,
        tpu.vector_store %arg14[%swap3A_249, %swap3A_250], %mul3A_248 {strides = array<i32>} : memref<64x128xf32, #tpu.memory_space<vmem>>, vector<16xf32>,
        %get3A_252 = arith.index_cast %scan3A_133 : i32 to index
        %get3A_253 = arith.constant 112 : index
        %get3A_254 = tpu.vector_load %arg12[%get3A_252, %get3A_253] {strides = array<i32>} : memref<64x128xf32, #tpu.memory_space<vmem>>, vector<16xf32>,
        %get3A_255 = arith.index_cast %scan3A_133 : i32 to index
        %get3A_256 = arith.constant 112 : index
        %get3A_257 = tpu.vector_load %arg14[%get3A_255, %get3A_256] {strides = array<i32>} : memref<64x128xf32, #tpu.memory_space<vmem>>, vector<16xf32>,
        %get3A_258 = arith.index_cast %scan3A_133 : i32 to index
        %get3A_259 = arith.constant 112 : index
        %get3A_260 = tpu.vector_load %arg16[%get3A_258, %get3A_259] {strides = array<i32>} : memref<64x128xf32, #tpu.memory_space<vmem>>, vector<16xf32>,
        %mul3A_261 = arith.mulf %get3A_254, %get3A_260 : vector<16xf32>
        %swap3A_262 = arith.index_cast %scan3A_133 : i32 to index
        %swap3A_263 = arith.constant 112 : index
        %swap3A_264 = tpu.vector_load %arg16[%swap3A_262, %swap3A_263] {strides = array<i32>} : memref<64x128xf32, #tpu.memory_space<vmem>>, vector<16xf32>,
        tpu.vector_store %arg16[%swap3A_262, %swap3A_263], %mul3A_261 {strides = array<i32>} : memref<64x128xf32, #tpu.memory_space<vmem>>, vector<16xf32>,
        %mul3A_265 = arith.mulf %get3A_254, %get3A_257 : vector<16xf32>
        %swap3A_266 = arith.index_cast %scan3A_133 : i32 to index
        %swap3A_267 = arith.constant 112 : index
        %swap3A_268 = tpu.vector_load %arg14[%swap3A_266, %swap3A_267] {strides = array<i32>} : memref<64x128xf32, #tpu.memory_space<vmem>>, vector<16xf32>,
        tpu.vector_store %arg14[%swap3A_266, %swap3A_267], %mul3A_265 {strides = array<i32>} : memref<64x128xf32, #tpu.memory_space<vmem>>, vector<16xf32>,
      }
      %scan3A_126 = arith.constant 64 : i32
      "tpu.region"() ({
        %run_scoped3A = tpu.sem_alloc : memref<!tpu.dma_semaphore, #tpu.memory_space<semaphore_mem>>
        %dma_start3A = arith.constant 0 : i32
        %dma_start3A_133 = tpu.memref_slice %arg8[%add3A_100, %dma_start3A] : memref<64x64xi32, #tpu.memory_space<vmem>> -> memref<1x64xi32, #tpu.memory_space<vmem>>
        %dma_start3A_134 = tpu.memref_squeeze %dma_start3A_133 : memref<1x64xi32, #tpu.memory_space<vmem>> -> memref<64xi32, #tpu.memory_space<vmem>>
        %dma_start3A_135 = arith.constant 0 : i32
        %dma_start3A_136 = arith.constant 0 : i32
        %dma_start3A_137 = tpu.memref_slice %arg23[%dma_start3A_135, %dma_start3A_136] : memref<4096x128xf32, #tpu.memory_space<vmem_shared>> -> memref<4096x128xf32, #tpu.memory_space<vmem_shared>>
        tpu.enqueue_indirect_dma source(%arg16 : memref<64x128xf32, #tpu.memory_space<vmem>>) target(%dma_start3A_137 : memref<4096x128xf32, #tpu.memory_space<vmem_shared>>) offsets(%dma_start3A_134 : memref<64xi32, #tpu.memory_space<vmem>>) semaphore(%run_scoped3A : memref<!tpu.dma_semaphore, #tpu.memory_space<semaphore_mem>>) {add = true}
        %dma_wait3A_138 = arith.constant 0 : i32
        %dma_wait3A_139 = tpu.memref_slice %arg8[%add3A_100, %dma_wait3A_138] : memref<64x64xi32, #tpu.memory_space<vmem>> -> memref<1x64xi32, #tpu.memory_space<vmem>>
        %dma_wait3A_140 = tpu.memref_squeeze %dma_wait3A_139 : memref<1x64xi32, #tpu.memory_space<vmem>> -> memref<64xi32, #tpu.memory_space<vmem>>
        %dma_wait3A_141 = arith.constant 0 : i32
        %dma_wait3A_142 = arith.constant 0 : i32
        %dma_wait3A_143 = tpu.memref_slice %arg23[%dma_wait3A_141, %dma_wait3A_142] : memref<4096x128xf32, #tpu.memory_space<vmem_shared>> -> memref<4096x128xf32, #tpu.memory_space<vmem_shared>>
        tpu.wait_indirect_dma semaphore(%run_scoped3A : memref<!tpu.dma_semaphore, #tpu.memory_space<semaphore_mem>>) src(%arg16 : memref<64x128xf32, #tpu.memory_space<vmem>>) dst(%dma_wait3A_143 : memref<4096x128xf32, #tpu.memory_space<vmem_shared>>)
        tpu.yield
      }) : () -> ()
      "tpu.region"() ({
        %run_scoped3A = tpu.sem_alloc : memref<!tpu.dma_semaphore, #tpu.memory_space<semaphore_mem>>
        %dma_start3A = arith.constant 0 : i32
        %dma_start3A_133 = tpu.memref_slice %arg9[%add3A_100, %dma_start3A] : memref<64x64xi32, #tpu.memory_space<vmem>> -> memref<1x64xi32, #tpu.memory_space<vmem>>
        %dma_start3A_134 = tpu.memref_squeeze %dma_start3A_133 : memref<1x64xi32, #tpu.memory_space<vmem>> -> memref<64xi32, #tpu.memory_space<vmem>>
        %dma_start3A_135 = arith.constant 0 : i32
        %dma_start3A_136 = arith.constant 0 : i32
        %dma_start3A_137 = tpu.memref_slice %arg23[%dma_start3A_135, %dma_start3A_136] : memref<4096x128xf32, #tpu.memory_space<vmem_shared>> -> memref<4096x128xf32, #tpu.memory_space<vmem_shared>>
        tpu.enqueue_indirect_dma source(%arg14 : memref<64x128xf32, #tpu.memory_space<vmem>>) target(%dma_start3A_137 : memref<4096x128xf32, #tpu.memory_space<vmem_shared>>) offsets(%dma_start3A_134 : memref<64xi32, #tpu.memory_space<vmem>>) semaphore(%run_scoped3A : memref<!tpu.dma_semaphore, #tpu.memory_space<semaphore_mem>>) {add = true}
        %dma_wait3A_138 = arith.constant 0 : i32
        %dma_wait3A_139 = tpu.memref_slice %arg9[%add3A_100, %dma_wait3A_138] : memref<64x64xi32, #tpu.memory_space<vmem>> -> memref<1x64xi32, #tpu.memory_space<vmem>>
        %dma_wait3A_140 = tpu.memref_squeeze %dma_wait3A_139 : memref<1x64xi32, #tpu.memory_space<vmem>> -> memref<64xi32, #tpu.memory_space<vmem>>
        %dma_wait3A_141 = arith.constant 0 : i32
        %dma_wait3A_142 = arith.constant 0 : i32
        %dma_wait3A_143 = tpu.memref_slice %arg23[%dma_wait3A_141, %dma_wait3A_142] : memref<4096x128xf32, #tpu.memory_space<vmem_shared>> -> memref<4096x128xf32, #tpu.memory_space<vmem_shared>>
        tpu.wait_indirect_dma semaphore(%run_scoped3A : memref<!tpu.dma_semaphore, #tpu.memory_space<semaphore_mem>>) src(%arg14 : memref<64x128xf32, #tpu.memory_space<vmem>>) dst(%dma_wait3A_143 : memref<4096x128xf32, #tpu.memory_space<vmem_shared>>)
        tpu.yield
      }) : () -> ()
      %add3A_127 = arith.constant 2 : i32
      %add3A_128 = arith.addi %add3A_100, %add3A_127 : i32
      %lt3A_129 = arith.cmpi slt, %add3A_128, %mul3A_41 : i32
      %convert_element_type3A_130 = arith.extui %lt3A_129 : i1 to i32
      %cond3A_131 = arith.constant 0 : i32
      %cond3A_132 = arith.cmpi ne, %convert_element_type3A_130, %cond3A_131 : i32
      scf.if %cond3A_132 {
        %add3A_133 = arith.constant 2 : i32
        %add3A_134 = arith.addi %add3A_100, %add3A_133 : i32
        %dma_start3A = arith.constant 0 : i32
        %dma_start3A_135 = arith.constant 0 : i32
        %dma_start3A_136 = tpu.memref_slice %arg4[%add3A, %add3A_134, %dma_start3A, %dma_start3A_135] : memref<32x64x64x128xf32, #tpu.memory_space<hbm>> -> memref<1x1x64x128xf32, #tpu.memory_space<hbm>>
        %dma_start3A_137 = tpu.memref_squeeze %dma_start3A_136 : memref<1x1x64x128xf32, #tpu.memory_space<hbm>> -> memref<64x128xf32, #tpu.memory_space<hbm>>
        %dma_start3A_138 = arith.constant 0 : i32
        %dma_start3A_139 = arith.constant 0 : i32
        %dma_start3A_140 = tpu.memref_slice %arg4[%add3A, %add3A_134, %dma_start3A_138, %dma_start3A_139] : memref<32x64x64x128xf32, #tpu.memory_space<hbm>> -> memref<1x1x64x128xf32, #tpu.memory_space<hbm>>
        %dma_start3A_141 = tpu.memref_squeeze %dma_start3A_140 : memref<1x1x64x128xf32, #tpu.memory_space<hbm>> -> memref<64x128xf32, #tpu.memory_space<hbm>>
        tpu.enqueue_dma source(%dma_start3A_141 : memref<64x128xf32, #tpu.memory_space<hbm>>) target(%arg12 : memref<64x128xf32, #tpu.memory_space<vmem>>) target_semaphore(%arg20 : memref<!tpu.dma_semaphore, #tpu.memory_space<semaphore_mem>>)
        %dma_start3A_142 = arith.constant 0 : i32
        %dma_start3A_143 = tpu.memref_slice %arg8[%add3A_134, %dma_start3A_142] : memref<64x64xi32, #tpu.memory_space<vmem>> -> memref<1x64xi32, #tpu.memory_space<vmem>>
        %dma_start3A_144 = tpu.memref_squeeze %dma_start3A_143 : memref<1x64xi32, #tpu.memory_space<vmem>> -> memref<64xi32, #tpu.memory_space<vmem>>
        %dma_start3A_145 = arith.constant 0 : i32
        %dma_start3A_146 = arith.constant 0 : i32
        %dma_start3A_147 = tpu.memref_slice %arg5[%dma_start3A_145, %dma_start3A_146] : memref<4096x128xf32, #tpu.memory_space<hbm>> -> memref<4096x128xf32, #tpu.memory_space<hbm>>
        tpu.enqueue_indirect_dma source(%dma_start3A_147 : memref<4096x128xf32, #tpu.memory_space<hbm>>) target(%arg14 : memref<64x128xf32, #tpu.memory_space<vmem>>) offsets(%dma_start3A_144 : memref<64xi32, #tpu.memory_space<vmem>>) semaphore(%arg21 : memref<!tpu.dma_semaphore, #tpu.memory_space<semaphore_mem>>)
        %dma_start3A_148 = arith.constant 0 : i32
        %dma_start3A_149 = tpu.memref_slice %arg9[%add3A_134, %dma_start3A_148] : memref<64x64xi32, #tpu.memory_space<vmem>> -> memref<1x64xi32, #tpu.memory_space<vmem>>
        %dma_start3A_150 = tpu.memref_squeeze %dma_start3A_149 : memref<1x64xi32, #tpu.memory_space<vmem>> -> memref<64xi32, #tpu.memory_space<vmem>>
        %dma_start3A_151 = arith.constant 0 : i32
        %dma_start3A_152 = arith.constant 0 : i32
        %dma_start3A_153 = tpu.memref_slice %arg5[%dma_start3A_151, %dma_start3A_152] : memref<4096x128xf32, #tpu.memory_space<hbm>> -> memref<4096x128xf32, #tpu.memory_space<hbm>>
        tpu.enqueue_indirect_dma source(%dma_start3A_153 : memref<4096x128xf32, #tpu.memory_space<hbm>>) target(%arg16 : memref<64x128xf32, #tpu.memory_space<vmem>>) offsets(%dma_start3A_150 : memref<64xi32, #tpu.memory_space<vmem>>) semaphore(%arg22 : memref<!tpu.dma_semaphore, #tpu.memory_space<semaphore_mem>>)
      } else {
      }
    }
    %while3A_61 = arith.constant 1 : i32
    scf.for %while3A_66 = %while3A_59 to %while3A_55 step %while3A_61  : i32 {
      %mul3A_67 = arith.muli %while3A_66, %while3A : i32
      %add3A_68 = arith.addi %while3A_52, %mul3A_67 : i32
      %dma_wait3A = arith.constant 0 : i32
      %dma_wait3A_69 = arith.constant 0 : i32
      %dma_wait3A_70 = tpu.memref_slice %arg4[%add3A, %add3A_68, %dma_wait3A, %dma_wait3A_69] : memref<32x64x64x128xf32, #tpu.memory_space<hbm>> -> memref<1x1x64x128xf32, #tpu.memory_space<hbm>>
      %dma_wait3A_71 = tpu.memref_squeeze %dma_wait3A_70 : memref<1x1x64x128xf32, #tpu.memory_space<hbm>> -> memref<64x128xf32, #tpu.memory_space<hbm>>
      %dma_wait3A_72 = arith.constant 0 : i32
      %dma_wait3A_73 = arith.constant 0 : i32
      %dma_wait3A_74 = tpu.memref_slice %arg4[%add3A, %add3A_68, %dma_wait3A_72, %dma_wait3A_73] : memref<32x64x64x128xf32, #tpu.memory_space<hbm>> -> memref<1x1x64x128xf32, #tpu.memory_space<hbm>>
      %dma_wait3A_75 = tpu.memref_squeeze %dma_wait3A_74 : memref<1x1x64x128xf32, #tpu.memory_space<hbm>> -> memref<64x128xf32, #tpu.memory_space<hbm>>
      tpu.wait_dma2 semaphore(%arg17 : memref<!tpu.dma_semaphore, #tpu.memory_space<semaphore_mem>>) src(%dma_wait3A_75 : memref<64x128xf32, #tpu.memory_space<hbm>>) dst(%arg11 : memref<64x128xf32, #tpu.memory_space<vmem>>)
      %dma_wait3A_76 = arith.constant 0 : i32
      %dma_wait3A_77 = tpu.memref_slice %arg8[%add3A_68, %dma_wait3A_76] : memref<64x64xi32, #tpu.memory_space<vmem>> -> memref<1x64xi32, #tpu.memory_space<vmem>>
      %dma_wait3A_78 = tpu.memref_squeeze %dma_wait3A_77 : memref<1x64xi32, #tpu.memory_space<vmem>> -> memref<64xi32, #tpu.memory_space<vmem>>
      %dma_wait3A_79 = arith.constant 0 : i32
      %dma_wait3A_80 = arith.constant 0 : i32
      %dma_wait3A_81 = tpu.memref_slice %arg5[%dma_wait3A_79, %dma_wait3A_80] : memref<4096x128xf32, #tpu.memory_space<hbm>> -> memref<4096x128xf32, #tpu.memory_space<hbm>>
      tpu.wait_indirect_dma semaphore(%arg18 : memref<!tpu.dma_semaphore, #tpu.memory_space<semaphore_mem>>) src(%dma_wait3A_81 : memref<4096x128xf32, #tpu.memory_space<hbm>>) dst(%arg13 : memref<64x128xf32, #tpu.memory_space<vmem>>)
      %dma_wait3A_82 = arith.constant 0 : i32
      %dma_wait3A_83 = tpu.memref_slice %arg9[%add3A_68, %dma_wait3A_82] : memref<64x64xi32, #tpu.memory_space<vmem>> -> memref<1x64xi32, #tpu.memory_space<vmem>>
      %dma_wait3A_84 = tpu.memref_squeeze %dma_wait3A_83 : memref<1x64xi32, #tpu.memory_space<vmem>> -> memref<64xi32, #tpu.memory_space<vmem>>
      %dma_wait3A_85 = arith.constant 0 : i32
      %dma_wait3A_86 = arith.constant 0 : i32
      %dma_wait3A_87 = tpu.memref_slice %arg5[%dma_wait3A_85, %dma_wait3A_86] : memref<4096x128xf32, #tpu.memory_space<hbm>> -> memref<4096x128xf32, #tpu.memory_space<hbm>>
      tpu.wait_indirect_dma semaphore(%arg19 : memref<!tpu.dma_semaphore, #tpu.memory_space<semaphore_mem>>) src(%dma_wait3A_87 : memref<4096x128xf32, #tpu.memory_space<hbm>>) dst(%arg15 : memref<64x128xf32, #tpu.memory_space<vmem>>)
      %scan3A_88 = arith.constant 0 : i32
      %scan3A_89 = arith.constant 0 : i32
      %scan3A_90 = arith.constant 64 : i32
      %scan3A_91 = arith.addi %scan3A_89, %scan3A_90 : i32
      %scan3A_92 = arith.constant 1 : i32
      scf.for %scan3A_133 = %scan3A_89 to %scan3A_91 step %scan3A_92  : i32 {
        %get3A_134 = arith.index_cast %scan3A_133 : i32 to index
        %get3A_135 = arith.constant 0 : index
        %get3A_136 = tpu.vector_load %arg11[%get3A_134, %get3A_135] {strides = array<i32>} : memref<64x128xf32, #tpu.memory_space<vmem>>, vector<16xf32>,
        %get3A_137 = arith.index_cast %scan3A_133 : i32 to index
        %get3A_138 = arith.constant 0 : index
        %get3A_139 = tpu.vector_load %arg13[%get3A_137, %get3A_138] {strides = array<i32>} : memref<64x128xf32, #tpu.memory_space<vmem>>, vector<16xf32>,
        %get3A_140 = arith.index_cast %scan3A_133 : i32 to index
        %get3A_141 = arith.constant 0 : index
        %get3A_142 = tpu.vector_load %arg15[%get3A_140, %get3A_141] {strides = array<i32>} : memref<64x128xf32, #tpu.memory_space<vmem>>, vector<16xf32>,
        %mul3A_143 = arith.mulf %get3A_136, %get3A_142 : vector<16xf32>
        %swap3A = arith.index_cast %scan3A_133 : i32 to index
        %swap3A_144 = arith.constant 0 : index
        %swap3A_145 = tpu.vector_load %arg15[%swap3A, %swap3A_144] {strides = array<i32>} : memref<64x128xf32, #tpu.memory_space<vmem>>, vector<16xf32>,
        tpu.vector_store %arg15[%swap3A, %swap3A_144], %mul3A_143 {strides = array<i32>} : memref<64x128xf32, #tpu.memory_space<vmem>>, vector<16xf32>,
        %mul3A_146 = arith.mulf %get3A_136, %get3A_139 : vector<16xf32>
        %swap3A_147 = arith.index_cast %scan3A_133 : i32 to index
        %swap3A_148 = arith.constant 0 : index
        %swap3A_149 = tpu.vector_load %arg13[%swap3A_147, %swap3A_148] {strides = array<i32>} : memref<64x128xf32, #tpu.memory_space<vmem>>, vector<16xf32>,
        tpu.vector_store %arg13[%swap3A_147, %swap3A_148], %mul3A_146 {strides = array<i32>} : memref<64x128xf32, #tpu.memory_space<vmem>>, vector<16xf32>,
        %get3A_150 = arith.index_cast %scan3A_133 : i32 to index
        %get3A_151 = arith.constant 16 : index
        %get3A_152 = tpu.vector_load %arg11[%get3A_150, %get3A_151] {strides = array<i32>} : memref<64x128xf32, #tpu.memory_space<vmem>>, vector<16xf32>,
        %get3A_153 = arith.index_cast %scan3A_133 : i32 to index
        %get3A_154 = arith.constant 16 : index
        %get3A_155 = tpu.vector_load %arg13[%get3A_153, %get3A_154] {strides = array<i32>} : memref<64x128xf32, #tpu.memory_space<vmem>>, vector<16xf32>,
        %get3A_156 = arith.index_cast %scan3A_133 : i32 to index
        %get3A_157 = arith.constant 16 : index
        %get3A_158 = tpu.vector_load %arg15[%get3A_156, %get3A_157] {strides = array<i32>} : memref<64x128xf32, #tpu.memory_space<vmem>>, vector<16xf32>,
        %mul3A_159 = arith.mulf %get3A_152, %get3A_158 : vector<16xf32>
        %swap3A_160 = arith.index_cast %scan3A_133 : i32 to index
        %swap3A_161 = arith.constant 16 : index
        %swap3A_162 = tpu.vector_load %arg15[%swap3A_160, %swap3A_161] {strides = array<i32>} : memref<64x128xf32, #tpu.memory_space<vmem>>, vector<16xf32>,
        tpu.vector_store %arg15[%swap3A_160, %swap3A_161], %mul3A_159 {strides = array<i32>} : memref<64x128xf32, #tpu.memory_space<vmem>>, vector<16xf32>,
        %mul3A_163 = arith.mulf %get3A_152, %get3A_155 : vector<16xf32>
        %swap3A_164 = arith.index_cast %scan3A_133 : i32 to index
        %swap3A_165 = arith.constant 16 : index
        %swap3A_166 = tpu.vector_load %arg13[%swap3A_164, %swap3A_165] {strides = array<i32>} : memref<64x128xf32, #tpu.memory_space<vmem>>, vector<16xf32>,
        tpu.vector_store %arg13[%swap3A_164, %swap3A_165], %mul3A_163 {strides = array<i32>} : memref<64x128xf32, #tpu.memory_space<vmem>>, vector<16xf32>,
        %get3A_167 = arith.index_cast %scan3A_133 : i32 to index
        %get3A_168 = arith.constant 32 : index
        %get3A_169 = tpu.vector_load %arg11[%get3A_167, %get3A_168] {strides = array<i32>} : memref<64x128xf32, #tpu.memory_space<vmem>>, vector<16xf32>,
        %get3A_170 = arith.index_cast %scan3A_133 : i32 to index
        %get3A_171 = arith.constant 32 : index
        %get3A_172 = tpu.vector_load %arg13[%get3A_170, %get3A_171] {strides = array<i32>} : memref<64x128xf32, #tpu.memory_space<vmem>>, vector<16xf32>,
        %get3A_173 = arith.index_cast %scan3A_133 : i32 to index
        %get3A_174 = arith.constant 32 : index
        %get3A_175 = tpu.vector_load %arg15[%get3A_173, %get3A_174] {strides = array<i32>} : memref<64x128xf32, #tpu.memory_space<vmem>>, vector<16xf32>,
        %mul3A_176 = arith.mulf %get3A_169, %get3A_175 : vector<16xf32>
        %swap3A_177 = arith.index_cast %scan3A_133 : i32 to index
        %swap3A_178 = arith.constant 32 : index
        %swap3A_179 = tpu.vector_load %arg15[%swap3A_177, %swap3A_178] {strides = array<i32>} : memref<64x128xf32, #tpu.memory_space<vmem>>, vector<16xf32>,
        tpu.vector_store %arg15[%swap3A_177, %swap3A_178], %mul3A_176 {strides = array<i32>} : memref<64x128xf32, #tpu.memory_space<vmem>>, vector<16xf32>,
        %mul3A_180 = arith.mulf %get3A_169, %get3A_172 : vector<16xf32>
        %swap3A_181 = arith.index_cast %scan3A_133 : i32 to index
        %swap3A_182 = arith.constant 32 : index
        %swap3A_183 = tpu.vector_load %arg13[%swap3A_181, %swap3A_182] {strides = array<i32>} : memref<64x128xf32, #tpu.memory_space<vmem>>, vector<16xf32>,
        tpu.vector_store %arg13[%swap3A_181, %swap3A_182], %mul3A_180 {strides = array<i32>} : memref<64x128xf32, #tpu.memory_space<vmem>>, vector<16xf32>,
        %get3A_184 = arith.index_cast %scan3A_133 : i32 to index
        %get3A_185 = arith.constant 48 : index
        %get3A_186 = tpu.vector_load %arg11[%get3A_184, %get3A_185] {strides = array<i32>} : memref<64x128xf32, #tpu.memory_space<vmem>>, vector<16xf32>,
        %get3A_187 = arith.index_cast %scan3A_133 : i32 to index
        %get3A_188 = arith.constant 48 : index
        %get3A_189 = tpu.vector_load %arg13[%get3A_187, %get3A_188] {strides = array<i32>} : memref<64x128xf32, #tpu.memory_space<vmem>>, vector<16xf32>,
        %get3A_190 = arith.index_cast %scan3A_133 : i32 to index
        %get3A_191 = arith.constant 48 : index
        %get3A_192 = tpu.vector_load %arg15[%get3A_190, %get3A_191] {strides = array<i32>} : memref<64x128xf32, #tpu.memory_space<vmem>>, vector<16xf32>,
        %mul3A_193 = arith.mulf %get3A_186, %get3A_192 : vector<16xf32>
        %swap3A_194 = arith.index_cast %scan3A_133 : i32 to index
        %swap3A_195 = arith.constant 48 : index
        %swap3A_196 = tpu.vector_load %arg15[%swap3A_194, %swap3A_195] {strides = array<i32>} : memref<64x128xf32, #tpu.memory_space<vmem>>, vector<16xf32>,
        tpu.vector_store %arg15[%swap3A_194, %swap3A_195], %mul3A_193 {strides = array<i32>} : memref<64x128xf32, #tpu.memory_space<vmem>>, vector<16xf32>,
        %mul3A_197 = arith.mulf %get3A_186, %get3A_189 : vector<16xf32>
        %swap3A_198 = arith.index_cast %scan3A_133 : i32 to index
        %swap3A_199 = arith.constant 48 : index
        %swap3A_200 = tpu.vector_load %arg13[%swap3A_198, %swap3A_199] {strides = array<i32>} : memref<64x128xf32, #tpu.memory_space<vmem>>, vector<16xf32>,
        tpu.vector_store %arg13[%swap3A_198, %swap3A_199], %mul3A_197 {strides = array<i32>} : memref<64x128xf32, #tpu.memory_space<vmem>>, vector<16xf32>,
        %get3A_201 = arith.index_cast %scan3A_133 : i32 to index
        %get3A_202 = arith.constant 64 : index
        %get3A_203 = tpu.vector_load %arg11[%get3A_201, %get3A_202] {strides = array<i32>} : memref<64x128xf32, #tpu.memory_space<vmem>>, vector<16xf32>,
        %get3A_204 = arith.index_cast %scan3A_133 : i32 to index
        %get3A_205 = arith.constant 64 : index
        %get3A_206 = tpu.vector_load %arg13[%get3A_204, %get3A_205] {strides = array<i32>} : memref<64x128xf32, #tpu.memory_space<vmem>>, vector<16xf32>,
        %get3A_207 = arith.index_cast %scan3A_133 : i32 to index
        %get3A_208 = arith.constant 64 : index
        %get3A_209 = tpu.vector_load %arg15[%get3A_207, %get3A_208] {strides = array<i32>} : memref<64x128xf32, #tpu.memory_space<vmem>>, vector<16xf32>,
        %mul3A_210 = arith.mulf %get3A_203, %get3A_209 : vector<16xf32>
        %swap3A_211 = arith.index_cast %scan3A_133 : i32 to index
        %swap3A_212 = arith.constant 64 : index
        %swap3A_213 = tpu.vector_load %arg15[%swap3A_211, %swap3A_212] {strides = array<i32>} : memref<64x128xf32, #tpu.memory_space<vmem>>, vector<16xf32>,
        tpu.vector_store %arg15[%swap3A_211, %swap3A_212], %mul3A_210 {strides = array<i32>} : memref<64x128xf32, #tpu.memory_space<vmem>>, vector<16xf32>,
        %mul3A_214 = arith.mulf %get3A_203, %get3A_206 : vector<16xf32>
        %swap3A_215 = arith.index_cast %scan3A_133 : i32 to index
        %swap3A_216 = arith.constant 64 : index
        %swap3A_217 = tpu.vector_load %arg13[%swap3A_215, %swap3A_216] {strides = array<i32>} : memref<64x128xf32, #tpu.memory_space<vmem>>, vector<16xf32>,
        tpu.vector_store %arg13[%swap3A_215, %swap3A_216], %mul3A_214 {strides = array<i32>} : memref<64x128xf32, #tpu.memory_space<vmem>>, vector<16xf32>,
        %get3A_218 = arith.index_cast %scan3A_133 : i32 to index
        %get3A_219 = arith.constant 80 : index
        %get3A_220 = tpu.vector_load %arg11[%get3A_218, %get3A_219] {strides = array<i32>} : memref<64x128xf32, #tpu.memory_space<vmem>>, vector<16xf32>,
        %get3A_221 = arith.index_cast %scan3A_133 : i32 to index
        %get3A_222 = arith.constant 80 : index
        %get3A_223 = tpu.vector_load %arg13[%get3A_221, %get3A_222] {strides = array<i32>} : memref<64x128xf32, #tpu.memory_space<vmem>>, vector<16xf32>,
        %get3A_224 = arith.index_cast %scan3A_133 : i32 to index
        %get3A_225 = arith.constant 80 : index
        %get3A_226 = tpu.vector_load %arg15[%get3A_224, %get3A_225] {strides = array<i32>} : memref<64x128xf32, #tpu.memory_space<vmem>>, vector<16xf32>,
        %mul3A_227 = arith.mulf %get3A_220, %get3A_226 : vector<16xf32>
        %swap3A_228 = arith.index_cast %scan3A_133 : i32 to index
        %swap3A_229 = arith.constant 80 : index
        %swap3A_230 = tpu.vector_load %arg15[%swap3A_228, %swap3A_229] {strides = array<i32>} : memref<64x128xf32, #tpu.memory_space<vmem>>, vector<16xf32>,
        tpu.vector_store %arg15[%swap3A_228, %swap3A_229], %mul3A_227 {strides = array<i32>} : memref<64x128xf32, #tpu.memory_space<vmem>>, vector<16xf32>,
        %mul3A_231 = arith.mulf %get3A_220, %get3A_223 : vector<16xf32>
        %swap3A_232 = arith.index_cast %scan3A_133 : i32 to index
        %swap3A_233 = arith.constant 80 : index
        %swap3A_234 = tpu.vector_load %arg13[%swap3A_232, %swap3A_233] {strides = array<i32>} : memref<64x128xf32, #tpu.memory_space<vmem>>, vector<16xf32>,
        tpu.vector_store %arg13[%swap3A_232, %swap3A_233], %mul3A_231 {strides = array<i32>} : memref<64x128xf32, #tpu.memory_space<vmem>>, vector<16xf32>,
        %get3A_235 = arith.index_cast %scan3A_133 : i32 to index
        %get3A_236 = arith.constant 96 : index
        %get3A_237 = tpu.vector_load %arg11[%get3A_235, %get3A_236] {strides = array<i32>} : memref<64x128xf32, #tpu.memory_space<vmem>>, vector<16xf32>,
        %get3A_238 = arith.index_cast %scan3A_133 : i32 to index
        %get3A_239 = arith.constant 96 : index
        %get3A_240 = tpu.vector_load %arg13[%get3A_238, %get3A_239] {strides = array<i32>} : memref<64x128xf32, #tpu.memory_space<vmem>>, vector<16xf32>,
        %get3A_241 = arith.index_cast %scan3A_133 : i32 to index
        %get3A_242 = arith.constant 96 : index
        %get3A_243 = tpu.vector_load %arg15[%get3A_241, %get3A_242] {strides = array<i32>} : memref<64x128xf32, #tpu.memory_space<vmem>>, vector<16xf32>,
        %mul3A_244 = arith.mulf %get3A_237, %get3A_243 : vector<16xf32>
        %swap3A_245 = arith.index_cast %scan3A_133 : i32 to index
        %swap3A_246 = arith.constant 96 : index
        %swap3A_247 = tpu.vector_load %arg15[%swap3A_245, %swap3A_246] {strides = array<i32>} : memref<64x128xf32, #tpu.memory_space<vmem>>, vector<16xf32>,
        tpu.vector_store %arg15[%swap3A_245, %swap3A_246], %mul3A_244 {strides = array<i32>} : memref<64x128xf32, #tpu.memory_space<vmem>>, vector<16xf32>,
        %mul3A_248 = arith.mulf %get3A_237, %get3A_240 : vector<16xf32>
        %swap3A_249 = arith.index_cast %scan3A_133 : i32 to index
        %swap3A_250 = arith.constant 96 : index
        %swap3A_251 = tpu.vector_load %arg13[%swap3A_249, %swap3A_250] {strides = array<i32>} : memref<64x128xf32, #tpu.memory_space<vmem>>, vector<16xf32>,
        tpu.vector_store %arg13[%swap3A_249, %swap3A_250], %mul3A_248 {strides = array<i32>} : memref<64x128xf32, #tpu.memory_space<vmem>>, vector<16xf32>,
        %get3A_252 = arith.index_cast %scan3A_133 : i32 to index
        %get3A_253 = arith.constant 112 : index
        %get3A_254 = tpu.vector_load %arg11[%get3A_252, %get3A_253] {strides = array<i32>} : memref<64x128xf32, #tpu.memory_space<vmem>>, vector<16xf32>,
        %get3A_255 = arith.index_cast %scan3A_133 : i32 to index
        %get3A_256 = arith.constant 112 : index
        %get3A_257 = tpu.vector_load %arg13[%get3A_255, %get3A_256] {strides = array<i32>} : memref<64x128xf32, #tpu.memory_space<vmem>>, vector<16xf32>,
        %get3A_258 = arith.index_cast %scan3A_133 : i32 to index
        %get3A_259 = arith.constant 112 : index
        %get3A_260 = tpu.vector_load %arg15[%get3A_258, %get3A_259] {strides = array<i32>} : memref<64x128xf32, #tpu.memory_space<vmem>>, vector<16xf32>,
        %mul3A_261 = arith.mulf %get3A_254, %get3A_260 : vector<16xf32>
        %swap3A_262 = arith.index_cast %scan3A_133 : i32 to index
        %swap3A_263 = arith.constant 112 : index
        %swap3A_264 = tpu.vector_load %arg15[%swap3A_262, %swap3A_263] {strides = array<i32>} : memref<64x128xf32, #tpu.memory_space<vmem>>, vector<16xf32>,
        tpu.vector_store %arg15[%swap3A_262, %swap3A_263], %mul3A_261 {strides = array<i32>} : memref<64x128xf32, #tpu.memory_space<vmem>>, vector<16xf32>,
        %mul3A_265 = arith.mulf %get3A_254, %get3A_257 : vector<16xf32>
        %swap3A_266 = arith.index_cast %scan3A_133 : i32 to index
        %swap3A_267 = arith.constant 112 : index
        %swap3A_268 = tpu.vector_load %arg13[%swap3A_266, %swap3A_267] {strides = array<i32>} : memref<64x128xf32, #tpu.memory_space<vmem>>, vector<16xf32>,
        tpu.vector_store %arg13[%swap3A_266, %swap3A_267], %mul3A_265 {strides = array<i32>} : memref<64x128xf32, #tpu.memory_space<vmem>>, vector<16xf32>,
      }
      %scan3A_93 = arith.constant 64 : i32
      "tpu.region"() ({
        %run_scoped3A = tpu.sem_alloc : memref<!tpu.dma_semaphore, #tpu.memory_space<semaphore_mem>>
        %dma_start3A = arith.constant 0 : i32
        %dma_start3A_133 = tpu.memref_slice %arg8[%add3A_68, %dma_start3A] : memref<64x64xi32, #tpu.memory_space<vmem>> -> memref<1x64xi32, #tpu.memory_space<vmem>>
        %dma_start3A_134 = tpu.memref_squeeze %dma_start3A_133 : memref<1x64xi32, #tpu.memory_space<vmem>> -> memref<64xi32, #tpu.memory_space<vmem>>
        %dma_start3A_135 = arith.constant 0 : i32
        %dma_start3A_136 = arith.constant 0 : i32
        %dma_start3A_137 = tpu.memref_slice %arg23[%dma_start3A_135, %dma_start3A_136] : memref<4096x128xf32, #tpu.memory_space<vmem_shared>> -> memref<4096x128xf32, #tpu.memory_space<vmem_shared>>
        tpu.enqueue_indirect_dma source(%arg15 : memref<64x128xf32, #tpu.memory_space<vmem>>) target(%dma_start3A_137 : memref<4096x128xf32, #tpu.memory_space<vmem_shared>>) offsets(%dma_start3A_134 : memref<64xi32, #tpu.memory_space<vmem>>) semaphore(%run_scoped3A : memref<!tpu.dma_semaphore, #tpu.memory_space<semaphore_mem>>) {add = true}
        %dma_wait3A_138 = arith.constant 0 : i32
        %dma_wait3A_139 = tpu.memref_slice %arg8[%add3A_68, %dma_wait3A_138] : memref<64x64xi32, #tpu.memory_space<vmem>> -> memref<1x64xi32, #tpu.memory_space<vmem>>
        %dma_wait3A_140 = tpu.memref_squeeze %dma_wait3A_139 : memref<1x64xi32, #tpu.memory_space<vmem>> -> memref<64xi32, #tpu.memory_space<vmem>>
        %dma_wait3A_141 = arith.constant 0 : i32
        %dma_wait3A_142 = arith.constant 0 : i32
        %dma_wait3A_143 = tpu.memref_slice %arg23[%dma_wait3A_141, %dma_wait3A_142] : memref<4096x128xf32, #tpu.memory_space<vmem_shared>> -> memref<4096x128xf32, #tpu.memory_space<vmem_shared>>
        tpu.wait_indirect_dma semaphore(%run_scoped3A : memref<!tpu.dma_semaphore, #tpu.memory_space<semaphore_mem>>) src(%arg15 : memref<64x128xf32, #tpu.memory_space<vmem>>) dst(%dma_wait3A_143 : memref<4096x128xf32, #tpu.memory_space<vmem_shared>>)
        tpu.yield
      }) : () -> ()
      "tpu.region"() ({
        %run_scoped3A = tpu.sem_alloc : memref<!tpu.dma_semaphore, #tpu.memory_space<semaphore_mem>>
        %dma_start3A = arith.constant 0 : i32
        %dma_start3A_133 = tpu.memref_slice %arg9[%add3A_68, %dma_start3A] : memref<64x64xi32, #tpu.memory_space<vmem>> -> memref<1x64xi32, #tpu.memory_space<vmem>>
        %dma_start3A_134 = tpu.memref_squeeze %dma_start3A_133 : memref<1x64xi32, #tpu.memory_space<vmem>> -> memref<64xi32, #tpu.memory_space<vmem>>
        %dma_start3A_135 = arith.constant 0 : i32
        %dma_start3A_136 = arith.constant 0 : i32
        %dma_start3A_137 = tpu.memref_slice %arg23[%dma_start3A_135, %dma_start3A_136] : memref<4096x128xf32, #tpu.memory_space<vmem_shared>> -> memref<4096x128xf32, #tpu.memory_space<vmem_shared>>
        tpu.enqueue_indirect_dma source(%arg13 : memref<64x128xf32, #tpu.memory_space<vmem>>) target(%dma_start3A_137 : memref<4096x128xf32, #tpu.memory_space<vmem_shared>>) offsets(%dma_start3A_134 : memref<64xi32, #tpu.memory_space<vmem>>) semaphore(%run_scoped3A : memref<!tpu.dma_semaphore, #tpu.memory_space<semaphore_mem>>) {add = true}
        %dma_wait3A_138 = arith.constant 0 : i32
        %dma_wait3A_139 = tpu.memref_slice %arg9[%add3A_68, %dma_wait3A_138] : memref<64x64xi32, #tpu.memory_space<vmem>> -> memref<1x64xi32, #tpu.memory_space<vmem>>
        %dma_wait3A_140 = tpu.memref_squeeze %dma_wait3A_139 : memref<1x64xi32, #tpu.memory_space<vmem>> -> memref<64xi32, #tpu.memory_space<vmem>>
        %dma_wait3A_141 = arith.constant 0 : i32
        %dma_wait3A_142 = arith.constant 0 : i32
        %dma_wait3A_143 = tpu.memref_slice %arg23[%dma_wait3A_141, %dma_wait3A_142] : memref<4096x128xf32, #tpu.memory_space<vmem_shared>> -> memref<4096x128xf32, #tpu.memory_space<vmem_shared>>
        tpu.wait_indirect_dma semaphore(%run_scoped3A : memref<!tpu.dma_semaphore, #tpu.memory_space<semaphore_mem>>) src(%arg13 : memref<64x128xf32, #tpu.memory_space<vmem>>) dst(%dma_wait3A_143 : memref<4096x128xf32, #tpu.memory_space<vmem_shared>>)
        tpu.yield
      }) : () -> ()
      %add3A_94 = arith.constant 2 : i32
      %add3A_95 = arith.addi %add3A_68, %add3A_94 : i32
      %lt3A = arith.cmpi slt, %add3A_95, %mul3A_41 : i32
      %convert_element_type3A_96 = arith.extui %lt3A : i1 to i32
      %cond3A_97 = arith.constant 0 : i32
      %cond3A_98 = arith.cmpi ne, %convert_element_type3A_96, %cond3A_97 : i32
      scf.if %cond3A_98 {
        %add3A_133 = arith.constant 2 : i32
        %add3A_134 = arith.addi %add3A_68, %add3A_133 : i32
        %dma_start3A = arith.constant 0 : i32
        %dma_start3A_135 = arith.constant 0 : i32
        %dma_start3A_136 = tpu.memref_slice %arg4[%add3A, %add3A_134, %dma_start3A, %dma_start3A_135] : memref<32x64x64x128xf32, #tpu.memory_space<hbm>> -> memref<1x1x64x128xf32, #tpu.memory_space<hbm>>
        %dma_start3A_137 = tpu.memref_squeeze %dma_start3A_136 : memref<1x1x64x128xf32, #tpu.memory_space<hbm>> -> memref<64x128xf32, #tpu.memory_space<hbm>>
        %dma_start3A_138 = arith.constant 0 : i32
        %dma_start3A_139 = arith.constant 0 : i32
        %dma_start3A_140 = tpu.memref_slice %arg4[%add3A, %add3A_134, %dma_start3A_138, %dma_start3A_139] : memref<32x64x64x128xf32, #tpu.memory_space<hbm>> -> memref<1x1x64x128xf32, #tpu.memory_space<hbm>>
        %dma_start3A_141 = tpu.memref_squeeze %dma_start3A_140 : memref<1x1x64x128xf32, #tpu.memory_space<hbm>> -> memref<64x128xf32, #tpu.memory_space<hbm>>
        tpu.enqueue_dma source(%dma_start3A_141 : memref<64x128xf32, #tpu.memory_space<hbm>>) target(%arg11 : memref<64x128xf32, #tpu.memory_space<vmem>>) target_semaphore(%arg17 : memref<!tpu.dma_semaphore, #tpu.memory_space<semaphore_mem>>)
        %dma_start3A_142 = arith.constant 0 : i32
        %dma_start3A_143 = tpu.memref_slice %arg8[%add3A_134, %dma_start3A_142] : memref<64x64xi32, #tpu.memory_space<vmem>> -> memref<1x64xi32, #tpu.memory_space<vmem>>
        %dma_start3A_144 = tpu.memref_squeeze %dma_start3A_143 : memref<1x64xi32, #tpu.memory_space<vmem>> -> memref<64xi32, #tpu.memory_space<vmem>>
        %dma_start3A_145 = arith.constant 0 : i32
        %dma_start3A_146 = arith.constant 0 : i32
        %dma_start3A_147 = tpu.memref_slice %arg5[%dma_start3A_145, %dma_start3A_146] : memref<4096x128xf32, #tpu.memory_space<hbm>> -> memref<4096x128xf32, #tpu.memory_space<hbm>>
        tpu.enqueue_indirect_dma source(%dma_start3A_147 : memref<4096x128xf32, #tpu.memory_space<hbm>>) target(%arg13 : memref<64x128xf32, #tpu.memory_space<vmem>>) offsets(%dma_start3A_144 : memref<64xi32, #tpu.memory_space<vmem>>) semaphore(%arg18 : memref<!tpu.dma_semaphore, #tpu.memory_space<semaphore_mem>>)
        %dma_start3A_148 = arith.constant 0 : i32
        %dma_start3A_149 = tpu.memref_slice %arg9[%add3A_134, %dma_start3A_148] : memref<64x64xi32, #tpu.memory_space<vmem>> -> memref<1x64xi32, #tpu.memory_space<vmem>>
        %dma_start3A_150 = tpu.memref_squeeze %dma_start3A_149 : memref<1x64xi32, #tpu.memory_space<vmem>> -> memref<64xi32, #tpu.memory_space<vmem>>
        %dma_start3A_151 = arith.constant 0 : i32
        %dma_start3A_152 = arith.constant 0 : i32
        %dma_start3A_153 = tpu.memref_slice %arg5[%dma_start3A_151, %dma_start3A_152] : memref<4096x128xf32, #tpu.memory_space<hbm>> -> memref<4096x128xf32, #tpu.memory_space<hbm>>
        tpu.enqueue_indirect_dma source(%dma_start3A_153 : memref<4096x128xf32, #tpu.memory_space<hbm>>) target(%arg15 : memref<64x128xf32, #tpu.memory_space<vmem>>) offsets(%dma_start3A_150 : memref<64xi32, #tpu.memory_space<vmem>>) semaphore(%arg19 : memref<!tpu.dma_semaphore, #tpu.memory_space<semaphore_mem>>)
      } else {
      }
      %add3A_99 = arith.constant 1 : i32
      %add3A_100 = arith.addi %add3A_68, %add3A_99 : i32
      %dma_wait3A_101 = arith.constant 0 : i32
      %dma_wait3A_102 = arith.constant 0 : i32
      %dma_wait3A_103 = tpu.memref_slice %arg4[%add3A, %add3A_100, %dma_wait3A_101, %dma_wait3A_102] : memref<32x64x64x128xf32, #tpu.memory_space<hbm>> -> memref<1x1x64x128xf32, #tpu.memory_space<hbm>>
      %dma_wait3A_104 = tpu.memref_squeeze %dma_wait3A_103 : memref<1x1x64x128xf32, #tpu.memory_space<hbm>> -> memref<64x128xf32, #tpu.memory_space<hbm>>
      %dma_wait3A_105 = arith.constant 0 : i32
      %dma_wait3A_106 = arith.constant 0 : i32
      %dma_wait3A_107 = tpu.memref_slice %arg4[%add3A, %add3A_100, %dma_wait3A_105, %dma_wait3A_106] : memref<32x64x64x128xf32, #tpu.memory_space<hbm>> -> memref<1x1x64x128xf32, #tpu.memory_space<hbm>>
      %dma_wait3A_108 = tpu.memref_squeeze %dma_wait3A_107 : memref<1x1x64x128xf32, #tpu.memory_space<hbm>> -> memref<64x128xf32, #tpu.memory_space<hbm>>
      tpu.wait_dma2 semaphore(%arg20 : memref<!tpu.dma_semaphore, #tpu.memory_space<semaphore_mem>>) src(%dma_wait3A_108 : memref<64x128xf32, #tpu.memory_space<hbm>>) dst(%arg12 : memref<64x128xf32, #tpu.memory_space<vmem>>)
      %dma_wait3A_109 = arith.constant 0 : i32
      %dma_wait3A_110 = tpu.memref_slice %arg8[%add3A_100, %dma_wait3A_109] : memref<64x64xi32, #tpu.memory_space<vmem>> -> memref<1x64xi32, #tpu.memory_space<vmem>>
      %dma_wait3A_111 = tpu.memref_squeeze %dma_wait3A_110 : memref<1x64xi32, #tpu.memory_space<vmem>> -> memref<64xi32, #tpu.memory_space<vmem>>
      %dma_wait3A_112 = arith.constant 0 : i32
      %dma_wait3A_113 = arith.constant 0 : i32
      %dma_wait3A_114 = tpu.memref_slice %arg5[%dma_wait3A_112, %dma_wait3A_113] : memref<4096x128xf32, #tpu.memory_space<hbm>> -> memref<4096x128xf32, #tpu.memory_space<hbm>>
      tpu.wait_indirect_dma semaphore(%arg21 : memref<!tpu.dma_semaphore, #tpu.memory_space<semaphore_mem>>) src(%dma_wait3A_114 : memref<4096x128xf32, #tpu.memory_space<hbm>>) dst(%arg14 : memref<64x128xf32, #tpu.memory_space<vmem>>)
      %dma_wait3A_115 = arith.constant 0 : i32
      %dma_wait3A_116 = tpu.memref_slice %arg9[%add3A_100, %dma_wait3A_115] : memref<64x64xi32, #tpu.memory_space<vmem>> -> memref<1x64xi32, #tpu.memory_space<vmem>>
      %dma_wait3A_117 = tpu.memref_squeeze %dma_wait3A_116 : memref<1x64xi32, #tpu.memory_space<vmem>> -> memref<64xi32, #tpu.memory_space<vmem>>
      %dma_wait3A_118 = arith.constant 0 : i32
      %dma_wait3A_119 = arith.constant 0 : i32
      %dma_wait3A_120 = tpu.memref_slice %arg5[%dma_wait3A_118, %dma_wait3A_119] : memref<4096x128xf32, #tpu.memory_space<hbm>> -> memref<4096x128xf32, #tpu.memory_space<hbm>>
      tpu.wait_indirect_dma semaphore(%arg22 : memref<!tpu.dma_semaphore, #tpu.memory_space<semaphore_mem>>) src(%dma_wait3A_120 : memref<4096x128xf32, #tpu.memory_space<hbm>>) dst(%arg16 : memref<64x128xf32, #tpu.memory_space<vmem>>)
      %scan3A_121 = arith.constant 0 : i32
      %scan3A_122 = arith.constant 0 : i32
      %scan3A_123 = arith.constant 64 : i32
      %scan3A_124 = arith.addi %scan3A_122, %scan3A_123 : i32
      %scan3A_125 = arith.constant 1 : i32
      scf.for %scan3A_133 = %scan3A_122 to %scan3A_124 step %scan3A_125  : i32 {
        %get3A_134 = arith.index_cast %scan3A_133 : i32 to index
        %get3A_135 = arith.constant 0 : index
        %get3A_136 = tpu.vector_load %arg12[%get3A_134, %get3A_135] {strides = array<i32>} : memref<64x128xf32, #tpu.memory_space<vmem>>, vector<16xf32>,
        %get3A_137 = arith.index_cast %scan3A_133 : i32 to index
        %get3A_138 = arith.constant 0 : index
        %get3A_139 = tpu.vector_load %arg14[%get3A_137, %get3A_138] {strides = array<i32>} : memref<64x128xf32, #tpu.memory_space<vmem>>, vector<16xf32>,
        %get3A_140 = arith.index_cast %scan3A_133 : i32 to index
        %get3A_141 = arith.constant 0 : index
        %get3A_142 = tpu.vector_load %arg16[%get3A_140, %get3A_141] {strides = array<i32>} : memref<64x128xf32, #tpu.memory_space<vmem>>, vector<16xf32>,
        %mul3A_143 = arith.mulf %get3A_136, %get3A_142 : vector<16xf32>
        %swap3A = arith.index_cast %scan3A_133 : i32 to index
        %swap3A_144 = arith.constant 0 : index
        %swap3A_145 = tpu.vector_load %arg16[%swap3A, %swap3A_144] {strides = array<i32>} : memref<64x128xf32, #tpu.memory_space<vmem>>, vector<16xf32>,
        tpu.vector_store %arg16[%swap3A, %swap3A_144], %mul3A_143 {strides = array<i32>} : memref<64x128xf32, #tpu.memory_space<vmem>>, vector<16xf32>,
        %mul3A_146 = arith.mulf %get3A_136, %get3A_139 : vector<16xf32>
        %swap3A_147 = arith.index_cast %scan3A_133 : i32 to index
        %swap3A_148 = arith.constant 0 : index
        %swap3A_149 = tpu.vector_load %arg14[%swap3A_147, %swap3A_148] {strides = array<i32>} : memref<64x128xf32, #tpu.memory_space<vmem>>, vector<16xf32>,
        tpu.vector_store %arg14[%swap3A_147, %swap3A_148], %mul3A_146 {strides = array<i32>} : memref<64x128xf32, #tpu.memory_space<vmem>>, vector<16xf32>,
        %get3A_150 = arith.index_cast %scan3A_133 : i32 to index
        %get3A_151 = arith.constant 16 : index
        %get3A_152 = tpu.vector_load %arg12[%get3A_150, %get3A_151] {strides = array<i32>} : memref<64x128xf32, #tpu.memory_space<vmem>>, vector<16xf32>,
        %get3A_153 = arith.index_cast %scan3A_133 : i32 to index
        %get3A_154 = arith.constant 16 : index
        %get3A_155 = tpu.vector_load %arg14[%get3A_153, %get3A_154] {strides = array<i32>} : memref<64x128xf32, #tpu.memory_space<vmem>>, vector<16xf32>,
        %get3A_156 = arith.index_cast %scan3A_133 : i32 to index
        %get3A_157 = arith.constant 16 : index
        %get3A_158 = tpu.vector_load %arg16[%get3A_156, %get3A_157] {strides = array<i32>} : memref<64x128xf32, #tpu.memory_space<vmem>>, vector<16xf32>,
        %mul3A_159 = arith.mulf %get3A_152, %get3A_158 : vector<16xf32>
        %swap3A_160 = arith.index_cast %scan3A_133 : i32 to index
        %swap3A_161 = arith.constant 16 : index
        %swap3A_162 = tpu.vector_load %arg16[%swap3A_160, %swap3A_161] {strides = array<i32>} : memref<64x128xf32, #tpu.memory_space<vmem>>, vector<16xf32>,
        tpu.vector_store %arg16[%swap3A_160, %swap3A_161], %mul3A_159 {strides = array<i32>} : memref<64x128xf32, #tpu.memory_space<vmem>>, vector<16xf32>,
        %mul3A_163 = arith.mulf %get3A_152, %get3A_155 : vector<16xf32>
        %swap3A_164 = arith.index_cast %scan3A_133 : i32 to index
        %swap3A_165 = arith.constant 16 : index
        %swap3A_166 = tpu.vector_load %arg14[%swap3A_164, %swap3A_165] {strides = array<i32>} : memref<64x128xf32, #tpu.memory_space<vmem>>, vector<16xf32>,
        tpu.vector_store %arg14[%swap3A_164, %swap3A_165], %mul3A_163 {strides = array<i32>} : memref<64x128xf32, #tpu.memory_space<vmem>>, vector<16xf32>,
        %get3A_167 = arith.index_cast %scan3A_133 : i32 to index
        %get3A_168 = arith.constant 32 : index
        %get3A_169 = tpu.vector_load %arg12[%get3A_167, %get3A_168] {strides = array<i32>} : memref<64x128xf32, #tpu.memory_space<vmem>>, vector<16xf32>,
        %get3A_170 = arith.index_cast %scan3A_133 : i32 to index
        %get3A_171 = arith.constant 32 : index
        %get3A_172 = tpu.vector_load %arg14[%get3A_170, %get3A_171] {strides = array<i32>} : memref<64x128xf32, #tpu.memory_space<vmem>>, vector<16xf32>,
        %get3A_173 = arith.index_cast %scan3A_133 : i32 to index
        %get3A_174 = arith.constant 32 : index
        %get3A_175 = tpu.vector_load %arg16[%get3A_173, %get3A_174] {strides = array<i32>} : memref<64x128xf32, #tpu.memory_space<vmem>>, vector<16xf32>,
        %mul3A_176 = arith.mulf %get3A_169, %get3A_175 : vector<16xf32>
        %swap3A_177 = arith.index_cast %scan3A_133 : i32 to index
        %swap3A_178 = arith.constant 32 : index
        %swap3A_179 = tpu.vector_load %arg16[%swap3A_177, %swap3A_178] {strides = array<i32>} : memref<64x128xf32, #tpu.memory_space<vmem>>, vector<16xf32>,
        tpu.vector_store %arg16[%swap3A_177, %swap3A_178], %mul3A_176 {strides = array<i32>} : memref<64x128xf32, #tpu.memory_space<vmem>>, vector<16xf32>,
        %mul3A_180 = arith.mulf %get3A_169, %get3A_172 : vector<16xf32>
        %swap3A_181 = arith.index_cast %scan3A_133 : i32 to index
        %swap3A_182 = arith.constant 32 : index
        %swap3A_183 = tpu.vector_load %arg14[%swap3A_181, %swap3A_182] {strides = array<i32>} : memref<64x128xf32, #tpu.memory_space<vmem>>, vector<16xf32>,
        tpu.vector_store %arg14[%swap3A_181, %swap3A_182], %mul3A_180 {strides = array<i32>} : memref<64x128xf32, #tpu.memory_space<vmem>>, vector<16xf32>,
        %get3A_184 = arith.index_cast %scan3A_133 : i32 to index
        %get3A_185 = arith.constant 48 : index
        %get3A_186 = tpu.vector_load %arg12[%get3A_184, %get3A_185] {strides = array<i32>} : memref<64x128xf32, #tpu.memory_space<vmem>>, vector<16xf32>,
        %get3A_187 = arith.index_cast %scan3A_133 : i32 to index
        %get3A_188 = arith.constant 48 : index
        %get3A_189 = tpu.vector_load %arg14[%get3A_187, %get3A_188] {strides = array<i32>} : memref<64x128xf32, #tpu.memory_space<vmem>>, vector<16xf32>,
        %get3A_190 = arith.index_cast %scan3A_133 : i32 to index
        %get3A_191 = arith.constant 48 : index
        %get3A_192 = tpu.vector_load %arg16[%get3A_190, %get3A_191] {strides = array<i32>} : memref<64x128xf32, #tpu.memory_space<vmem>>, vector<16xf32>,
        %mul3A_193 = arith.mulf %get3A_186, %get3A_192 : vector<16xf32>
        %swap3A_194 = arith.index_cast %scan3A_133 : i32 to index
        %swap3A_195 = arith.constant 48 : index
        %swap3A_196 = tpu.vector_load %arg16[%swap3A_194, %swap3A_195] {strides = array<i32>} : memref<64x128xf32, #tpu.memory_space<vmem>>, vector<16xf32>,
        tpu.vector_store %arg16[%swap3A_194, %swap3A_195], %mul3A_193 {strides = array<i32>} : memref<64x128xf32, #tpu.memory_space<vmem>>, vector<16xf32>,
        %mul3A_197 = arith.mulf %get3A_186, %get3A_189 : vector<16xf32>
        %swap3A_198 = arith.index_cast %scan3A_133 : i32 to index
        %swap3A_199 = arith.constant 48 : index
        %swap3A_200 = tpu.vector_load %arg14[%swap3A_198, %swap3A_199] {strides = array<i32>} : memref<64x128xf32, #tpu.memory_space<vmem>>, vector<16xf32>,
        tpu.vector_store %arg14[%swap3A_198, %swap3A_199], %mul3A_197 {strides = array<i32>} : memref<64x128xf32, #tpu.memory_space<vmem>>, vector<16xf32>,
        %get3A_201 = arith.index_cast %scan3A_133 : i32 to index
        %get3A_202 = arith.constant 64 : index
        %get3A_203 = tpu.vector_load %arg12[%get3A_201, %get3A_202] {strides = array<i32>} : memref<64x128xf32, #tpu.memory_space<vmem>>, vector<16xf32>,
        %get3A_204 = arith.index_cast %scan3A_133 : i32 to index
        %get3A_205 = arith.constant 64 : index
        %get3A_206 = tpu.vector_load %arg14[%get3A_204, %get3A_205] {strides = array<i32>} : memref<64x128xf32, #tpu.memory_space<vmem>>, vector<16xf32>,
        %get3A_207 = arith.index_cast %scan3A_133 : i32 to index
        %get3A_208 = arith.constant 64 : index
        %get3A_209 = tpu.vector_load %arg16[%get3A_207, %get3A_208] {strides = array<i32>} : memref<64x128xf32, #tpu.memory_space<vmem>>, vector<16xf32>,
        %mul3A_210 = arith.mulf %get3A_203, %get3A_209 : vector<16xf32>
        %swap3A_211 = arith.index_cast %scan3A_133 : i32 to index
        %swap3A_212 = arith.constant 64 : index
        %swap3A_213 = tpu.vector_load %arg16[%swap3A_211, %swap3A_212] {strides = array<i32>} : memref<64x128xf32, #tpu.memory_space<vmem>>, vector<16xf32>,
        tpu.vector_store %arg16[%swap3A_211, %swap3A_212], %mul3A_210 {strides = array<i32>} : memref<64x128xf32, #tpu.memory_space<vmem>>, vector<16xf32>,
        %mul3A_214 = arith.mulf %get3A_203, %get3A_206 : vector<16xf32>
        %swap3A_215 = arith.index_cast %scan3A_133 : i32 to index
        %swap3A_216 = arith.constant 64 : index
        %swap3A_217 = tpu.vector_load %arg14[%swap3A_215, %swap3A_216] {strides = array<i32>} : memref<64x128xf32, #tpu.memory_space<vmem>>, vector<16xf32>,
        tpu.vector_store %arg14[%swap3A_215, %swap3A_216], %mul3A_214 {strides = array<i32>} : memref<64x128xf32, #tpu.memory_space<vmem>>, vector<16xf32>,
        %get3A_218 = arith.index_cast %scan3A_133 : i32 to index
        %get3A_219 = arith.constant 80 : index
        %get3A_220 = tpu.vector_load %arg12[%get3A_218, %get3A_219] {strides = array<i32>} : memref<64x128xf32, #tpu.memory_space<vmem>>, vector<16xf32>,
        %get3A_221 = arith.index_cast %scan3A_133 : i32 to index
        %get3A_222 = arith.constant 80 : index
        %get3A_223 = tpu.vector_load %arg14[%get3A_221, %get3A_222] {strides = array<i32>} : memref<64x128xf32, #tpu.memory_space<vmem>>, vector<16xf32>,
        %get3A_224 = arith.index_cast %scan3A_133 : i32 to index
        %get3A_225 = arith.constant 80 : index
        %get3A_226 = tpu.vector_load %arg16[%get3A_224, %get3A_225] {strides = array<i32>} : memref<64x128xf32, #tpu.memory_space<vmem>>, vector<16xf32>,
        %mul3A_227 = arith.mulf %get3A_220, %get3A_226 : vector<16xf32>
        %swap3A_228 = arith.index_cast %scan3A_133 : i32 to index
        %swap3A_229 = arith.constant 80 : index
        %swap3A_230 = tpu.vector_load %arg16[%swap3A_228, %swap3A_229] {strides = array<i32>} : memref<64x128xf32, #tpu.memory_space<vmem>>, vector<16xf32>,
        tpu.vector_store %arg16[%swap3A_228, %swap3A_229], %mul3A_227 {strides = array<i32>} : memref<64x128xf32, #tpu.memory_space<vmem>>, vector<16xf32>,
        %mul3A_231 = arith.mulf %get3A_220, %get3A_223 : vector<16xf32>
        %swap3A_232 = arith.index_cast %scan3A_133 : i32 to index
        %swap3A_233 = arith.constant 80 : index
        %swap3A_234 = tpu.vector_load %arg14[%swap3A_232, %swap3A_233] {strides = array<i32>} : memref<64x128xf32, #tpu.memory_space<vmem>>, vector<16xf32>,
        tpu.vector_store %arg14[%swap3A_232, %swap3A_233], %mul3A_231 {strides = array<i32>} : memref<64x128xf32, #tpu.memory_space<vmem>>, vector<16xf32>,
        %get3A_235 = arith.index_cast %scan3A_133 : i32 to index
        %get3A_236 = arith.constant 96 : index
        %get3A_237 = tpu.vector_load %arg12[%get3A_235, %get3A_236] {strides = array<i32>} : memref<64x128xf32, #tpu.memory_space<vmem>>, vector<16xf32>,
        %get3A_238 = arith.index_cast %scan3A_133 : i32 to index
        %get3A_239 = arith.constant 96 : index
        %get3A_240 = tpu.vector_load %arg14[%get3A_238, %get3A_239] {strides = array<i32>} : memref<64x128xf32, #tpu.memory_space<vmem>>, vector<16xf32>,
        %get3A_241 = arith.index_cast %scan3A_133 : i32 to index
        %get3A_242 = arith.constant 96 : index
        %get3A_243 = tpu.vector_load %arg16[%get3A_241, %get3A_242] {strides = array<i32>} : memref<64x128xf32, #tpu.memory_space<vmem>>, vector<16xf32>,
        %mul3A_244 = arith.mulf %get3A_237, %get3A_243 : vector<16xf32>
        %swap3A_245 = arith.index_cast %scan3A_133 : i32 to index
        %swap3A_246 = arith.constant 96 : index
        %swap3A_247 = tpu.vector_load %arg16[%swap3A_245, %swap3A_246] {strides = array<i32>} : memref<64x128xf32, #tpu.memory_space<vmem>>, vector<16xf32>,
        tpu.vector_store %arg16[%swap3A_245, %swap3A_246], %mul3A_244 {strides = array<i32>} : memref<64x128xf32, #tpu.memory_space<vmem>>, vector<16xf32>,
        %mul3A_248 = arith.mulf %get3A_237, %get3A_240 : vector<16xf32>
        %swap3A_249 = arith.index_cast %scan3A_133 : i32 to index
        %swap3A_250 = arith.constant 96 : index
        %swap3A_251 = tpu.vector_load %arg14[%swap3A_249, %swap3A_250] {strides = array<i32>} : memref<64x128xf32, #tpu.memory_space<vmem>>, vector<16xf32>,
        tpu.vector_store %arg14[%swap3A_249, %swap3A_250], %mul3A_248 {strides = array<i32>} : memref<64x128xf32, #tpu.memory_space<vmem>>, vector<16xf32>,
        %get3A_252 = arith.index_cast %scan3A_133 : i32 to index
        %get3A_253 = arith.constant 112 : index
        %get3A_254 = tpu.vector_load %arg12[%get3A_252, %get3A_253] {strides = array<i32>} : memref<64x128xf32, #tpu.memory_space<vmem>>, vector<16xf32>,
        %get3A_255 = arith.index_cast %scan3A_133 : i32 to index
        %get3A_256 = arith.constant 112 : index
        %get3A_257 = tpu.vector_load %arg14[%get3A_255, %get3A_256] {strides = array<i32>} : memref<64x128xf32, #tpu.memory_space<vmem>>, vector<16xf32>,
        %get3A_258 = arith.index_cast %scan3A_133 : i32 to index
        %get3A_259 = arith.constant 112 : index
        %get3A_260 = tpu.vector_load %arg16[%get3A_258, %get3A_259] {strides = array<i32>} : memref<64x128xf32, #tpu.memory_space<vmem>>, vector<16xf32>,
        %mul3A_261 = arith.mulf %get3A_254, %get3A_260 : vector<16xf32>
        %swap3A_262 = arith.index_cast %scan3A_133 : i32 to index
        %swap3A_263 = arith.constant 112 : index
        %swap3A_264 = tpu.vector_load %arg16[%swap3A_262, %swap3A_263] {strides = array<i32>} : memref<64x128xf32, #tpu.memory_space<vmem>>, vector<16xf32>,
        tpu.vector_store %arg16[%swap3A_262, %swap3A_263], %mul3A_261 {strides = array<i32>} : memref<64x128xf32, #tpu.memory_space<vmem>>, vector<16xf32>,
        %mul3A_265 = arith.mulf %get3A_254, %get3A_257 : vector<16xf32>
        %swap3A_266 = arith.index_cast %scan3A_133 : i32 to index
        %swap3A_267 = arith.constant 112 : index
        %swap3A_268 = tpu.vector_load %arg14[%swap3A_266, %swap3A_267] {strides = array<i32>} : memref<64x128xf32, #tpu.memory_space<vmem>>, vector<16xf32>,
        tpu.vector_store %arg14[%swap3A_266, %swap3A_267], %mul3A_265 {strides = array<i32>} : memref<64x128xf32, #tpu.memory_space<vmem>>, vector<16xf32>,
      }
      %scan3A_126 = arith.constant 64 : i32
      "tpu.region"() ({
        %run_scoped3A = tpu.sem_alloc : memref<!tpu.dma_semaphore, #tpu.memory_space<semaphore_mem>>
        %dma_start3A = arith.constant 0 : i32
        %dma_start3A_133 = tpu.memref_slice %arg8[%add3A_100, %dma_start3A] : memref<64x64xi32, #tpu.memory_space<vmem>> -> memref<1x64xi32, #tpu.memory_space<vmem>>
        %dma_start3A_134 = tpu.memref_squeeze %dma_start3A_133 : memref<1x64xi32, #tpu.memory_space<vmem>> -> memref<64xi32, #tpu.memory_space<vmem>>
        %dma_start3A_135 = arith.constant 0 : i32
        %dma_start3A_136 = arith.constant 0 : i32
        %dma_start3A_137 = tpu.memref_slice %arg23[%dma_start3A_135, %dma_start3A_136] : memref<4096x128xf32, #tpu.memory_space<vmem_shared>> -> memref<4096x128xf32, #tpu.memory_space<vmem_shared>>
        tpu.enqueue_indirect_dma source(%arg16 : memref<64x128xf32, #tpu.memory_space<vmem>>) target(%dma_start3A_137 : memref<4096x128xf32, #tpu.memory_space<vmem_shared>>) offsets(%dma_start3A_134 : memref<64xi32, #tpu.memory_space<vmem>>) semaphore(%run_scoped3A : memref<!tpu.dma_semaphore, #tpu.memory_space<semaphore_mem>>) {add = true}
        %dma_wait3A_138 = arith.constant 0 : i32
        %dma_wait3A_139 = tpu.memref_slice %arg8[%add3A_100, %dma_wait3A_138] : memref<64x64xi32, #tpu.memory_space<vmem>> -> memref<1x64xi32, #tpu.memory_space<vmem>>
        %dma_wait3A_140 = tpu.memref_squeeze %dma_wait3A_139 : memref<1x64xi32, #tpu.memory_space<vmem>> -> memref<64xi32, #tpu.memory_space<vmem>>
        %dma_wait3A_141 = arith.constant 0 : i32
        %dma_wait3A_142 = arith.constant 0 : i32
        %dma_wait3A_143 = tpu.memref_slice %arg23[%dma_wait3A_141, %dma_wait3A_142] : memref<4096x128xf32, #tpu.memory_space<vmem_shared>> -> memref<4096x128xf32, #tpu.memory_space<vmem_shared>>
        tpu.wait_indirect_dma semaphore(%run_scoped3A : memref<!tpu.dma_semaphore, #tpu.memory_space<semaphore_mem>>) src(%arg16 : memref<64x128xf32, #tpu.memory_space<vmem>>) dst(%dma_wait3A_143 : memref<4096x128xf32, #tpu.memory_space<vmem_shared>>)
        tpu.yield
      }) : () -> ()
      "tpu.region"() ({
        %run_scoped3A = tpu.sem_alloc : memref<!tpu.dma_semaphore, #tpu.memory_space<semaphore_mem>>
        %dma_start3A = arith.constant 0 : i32
        %dma_start3A_133 = tpu.memref_slice %arg9[%add3A_100, %dma_start3A] : memref<64x64xi32, #tpu.memory_space<vmem>> -> memref<1x64xi32, #tpu.memory_space<vmem>>
        %dma_start3A_134 = tpu.memref_squeeze %dma_start3A_133 : memref<1x64xi32, #tpu.memory_space<vmem>> -> memref<64xi32, #tpu.memory_space<vmem>>
        %dma_start3A_135 = arith.constant 0 : i32
        %dma_start3A_136 = arith.constant 0 : i32
        %dma_start3A_137 = tpu.memref_slice %arg23[%dma_start3A_135, %dma_start3A_136] : memref<4096x128xf32, #tpu.memory_space<vmem_shared>> -> memref<4096x128xf32, #tpu.memory_space<vmem_shared>>
        tpu.enqueue_indirect_dma source(%arg14 : memref<64x128xf32, #tpu.memory_space<vmem>>) target(%dma_start3A_137 : memref<4096x128xf32, #tpu.memory_space<vmem_shared>>) offsets(%dma_start3A_134 : memref<64xi32, #tpu.memory_space<vmem>>) semaphore(%run_scoped3A : memref<!tpu.dma_semaphore, #tpu.memory_space<semaphore_mem>>) {add = true}
        %dma_wait3A_138 = arith.constant 0 : i32
        %dma_wait3A_139 = tpu.memref_slice %arg9[%add3A_100, %dma_wait3A_138] : memref<64x64xi32, #tpu.memory_space<vmem>> -> memref<1x64xi32, #tpu.memory_space<vmem>>
        %dma_wait3A_140 = tpu.memref_squeeze %dma_wait3A_139 : memref<1x64xi32, #tpu.memory_space<vmem>> -> memref<64xi32, #tpu.memory_space<vmem>>
        %dma_wait3A_141 = arith.constant 0 : i32
        %dma_wait3A_142 = arith.constant 0 : i32
        %dma_wait3A_143 = tpu.memref_slice %arg23[%dma_wait3A_141, %dma_wait3A_142] : memref<4096x128xf32, #tpu.memory_space<vmem_shared>> -> memref<4096x128xf32, #tpu.memory_space<vmem_shared>>
        tpu.wait_indirect_dma semaphore(%run_scoped3A : memref<!tpu.dma_semaphore, #tpu.memory_space<semaphore_mem>>) src(%arg14 : memref<64x128xf32, #tpu.memory_space<vmem>>) dst(%dma_wait3A_143 : memref<4096x128xf32, #tpu.memory_space<vmem_shared>>)
        tpu.yield
      }) : () -> ()
      %add3A_127 = arith.constant 2 : i32
      %add3A_128 = arith.addi %add3A_100, %add3A_127 : i32
      %lt3A_129 = arith.cmpi slt, %add3A_128, %mul3A_41 : i32
      %convert_element_type3A_130 = arith.extui %lt3A_129 : i1 to i32
      %cond3A_131 = arith.constant 0 : i32
      %cond3A_132 = arith.cmpi ne, %convert_element_type3A_130, %cond3A_131 : i32
      scf.if %cond3A_132 {
        %add3A_133 = arith.constant 2 : i32
        %add3A_134 = arith.addi %add3A_100, %add3A_133 : i32
        %dma_start3A = arith.constant 0 : i32
        %dma_start3A_135 = arith.constant 0 : i32
        %dma_start3A_136 = tpu.memref_slice %arg4[%add3A, %add3A_134, %dma_start3A, %dma_start3A_135] : memref<32x64x64x128xf32, #tpu.memory_space<hbm>> -> memref<1x1x64x128xf32, #tpu.memory_space<hbm>>
        %dma_start3A_137 = tpu.memref_squeeze %dma_start3A_136 : memref<1x1x64x128xf32, #tpu.memory_space<hbm>> -> memref<64x128xf32, #tpu.memory_space<hbm>>
        %dma_start3A_138 = arith.constant 0 : i32
        %dma_start3A_139 = arith.constant 0 : i32
        %dma_start3A_140 = tpu.memref_slice %arg4[%add3A, %add3A_134, %dma_start3A_138, %dma_start3A_139] : memref<32x64x64x128xf32, #tpu.memory_space<hbm>> -> memref<1x1x64x128xf32, #tpu.memory_space<hbm>>
        %dma_start3A_141 = tpu.memref_squeeze %dma_start3A_140 : memref<1x1x64x128xf32, #tpu.memory_space<hbm>> -> memref<64x128xf32, #tpu.memory_space<hbm>>
        tpu.enqueue_dma source(%dma_start3A_141 : memref<64x128xf32, #tpu.memory_space<hbm>>) target(%arg12 : memref<64x128xf32, #tpu.memory_space<vmem>>) target_semaphore(%arg20 : memref<!tpu.dma_semaphore, #tpu.memory_space<semaphore_mem>>)
        %dma_start3A_142 = arith.constant 0 : i32
        %dma_start3A_143 = tpu.memref_slice %arg8[%add3A_134, %dma_start3A_142] : memref<64x64xi32, #tpu.memory_space<vmem>> -> memref<1x64xi32, #tpu.memory_space<vmem>>
        %dma_start3A_144 = tpu.memref_squeeze %dma_start3A_143 : memref<1x64xi32, #tpu.memory_space<vmem>> -> memref<64xi32, #tpu.memory_space<vmem>>
        %dma_start3A_145 = arith.constant 0 : i32
        %dma_start3A_146 = arith.constant 0 : i32
        %dma_start3A_147 = tpu.memref_slice %arg5[%dma_start3A_145, %dma_start3A_146] : memref<4096x128xf32, #tpu.memory_space<hbm>> -> memref<4096x128xf32, #tpu.memory_space<hbm>>
        tpu.enqueue_indirect_dma source(%dma_start3A_147 : memref<4096x128xf32, #tpu.memory_space<hbm>>) target(%arg14 : memref<64x128xf32, #tpu.memory_space<vmem>>) offsets(%dma_start3A_144 : memref<64xi32, #tpu.memory_space<vmem>>) semaphore(%arg21 : memref<!tpu.dma_semaphore, #tpu.memory_space<semaphore_mem>>)
        %dma_start3A_148 = arith.constant 0 : i32
        %dma_start3A_149 = tpu.memref_slice %arg9[%add3A_134, %dma_start3A_148] : memref<64x64xi32, #tpu.memory_space<vmem>> -> memref<1x64xi32, #tpu.memory_space<vmem>>
        %dma_start3A_150 = tpu.memref_squeeze %dma_start3A_149 : memref<1x64xi32, #tpu.memory_space<vmem>> -> memref<64xi32, #tpu.memory_space<vmem>>
        %dma_start3A_151 = arith.constant 0 : i32
        %dma_start3A_152 = arith.constant 0 : i32
        %dma_start3A_153 = tpu.memref_slice %arg5[%dma_start3A_151, %dma_start3A_152] : memref<4096x128xf32, #tpu.memory_space<hbm>> -> memref<4096x128xf32, #tpu.memory_space<hbm>>
        tpu.enqueue_indirect_dma source(%dma_start3A_153 : memref<4096x128xf32, #tpu.memory_space<hbm>>) target(%arg16 : memref<64x128xf32, #tpu.memory_space<vmem>>) offsets(%dma_start3A_150 : memref<64xi32, #tpu.memory_space<vmem>>) semaphore(%arg22 : memref<!tpu.dma_semaphore, #tpu.memory_space<semaphore_mem>>)
      } else {
      }
    }
    %barrier3A_62 = arith.constant 0 : index
    tpu.barrier barrier_id(%barrier3A_62)
    %mul3A_63 = arith.constant 4096 : i32
    %mul3A_64 = arith.muli %arg0, %mul3A_63 : i32
    %add3A_65 = arith.addi %mul3A_64, %mul3A_2 : i32
    "tpu.region"() ({
      %run_scoped3A = tpu.sem_alloc : memref<!tpu.dma_semaphore, #tpu.memory_space<semaphore_mem>>
      %dma_start3A = arith.constant 0 : i32
      %dma_start3A_66 = tpu.memref_slice %arg7[%add3A_65, %dma_start3A] : memref<8192x128xf32, #tpu.memory_space<hbm>> -> memref<256x128xf32, #tpu.memory_space<hbm>>
      %dma_start3A_67 = arith.constant 0 : i32
      %dma_start3A_68 = tpu.memref_slice %arg23[%mul3A_2, %dma_start3A_67] : memref<4096x128xf32, #tpu.memory_space<vmem_shared>> -> memref<256x128xf32, #tpu.memory_space<vmem_shared>>
      tpu.enqueue_dma source(%dma_start3A_68 : memref<256x128xf32, #tpu.memory_space<vmem_shared>>) target(%dma_start3A_66 : memref<256x128xf32, #tpu.memory_space<hbm>>) target_semaphore(%run_scoped3A : memref<!tpu.dma_semaphore, #tpu.memory_space<semaphore_mem>>)
      %dma_wait3A = arith.constant 0 : i32
      %dma_wait3A_69 = tpu.memref_slice %arg7[%add3A_65, %dma_wait3A] : memref<8192x128xf32, #tpu.memory_space<hbm>> -> memref<256x128xf32, #tpu.memory_space<hbm>>
      %dma_wait3A_70 = arith.constant 0 : i32
      %dma_wait3A_71 = tpu.memref_slice %arg23[%mul3A_2, %dma_wait3A_70] : memref<4096x128xf32, #tpu.memory_space<vmem_shared>> -> memref<256x128xf32, #tpu.memory_space<vmem_shared>>
      tpu.wait_dma2 semaphore(%run_scoped3A : memref<!tpu.dma_semaphore, #tpu.memory_space<semaphore_mem>>) src(%dma_wait3A_71 : memref<256x128xf32, #tpu.memory_space<vmem_shared>>) dst(%dma_wait3A_69 : memref<256x128xf32, #tpu.memory_space<hbm>>)
      tpu.yield
    }) : () -> ()
    return
  }
}

#map = affine_map<(d0, d1) -> (0)>
#map1 = affine_map<(d0, d1) -> (0, 0)>
module attributes {stable_mosaic.version = 14 : i64} {
  func.func @_nbr_body(%arg0: i32, %arg1: i32, %arg2: memref<4096xf32, #tpu.memory_space<hbm>>, %arg3: memref<4096xf32, #tpu.memory_space<hbm>>, %arg4: memref<4096xf32, #tpu.memory_space<hbm>>, %arg5: memref<32x2048xf32, #tpu.memory_space<hbm>>, %arg6: memref<32x2048xf32, #tpu.memory_space<hbm>>, %arg7: memref<32x2048xf32, #tpu.memory_space<hbm>>, %arg8: memref<32x4096xi32, #tpu.memory_space<hbm>>, %arg9: memref<32x4096xi32, #tpu.memory_space<hbm>>, %arg10: memref<32x4096xf32, #tpu.memory_space<hbm>>, %arg11: memref<32x16xi32, #tpu.memory_space<hbm>>, %arg12: memref<4096xf32, #tpu.memory_space<vmem>>, %arg13: memref<4096xf32, #tpu.memory_space<vmem>>, %arg14: memref<4096xf32, #tpu.memory_space<vmem>>, %arg15: memref<2048xf32, #tpu.memory_space<vmem>>, %arg16: memref<2048xf32, #tpu.memory_space<vmem>>, %arg17: memref<2048xf32, #tpu.memory_space<vmem>>, %arg18: memref<4128xi32, #tpu.memory_space<vmem>>, %arg19: memref<4128xi32, #tpu.memory_space<vmem>>, %arg20: memref<4128xf32, #tpu.memory_space<vmem>>, %arg21: memref<5136xi32, #tpu.memory_space<vmem>>, %arg22: memref<5136xi32, #tpu.memory_space<vmem>>, %arg23: memref<5136xf32, #tpu.memory_space<vmem>>, %arg24: memref<16xi32, #tpu.memory_space<vmem>>) attributes {dimension_semantics = [#tpu.dimension_semantics<core_parallel>, #tpu.dimension_semantics<subcore_parallel>], iteration_bounds = array<i64: 2, 16>, scalar_prefetch = 0 : i64, scratch_operands = 13 : i64, tpu.core_type = #tpu.core_type<sc_vector_subcore>, window_params = [{transform_indices = #map}, {transform_indices = #map}, {transform_indices = #map}, {transform_indices = #map1}, {transform_indices = #map1}, {transform_indices = #map1}, {transform_indices = #map1}, {transform_indices = #map1}, {transform_indices = #map1}, {transform_indices = #map1}]} {
    %mul3A = arith.constant 2 : i32
    %mul3A_0 = arith.muli %arg1, %mul3A : i32
    %add3A = arith.addi %mul3A_0, %arg0 : i32
    "tpu.region"() ({
      %run_scoped3A = tpu.sem_alloc : memref<!tpu.dma_semaphore, #tpu.memory_space<semaphore_mem>>
      tpu.enqueue_dma source(%arg2 : memref<4096xf32, #tpu.memory_space<hbm>>) target(%arg12 : memref<4096xf32, #tpu.memory_space<vmem>>) target_semaphore(%run_scoped3A : memref<!tpu.dma_semaphore, #tpu.memory_space<semaphore_mem>>)
      tpu.wait_dma2 semaphore(%run_scoped3A : memref<!tpu.dma_semaphore, #tpu.memory_space<semaphore_mem>>) src(%arg2 : memref<4096xf32, #tpu.memory_space<hbm>>) dst(%arg12 : memref<4096xf32, #tpu.memory_space<vmem>>)
      tpu.yield
    }) : () -> ()
    "tpu.region"() ({
      %run_scoped3A = tpu.sem_alloc : memref<!tpu.dma_semaphore, #tpu.memory_space<semaphore_mem>>
      tpu.enqueue_dma source(%arg3 : memref<4096xf32, #tpu.memory_space<hbm>>) target(%arg13 : memref<4096xf32, #tpu.memory_space<vmem>>) target_semaphore(%run_scoped3A : memref<!tpu.dma_semaphore, #tpu.memory_space<semaphore_mem>>)
      tpu.wait_dma2 semaphore(%run_scoped3A : memref<!tpu.dma_semaphore, #tpu.memory_space<semaphore_mem>>) src(%arg3 : memref<4096xf32, #tpu.memory_space<hbm>>) dst(%arg13 : memref<4096xf32, #tpu.memory_space<vmem>>)
      tpu.yield
    }) : () -> ()
    "tpu.region"() ({
      %run_scoped3A = tpu.sem_alloc : memref<!tpu.dma_semaphore, #tpu.memory_space<semaphore_mem>>
      tpu.enqueue_dma source(%arg4 : memref<4096xf32, #tpu.memory_space<hbm>>) target(%arg14 : memref<4096xf32, #tpu.memory_space<vmem>>) target_semaphore(%run_scoped3A : memref<!tpu.dma_semaphore, #tpu.memory_space<semaphore_mem>>)
      tpu.wait_dma2 semaphore(%run_scoped3A : memref<!tpu.dma_semaphore, #tpu.memory_space<semaphore_mem>>) src(%arg4 : memref<4096xf32, #tpu.memory_space<hbm>>) dst(%arg14 : memref<4096xf32, #tpu.memory_space<vmem>>)
      tpu.yield
    }) : () -> ()
    "tpu.region"() ({
      %run_scoped3A = tpu.sem_alloc : memref<!tpu.dma_semaphore, #tpu.memory_space<semaphore_mem>>
      %dma_start3A = arith.constant 0 : i32
      %dma_start3A_1346 = tpu.memref_slice %arg5[%add3A, %dma_start3A] : memref<32x2048xf32, #tpu.memory_space<hbm>> -> memref<1x2048xf32, #tpu.memory_space<hbm>>
      %dma_start3A_1347 = tpu.memref_squeeze %dma_start3A_1346 : memref<1x2048xf32, #tpu.memory_space<hbm>> -> memref<2048xf32, #tpu.memory_space<hbm>>
      %dma_start3A_1348 = arith.constant 0 : i32
      %dma_start3A_1349 = tpu.memref_slice %arg5[%add3A, %dma_start3A_1348] : memref<32x2048xf32, #tpu.memory_space<hbm>> -> memref<1x2048xf32, #tpu.memory_space<hbm>>
      %dma_start3A_1350 = tpu.memref_squeeze %dma_start3A_1349 : memref<1x2048xf32, #tpu.memory_space<hbm>> -> memref<2048xf32, #tpu.memory_space<hbm>>
      tpu.enqueue_dma source(%dma_start3A_1350 : memref<2048xf32, #tpu.memory_space<hbm>>) target(%arg15 : memref<2048xf32, #tpu.memory_space<vmem>>) target_semaphore(%run_scoped3A : memref<!tpu.dma_semaphore, #tpu.memory_space<semaphore_mem>>)
      %dma_wait3A = arith.constant 0 : i32
      %dma_wait3A_1351 = tpu.memref_slice %arg5[%add3A, %dma_wait3A] : memref<32x2048xf32, #tpu.memory_space<hbm>> -> memref<1x2048xf32, #tpu.memory_space<hbm>>
      %dma_wait3A_1352 = tpu.memref_squeeze %dma_wait3A_1351 : memref<1x2048xf32, #tpu.memory_space<hbm>> -> memref<2048xf32, #tpu.memory_space<hbm>>
      %dma_wait3A_1353 = arith.constant 0 : i32
      %dma_wait3A_1354 = tpu.memref_slice %arg5[%add3A, %dma_wait3A_1353] : memref<32x2048xf32, #tpu.memory_space<hbm>> -> memref<1x2048xf32, #tpu.memory_space<hbm>>
      %dma_wait3A_1355 = tpu.memref_squeeze %dma_wait3A_1354 : memref<1x2048xf32, #tpu.memory_space<hbm>> -> memref<2048xf32, #tpu.memory_space<hbm>>
      tpu.wait_dma2 semaphore(%run_scoped3A : memref<!tpu.dma_semaphore, #tpu.memory_space<semaphore_mem>>) src(%dma_wait3A_1355 : memref<2048xf32, #tpu.memory_space<hbm>>) dst(%arg15 : memref<2048xf32, #tpu.memory_space<vmem>>)
      tpu.yield
    }) : () -> ()
    "tpu.region"() ({
      %run_scoped3A = tpu.sem_alloc : memref<!tpu.dma_semaphore, #tpu.memory_space<semaphore_mem>>
      %dma_start3A = arith.constant 0 : i32
      %dma_start3A_1346 = tpu.memref_slice %arg6[%add3A, %dma_start3A] : memref<32x2048xf32, #tpu.memory_space<hbm>> -> memref<1x2048xf32, #tpu.memory_space<hbm>>
      %dma_start3A_1347 = tpu.memref_squeeze %dma_start3A_1346 : memref<1x2048xf32, #tpu.memory_space<hbm>> -> memref<2048xf32, #tpu.memory_space<hbm>>
      %dma_start3A_1348 = arith.constant 0 : i32
      %dma_start3A_1349 = tpu.memref_slice %arg6[%add3A, %dma_start3A_1348] : memref<32x2048xf32, #tpu.memory_space<hbm>> -> memref<1x2048xf32, #tpu.memory_space<hbm>>
      %dma_start3A_1350 = tpu.memref_squeeze %dma_start3A_1349 : memref<1x2048xf32, #tpu.memory_space<hbm>> -> memref<2048xf32, #tpu.memory_space<hbm>>
      tpu.enqueue_dma source(%dma_start3A_1350 : memref<2048xf32, #tpu.memory_space<hbm>>) target(%arg16 : memref<2048xf32, #tpu.memory_space<vmem>>) target_semaphore(%run_scoped3A : memref<!tpu.dma_semaphore, #tpu.memory_space<semaphore_mem>>)
      %dma_wait3A = arith.constant 0 : i32
      %dma_wait3A_1351 = tpu.memref_slice %arg6[%add3A, %dma_wait3A] : memref<32x2048xf32, #tpu.memory_space<hbm>> -> memref<1x2048xf32, #tpu.memory_space<hbm>>
      %dma_wait3A_1352 = tpu.memref_squeeze %dma_wait3A_1351 : memref<1x2048xf32, #tpu.memory_space<hbm>> -> memref<2048xf32, #tpu.memory_space<hbm>>
      %dma_wait3A_1353 = arith.constant 0 : i32
      %dma_wait3A_1354 = tpu.memref_slice %arg6[%add3A, %dma_wait3A_1353] : memref<32x2048xf32, #tpu.memory_space<hbm>> -> memref<1x2048xf32, #tpu.memory_space<hbm>>
      %dma_wait3A_1355 = tpu.memref_squeeze %dma_wait3A_1354 : memref<1x2048xf32, #tpu.memory_space<hbm>> -> memref<2048xf32, #tpu.memory_space<hbm>>
      tpu.wait_dma2 semaphore(%run_scoped3A : memref<!tpu.dma_semaphore, #tpu.memory_space<semaphore_mem>>) src(%dma_wait3A_1355 : memref<2048xf32, #tpu.memory_space<hbm>>) dst(%arg16 : memref<2048xf32, #tpu.memory_space<vmem>>)
      tpu.yield
    }) : () -> ()
    "tpu.region"() ({
      %run_scoped3A = tpu.sem_alloc : memref<!tpu.dma_semaphore, #tpu.memory_space<semaphore_mem>>
      %dma_start3A = arith.constant 0 : i32
      %dma_start3A_1346 = tpu.memref_slice %arg7[%add3A, %dma_start3A] : memref<32x2048xf32, #tpu.memory_space<hbm>> -> memref<1x2048xf32, #tpu.memory_space<hbm>>
      %dma_start3A_1347 = tpu.memref_squeeze %dma_start3A_1346 : memref<1x2048xf32, #tpu.memory_space<hbm>> -> memref<2048xf32, #tpu.memory_space<hbm>>
      %dma_start3A_1348 = arith.constant 0 : i32
      %dma_start3A_1349 = tpu.memref_slice %arg7[%add3A, %dma_start3A_1348] : memref<32x2048xf32, #tpu.memory_space<hbm>> -> memref<1x2048xf32, #tpu.memory_space<hbm>>
      %dma_start3A_1350 = tpu.memref_squeeze %dma_start3A_1349 : memref<1x2048xf32, #tpu.memory_space<hbm>> -> memref<2048xf32, #tpu.memory_space<hbm>>
      tpu.enqueue_dma source(%dma_start3A_1350 : memref<2048xf32, #tpu.memory_space<hbm>>) target(%arg17 : memref<2048xf32, #tpu.memory_space<vmem>>) target_semaphore(%run_scoped3A : memref<!tpu.dma_semaphore, #tpu.memory_space<semaphore_mem>>)
      %dma_wait3A = arith.constant 0 : i32
      %dma_wait3A_1351 = tpu.memref_slice %arg7[%add3A, %dma_wait3A] : memref<32x2048xf32, #tpu.memory_space<hbm>> -> memref<1x2048xf32, #tpu.memory_space<hbm>>
      %dma_wait3A_1352 = tpu.memref_squeeze %dma_wait3A_1351 : memref<1x2048xf32, #tpu.memory_space<hbm>> -> memref<2048xf32, #tpu.memory_space<hbm>>
      %dma_wait3A_1353 = arith.constant 0 : i32
      %dma_wait3A_1354 = tpu.memref_slice %arg7[%add3A, %dma_wait3A_1353] : memref<32x2048xf32, #tpu.memory_space<hbm>> -> memref<1x2048xf32, #tpu.memory_space<hbm>>
      %dma_wait3A_1355 = tpu.memref_squeeze %dma_wait3A_1354 : memref<1x2048xf32, #tpu.memory_space<hbm>> -> memref<2048xf32, #tpu.memory_space<hbm>>
      tpu.wait_dma2 semaphore(%run_scoped3A : memref<!tpu.dma_semaphore, #tpu.memory_space<semaphore_mem>>) src(%dma_wait3A_1355 : memref<2048xf32, #tpu.memory_space<hbm>>) dst(%arg17 : memref<2048xf32, #tpu.memory_space<vmem>>)
      tpu.yield
    }) : () -> ()
    %iota3A = tpu.iota {dimensions = array<i32: 0>} : vector<16xi32>
    %mul3A_1 = arith.constant 321 : i32
    %mul3A_2 = vector.broadcast %mul3A_1 : i32 to vector<16xi32>
    %mul3A_3 = arith.muli %iota3A, %mul3A_2 : vector<16xi32>
    %scan3A = arith.constant 0 : i32
    %scan3A_4 = arith.constant 0 : i32
    %scan3A_5 = arith.constant 258 : i32
    %scan3A_6 = arith.addi %scan3A_4, %scan3A_5 : i32
    %scan3A_7 = arith.constant 1 : i32
    scf.for %scan3A_1346 = %scan3A_4 to %scan3A_6 step %scan3A_7  : i32 {
      %broadcast_in_dim3A_1347 = arith.constant 0 : i32
      %broadcast_in_dim3A_1348 = vector.broadcast %broadcast_in_dim3A_1347 : i32 to vector<16xi32>
      %mul3A_1349 = arith.constant 16 : i32
      %mul3A_1350 = arith.muli %scan3A_1346, %mul3A_1349 : i32
      %swap3A_1351 = arith.index_cast %mul3A_1350 : i32 to index
      %swap3A_1352 = tpu.vector_load %arg18[%swap3A_1351] {strides = array<i32>} : memref<4128xi32, #tpu.memory_space<vmem>>, vector<16xi32>,
      tpu.vector_store %arg18[%swap3A_1351], %broadcast_in_dim3A_1348 {strides = array<i32>} : memref<4128xi32, #tpu.memory_space<vmem>>, vector<16xi32>,
      %mul3A_1353 = arith.constant 16 : i32
      %mul3A_1354 = arith.muli %scan3A_1346, %mul3A_1353 : i32
      %swap3A_1355 = arith.index_cast %mul3A_1354 : i32 to index
      %swap3A_1356 = tpu.vector_load %arg19[%swap3A_1355] {strides = array<i32>} : memref<4128xi32, #tpu.memory_space<vmem>>, vector<16xi32>,
      tpu.vector_store %arg19[%swap3A_1355], %broadcast_in_dim3A_1348 {strides = array<i32>} : memref<4128xi32, #tpu.memory_space<vmem>>, vector<16xi32>,
    }
    %scan3A_8 = arith.constant 258 : i32
    %broadcast_in_dim3A = arith.constant 0 : i32
    %broadcast_in_dim3A_9 = vector.broadcast %broadcast_in_dim3A : i32 to vector<16xi32>
    %scan3A_10 = arith.constant 0 : i32
    %scan3A_11 = arith.constant 128 : i32
    %scan3A_12 = arith.addi %scan3A_10, %scan3A_11 : i32
    %scan3A_13 = arith.constant 1 : i32
    %scan3A_14 = scf.for %scan3A_1346 = %scan3A_10 to %scan3A_12 step %scan3A_13 iter_args(%scan3A_1347 = %broadcast_in_dim3A_9) -> (vector<16xi32>)  : i32 {
      %mul3A_1348 = arith.constant 32 : i32
      %mul3A_1349 = arith.muli %mul3A_1348, %scan3A_1346 : i32
      %add3A_1350 = arith.addi %add3A, %mul3A_1349 : i32
      %mul3A_1351 = arith.constant 16 : i32
      %mul3A_1352 = arith.muli %scan3A_1346, %mul3A_1351 : i32
      %get3A = arith.index_cast %mul3A_1352 : i32 to index
      %get3A_1353 = tpu.vector_load %arg15[%get3A] {strides = array<i32>} : memref<2048xf32, #tpu.memory_space<vmem>>, vector<16xf32>,
      %mul3A_1354 = arith.constant 16 : i32
      %mul3A_1355 = arith.muli %scan3A_1346, %mul3A_1354 : i32
      %get3A_1356 = arith.index_cast %mul3A_1355 : i32 to index
      %get3A_1357 = tpu.vector_load %arg16[%get3A_1356] {strides = array<i32>} : memref<2048xf32, #tpu.memory_space<vmem>>, vector<16xf32>,
      %mul3A_1358 = arith.constant 16 : i32
      %mul3A_1359 = arith.muli %scan3A_1346, %mul3A_1358 : i32
      %get3A_1360 = arith.index_cast %mul3A_1359 : i32 to index
      %get3A_1361 = tpu.vector_load %arg17[%get3A_1360] {strides = array<i32>} : memref<2048xf32, #tpu.memory_space<vmem>>, vector<16xf32>,
      %broadcast_in_dim3A_1362 = vector.broadcast %add3A_1350 : i32 to vector<16xi32>
      %jit3A_1363 = arith.constant 16 : i32
      %div3A_1364 = arith.divsi %add3A_1350, %jit3A_1363 : i32
      %sign3A_1365 = arith.constant 0 : i32
      %sign3A_1366 = arith.cmpi sgt, %add3A_1350, %sign3A_1365 : i32
      %sign3A_1367 = arith.extui %sign3A_1366 : i1 to i32
      %sign3A_1368 = arith.constant 0 : i32
      %sign3A_1369 = arith.cmpi slt, %add3A_1350, %sign3A_1368 : i32
      %sign3A_1370 = arith.extui %sign3A_1369 : i1 to i32
      %sign3A_1371 = arith.subi %sign3A_1367, %sign3A_1370 : i32
      %sign3A_1372 = arith.constant 0 : i32
      %sign3A_1373 = arith.cmpi sgt, %jit3A_1363, %sign3A_1372 : i32
      %sign3A_1374 = arith.extui %sign3A_1373 : i1 to i32
      %sign3A_1375 = arith.constant 0 : i32
      %sign3A_1376 = arith.cmpi slt, %jit3A_1363, %sign3A_1375 : i32
      %sign3A_1377 = arith.extui %sign3A_1376 : i1 to i32
      %sign3A_1378 = arith.subi %sign3A_1374, %sign3A_1377 : i32
      %ne3A_1379 = arith.cmpi ne, %sign3A_1371, %sign3A_1378 : i32
      %rem3A_1380 = arith.remsi %add3A_1350, %jit3A_1363 : i32
      %ne3A_1381 = arith.constant 0 : i32
      %ne3A_1382 = arith.cmpi ne, %rem3A_1380, %ne3A_1381 : i32
      %and3A_1383 = arith.andi %ne3A_1379, %ne3A_1382 : i1
      %sub3A_1384 = arith.constant 1 : i32
      %sub3A_1385 = arith.subi %div3A_1364, %sub3A_1384 : i32
      %select_n3A_1386 = arith.select %and3A_1383, %sub3A_1385, %div3A_1364 : i32
      %jit3A_1387 = arith.constant 2 : i32
      %div3A_1388 = arith.divsi %select_n3A_1386, %jit3A_1387 : i32
      %sign3A_1389 = arith.constant 0 : i32
      %sign3A_1390 = arith.cmpi sgt, %select_n3A_1386, %sign3A_1389 : i32
      %sign3A_1391 = arith.extui %sign3A_1390 : i1 to i32
      %sign3A_1392 = arith.constant 0 : i32
      %sign3A_1393 = arith.cmpi slt, %select_n3A_1386, %sign3A_1392 : i32
      %sign3A_1394 = arith.extui %sign3A_1393 : i1 to i32
      %sign3A_1395 = arith.subi %sign3A_1391, %sign3A_1394 : i32
      %sign3A_1396 = arith.constant 0 : i32
      %sign3A_1397 = arith.cmpi sgt, %jit3A_1387, %sign3A_1396 : i32
      %sign3A_1398 = arith.extui %sign3A_1397 : i1 to i32
      %sign3A_1399 = arith.constant 0 : i32
      %sign3A_1400 = arith.cmpi slt, %jit3A_1387, %sign3A_1399 : i32
      %sign3A_1401 = arith.extui %sign3A_1400 : i1 to i32
      %sign3A_1402 = arith.subi %sign3A_1398, %sign3A_1401 : i32
      %ne3A_1403 = arith.cmpi ne, %sign3A_1395, %sign3A_1402 : i32
      %rem3A_1404 = arith.remsi %select_n3A_1386, %jit3A_1387 : i32
      %ne3A_1405 = arith.constant 0 : i32
      %ne3A_1406 = arith.cmpi ne, %rem3A_1404, %ne3A_1405 : i32
      %and3A_1407 = arith.andi %ne3A_1403, %ne3A_1406 : i1
      %sub3A_1408 = arith.constant 1 : i32
      %sub3A_1409 = arith.subi %div3A_1388, %sub3A_1408 : i32
      %select_n3A_1410 = arith.select %and3A_1407, %sub3A_1409, %div3A_1388 : i32
      %while3A_1411 = arith.constant 128 : i32
      %while3A_1412 = arith.subi %while3A_1411, %select_n3A_1410 : i32
      %while3A_1413 = arith.addi %select_n3A_1410, %while3A_1412 : i32
      %while3A_1414 = arith.constant 1 : i32
      %while3A_1415 = arith.divsi %while3A_1412, %while3A_1414 : i32
      %while3A_1416 = arith.muli %while3A_1415, %while3A_1414 : i32
      %while3A_1417 = arith.addi %select_n3A_1410, %while3A_1416 : i32
      %while3A_1418 = arith.constant 1 : i32
      %while3A_1419 = scf.for %while3A_1422 = %select_n3A_1410 to %while3A_1417 step %while3A_1418 iter_args(%while3A_1423 = %scan3A_1347) -> (vector<16xi32>)  : i32 {
        %mul3A_1424 = arith.constant 2 : i32
        %mul3A_1425 = arith.muli %mul3A_1424, %while3A_1422 : i32
        %add3A_1426 = arith.constant 0 : i32
        %add3A_1427 = arith.addi %mul3A_1425, %add3A_1426 : i32
        %mul3A_1428 = arith.constant 16 : i32
        %mul3A_1429 = arith.muli %add3A_1427, %mul3A_1428 : i32
        %get3A_1430 = arith.index_cast %mul3A_1429 : i32 to index
        %get3A_1431 = tpu.vector_load %arg12[%get3A_1430] {strides = array<i32>} : memref<4096xf32, #tpu.memory_space<vmem>>, vector<16xf32>,
        %sub3A_1432 = arith.subf %get3A_1431, %get3A_1353 : vector<16xf32>
        %abs3A = math.absf %sub3A_1432 : vector<16xf32>
        %sub3A_1433 = arith.constant 1.000000e+00 : f32
        %sub3A_1434 = vector.broadcast %sub3A_1433 : f32 to vector<16xf32>
        %sub3A_1435 = arith.subf %sub3A_1434, %abs3A : vector<16xf32>
        %min3A_1436 = arith.minimumf %abs3A, %sub3A_1435 : vector<16xf32>
        %get3A_1437 = arith.index_cast %mul3A_1429 : i32 to index
        %get3A_1438 = tpu.vector_load %arg13[%get3A_1437] {strides = array<i32>} : memref<4096xf32, #tpu.memory_space<vmem>>, vector<16xf32>,
        %sub3A_1439 = arith.subf %get3A_1438, %get3A_1357 : vector<16xf32>
        %abs3A_1440 = math.absf %sub3A_1439 : vector<16xf32>
        %sub3A_1441 = arith.constant 1.000000e+00 : f32
        %sub3A_1442 = vector.broadcast %sub3A_1441 : f32 to vector<16xf32>
        %sub3A_1443 = arith.subf %sub3A_1442, %abs3A_1440 : vector<16xf32>
        %min3A_1444 = arith.minimumf %abs3A_1440, %sub3A_1443 : vector<16xf32>
        %get3A_1445 = arith.index_cast %mul3A_1429 : i32 to index
        %get3A_1446 = tpu.vector_load %arg14[%get3A_1445] {strides = array<i32>} : memref<4096xf32, #tpu.memory_space<vmem>>, vector<16xf32>,
        %sub3A_1447 = arith.subf %get3A_1446, %get3A_1361 : vector<16xf32>
        %abs3A_1448 = math.absf %sub3A_1447 : vector<16xf32>
        %sub3A_1449 = arith.constant 1.000000e+00 : f32
        %sub3A_1450 = vector.broadcast %sub3A_1449 : f32 to vector<16xf32>
        %sub3A_1451 = arith.subf %sub3A_1450, %abs3A_1448 : vector<16xf32>
        %min3A_1452 = arith.minimumf %abs3A_1448, %sub3A_1451 : vector<16xf32>
        %mul3A_1453 = arith.mulf %min3A_1436, %min3A_1436 : vector<16xf32>
        %mul3A_1454 = arith.mulf %min3A_1444, %min3A_1444 : vector<16xf32>
        %add3A_1455 = arith.addf %mul3A_1453, %mul3A_1454 : vector<16xf32>
        %mul3A_1456 = arith.mulf %min3A_1452, %min3A_1452 : vector<16xf32>
        %add3A_1457 = arith.addf %add3A_1455, %mul3A_1456 : vector<16xf32>
        %add3A_1458 = vector.broadcast %mul3A_1429 : i32 to vector<16xi32>
        %add3A_1459 = arith.addi %add3A_1458, %iota3A : vector<16xi32>
        %lt3A = arith.constant 1.440000e-02 : f32
        %lt3A_1460 = vector.broadcast %lt3A : f32 to vector<16xf32>
        %lt3A_1461 = arith.cmpf olt, %add3A_1457, %lt3A_1460 : vector<16xf32>
        %ne3A_1462 = arith.constant 0.000000e+00 : f32
        %ne3A_1463 = vector.broadcast %ne3A_1462 : f32 to vector<16xf32>
        %ne3A_1464 = arith.cmpf one, %add3A_1457, %ne3A_1463 : vector<16xf32>
        %and3A_1465 = arith.andi %lt3A_1461, %ne3A_1464 : vector<16xi1>
        %gt3A = vector.broadcast %add3A_1350 : i32 to vector<16xi32>
        %gt3A_1466 = arith.cmpi sgt, %add3A_1459, %gt3A : vector<16xi32>
        %and3A_1467 = arith.andi %and3A_1465, %gt3A_1466 : vector<16xi1>
        %add3A_1468 = arith.addi %mul3A_3, %while3A_1423 : vector<16xi32>
        tpu.vector_store_idx %arg21[%add3A_1468], %broadcast_in_dim3A_1362 masked %and3A_1467 : memref<5136xi32, #tpu.memory_space<vmem>>[vector<16xi32>], vector<16xi32>, vector<16xi1>
        tpu.vector_store_idx %arg22[%add3A_1468], %add3A_1459 masked %and3A_1467 : memref<5136xi32, #tpu.memory_space<vmem>>[vector<16xi32>], vector<16xi32>, vector<16xi1>
        tpu.vector_store_idx %arg23[%add3A_1468], %add3A_1457 masked %and3A_1467 : memref<5136xf32, #tpu.memory_space<vmem>>[vector<16xi32>], vector<16xf32>, vector<16xi1>
        %convert_element_type3A = arith.extui %and3A_1467 : vector<16xi1> to vector<16xi32>
        %add3A_1469 = arith.addi %while3A_1423, %convert_element_type3A : vector<16xi32>
        %min3A_1470 = arith.constant 320 : i32
        %min3A_1471 = vector.broadcast %min3A_1470 : i32 to vector<16xi32>
        %min3A_1472 = arith.minsi %add3A_1469, %min3A_1471 : vector<16xi32>
        %mul3A_1473 = arith.constant 2 : i32
        %mul3A_1474 = arith.muli %mul3A_1473, %while3A_1422 : i32
        %add3A_1475 = arith.constant 1 : i32
        %add3A_1476 = arith.addi %mul3A_1474, %add3A_1475 : i32
        %mul3A_1477 = arith.constant 16 : i32
        %mul3A_1478 = arith.muli %add3A_1476, %mul3A_1477 : i32
        %get3A_1479 = arith.index_cast %mul3A_1478 : i32 to index
        %get3A_1480 = tpu.vector_load %arg12[%get3A_1479] {strides = array<i32>} : memref<4096xf32, #tpu.memory_space<vmem>>, vector<16xf32>,
        %sub3A_1481 = arith.subf %get3A_1480, %get3A_1353 : vector<16xf32>
        %abs3A_1482 = math.absf %sub3A_1481 : vector<16xf32>
        %sub3A_1483 = arith.constant 1.000000e+00 : f32
        %sub3A_1484 = vector.broadcast %sub3A_1483 : f32 to vector<16xf32>
        %sub3A_1485 = arith.subf %sub3A_1484, %abs3A_1482 : vector<16xf32>
        %min3A_1486 = arith.minimumf %abs3A_1482, %sub3A_1485 : vector<16xf32>
        %get3A_1487 = arith.index_cast %mul3A_1478 : i32 to index
        %get3A_1488 = tpu.vector_load %arg13[%get3A_1487] {strides = array<i32>} : memref<4096xf32, #tpu.memory_space<vmem>>, vector<16xf32>,
        %sub3A_1489 = arith.subf %get3A_1488, %get3A_1357 : vector<16xf32>
        %abs3A_1490 = math.absf %sub3A_1489 : vector<16xf32>
        %sub3A_1491 = arith.constant 1.000000e+00 : f32
        %sub3A_1492 = vector.broadcast %sub3A_1491 : f32 to vector<16xf32>
        %sub3A_1493 = arith.subf %sub3A_1492, %abs3A_1490 : vector<16xf32>
        %min3A_1494 = arith.minimumf %abs3A_1490, %sub3A_1493 : vector<16xf32>
        %get3A_1495 = arith.index_cast %mul3A_1478 : i32 to index
        %get3A_1496 = tpu.vector_load %arg14[%get3A_1495] {strides = array<i32>} : memref<4096xf32, #tpu.memory_space<vmem>>, vector<16xf32>,
        %sub3A_1497 = arith.subf %get3A_1496, %get3A_1361 : vector<16xf32>
        %abs3A_1498 = math.absf %sub3A_1497 : vector<16xf32>
        %sub3A_1499 = arith.constant 1.000000e+00 : f32
        %sub3A_1500 = vector.broadcast %sub3A_1499 : f32 to vector<16xf32>
        %sub3A_1501 = arith.subf %sub3A_1500, %abs3A_1498 : vector<16xf32>
        %min3A_1502 = arith.minimumf %abs3A_1498, %sub3A_1501 : vector<16xf32>
        %mul3A_1503 = arith.mulf %min3A_1486, %min3A_1486 : vector<16xf32>
        %mul3A_1504 = arith.mulf %min3A_1494, %min3A_1494 : vector<16xf32>
        %add3A_1505 = arith.addf %mul3A_1503, %mul3A_1504 : vector<16xf32>
        %mul3A_1506 = arith.mulf %min3A_1502, %min3A_1502 : vector<16xf32>
        %add3A_1507 = arith.addf %add3A_1505, %mul3A_1506 : vector<16xf32>
        %add3A_1508 = vector.broadcast %mul3A_1478 : i32 to vector<16xi32>
        %add3A_1509 = arith.addi %add3A_1508, %iota3A : vector<16xi32>
        %lt3A_1510 = arith.constant 1.440000e-02 : f32
        %lt3A_1511 = vector.broadcast %lt3A_1510 : f32 to vector<16xf32>
        %lt3A_1512 = arith.cmpf olt, %add3A_1507, %lt3A_1511 : vector<16xf32>
        %ne3A_1513 = arith.constant 0.000000e+00 : f32
        %ne3A_1514 = vector.broadcast %ne3A_1513 : f32 to vector<16xf32>
        %ne3A_1515 = arith.cmpf one, %add3A_1507, %ne3A_1514 : vector<16xf32>
        %and3A_1516 = arith.andi %lt3A_1512, %ne3A_1515 : vector<16xi1>
        %gt3A_1517 = vector.broadcast %add3A_1350 : i32 to vector<16xi32>
        %gt3A_1518 = arith.cmpi sgt, %add3A_1509, %gt3A_1517 : vector<16xi32>
        %and3A_1519 = arith.andi %and3A_1516, %gt3A_1518 : vector<16xi1>
        %add3A_1520 = arith.addi %mul3A_3, %min3A_1472 : vector<16xi32>
        tpu.vector_store_idx %arg21[%add3A_1520], %broadcast_in_dim3A_1362 masked %and3A_1519 : memref<5136xi32, #tpu.memory_space<vmem>>[vector<16xi32>], vector<16xi32>, vector<16xi1>
        tpu.vector_store_idx %arg22[%add3A_1520], %add3A_1509 masked %and3A_1519 : memref<5136xi32, #tpu.memory_space<vmem>>[vector<16xi32>], vector<16xi32>, vector<16xi1>
        tpu.vector_store_idx %arg23[%add3A_1520], %add3A_1507 masked %and3A_1519 : memref<5136xf32, #tpu.memory_space<vmem>>[vector<16xi32>], vector<16xf32>, vector<16xi1>
        %convert_element_type3A_1521 = arith.extui %and3A_1519 : vector<16xi1> to vector<16xi32>
        %add3A_1522 = arith.addi %min3A_1472, %convert_element_type3A_1521 : vector<16xi32>
        %min3A_1523 = arith.constant 320 : i32
        %min3A_1524 = vector.broadcast %min3A_1523 : i32 to vector<16xi32>
        %min3A_1525 = arith.minsi %add3A_1522, %min3A_1524 : vector<16xi32>
        scf.yield %min3A_1525 : vector<16xi32>
      }
      %while3A_1420 = arith.constant 1 : i32
      %while3A_1421 = scf.for %while3A_1422 = %while3A_1417 to %while3A_1413 step %while3A_1420 iter_args(%while3A_1423 = %while3A_1419) -> (vector<16xi32>)  : i32 {
        %mul3A_1424 = arith.constant 2 : i32
        %mul3A_1425 = arith.muli %mul3A_1424, %while3A_1422 : i32
        %add3A_1426 = arith.constant 0 : i32
        %add3A_1427 = arith.addi %mul3A_1425, %add3A_1426 : i32
        %mul3A_1428 = arith.constant 16 : i32
        %mul3A_1429 = arith.muli %add3A_1427, %mul3A_1428 : i32
        %get3A_1430 = arith.index_cast %mul3A_1429 : i32 to index
        %get3A_1431 = tpu.vector_load %arg12[%get3A_1430] {strides = array<i32>} : memref<4096xf32, #tpu.memory_space<vmem>>, vector<16xf32>,
        %sub3A_1432 = arith.subf %get3A_1431, %get3A_1353 : vector<16xf32>
        %abs3A = math.absf %sub3A_1432 : vector<16xf32>
        %sub3A_1433 = arith.constant 1.000000e+00 : f32
        %sub3A_1434 = vector.broadcast %sub3A_1433 : f32 to vector<16xf32>
        %sub3A_1435 = arith.subf %sub3A_1434, %abs3A : vector<16xf32>
        %min3A_1436 = arith.minimumf %abs3A, %sub3A_1435 : vector<16xf32>
        %get3A_1437 = arith.index_cast %mul3A_1429 : i32 to index
        %get3A_1438 = tpu.vector_load %arg13[%get3A_1437] {strides = array<i32>} : memref<4096xf32, #tpu.memory_space<vmem>>, vector<16xf32>,
        %sub3A_1439 = arith.subf %get3A_1438, %get3A_1357 : vector<16xf32>
        %abs3A_1440 = math.absf %sub3A_1439 : vector<16xf32>
        %sub3A_1441 = arith.constant 1.000000e+00 : f32
        %sub3A_1442 = vector.broadcast %sub3A_1441 : f32 to vector<16xf32>
        %sub3A_1443 = arith.subf %sub3A_1442, %abs3A_1440 : vector<16xf32>
        %min3A_1444 = arith.minimumf %abs3A_1440, %sub3A_1443 : vector<16xf32>
        %get3A_1445 = arith.index_cast %mul3A_1429 : i32 to index
        %get3A_1446 = tpu.vector_load %arg14[%get3A_1445] {strides = array<i32>} : memref<4096xf32, #tpu.memory_space<vmem>>, vector<16xf32>,
        %sub3A_1447 = arith.subf %get3A_1446, %get3A_1361 : vector<16xf32>
        %abs3A_1448 = math.absf %sub3A_1447 : vector<16xf32>
        %sub3A_1449 = arith.constant 1.000000e+00 : f32
        %sub3A_1450 = vector.broadcast %sub3A_1449 : f32 to vector<16xf32>
        %sub3A_1451 = arith.subf %sub3A_1450, %abs3A_1448 : vector<16xf32>
        %min3A_1452 = arith.minimumf %abs3A_1448, %sub3A_1451 : vector<16xf32>
        %mul3A_1453 = arith.mulf %min3A_1436, %min3A_1436 : vector<16xf32>
        %mul3A_1454 = arith.mulf %min3A_1444, %min3A_1444 : vector<16xf32>
        %add3A_1455 = arith.addf %mul3A_1453, %mul3A_1454 : vector<16xf32>
        %mul3A_1456 = arith.mulf %min3A_1452, %min3A_1452 : vector<16xf32>
        %add3A_1457 = arith.addf %add3A_1455, %mul3A_1456 : vector<16xf32>
        %add3A_1458 = vector.broadcast %mul3A_1429 : i32 to vector<16xi32>
        %add3A_1459 = arith.addi %add3A_1458, %iota3A : vector<16xi32>
        %lt3A = arith.constant 1.440000e-02 : f32
        %lt3A_1460 = vector.broadcast %lt3A : f32 to vector<16xf32>
        %lt3A_1461 = arith.cmpf olt, %add3A_1457, %lt3A_1460 : vector<16xf32>
        %ne3A_1462 = arith.constant 0.000000e+00 : f32
        %ne3A_1463 = vector.broadcast %ne3A_1462 : f32 to vector<16xf32>
        %ne3A_1464 = arith.cmpf one, %add3A_1457, %ne3A_1463 : vector<16xf32>
        %and3A_1465 = arith.andi %lt3A_1461, %ne3A_1464 : vector<16xi1>
        %gt3A = vector.broadcast %add3A_1350 : i32 to vector<16xi32>
        %gt3A_1466 = arith.cmpi sgt, %add3A_1459, %gt3A : vector<16xi32>
        %and3A_1467 = arith.andi %and3A_1465, %gt3A_1466 : vector<16xi1>
        %add3A_1468 = arith.addi %mul3A_3, %while3A_1423 : vector<16xi32>
        tpu.vector_store_idx %arg21[%add3A_1468], %broadcast_in_dim3A_1362 masked %and3A_1467 : memref<5136xi32, #tpu.memory_space<vmem>>[vector<16xi32>], vector<16xi32>, vector<16xi1>
        tpu.vector_store_idx %arg22[%add3A_1468], %add3A_1459 masked %and3A_1467 : memref<5136xi32, #tpu.memory_space<vmem>>[vector<16xi32>], vector<16xi32>, vector<16xi1>
        tpu.vector_store_idx %arg23[%add3A_1468], %add3A_1457 masked %and3A_1467 : memref<5136xf32, #tpu.memory_space<vmem>>[vector<16xi32>], vector<16xf32>, vector<16xi1>
        %convert_element_type3A = arith.extui %and3A_1467 : vector<16xi1> to vector<16xi32>
        %add3A_1469 = arith.addi %while3A_1423, %convert_element_type3A : vector<16xi32>
        %min3A_1470 = arith.constant 320 : i32
        %min3A_1471 = vector.broadcast %min3A_1470 : i32 to vector<16xi32>
        %min3A_1472 = arith.minsi %add3A_1469, %min3A_1471 : vector<16xi32>
        %mul3A_1473 = arith.constant 2 : i32
        %mul3A_1474 = arith.muli %mul3A_1473, %while3A_1422 : i32
        %add3A_1475 = arith.constant 1 : i32
        %add3A_1476 = arith.addi %mul3A_1474, %add3A_1475 : i32
        %mul3A_1477 = arith.constant 16 : i32
        %mul3A_1478 = arith.muli %add3A_1476, %mul3A_1477 : i32
        %get3A_1479 = arith.index_cast %mul3A_1478 : i32 to index
        %get3A_1480 = tpu.vector_load %arg12[%get3A_1479] {strides = array<i32>} : memref<4096xf32, #tpu.memory_space<vmem>>, vector<16xf32>,
        %sub3A_1481 = arith.subf %get3A_1480, %get3A_1353 : vector<16xf32>
        %abs3A_1482 = math.absf %sub3A_1481 : vector<16xf32>
        %sub3A_1483 = arith.constant 1.000000e+00 : f32
        %sub3A_1484 = vector.broadcast %sub3A_1483 : f32 to vector<16xf32>
        %sub3A_1485 = arith.subf %sub3A_1484, %abs3A_1482 : vector<16xf32>
        %min3A_1486 = arith.minimumf %abs3A_1482, %sub3A_1485 : vector<16xf32>
        %get3A_1487 = arith.index_cast %mul3A_1478 : i32 to index
        %get3A_1488 = tpu.vector_load %arg13[%get3A_1487] {strides = array<i32>} : memref<4096xf32, #tpu.memory_space<vmem>>, vector<16xf32>,
        %sub3A_1489 = arith.subf %get3A_1488, %get3A_1357 : vector<16xf32>
        %abs3A_1490 = math.absf %sub3A_1489 : vector<16xf32>
        %sub3A_1491 = arith.constant 1.000000e+00 : f32
        %sub3A_1492 = vector.broadcast %sub3A_1491 : f32 to vector<16xf32>
        %sub3A_1493 = arith.subf %sub3A_1492, %abs3A_1490 : vector<16xf32>
        %min3A_1494 = arith.minimumf %abs3A_1490, %sub3A_1493 : vector<16xf32>
        %get3A_1495 = arith.index_cast %mul3A_1478 : i32 to index
        %get3A_1496 = tpu.vector_load %arg14[%get3A_1495] {strides = array<i32>} : memref<4096xf32, #tpu.memory_space<vmem>>, vector<16xf32>,
        %sub3A_1497 = arith.subf %get3A_1496, %get3A_1361 : vector<16xf32>
        %abs3A_1498 = math.absf %sub3A_1497 : vector<16xf32>
        %sub3A_1499 = arith.constant 1.000000e+00 : f32
        %sub3A_1500 = vector.broadcast %sub3A_1499 : f32 to vector<16xf32>
        %sub3A_1501 = arith.subf %sub3A_1500, %abs3A_1498 : vector<16xf32>
        %min3A_1502 = arith.minimumf %abs3A_1498, %sub3A_1501 : vector<16xf32>
        %mul3A_1503 = arith.mulf %min3A_1486, %min3A_1486 : vector<16xf32>
        %mul3A_1504 = arith.mulf %min3A_1494, %min3A_1494 : vector<16xf32>
        %add3A_1505 = arith.addf %mul3A_1503, %mul3A_1504 : vector<16xf32>
        %mul3A_1506 = arith.mulf %min3A_1502, %min3A_1502 : vector<16xf32>
        %add3A_1507 = arith.addf %add3A_1505, %mul3A_1506 : vector<16xf32>
        %add3A_1508 = vector.broadcast %mul3A_1478 : i32 to vector<16xi32>
        %add3A_1509 = arith.addi %add3A_1508, %iota3A : vector<16xi32>
        %lt3A_1510 = arith.constant 1.440000e-02 : f32
        %lt3A_1511 = vector.broadcast %lt3A_1510 : f32 to vector<16xf32>
        %lt3A_1512 = arith.cmpf olt, %add3A_1507, %lt3A_1511 : vector<16xf32>
        %ne3A_1513 = arith.constant 0.000000e+00 : f32
        %ne3A_1514 = vector.broadcast %ne3A_1513 : f32 to vector<16xf32>
        %ne3A_1515 = arith.cmpf one, %add3A_1507, %ne3A_1514 : vector<16xf32>
        %and3A_1516 = arith.andi %lt3A_1512, %ne3A_1515 : vector<16xi1>
        %gt3A_1517 = vector.broadcast %add3A_1350 : i32 to vector<16xi32>
        %gt3A_1518 = arith.cmpi sgt, %add3A_1509, %gt3A_1517 : vector<16xi32>
        %and3A_1519 = arith.andi %and3A_1516, %gt3A_1518 : vector<16xi1>
        %add3A_1520 = arith.addi %mul3A_3, %min3A_1472 : vector<16xi32>
        tpu.vector_store_idx %arg21[%add3A_1520], %broadcast_in_dim3A_1362 masked %and3A_1519 : memref<5136xi32, #tpu.memory_space<vmem>>[vector<16xi32>], vector<16xi32>, vector<16xi1>
        tpu.vector_store_idx %arg22[%add3A_1520], %add3A_1509 masked %and3A_1519 : memref<5136xi32, #tpu.memory_space<vmem>>[vector<16xi32>], vector<16xi32>, vector<16xi1>
        tpu.vector_store_idx %arg23[%add3A_1520], %add3A_1507 masked %and3A_1519 : memref<5136xf32, #tpu.memory_space<vmem>>[vector<16xi32>], vector<16xf32>, vector<16xi1>
        %convert_element_type3A_1521 = arith.extui %and3A_1519 : vector<16xi1> to vector<16xi32>
        %add3A_1522 = arith.addi %min3A_1472, %convert_element_type3A_1521 : vector<16xi32>
        %min3A_1523 = arith.constant 320 : i32
        %min3A_1524 = vector.broadcast %min3A_1523 : i32 to vector<16xi32>
        %min3A_1525 = arith.minsi %add3A_1522, %min3A_1524 : vector<16xi32>
        scf.yield %min3A_1525 : vector<16xi32>
      }
      scf.yield %while3A_1421 : vector<16xi32>
    }
    %scan3A_15 = arith.constant 128 : i32
    %eq3A = arith.constant 0 : i32
    %eq3A_16 = vector.broadcast %eq3A : i32 to vector<16xi32>
    %eq3A_17 = arith.cmpi eq, %iota3A, %eq3A_16 : vector<16xi32>
    %jit3A = arith.constant 0 : i32
    %broadcast_in_dim3A_18 = vector.broadcast %jit3A : i32 to vector<16xi32>
    %select_n3A = arith.select %eq3A_17, %scan3A_14, %broadcast_in_dim3A_18 : vector<16xi1>, vector<16xi32>
    %reduce_sum3A = arith.constant true
    %reduce_sum3A_19 = vector.broadcast %reduce_sum3A : i1 to vector<16xi1>
    %reduce_sum3A_20 = tpu.scan <sum>, %select_n3A masked %reduce_sum3A_19 : vector<16xi32>, vector<16xi1> -> vector<16xi32>
    %reduce_sum3A_21 = vector.extract %reduce_sum3A_20[15] : i32 from vector<16xi32>
    %add3A_22 = arith.constant 16 : i32
    %add3A_23 = arith.addi %reduce_sum3A_21, %add3A_22 : i32
    %sub3A = arith.constant 1 : i32
    %sub3A_24 = arith.subi %add3A_23, %sub3A : i32
    %jit3A_25 = arith.constant 16 : i32
    %div3A = arith.divsi %sub3A_24, %jit3A_25 : i32
    %sign3A = arith.constant 0 : i32
    %sign3A_26 = arith.cmpi sgt, %sub3A_24, %sign3A : i32
    %sign3A_27 = arith.extui %sign3A_26 : i1 to i32
    %sign3A_28 = arith.constant 0 : i32
    %sign3A_29 = arith.cmpi slt, %sub3A_24, %sign3A_28 : i32
    %sign3A_30 = arith.extui %sign3A_29 : i1 to i32
    %sign3A_31 = arith.subi %sign3A_27, %sign3A_30 : i32
    %sign3A_32 = arith.constant 0 : i32
    %sign3A_33 = arith.cmpi sgt, %jit3A_25, %sign3A_32 : i32
    %sign3A_34 = arith.extui %sign3A_33 : i1 to i32
    %sign3A_35 = arith.constant 0 : i32
    %sign3A_36 = arith.cmpi slt, %jit3A_25, %sign3A_35 : i32
    %sign3A_37 = arith.extui %sign3A_36 : i1 to i32
    %sign3A_38 = arith.subi %sign3A_34, %sign3A_37 : i32
    %ne3A = arith.cmpi ne, %sign3A_31, %sign3A_38 : i32
    %rem3A = arith.remsi %sub3A_24, %jit3A_25 : i32
    %ne3A_39 = arith.constant 0 : i32
    %ne3A_40 = arith.cmpi ne, %rem3A, %ne3A_39 : i32
    %and3A = arith.andi %ne3A, %ne3A_40 : i1
    %sub3A_41 = arith.constant 1 : i32
    %sub3A_42 = arith.subi %div3A, %sub3A_41 : i32
    %select_n3A_43 = arith.select %and3A, %sub3A_42, %div3A : i32
    %sub3A_44 = arith.constant 4096 : i32
    %sub3A_45 = arith.constant 0 : i32
    %sub3A_46 = arith.subi %sub3A_44, %sub3A_45 : i32
    %add3A_47 = arith.constant 16 : i32
    %add3A_48 = arith.addi %sub3A_46, %add3A_47 : i32
    %sub3A_49 = arith.constant 1 : i32
    %sub3A_50 = arith.subi %add3A_48, %sub3A_49 : i32
    %jit3A_51 = arith.constant 16 : i32
    %div3A_52 = arith.divsi %sub3A_50, %jit3A_51 : i32
    %sign3A_53 = arith.constant 0 : i32
    %sign3A_54 = arith.cmpi sgt, %sub3A_50, %sign3A_53 : i32
    %sign3A_55 = arith.extui %sign3A_54 : i1 to i32
    %sign3A_56 = arith.constant 0 : i32
    %sign3A_57 = arith.cmpi slt, %sub3A_50, %sign3A_56 : i32
    %sign3A_58 = arith.extui %sign3A_57 : i1 to i32
    %sign3A_59 = arith.subi %sign3A_55, %sign3A_58 : i32
    %sign3A_60 = arith.constant 0 : i32
    %sign3A_61 = arith.cmpi sgt, %jit3A_51, %sign3A_60 : i32
    %sign3A_62 = arith.extui %sign3A_61 : i1 to i32
    %sign3A_63 = arith.constant 0 : i32
    %sign3A_64 = arith.cmpi slt, %jit3A_51, %sign3A_63 : i32
    %sign3A_65 = arith.extui %sign3A_64 : i1 to i32
    %sign3A_66 = arith.subi %sign3A_62, %sign3A_65 : i32
    %ne3A_67 = arith.cmpi ne, %sign3A_59, %sign3A_66 : i32
    %rem3A_68 = arith.remsi %sub3A_50, %jit3A_51 : i32
    %ne3A_69 = arith.constant 0 : i32
    %ne3A_70 = arith.cmpi ne, %rem3A_68, %ne3A_69 : i32
    %and3A_71 = arith.andi %ne3A_67, %ne3A_70 : i1
    %sub3A_72 = arith.constant 1 : i32
    %sub3A_73 = arith.subi %div3A_52, %sub3A_72 : i32
    %select_n3A_74 = arith.select %and3A_71, %sub3A_73, %div3A_52 : i32
    %min3A = arith.minsi %select_n3A_43, %select_n3A_74 : i32
    %max3A = arith.constant 0 : i32
    %max3A_75 = arith.maxsi %max3A, %min3A : i32
    %while3A = arith.constant 0 : i32
    %while3A_76 = arith.constant 0 : i32
    %while3A_77 = arith.constant 0 : i32
    %while3A_78 = arith.subi %max3A_75, %while3A_77 : i32
    %while3A_79 = arith.addi %while3A_77, %while3A_78 : i32
    %while3A_80 = arith.constant 1 : i32
    %while3A_81 = arith.divsi %while3A_78, %while3A_80 : i32
    %while3A_82 = arith.muli %while3A_81, %while3A_80 : i32
    %while3A_83 = arith.addi %while3A_77, %while3A_82 : i32
    %while3A_84 = arith.constant 1 : i32
    scf.for %while3A_1346 = %while3A_77 to %while3A_83 step %while3A_84  : i32 {
      %mul3A_1347 = arith.constant 16 : i32
      %mul3A_1348 = arith.muli %while3A_1346, %mul3A_1347 : i32
      %add3A_1349 = arith.constant 0 : i32
      %add3A_1350 = arith.addi %add3A_1349, %mul3A_1348 : i32
      %mul3A_1351 = arith.constant 16 : i32
      %mul3A_1352 = arith.muli %while3A_1346, %mul3A_1351 : i32
      %add3A_1353 = arith.addi %while3A_76, %mul3A_1352 : i32
      %get3A = arith.index_cast %add3A_1350 : i32 to index
      %get3A_1354 = tpu.vector_load %arg21[%get3A] {strides = array<i32>} : memref<5136xi32, #tpu.memory_space<vmem>>, vector<16xi32>,
      %swap3A_1355 = arith.index_cast %add3A_1353 : i32 to index
      %swap3A_1356 = tpu.vector_load %arg18[%swap3A_1355] {strides = array<i32>} : memref<4128xi32, #tpu.memory_space<vmem>>, vector<16xi32>,
      tpu.vector_store %arg18[%swap3A_1355], %get3A_1354 {strides = array<i32>} : memref<4128xi32, #tpu.memory_space<vmem>>, vector<16xi32>,
      %get3A_1357 = arith.index_cast %add3A_1350 : i32 to index
      %get3A_1358 = tpu.vector_load %arg22[%get3A_1357] {strides = array<i32>} : memref<5136xi32, #tpu.memory_space<vmem>>, vector<16xi32>,
      %swap3A_1359 = arith.index_cast %add3A_1353 : i32 to index
      %swap3A_1360 = tpu.vector_load %arg19[%swap3A_1359] {strides = array<i32>} : memref<4128xi32, #tpu.memory_space<vmem>>, vector<16xi32>,
      tpu.vector_store %arg19[%swap3A_1359], %get3A_1358 {strides = array<i32>} : memref<4128xi32, #tpu.memory_space<vmem>>, vector<16xi32>,
      %get3A_1361 = arith.index_cast %add3A_1350 : i32 to index
      %get3A_1362 = tpu.vector_load %arg23[%get3A_1361] {strides = array<i32>} : memref<5136xf32, #tpu.memory_space<vmem>>, vector<16xf32>,
      %swap3A_1363 = arith.index_cast %add3A_1353 : i32 to index
      %swap3A_1364 = tpu.vector_load %arg20[%swap3A_1363] {strides = array<i32>} : memref<4128xf32, #tpu.memory_space<vmem>>, vector<16xf32>,
      tpu.vector_store %arg20[%swap3A_1363], %get3A_1362 {strides = array<i32>} : memref<4128xf32, #tpu.memory_space<vmem>>, vector<16xf32>,
    }
    %while3A_85 = arith.constant 1 : i32
    scf.for %while3A_1346 = %while3A_83 to %while3A_79 step %while3A_85  : i32 {
      %mul3A_1347 = arith.constant 16 : i32
      %mul3A_1348 = arith.muli %while3A_1346, %mul3A_1347 : i32
      %add3A_1349 = arith.constant 0 : i32
      %add3A_1350 = arith.addi %add3A_1349, %mul3A_1348 : i32
      %mul3A_1351 = arith.constant 16 : i32
      %mul3A_1352 = arith.muli %while3A_1346, %mul3A_1351 : i32
      %add3A_1353 = arith.addi %while3A_76, %mul3A_1352 : i32
      %get3A = arith.index_cast %add3A_1350 : i32 to index
      %get3A_1354 = tpu.vector_load %arg21[%get3A] {strides = array<i32>} : memref<5136xi32, #tpu.memory_space<vmem>>, vector<16xi32>,
      %swap3A_1355 = arith.index_cast %add3A_1353 : i32 to index
      %swap3A_1356 = tpu.vector_load %arg18[%swap3A_1355] {strides = array<i32>} : memref<4128xi32, #tpu.memory_space<vmem>>, vector<16xi32>,
      tpu.vector_store %arg18[%swap3A_1355], %get3A_1354 {strides = array<i32>} : memref<4128xi32, #tpu.memory_space<vmem>>, vector<16xi32>,
      %get3A_1357 = arith.index_cast %add3A_1350 : i32 to index
      %get3A_1358 = tpu.vector_load %arg22[%get3A_1357] {strides = array<i32>} : memref<5136xi32, #tpu.memory_space<vmem>>, vector<16xi32>,
      %swap3A_1359 = arith.index_cast %add3A_1353 : i32 to index
      %swap3A_1360 = tpu.vector_load %arg19[%swap3A_1359] {strides = array<i32>} : memref<4128xi32, #tpu.memory_space<vmem>>, vector<16xi32>,
      tpu.vector_store %arg19[%swap3A_1359], %get3A_1358 {strides = array<i32>} : memref<4128xi32, #tpu.memory_space<vmem>>, vector<16xi32>,
      %get3A_1361 = arith.index_cast %add3A_1350 : i32 to index
      %get3A_1362 = tpu.vector_load %arg23[%get3A_1361] {strides = array<i32>} : memref<5136xf32, #tpu.memory_space<vmem>>, vector<16xf32>,
      %swap3A_1363 = arith.index_cast %add3A_1353 : i32 to index
      %swap3A_1364 = tpu.vector_load %arg20[%swap3A_1363] {strides = array<i32>} : memref<4128xf32, #tpu.memory_space<vmem>>, vector<16xf32>,
      tpu.vector_store %arg20[%swap3A_1363], %get3A_1362 {strides = array<i32>} : memref<4128xf32, #tpu.memory_space<vmem>>, vector<16xf32>,
    }
    %add3A_86 = arith.constant 0 : i32
    %add3A_87 = arith.addi %add3A_86, %reduce_sum3A_21 : i32
    %eq3A_88 = arith.constant 1 : i32
    %eq3A_89 = vector.broadcast %eq3A_88 : i32 to vector<16xi32>
    %eq3A_90 = arith.cmpi eq, %iota3A, %eq3A_89 : vector<16xi32>
    %jit3A_91 = arith.constant 0 : i32
    %broadcast_in_dim3A_92 = vector.broadcast %jit3A_91 : i32 to vector<16xi32>
    %select_n3A_93 = arith.select %eq3A_90, %scan3A_14, %broadcast_in_dim3A_92 : vector<16xi1>, vector<16xi32>
    %reduce_sum3A_94 = arith.constant true
    %reduce_sum3A_95 = vector.broadcast %reduce_sum3A_94 : i1 to vector<16xi1>
    %reduce_sum3A_96 = tpu.scan <sum>, %select_n3A_93 masked %reduce_sum3A_95 : vector<16xi32>, vector<16xi1> -> vector<16xi32>
    %reduce_sum3A_97 = vector.extract %reduce_sum3A_96[15] : i32 from vector<16xi32>
    %add3A_98 = arith.constant 16 : i32
    %add3A_99 = arith.addi %reduce_sum3A_97, %add3A_98 : i32
    %sub3A_100 = arith.constant 1 : i32
    %sub3A_101 = arith.subi %add3A_99, %sub3A_100 : i32
    %jit3A_102 = arith.constant 16 : i32
    %div3A_103 = arith.divsi %sub3A_101, %jit3A_102 : i32
    %sign3A_104 = arith.constant 0 : i32
    %sign3A_105 = arith.cmpi sgt, %sub3A_101, %sign3A_104 : i32
    %sign3A_106 = arith.extui %sign3A_105 : i1 to i32
    %sign3A_107 = arith.constant 0 : i32
    %sign3A_108 = arith.cmpi slt, %sub3A_101, %sign3A_107 : i32
    %sign3A_109 = arith.extui %sign3A_108 : i1 to i32
    %sign3A_110 = arith.subi %sign3A_106, %sign3A_109 : i32
    %sign3A_111 = arith.constant 0 : i32
    %sign3A_112 = arith.cmpi sgt, %jit3A_102, %sign3A_111 : i32
    %sign3A_113 = arith.extui %sign3A_112 : i1 to i32
    %sign3A_114 = arith.constant 0 : i32
    %sign3A_115 = arith.cmpi slt, %jit3A_102, %sign3A_114 : i32
    %sign3A_116 = arith.extui %sign3A_115 : i1 to i32
    %sign3A_117 = arith.subi %sign3A_113, %sign3A_116 : i32
    %ne3A_118 = arith.cmpi ne, %sign3A_110, %sign3A_117 : i32
    %rem3A_119 = arith.remsi %sub3A_101, %jit3A_102 : i32
    %ne3A_120 = arith.constant 0 : i32
    %ne3A_121 = arith.cmpi ne, %rem3A_119, %ne3A_120 : i32
    %and3A_122 = arith.andi %ne3A_118, %ne3A_121 : i1
    %sub3A_123 = arith.constant 1 : i32
    %sub3A_124 = arith.subi %div3A_103, %sub3A_123 : i32
    %select_n3A_125 = arith.select %and3A_122, %sub3A_124, %div3A_103 : i32
    %sub3A_126 = arith.constant 4096 : i32
    %sub3A_127 = arith.subi %sub3A_126, %add3A_87 : i32
    %add3A_128 = arith.constant 16 : i32
    %add3A_129 = arith.addi %sub3A_127, %add3A_128 : i32
    %sub3A_130 = arith.constant 1 : i32
    %sub3A_131 = arith.subi %add3A_129, %sub3A_130 : i32
    %jit3A_132 = arith.constant 16 : i32
    %div3A_133 = arith.divsi %sub3A_131, %jit3A_132 : i32
    %sign3A_134 = arith.constant 0 : i32
    %sign3A_135 = arith.cmpi sgt, %sub3A_131, %sign3A_134 : i32
    %sign3A_136 = arith.extui %sign3A_135 : i1 to i32
    %sign3A_137 = arith.constant 0 : i32
    %sign3A_138 = arith.cmpi slt, %sub3A_131, %sign3A_137 : i32
    %sign3A_139 = arith.extui %sign3A_138 : i1 to i32
    %sign3A_140 = arith.subi %sign3A_136, %sign3A_139 : i32
    %sign3A_141 = arith.constant 0 : i32
    %sign3A_142 = arith.cmpi sgt, %jit3A_132, %sign3A_141 : i32
    %sign3A_143 = arith.extui %sign3A_142 : i1 to i32
    %sign3A_144 = arith.constant 0 : i32
    %sign3A_145 = arith.cmpi slt, %jit3A_132, %sign3A_144 : i32
    %sign3A_146 = arith.extui %sign3A_145 : i1 to i32
    %sign3A_147 = arith.subi %sign3A_143, %sign3A_146 : i32
    %ne3A_148 = arith.cmpi ne, %sign3A_140, %sign3A_147 : i32
    %rem3A_149 = arith.remsi %sub3A_131, %jit3A_132 : i32
    %ne3A_150 = arith.constant 0 : i32
    %ne3A_151 = arith.cmpi ne, %rem3A_149, %ne3A_150 : i32
    %and3A_152 = arith.andi %ne3A_148, %ne3A_151 : i1
    %sub3A_153 = arith.constant 1 : i32
    %sub3A_154 = arith.subi %div3A_133, %sub3A_153 : i32
    %select_n3A_155 = arith.select %and3A_152, %sub3A_154, %div3A_133 : i32
    %min3A_156 = arith.minsi %select_n3A_125, %select_n3A_155 : i32
    %max3A_157 = arith.constant 0 : i32
    %max3A_158 = arith.maxsi %max3A_157, %min3A_156 : i32
    %while3A_159 = arith.constant 0 : i32
    %while3A_160 = arith.constant 0 : i32
    %while3A_161 = arith.subi %max3A_158, %while3A_160 : i32
    %while3A_162 = arith.addi %while3A_160, %while3A_161 : i32
    %while3A_163 = arith.constant 1 : i32
    %while3A_164 = arith.divsi %while3A_161, %while3A_163 : i32
    %while3A_165 = arith.muli %while3A_164, %while3A_163 : i32
    %while3A_166 = arith.addi %while3A_160, %while3A_165 : i32
    %while3A_167 = arith.constant 1 : i32
    scf.for %while3A_1346 = %while3A_160 to %while3A_166 step %while3A_167  : i32 {
      %mul3A_1347 = arith.constant 16 : i32
      %mul3A_1348 = arith.muli %while3A_1346, %mul3A_1347 : i32
      %add3A_1349 = arith.constant 321 : i32
      %add3A_1350 = arith.addi %add3A_1349, %mul3A_1348 : i32
      %mul3A_1351 = arith.constant 16 : i32
      %mul3A_1352 = arith.muli %while3A_1346, %mul3A_1351 : i32
      %add3A_1353 = arith.addi %add3A_87, %mul3A_1352 : i32
      %get3A = arith.index_cast %add3A_1350 : i32 to index
      %get3A_1354 = tpu.vector_load %arg21[%get3A] {strides = array<i32>} : memref<5136xi32, #tpu.memory_space<vmem>>, vector<16xi32>,
      %swap3A_1355 = arith.index_cast %add3A_1353 : i32 to index
      %swap3A_1356 = tpu.vector_load %arg18[%swap3A_1355] {strides = array<i32>} : memref<4128xi32, #tpu.memory_space<vmem>>, vector<16xi32>,
      tpu.vector_store %arg18[%swap3A_1355], %get3A_1354 {strides = array<i32>} : memref<4128xi32, #tpu.memory_space<vmem>>, vector<16xi32>,
      %get3A_1357 = arith.index_cast %add3A_1350 : i32 to index
      %get3A_1358 = tpu.vector_load %arg22[%get3A_1357] {strides = array<i32>} : memref<5136xi32, #tpu.memory_space<vmem>>, vector<16xi32>,
      %swap3A_1359 = arith.index_cast %add3A_1353 : i32 to index
      %swap3A_1360 = tpu.vector_load %arg19[%swap3A_1359] {strides = array<i32>} : memref<4128xi32, #tpu.memory_space<vmem>>, vector<16xi32>,
      tpu.vector_store %arg19[%swap3A_1359], %get3A_1358 {strides = array<i32>} : memref<4128xi32, #tpu.memory_space<vmem>>, vector<16xi32>,
      %get3A_1361 = arith.index_cast %add3A_1350 : i32 to index
      %get3A_1362 = tpu.vector_load %arg23[%get3A_1361] {strides = array<i32>} : memref<5136xf32, #tpu.memory_space<vmem>>, vector<16xf32>,
      %swap3A_1363 = arith.index_cast %add3A_1353 : i32 to index
      %swap3A_1364 = tpu.vector_load %arg20[%swap3A_1363] {strides = array<i32>} : memref<4128xf32, #tpu.memory_space<vmem>>, vector<16xf32>,
      tpu.vector_store %arg20[%swap3A_1363], %get3A_1362 {strides = array<i32>} : memref<4128xf32, #tpu.memory_space<vmem>>, vector<16xf32>,
    }
    %while3A_168 = arith.constant 1 : i32
    scf.for %while3A_1346 = %while3A_166 to %while3A_162 step %while3A_168  : i32 {
      %mul3A_1347 = arith.constant 16 : i32
      %mul3A_1348 = arith.muli %while3A_1346, %mul3A_1347 : i32
      %add3A_1349 = arith.constant 321 : i32
      %add3A_1350 = arith.addi %add3A_1349, %mul3A_1348 : i32
      %mul3A_1351 = arith.constant 16 : i32
      %mul3A_1352 = arith.muli %while3A_1346, %mul3A_1351 : i32
      %add3A_1353 = arith.addi %add3A_87, %mul3A_1352 : i32
      %get3A = arith.index_cast %add3A_1350 : i32 to index
      %get3A_1354 = tpu.vector_load %arg21[%get3A] {strides = array<i32>} : memref<5136xi32, #tpu.memory_space<vmem>>, vector<16xi32>,
      %swap3A_1355 = arith.index_cast %add3A_1353 : i32 to index
      %swap3A_1356 = tpu.vector_load %arg18[%swap3A_1355] {strides = array<i32>} : memref<4128xi32, #tpu.memory_space<vmem>>, vector<16xi32>,
      tpu.vector_store %arg18[%swap3A_1355], %get3A_1354 {strides = array<i32>} : memref<4128xi32, #tpu.memory_space<vmem>>, vector<16xi32>,
      %get3A_1357 = arith.index_cast %add3A_1350 : i32 to index
      %get3A_1358 = tpu.vector_load %arg22[%get3A_1357] {strides = array<i32>} : memref<5136xi32, #tpu.memory_space<vmem>>, vector<16xi32>,
      %swap3A_1359 = arith.index_cast %add3A_1353 : i32 to index
      %swap3A_1360 = tpu.vector_load %arg19[%swap3A_1359] {strides = array<i32>} : memref<4128xi32, #tpu.memory_space<vmem>>, vector<16xi32>,
      tpu.vector_store %arg19[%swap3A_1359], %get3A_1358 {strides = array<i32>} : memref<4128xi32, #tpu.memory_space<vmem>>, vector<16xi32>,
      %get3A_1361 = arith.index_cast %add3A_1350 : i32 to index
      %get3A_1362 = tpu.vector_load %arg23[%get3A_1361] {strides = array<i32>} : memref<5136xf32, #tpu.memory_space<vmem>>, vector<16xf32>,
      %swap3A_1363 = arith.index_cast %add3A_1353 : i32 to index
      %swap3A_1364 = tpu.vector_load %arg20[%swap3A_1363] {strides = array<i32>} : memref<4128xf32, #tpu.memory_space<vmem>>, vector<16xf32>,
      tpu.vector_store %arg20[%swap3A_1363], %get3A_1362 {strides = array<i32>} : memref<4128xf32, #tpu.memory_space<vmem>>, vector<16xf32>,
    }
    %add3A_169 = arith.addi %add3A_87, %reduce_sum3A_97 : i32
    %eq3A_170 = arith.constant 2 : i32
    %eq3A_171 = vector.broadcast %eq3A_170 : i32 to vector<16xi32>
    %eq3A_172 = arith.cmpi eq, %iota3A, %eq3A_171 : vector<16xi32>
    %jit3A_173 = arith.constant 0 : i32
    %broadcast_in_dim3A_174 = vector.broadcast %jit3A_173 : i32 to vector<16xi32>
    %select_n3A_175 = arith.select %eq3A_172, %scan3A_14, %broadcast_in_dim3A_174 : vector<16xi1>, vector<16xi32>
    %reduce_sum3A_176 = arith.constant true
    %reduce_sum3A_177 = vector.broadcast %reduce_sum3A_176 : i1 to vector<16xi1>
    %reduce_sum3A_178 = tpu.scan <sum>, %select_n3A_175 masked %reduce_sum3A_177 : vector<16xi32>, vector<16xi1> -> vector<16xi32>
    %reduce_sum3A_179 = vector.extract %reduce_sum3A_178[15] : i32 from vector<16xi32>
    %add3A_180 = arith.constant 16 : i32
    %add3A_181 = arith.addi %reduce_sum3A_179, %add3A_180 : i32
    %sub3A_182 = arith.constant 1 : i32
    %sub3A_183 = arith.subi %add3A_181, %sub3A_182 : i32
    %jit3A_184 = arith.constant 16 : i32
    %div3A_185 = arith.divsi %sub3A_183, %jit3A_184 : i32
    %sign3A_186 = arith.constant 0 : i32
    %sign3A_187 = arith.cmpi sgt, %sub3A_183, %sign3A_186 : i32
    %sign3A_188 = arith.extui %sign3A_187 : i1 to i32
    %sign3A_189 = arith.constant 0 : i32
    %sign3A_190 = arith.cmpi slt, %sub3A_183, %sign3A_189 : i32
    %sign3A_191 = arith.extui %sign3A_190 : i1 to i32
    %sign3A_192 = arith.subi %sign3A_188, %sign3A_191 : i32
    %sign3A_193 = arith.constant 0 : i32
    %sign3A_194 = arith.cmpi sgt, %jit3A_184, %sign3A_193 : i32
    %sign3A_195 = arith.extui %sign3A_194 : i1 to i32
    %sign3A_196 = arith.constant 0 : i32
    %sign3A_197 = arith.cmpi slt, %jit3A_184, %sign3A_196 : i32
    %sign3A_198 = arith.extui %sign3A_197 : i1 to i32
    %sign3A_199 = arith.subi %sign3A_195, %sign3A_198 : i32
    %ne3A_200 = arith.cmpi ne, %sign3A_192, %sign3A_199 : i32
    %rem3A_201 = arith.remsi %sub3A_183, %jit3A_184 : i32
    %ne3A_202 = arith.constant 0 : i32
    %ne3A_203 = arith.cmpi ne, %rem3A_201, %ne3A_202 : i32
    %and3A_204 = arith.andi %ne3A_200, %ne3A_203 : i1
    %sub3A_205 = arith.constant 1 : i32
    %sub3A_206 = arith.subi %div3A_185, %sub3A_205 : i32
    %select_n3A_207 = arith.select %and3A_204, %sub3A_206, %div3A_185 : i32
    %sub3A_208 = arith.constant 4096 : i32
    %sub3A_209 = arith.subi %sub3A_208, %add3A_169 : i32
    %add3A_210 = arith.constant 16 : i32
    %add3A_211 = arith.addi %sub3A_209, %add3A_210 : i32
    %sub3A_212 = arith.constant 1 : i32
    %sub3A_213 = arith.subi %add3A_211, %sub3A_212 : i32
    %jit3A_214 = arith.constant 16 : i32
    %div3A_215 = arith.divsi %sub3A_213, %jit3A_214 : i32
    %sign3A_216 = arith.constant 0 : i32
    %sign3A_217 = arith.cmpi sgt, %sub3A_213, %sign3A_216 : i32
    %sign3A_218 = arith.extui %sign3A_217 : i1 to i32
    %sign3A_219 = arith.constant 0 : i32
    %sign3A_220 = arith.cmpi slt, %sub3A_213, %sign3A_219 : i32
    %sign3A_221 = arith.extui %sign3A_220 : i1 to i32
    %sign3A_222 = arith.subi %sign3A_218, %sign3A_221 : i32
    %sign3A_223 = arith.constant 0 : i32
    %sign3A_224 = arith.cmpi sgt, %jit3A_214, %sign3A_223 : i32
    %sign3A_225 = arith.extui %sign3A_224 : i1 to i32
    %sign3A_226 = arith.constant 0 : i32
    %sign3A_227 = arith.cmpi slt, %jit3A_214, %sign3A_226 : i32
    %sign3A_228 = arith.extui %sign3A_227 : i1 to i32
    %sign3A_229 = arith.subi %sign3A_225, %sign3A_228 : i32
    %ne3A_230 = arith.cmpi ne, %sign3A_222, %sign3A_229 : i32
    %rem3A_231 = arith.remsi %sub3A_213, %jit3A_214 : i32
    %ne3A_232 = arith.constant 0 : i32
    %ne3A_233 = arith.cmpi ne, %rem3A_231, %ne3A_232 : i32
    %and3A_234 = arith.andi %ne3A_230, %ne3A_233 : i1
    %sub3A_235 = arith.constant 1 : i32
    %sub3A_236 = arith.subi %div3A_215, %sub3A_235 : i32
    %select_n3A_237 = arith.select %and3A_234, %sub3A_236, %div3A_215 : i32
    %min3A_238 = arith.minsi %select_n3A_207, %select_n3A_237 : i32
    %max3A_239 = arith.constant 0 : i32
    %max3A_240 = arith.maxsi %max3A_239, %min3A_238 : i32
    %while3A_241 = arith.constant 0 : i32
    %while3A_242 = arith.constant 0 : i32
    %while3A_243 = arith.subi %max3A_240, %while3A_242 : i32
    %while3A_244 = arith.addi %while3A_242, %while3A_243 : i32
    %while3A_245 = arith.constant 1 : i32
    %while3A_246 = arith.divsi %while3A_243, %while3A_245 : i32
    %while3A_247 = arith.muli %while3A_246, %while3A_245 : i32
    %while3A_248 = arith.addi %while3A_242, %while3A_247 : i32
    %while3A_249 = arith.constant 1 : i32
    scf.for %while3A_1346 = %while3A_242 to %while3A_248 step %while3A_249  : i32 {
      %mul3A_1347 = arith.constant 16 : i32
      %mul3A_1348 = arith.muli %while3A_1346, %mul3A_1347 : i32
      %add3A_1349 = arith.constant 642 : i32
      %add3A_1350 = arith.addi %add3A_1349, %mul3A_1348 : i32
      %mul3A_1351 = arith.constant 16 : i32
      %mul3A_1352 = arith.muli %while3A_1346, %mul3A_1351 : i32
      %add3A_1353 = arith.addi %add3A_169, %mul3A_1352 : i32
      %get3A = arith.index_cast %add3A_1350 : i32 to index
      %get3A_1354 = tpu.vector_load %arg21[%get3A] {strides = array<i32>} : memref<5136xi32, #tpu.memory_space<vmem>>, vector<16xi32>,
      %swap3A_1355 = arith.index_cast %add3A_1353 : i32 to index
      %swap3A_1356 = tpu.vector_load %arg18[%swap3A_1355] {strides = array<i32>} : memref<4128xi32, #tpu.memory_space<vmem>>, vector<16xi32>,
      tpu.vector_store %arg18[%swap3A_1355], %get3A_1354 {strides = array<i32>} : memref<4128xi32, #tpu.memory_space<vmem>>, vector<16xi32>,
      %get3A_1357 = arith.index_cast %add3A_1350 : i32 to index
      %get3A_1358 = tpu.vector_load %arg22[%get3A_1357] {strides = array<i32>} : memref<5136xi32, #tpu.memory_space<vmem>>, vector<16xi32>,
      %swap3A_1359 = arith.index_cast %add3A_1353 : i32 to index
      %swap3A_1360 = tpu.vector_load %arg19[%swap3A_1359] {strides = array<i32>} : memref<4128xi32, #tpu.memory_space<vmem>>, vector<16xi32>,
      tpu.vector_store %arg19[%swap3A_1359], %get3A_1358 {strides = array<i32>} : memref<4128xi32, #tpu.memory_space<vmem>>, vector<16xi32>,
      %get3A_1361 = arith.index_cast %add3A_1350 : i32 to index
      %get3A_1362 = tpu.vector_load %arg23[%get3A_1361] {strides = array<i32>} : memref<5136xf32, #tpu.memory_space<vmem>>, vector<16xf32>,
      %swap3A_1363 = arith.index_cast %add3A_1353 : i32 to index
      %swap3A_1364 = tpu.vector_load %arg20[%swap3A_1363] {strides = array<i32>} : memref<4128xf32, #tpu.memory_space<vmem>>, vector<16xf32>,
      tpu.vector_store %arg20[%swap3A_1363], %get3A_1362 {strides = array<i32>} : memref<4128xf32, #tpu.memory_space<vmem>>, vector<16xf32>,
    }
    %while3A_250 = arith.constant 1 : i32
    scf.for %while3A_1346 = %while3A_248 to %while3A_244 step %while3A_250  : i32 {
      %mul3A_1347 = arith.constant 16 : i32
      %mul3A_1348 = arith.muli %while3A_1346, %mul3A_1347 : i32
      %add3A_1349 = arith.constant 642 : i32
      %add3A_1350 = arith.addi %add3A_1349, %mul3A_1348 : i32
      %mul3A_1351 = arith.constant 16 : i32
      %mul3A_1352 = arith.muli %while3A_1346, %mul3A_1351 : i32
      %add3A_1353 = arith.addi %add3A_169, %mul3A_1352 : i32
      %get3A = arith.index_cast %add3A_1350 : i32 to index
      %get3A_1354 = tpu.vector_load %arg21[%get3A] {strides = array<i32>} : memref<5136xi32, #tpu.memory_space<vmem>>, vector<16xi32>,
      %swap3A_1355 = arith.index_cast %add3A_1353 : i32 to index
      %swap3A_1356 = tpu.vector_load %arg18[%swap3A_1355] {strides = array<i32>} : memref<4128xi32, #tpu.memory_space<vmem>>, vector<16xi32>,
      tpu.vector_store %arg18[%swap3A_1355], %get3A_1354 {strides = array<i32>} : memref<4128xi32, #tpu.memory_space<vmem>>, vector<16xi32>,
      %get3A_1357 = arith.index_cast %add3A_1350 : i32 to index
      %get3A_1358 = tpu.vector_load %arg22[%get3A_1357] {strides = array<i32>} : memref<5136xi32, #tpu.memory_space<vmem>>, vector<16xi32>,
      %swap3A_1359 = arith.index_cast %add3A_1353 : i32 to index
      %swap3A_1360 = tpu.vector_load %arg19[%swap3A_1359] {strides = array<i32>} : memref<4128xi32, #tpu.memory_space<vmem>>, vector<16xi32>,
      tpu.vector_store %arg19[%swap3A_1359], %get3A_1358 {strides = array<i32>} : memref<4128xi32, #tpu.memory_space<vmem>>, vector<16xi32>,
      %get3A_1361 = arith.index_cast %add3A_1350 : i32 to index
      %get3A_1362 = tpu.vector_load %arg23[%get3A_1361] {strides = array<i32>} : memref<5136xf32, #tpu.memory_space<vmem>>, vector<16xf32>,
      %swap3A_1363 = arith.index_cast %add3A_1353 : i32 to index
      %swap3A_1364 = tpu.vector_load %arg20[%swap3A_1363] {strides = array<i32>} : memref<4128xf32, #tpu.memory_space<vmem>>, vector<16xf32>,
      tpu.vector_store %arg20[%swap3A_1363], %get3A_1362 {strides = array<i32>} : memref<4128xf32, #tpu.memory_space<vmem>>, vector<16xf32>,
    }
    %add3A_251 = arith.addi %add3A_169, %reduce_sum3A_179 : i32
    %eq3A_252 = arith.constant 3 : i32
    %eq3A_253 = vector.broadcast %eq3A_252 : i32 to vector<16xi32>
    %eq3A_254 = arith.cmpi eq, %iota3A, %eq3A_253 : vector<16xi32>
    %jit3A_255 = arith.constant 0 : i32
    %broadcast_in_dim3A_256 = vector.broadcast %jit3A_255 : i32 to vector<16xi32>
    %select_n3A_257 = arith.select %eq3A_254, %scan3A_14, %broadcast_in_dim3A_256 : vector<16xi1>, vector<16xi32>
    %reduce_sum3A_258 = arith.constant true
    %reduce_sum3A_259 = vector.broadcast %reduce_sum3A_258 : i1 to vector<16xi1>
    %reduce_sum3A_260 = tpu.scan <sum>, %select_n3A_257 masked %reduce_sum3A_259 : vector<16xi32>, vector<16xi1> -> vector<16xi32>
    %reduce_sum3A_261 = vector.extract %reduce_sum3A_260[15] : i32 from vector<16xi32>
    %add3A_262 = arith.constant 16 : i32
    %add3A_263 = arith.addi %reduce_sum3A_261, %add3A_262 : i32
    %sub3A_264 = arith.constant 1 : i32
    %sub3A_265 = arith.subi %add3A_263, %sub3A_264 : i32
    %jit3A_266 = arith.constant 16 : i32
    %div3A_267 = arith.divsi %sub3A_265, %jit3A_266 : i32
    %sign3A_268 = arith.constant 0 : i32
    %sign3A_269 = arith.cmpi sgt, %sub3A_265, %sign3A_268 : i32
    %sign3A_270 = arith.extui %sign3A_269 : i1 to i32
    %sign3A_271 = arith.constant 0 : i32
    %sign3A_272 = arith.cmpi slt, %sub3A_265, %sign3A_271 : i32
    %sign3A_273 = arith.extui %sign3A_272 : i1 to i32
    %sign3A_274 = arith.subi %sign3A_270, %sign3A_273 : i32
    %sign3A_275 = arith.constant 0 : i32
    %sign3A_276 = arith.cmpi sgt, %jit3A_266, %sign3A_275 : i32
    %sign3A_277 = arith.extui %sign3A_276 : i1 to i32
    %sign3A_278 = arith.constant 0 : i32
    %sign3A_279 = arith.cmpi slt, %jit3A_266, %sign3A_278 : i32
    %sign3A_280 = arith.extui %sign3A_279 : i1 to i32
    %sign3A_281 = arith.subi %sign3A_277, %sign3A_280 : i32
    %ne3A_282 = arith.cmpi ne, %sign3A_274, %sign3A_281 : i32
    %rem3A_283 = arith.remsi %sub3A_265, %jit3A_266 : i32
    %ne3A_284 = arith.constant 0 : i32
    %ne3A_285 = arith.cmpi ne, %rem3A_283, %ne3A_284 : i32
    %and3A_286 = arith.andi %ne3A_282, %ne3A_285 : i1
    %sub3A_287 = arith.constant 1 : i32
    %sub3A_288 = arith.subi %div3A_267, %sub3A_287 : i32
    %select_n3A_289 = arith.select %and3A_286, %sub3A_288, %div3A_267 : i32
    %sub3A_290 = arith.constant 4096 : i32
    %sub3A_291 = arith.subi %sub3A_290, %add3A_251 : i32
    %add3A_292 = arith.constant 16 : i32
    %add3A_293 = arith.addi %sub3A_291, %add3A_292 : i32
    %sub3A_294 = arith.constant 1 : i32
    %sub3A_295 = arith.subi %add3A_293, %sub3A_294 : i32
    %jit3A_296 = arith.constant 16 : i32
    %div3A_297 = arith.divsi %sub3A_295, %jit3A_296 : i32
    %sign3A_298 = arith.constant 0 : i32
    %sign3A_299 = arith.cmpi sgt, %sub3A_295, %sign3A_298 : i32
    %sign3A_300 = arith.extui %sign3A_299 : i1 to i32
    %sign3A_301 = arith.constant 0 : i32
    %sign3A_302 = arith.cmpi slt, %sub3A_295, %sign3A_301 : i32
    %sign3A_303 = arith.extui %sign3A_302 : i1 to i32
    %sign3A_304 = arith.subi %sign3A_300, %sign3A_303 : i32
    %sign3A_305 = arith.constant 0 : i32
    %sign3A_306 = arith.cmpi sgt, %jit3A_296, %sign3A_305 : i32
    %sign3A_307 = arith.extui %sign3A_306 : i1 to i32
    %sign3A_308 = arith.constant 0 : i32
    %sign3A_309 = arith.cmpi slt, %jit3A_296, %sign3A_308 : i32
    %sign3A_310 = arith.extui %sign3A_309 : i1 to i32
    %sign3A_311 = arith.subi %sign3A_307, %sign3A_310 : i32
    %ne3A_312 = arith.cmpi ne, %sign3A_304, %sign3A_311 : i32
    %rem3A_313 = arith.remsi %sub3A_295, %jit3A_296 : i32
    %ne3A_314 = arith.constant 0 : i32
    %ne3A_315 = arith.cmpi ne, %rem3A_313, %ne3A_314 : i32
    %and3A_316 = arith.andi %ne3A_312, %ne3A_315 : i1
    %sub3A_317 = arith.constant 1 : i32
    %sub3A_318 = arith.subi %div3A_297, %sub3A_317 : i32
    %select_n3A_319 = arith.select %and3A_316, %sub3A_318, %div3A_297 : i32
    %min3A_320 = arith.minsi %select_n3A_289, %select_n3A_319 : i32
    %max3A_321 = arith.constant 0 : i32
    %max3A_322 = arith.maxsi %max3A_321, %min3A_320 : i32
    %while3A_323 = arith.constant 0 : i32
    %while3A_324 = arith.constant 0 : i32
    %while3A_325 = arith.subi %max3A_322, %while3A_324 : i32
    %while3A_326 = arith.addi %while3A_324, %while3A_325 : i32
    %while3A_327 = arith.constant 1 : i32
    %while3A_328 = arith.divsi %while3A_325, %while3A_327 : i32
    %while3A_329 = arith.muli %while3A_328, %while3A_327 : i32
    %while3A_330 = arith.addi %while3A_324, %while3A_329 : i32
    %while3A_331 = arith.constant 1 : i32
    scf.for %while3A_1346 = %while3A_324 to %while3A_330 step %while3A_331  : i32 {
      %mul3A_1347 = arith.constant 16 : i32
      %mul3A_1348 = arith.muli %while3A_1346, %mul3A_1347 : i32
      %add3A_1349 = arith.constant 963 : i32
      %add3A_1350 = arith.addi %add3A_1349, %mul3A_1348 : i32
      %mul3A_1351 = arith.constant 16 : i32
      %mul3A_1352 = arith.muli %while3A_1346, %mul3A_1351 : i32
      %add3A_1353 = arith.addi %add3A_251, %mul3A_1352 : i32
      %get3A = arith.index_cast %add3A_1350 : i32 to index
      %get3A_1354 = tpu.vector_load %arg21[%get3A] {strides = array<i32>} : memref<5136xi32, #tpu.memory_space<vmem>>, vector<16xi32>,
      %swap3A_1355 = arith.index_cast %add3A_1353 : i32 to index
      %swap3A_1356 = tpu.vector_load %arg18[%swap3A_1355] {strides = array<i32>} : memref<4128xi32, #tpu.memory_space<vmem>>, vector<16xi32>,
      tpu.vector_store %arg18[%swap3A_1355], %get3A_1354 {strides = array<i32>} : memref<4128xi32, #tpu.memory_space<vmem>>, vector<16xi32>,
      %get3A_1357 = arith.index_cast %add3A_1350 : i32 to index
      %get3A_1358 = tpu.vector_load %arg22[%get3A_1357] {strides = array<i32>} : memref<5136xi32, #tpu.memory_space<vmem>>, vector<16xi32>,
      %swap3A_1359 = arith.index_cast %add3A_1353 : i32 to index
      %swap3A_1360 = tpu.vector_load %arg19[%swap3A_1359] {strides = array<i32>} : memref<4128xi32, #tpu.memory_space<vmem>>, vector<16xi32>,
      tpu.vector_store %arg19[%swap3A_1359], %get3A_1358 {strides = array<i32>} : memref<4128xi32, #tpu.memory_space<vmem>>, vector<16xi32>,
      %get3A_1361 = arith.index_cast %add3A_1350 : i32 to index
      %get3A_1362 = tpu.vector_load %arg23[%get3A_1361] {strides = array<i32>} : memref<5136xf32, #tpu.memory_space<vmem>>, vector<16xf32>,
      %swap3A_1363 = arith.index_cast %add3A_1353 : i32 to index
      %swap3A_1364 = tpu.vector_load %arg20[%swap3A_1363] {strides = array<i32>} : memref<4128xf32, #tpu.memory_space<vmem>>, vector<16xf32>,
      tpu.vector_store %arg20[%swap3A_1363], %get3A_1362 {strides = array<i32>} : memref<4128xf32, #tpu.memory_space<vmem>>, vector<16xf32>,
    }
    %while3A_332 = arith.constant 1 : i32
    scf.for %while3A_1346 = %while3A_330 to %while3A_326 step %while3A_332  : i32 {
      %mul3A_1347 = arith.constant 16 : i32
      %mul3A_1348 = arith.muli %while3A_1346, %mul3A_1347 : i32
      %add3A_1349 = arith.constant 963 : i32
      %add3A_1350 = arith.addi %add3A_1349, %mul3A_1348 : i32
      %mul3A_1351 = arith.constant 16 : i32
      %mul3A_1352 = arith.muli %while3A_1346, %mul3A_1351 : i32
      %add3A_1353 = arith.addi %add3A_251, %mul3A_1352 : i32
      %get3A = arith.index_cast %add3A_1350 : i32 to index
      %get3A_1354 = tpu.vector_load %arg21[%get3A] {strides = array<i32>} : memref<5136xi32, #tpu.memory_space<vmem>>, vector<16xi32>,
      %swap3A_1355 = arith.index_cast %add3A_1353 : i32 to index
      %swap3A_1356 = tpu.vector_load %arg18[%swap3A_1355] {strides = array<i32>} : memref<4128xi32, #tpu.memory_space<vmem>>, vector<16xi32>,
      tpu.vector_store %arg18[%swap3A_1355], %get3A_1354 {strides = array<i32>} : memref<4128xi32, #tpu.memory_space<vmem>>, vector<16xi32>,
      %get3A_1357 = arith.index_cast %add3A_1350 : i32 to index
      %get3A_1358 = tpu.vector_load %arg22[%get3A_1357] {strides = array<i32>} : memref<5136xi32, #tpu.memory_space<vmem>>, vector<16xi32>,
      %swap3A_1359 = arith.index_cast %add3A_1353 : i32 to index
      %swap3A_1360 = tpu.vector_load %arg19[%swap3A_1359] {strides = array<i32>} : memref<4128xi32, #tpu.memory_space<vmem>>, vector<16xi32>,
      tpu.vector_store %arg19[%swap3A_1359], %get3A_1358 {strides = array<i32>} : memref<4128xi32, #tpu.memory_space<vmem>>, vector<16xi32>,
      %get3A_1361 = arith.index_cast %add3A_1350 : i32 to index
      %get3A_1362 = tpu.vector_load %arg23[%get3A_1361] {strides = array<i32>} : memref<5136xf32, #tpu.memory_space<vmem>>, vector<16xf32>,
      %swap3A_1363 = arith.index_cast %add3A_1353 : i32 to index
      %swap3A_1364 = tpu.vector_load %arg20[%swap3A_1363] {strides = array<i32>} : memref<4128xf32, #tpu.memory_space<vmem>>, vector<16xf32>,
      tpu.vector_store %arg20[%swap3A_1363], %get3A_1362 {strides = array<i32>} : memref<4128xf32, #tpu.memory_space<vmem>>, vector<16xf32>,
    }
    %add3A_333 = arith.addi %add3A_251, %reduce_sum3A_261 : i32
    %eq3A_334 = arith.constant 4 : i32
    %eq3A_335 = vector.broadcast %eq3A_334 : i32 to vector<16xi32>
    %eq3A_336 = arith.cmpi eq, %iota3A, %eq3A_335 : vector<16xi32>
    %jit3A_337 = arith.constant 0 : i32
    %broadcast_in_dim3A_338 = vector.broadcast %jit3A_337 : i32 to vector<16xi32>
    %select_n3A_339 = arith.select %eq3A_336, %scan3A_14, %broadcast_in_dim3A_338 : vector<16xi1>, vector<16xi32>
    %reduce_sum3A_340 = arith.constant true
    %reduce_sum3A_341 = vector.broadcast %reduce_sum3A_340 : i1 to vector<16xi1>
    %reduce_sum3A_342 = tpu.scan <sum>, %select_n3A_339 masked %reduce_sum3A_341 : vector<16xi32>, vector<16xi1> -> vector<16xi32>
    %reduce_sum3A_343 = vector.extract %reduce_sum3A_342[15] : i32 from vector<16xi32>
    %add3A_344 = arith.constant 16 : i32
    %add3A_345 = arith.addi %reduce_sum3A_343, %add3A_344 : i32
    %sub3A_346 = arith.constant 1 : i32
    %sub3A_347 = arith.subi %add3A_345, %sub3A_346 : i32
    %jit3A_348 = arith.constant 16 : i32
    %div3A_349 = arith.divsi %sub3A_347, %jit3A_348 : i32
    %sign3A_350 = arith.constant 0 : i32
    %sign3A_351 = arith.cmpi sgt, %sub3A_347, %sign3A_350 : i32
    %sign3A_352 = arith.extui %sign3A_351 : i1 to i32
    %sign3A_353 = arith.constant 0 : i32
    %sign3A_354 = arith.cmpi slt, %sub3A_347, %sign3A_353 : i32
    %sign3A_355 = arith.extui %sign3A_354 : i1 to i32
    %sign3A_356 = arith.subi %sign3A_352, %sign3A_355 : i32
    %sign3A_357 = arith.constant 0 : i32
    %sign3A_358 = arith.cmpi sgt, %jit3A_348, %sign3A_357 : i32
    %sign3A_359 = arith.extui %sign3A_358 : i1 to i32
    %sign3A_360 = arith.constant 0 : i32
    %sign3A_361 = arith.cmpi slt, %jit3A_348, %sign3A_360 : i32
    %sign3A_362 = arith.extui %sign3A_361 : i1 to i32
    %sign3A_363 = arith.subi %sign3A_359, %sign3A_362 : i32
    %ne3A_364 = arith.cmpi ne, %sign3A_356, %sign3A_363 : i32
    %rem3A_365 = arith.remsi %sub3A_347, %jit3A_348 : i32
    %ne3A_366 = arith.constant 0 : i32
    %ne3A_367 = arith.cmpi ne, %rem3A_365, %ne3A_366 : i32
    %and3A_368 = arith.andi %ne3A_364, %ne3A_367 : i1
    %sub3A_369 = arith.constant 1 : i32
    %sub3A_370 = arith.subi %div3A_349, %sub3A_369 : i32
    %select_n3A_371 = arith.select %and3A_368, %sub3A_370, %div3A_349 : i32
    %sub3A_372 = arith.constant 4096 : i32
    %sub3A_373 = arith.subi %sub3A_372, %add3A_333 : i32
    %add3A_374 = arith.constant 16 : i32
    %add3A_375 = arith.addi %sub3A_373, %add3A_374 : i32
    %sub3A_376 = arith.constant 1 : i32
    %sub3A_377 = arith.subi %add3A_375, %sub3A_376 : i32
    %jit3A_378 = arith.constant 16 : i32
    %div3A_379 = arith.divsi %sub3A_377, %jit3A_378 : i32
    %sign3A_380 = arith.constant 0 : i32
    %sign3A_381 = arith.cmpi sgt, %sub3A_377, %sign3A_380 : i32
    %sign3A_382 = arith.extui %sign3A_381 : i1 to i32
    %sign3A_383 = arith.constant 0 : i32
    %sign3A_384 = arith.cmpi slt, %sub3A_377, %sign3A_383 : i32
    %sign3A_385 = arith.extui %sign3A_384 : i1 to i32
    %sign3A_386 = arith.subi %sign3A_382, %sign3A_385 : i32
    %sign3A_387 = arith.constant 0 : i32
    %sign3A_388 = arith.cmpi sgt, %jit3A_378, %sign3A_387 : i32
    %sign3A_389 = arith.extui %sign3A_388 : i1 to i32
    %sign3A_390 = arith.constant 0 : i32
    %sign3A_391 = arith.cmpi slt, %jit3A_378, %sign3A_390 : i32
    %sign3A_392 = arith.extui %sign3A_391 : i1 to i32
    %sign3A_393 = arith.subi %sign3A_389, %sign3A_392 : i32
    %ne3A_394 = arith.cmpi ne, %sign3A_386, %sign3A_393 : i32
    %rem3A_395 = arith.remsi %sub3A_377, %jit3A_378 : i32
    %ne3A_396 = arith.constant 0 : i32
    %ne3A_397 = arith.cmpi ne, %rem3A_395, %ne3A_396 : i32
    %and3A_398 = arith.andi %ne3A_394, %ne3A_397 : i1
    %sub3A_399 = arith.constant 1 : i32
    %sub3A_400 = arith.subi %div3A_379, %sub3A_399 : i32
    %select_n3A_401 = arith.select %and3A_398, %sub3A_400, %div3A_379 : i32
    %min3A_402 = arith.minsi %select_n3A_371, %select_n3A_401 : i32
    %max3A_403 = arith.constant 0 : i32
    %max3A_404 = arith.maxsi %max3A_403, %min3A_402 : i32
    %while3A_405 = arith.constant 0 : i32
    %while3A_406 = arith.constant 0 : i32
    %while3A_407 = arith.subi %max3A_404, %while3A_406 : i32
    %while3A_408 = arith.addi %while3A_406, %while3A_407 : i32
    %while3A_409 = arith.constant 1 : i32
    %while3A_410 = arith.divsi %while3A_407, %while3A_409 : i32
    %while3A_411 = arith.muli %while3A_410, %while3A_409 : i32
    %while3A_412 = arith.addi %while3A_406, %while3A_411 : i32
    %while3A_413 = arith.constant 1 : i32
    scf.for %while3A_1346 = %while3A_406 to %while3A_412 step %while3A_413  : i32 {
      %mul3A_1347 = arith.constant 16 : i32
      %mul3A_1348 = arith.muli %while3A_1346, %mul3A_1347 : i32
      %add3A_1349 = arith.constant 1284 : i32
      %add3A_1350 = arith.addi %add3A_1349, %mul3A_1348 : i32
      %mul3A_1351 = arith.constant 16 : i32
      %mul3A_1352 = arith.muli %while3A_1346, %mul3A_1351 : i32
      %add3A_1353 = arith.addi %add3A_333, %mul3A_1352 : i32
      %get3A = arith.index_cast %add3A_1350 : i32 to index
      %get3A_1354 = tpu.vector_load %arg21[%get3A] {strides = array<i32>} : memref<5136xi32, #tpu.memory_space<vmem>>, vector<16xi32>,
      %swap3A_1355 = arith.index_cast %add3A_1353 : i32 to index
      %swap3A_1356 = tpu.vector_load %arg18[%swap3A_1355] {strides = array<i32>} : memref<4128xi32, #tpu.memory_space<vmem>>, vector<16xi32>,
      tpu.vector_store %arg18[%swap3A_1355], %get3A_1354 {strides = array<i32>} : memref<4128xi32, #tpu.memory_space<vmem>>, vector<16xi32>,
      %get3A_1357 = arith.index_cast %add3A_1350 : i32 to index
      %get3A_1358 = tpu.vector_load %arg22[%get3A_1357] {strides = array<i32>} : memref<5136xi32, #tpu.memory_space<vmem>>, vector<16xi32>,
      %swap3A_1359 = arith.index_cast %add3A_1353 : i32 to index
      %swap3A_1360 = tpu.vector_load %arg19[%swap3A_1359] {strides = array<i32>} : memref<4128xi32, #tpu.memory_space<vmem>>, vector<16xi32>,
      tpu.vector_store %arg19[%swap3A_1359], %get3A_1358 {strides = array<i32>} : memref<4128xi32, #tpu.memory_space<vmem>>, vector<16xi32>,
      %get3A_1361 = arith.index_cast %add3A_1350 : i32 to index
      %get3A_1362 = tpu.vector_load %arg23[%get3A_1361] {strides = array<i32>} : memref<5136xf32, #tpu.memory_space<vmem>>, vector<16xf32>,
      %swap3A_1363 = arith.index_cast %add3A_1353 : i32 to index
      %swap3A_1364 = tpu.vector_load %arg20[%swap3A_1363] {strides = array<i32>} : memref<4128xf32, #tpu.memory_space<vmem>>, vector<16xf32>,
      tpu.vector_store %arg20[%swap3A_1363], %get3A_1362 {strides = array<i32>} : memref<4128xf32, #tpu.memory_space<vmem>>, vector<16xf32>,
    }
    %while3A_414 = arith.constant 1 : i32
    scf.for %while3A_1346 = %while3A_412 to %while3A_408 step %while3A_414  : i32 {
      %mul3A_1347 = arith.constant 16 : i32
      %mul3A_1348 = arith.muli %while3A_1346, %mul3A_1347 : i32
      %add3A_1349 = arith.constant 1284 : i32
      %add3A_1350 = arith.addi %add3A_1349, %mul3A_1348 : i32
      %mul3A_1351 = arith.constant 16 : i32
      %mul3A_1352 = arith.muli %while3A_1346, %mul3A_1351 : i32
      %add3A_1353 = arith.addi %add3A_333, %mul3A_1352 : i32
      %get3A = arith.index_cast %add3A_1350 : i32 to index
      %get3A_1354 = tpu.vector_load %arg21[%get3A] {strides = array<i32>} : memref<5136xi32, #tpu.memory_space<vmem>>, vector<16xi32>,
      %swap3A_1355 = arith.index_cast %add3A_1353 : i32 to index
      %swap3A_1356 = tpu.vector_load %arg18[%swap3A_1355] {strides = array<i32>} : memref<4128xi32, #tpu.memory_space<vmem>>, vector<16xi32>,
      tpu.vector_store %arg18[%swap3A_1355], %get3A_1354 {strides = array<i32>} : memref<4128xi32, #tpu.memory_space<vmem>>, vector<16xi32>,
      %get3A_1357 = arith.index_cast %add3A_1350 : i32 to index
      %get3A_1358 = tpu.vector_load %arg22[%get3A_1357] {strides = array<i32>} : memref<5136xi32, #tpu.memory_space<vmem>>, vector<16xi32>,
      %swap3A_1359 = arith.index_cast %add3A_1353 : i32 to index
      %swap3A_1360 = tpu.vector_load %arg19[%swap3A_1359] {strides = array<i32>} : memref<4128xi32, #tpu.memory_space<vmem>>, vector<16xi32>,
      tpu.vector_store %arg19[%swap3A_1359], %get3A_1358 {strides = array<i32>} : memref<4128xi32, #tpu.memory_space<vmem>>, vector<16xi32>,
      %get3A_1361 = arith.index_cast %add3A_1350 : i32 to index
      %get3A_1362 = tpu.vector_load %arg23[%get3A_1361] {strides = array<i32>} : memref<5136xf32, #tpu.memory_space<vmem>>, vector<16xf32>,
      %swap3A_1363 = arith.index_cast %add3A_1353 : i32 to index
      %swap3A_1364 = tpu.vector_load %arg20[%swap3A_1363] {strides = array<i32>} : memref<4128xf32, #tpu.memory_space<vmem>>, vector<16xf32>,
      tpu.vector_store %arg20[%swap3A_1363], %get3A_1362 {strides = array<i32>} : memref<4128xf32, #tpu.memory_space<vmem>>, vector<16xf32>,
    }
    %add3A_415 = arith.addi %add3A_333, %reduce_sum3A_343 : i32
    %eq3A_416 = arith.constant 5 : i32
    %eq3A_417 = vector.broadcast %eq3A_416 : i32 to vector<16xi32>
    %eq3A_418 = arith.cmpi eq, %iota3A, %eq3A_417 : vector<16xi32>
    %jit3A_419 = arith.constant 0 : i32
    %broadcast_in_dim3A_420 = vector.broadcast %jit3A_419 : i32 to vector<16xi32>
    %select_n3A_421 = arith.select %eq3A_418, %scan3A_14, %broadcast_in_dim3A_420 : vector<16xi1>, vector<16xi32>
    %reduce_sum3A_422 = arith.constant true
    %reduce_sum3A_423 = vector.broadcast %reduce_sum3A_422 : i1 to vector<16xi1>
    %reduce_sum3A_424 = tpu.scan <sum>, %select_n3A_421 masked %reduce_sum3A_423 : vector<16xi32>, vector<16xi1> -> vector<16xi32>
    %reduce_sum3A_425 = vector.extract %reduce_sum3A_424[15] : i32 from vector<16xi32>
    %add3A_426 = arith.constant 16 : i32
    %add3A_427 = arith.addi %reduce_sum3A_425, %add3A_426 : i32
    %sub3A_428 = arith.constant 1 : i32
    %sub3A_429 = arith.subi %add3A_427, %sub3A_428 : i32
    %jit3A_430 = arith.constant 16 : i32
    %div3A_431 = arith.divsi %sub3A_429, %jit3A_430 : i32
    %sign3A_432 = arith.constant 0 : i32
    %sign3A_433 = arith.cmpi sgt, %sub3A_429, %sign3A_432 : i32
    %sign3A_434 = arith.extui %sign3A_433 : i1 to i32
    %sign3A_435 = arith.constant 0 : i32
    %sign3A_436 = arith.cmpi slt, %sub3A_429, %sign3A_435 : i32
    %sign3A_437 = arith.extui %sign3A_436 : i1 to i32
    %sign3A_438 = arith.subi %sign3A_434, %sign3A_437 : i32
    %sign3A_439 = arith.constant 0 : i32
    %sign3A_440 = arith.cmpi sgt, %jit3A_430, %sign3A_439 : i32
    %sign3A_441 = arith.extui %sign3A_440 : i1 to i32
    %sign3A_442 = arith.constant 0 : i32
    %sign3A_443 = arith.cmpi slt, %jit3A_430, %sign3A_442 : i32
    %sign3A_444 = arith.extui %sign3A_443 : i1 to i32
    %sign3A_445 = arith.subi %sign3A_441, %sign3A_444 : i32
    %ne3A_446 = arith.cmpi ne, %sign3A_438, %sign3A_445 : i32
    %rem3A_447 = arith.remsi %sub3A_429, %jit3A_430 : i32
    %ne3A_448 = arith.constant 0 : i32
    %ne3A_449 = arith.cmpi ne, %rem3A_447, %ne3A_448 : i32
    %and3A_450 = arith.andi %ne3A_446, %ne3A_449 : i1
    %sub3A_451 = arith.constant 1 : i32
    %sub3A_452 = arith.subi %div3A_431, %sub3A_451 : i32
    %select_n3A_453 = arith.select %and3A_450, %sub3A_452, %div3A_431 : i32
    %sub3A_454 = arith.constant 4096 : i32
    %sub3A_455 = arith.subi %sub3A_454, %add3A_415 : i32
    %add3A_456 = arith.constant 16 : i32
    %add3A_457 = arith.addi %sub3A_455, %add3A_456 : i32
    %sub3A_458 = arith.constant 1 : i32
    %sub3A_459 = arith.subi %add3A_457, %sub3A_458 : i32
    %jit3A_460 = arith.constant 16 : i32
    %div3A_461 = arith.divsi %sub3A_459, %jit3A_460 : i32
    %sign3A_462 = arith.constant 0 : i32
    %sign3A_463 = arith.cmpi sgt, %sub3A_459, %sign3A_462 : i32
    %sign3A_464 = arith.extui %sign3A_463 : i1 to i32
    %sign3A_465 = arith.constant 0 : i32
    %sign3A_466 = arith.cmpi slt, %sub3A_459, %sign3A_465 : i32
    %sign3A_467 = arith.extui %sign3A_466 : i1 to i32
    %sign3A_468 = arith.subi %sign3A_464, %sign3A_467 : i32
    %sign3A_469 = arith.constant 0 : i32
    %sign3A_470 = arith.cmpi sgt, %jit3A_460, %sign3A_469 : i32
    %sign3A_471 = arith.extui %sign3A_470 : i1 to i32
    %sign3A_472 = arith.constant 0 : i32
    %sign3A_473 = arith.cmpi slt, %jit3A_460, %sign3A_472 : i32
    %sign3A_474 = arith.extui %sign3A_473 : i1 to i32
    %sign3A_475 = arith.subi %sign3A_471, %sign3A_474 : i32
    %ne3A_476 = arith.cmpi ne, %sign3A_468, %sign3A_475 : i32
    %rem3A_477 = arith.remsi %sub3A_459, %jit3A_460 : i32
    %ne3A_478 = arith.constant 0 : i32
    %ne3A_479 = arith.cmpi ne, %rem3A_477, %ne3A_478 : i32
    %and3A_480 = arith.andi %ne3A_476, %ne3A_479 : i1
    %sub3A_481 = arith.constant 1 : i32
    %sub3A_482 = arith.subi %div3A_461, %sub3A_481 : i32
    %select_n3A_483 = arith.select %and3A_480, %sub3A_482, %div3A_461 : i32
    %min3A_484 = arith.minsi %select_n3A_453, %select_n3A_483 : i32
    %max3A_485 = arith.constant 0 : i32
    %max3A_486 = arith.maxsi %max3A_485, %min3A_484 : i32
    %while3A_487 = arith.constant 0 : i32
    %while3A_488 = arith.constant 0 : i32
    %while3A_489 = arith.subi %max3A_486, %while3A_488 : i32
    %while3A_490 = arith.addi %while3A_488, %while3A_489 : i32
    %while3A_491 = arith.constant 1 : i32
    %while3A_492 = arith.divsi %while3A_489, %while3A_491 : i32
    %while3A_493 = arith.muli %while3A_492, %while3A_491 : i32
    %while3A_494 = arith.addi %while3A_488, %while3A_493 : i32
    %while3A_495 = arith.constant 1 : i32
    scf.for %while3A_1346 = %while3A_488 to %while3A_494 step %while3A_495  : i32 {
      %mul3A_1347 = arith.constant 16 : i32
      %mul3A_1348 = arith.muli %while3A_1346, %mul3A_1347 : i32
      %add3A_1349 = arith.constant 1605 : i32
      %add3A_1350 = arith.addi %add3A_1349, %mul3A_1348 : i32
      %mul3A_1351 = arith.constant 16 : i32
      %mul3A_1352 = arith.muli %while3A_1346, %mul3A_1351 : i32
      %add3A_1353 = arith.addi %add3A_415, %mul3A_1352 : i32
      %get3A = arith.index_cast %add3A_1350 : i32 to index
      %get3A_1354 = tpu.vector_load %arg21[%get3A] {strides = array<i32>} : memref<5136xi32, #tpu.memory_space<vmem>>, vector<16xi32>,
      %swap3A_1355 = arith.index_cast %add3A_1353 : i32 to index
      %swap3A_1356 = tpu.vector_load %arg18[%swap3A_1355] {strides = array<i32>} : memref<4128xi32, #tpu.memory_space<vmem>>, vector<16xi32>,
      tpu.vector_store %arg18[%swap3A_1355], %get3A_1354 {strides = array<i32>} : memref<4128xi32, #tpu.memory_space<vmem>>, vector<16xi32>,
      %get3A_1357 = arith.index_cast %add3A_1350 : i32 to index
      %get3A_1358 = tpu.vector_load %arg22[%get3A_1357] {strides = array<i32>} : memref<5136xi32, #tpu.memory_space<vmem>>, vector<16xi32>,
      %swap3A_1359 = arith.index_cast %add3A_1353 : i32 to index
      %swap3A_1360 = tpu.vector_load %arg19[%swap3A_1359] {strides = array<i32>} : memref<4128xi32, #tpu.memory_space<vmem>>, vector<16xi32>,
      tpu.vector_store %arg19[%swap3A_1359], %get3A_1358 {strides = array<i32>} : memref<4128xi32, #tpu.memory_space<vmem>>, vector<16xi32>,
      %get3A_1361 = arith.index_cast %add3A_1350 : i32 to index
      %get3A_1362 = tpu.vector_load %arg23[%get3A_1361] {strides = array<i32>} : memref<5136xf32, #tpu.memory_space<vmem>>, vector<16xf32>,
      %swap3A_1363 = arith.index_cast %add3A_1353 : i32 to index
      %swap3A_1364 = tpu.vector_load %arg20[%swap3A_1363] {strides = array<i32>} : memref<4128xf32, #tpu.memory_space<vmem>>, vector<16xf32>,
      tpu.vector_store %arg20[%swap3A_1363], %get3A_1362 {strides = array<i32>} : memref<4128xf32, #tpu.memory_space<vmem>>, vector<16xf32>,
    }
    %while3A_496 = arith.constant 1 : i32
    scf.for %while3A_1346 = %while3A_494 to %while3A_490 step %while3A_496  : i32 {
      %mul3A_1347 = arith.constant 16 : i32
      %mul3A_1348 = arith.muli %while3A_1346, %mul3A_1347 : i32
      %add3A_1349 = arith.constant 1605 : i32
      %add3A_1350 = arith.addi %add3A_1349, %mul3A_1348 : i32
      %mul3A_1351 = arith.constant 16 : i32
      %mul3A_1352 = arith.muli %while3A_1346, %mul3A_1351 : i32
      %add3A_1353 = arith.addi %add3A_415, %mul3A_1352 : i32
      %get3A = arith.index_cast %add3A_1350 : i32 to index
      %get3A_1354 = tpu.vector_load %arg21[%get3A] {strides = array<i32>} : memref<5136xi32, #tpu.memory_space<vmem>>, vector<16xi32>,
      %swap3A_1355 = arith.index_cast %add3A_1353 : i32 to index
      %swap3A_1356 = tpu.vector_load %arg18[%swap3A_1355] {strides = array<i32>} : memref<4128xi32, #tpu.memory_space<vmem>>, vector<16xi32>,
      tpu.vector_store %arg18[%swap3A_1355], %get3A_1354 {strides = array<i32>} : memref<4128xi32, #tpu.memory_space<vmem>>, vector<16xi32>,
      %get3A_1357 = arith.index_cast %add3A_1350 : i32 to index
      %get3A_1358 = tpu.vector_load %arg22[%get3A_1357] {strides = array<i32>} : memref<5136xi32, #tpu.memory_space<vmem>>, vector<16xi32>,
      %swap3A_1359 = arith.index_cast %add3A_1353 : i32 to index
      %swap3A_1360 = tpu.vector_load %arg19[%swap3A_1359] {strides = array<i32>} : memref<4128xi32, #tpu.memory_space<vmem>>, vector<16xi32>,
      tpu.vector_store %arg19[%swap3A_1359], %get3A_1358 {strides = array<i32>} : memref<4128xi32, #tpu.memory_space<vmem>>, vector<16xi32>,
      %get3A_1361 = arith.index_cast %add3A_1350 : i32 to index
      %get3A_1362 = tpu.vector_load %arg23[%get3A_1361] {strides = array<i32>} : memref<5136xf32, #tpu.memory_space<vmem>>, vector<16xf32>,
      %swap3A_1363 = arith.index_cast %add3A_1353 : i32 to index
      %swap3A_1364 = tpu.vector_load %arg20[%swap3A_1363] {strides = array<i32>} : memref<4128xf32, #tpu.memory_space<vmem>>, vector<16xf32>,
      tpu.vector_store %arg20[%swap3A_1363], %get3A_1362 {strides = array<i32>} : memref<4128xf32, #tpu.memory_space<vmem>>, vector<16xf32>,
    }
    %add3A_497 = arith.addi %add3A_415, %reduce_sum3A_425 : i32
    %eq3A_498 = arith.constant 6 : i32
    %eq3A_499 = vector.broadcast %eq3A_498 : i32 to vector<16xi32>
    %eq3A_500 = arith.cmpi eq, %iota3A, %eq3A_499 : vector<16xi32>
    %jit3A_501 = arith.constant 0 : i32
    %broadcast_in_dim3A_502 = vector.broadcast %jit3A_501 : i32 to vector<16xi32>
    %select_n3A_503 = arith.select %eq3A_500, %scan3A_14, %broadcast_in_dim3A_502 : vector<16xi1>, vector<16xi32>
    %reduce_sum3A_504 = arith.constant true
    %reduce_sum3A_505 = vector.broadcast %reduce_sum3A_504 : i1 to vector<16xi1>
    %reduce_sum3A_506 = tpu.scan <sum>, %select_n3A_503 masked %reduce_sum3A_505 : vector<16xi32>, vector<16xi1> -> vector<16xi32>
    %reduce_sum3A_507 = vector.extract %reduce_sum3A_506[15] : i32 from vector<16xi32>
    %add3A_508 = arith.constant 16 : i32
    %add3A_509 = arith.addi %reduce_sum3A_507, %add3A_508 : i32
    %sub3A_510 = arith.constant 1 : i32
    %sub3A_511 = arith.subi %add3A_509, %sub3A_510 : i32
    %jit3A_512 = arith.constant 16 : i32
    %div3A_513 = arith.divsi %sub3A_511, %jit3A_512 : i32
    %sign3A_514 = arith.constant 0 : i32
    %sign3A_515 = arith.cmpi sgt, %sub3A_511, %sign3A_514 : i32
    %sign3A_516 = arith.extui %sign3A_515 : i1 to i32
    %sign3A_517 = arith.constant 0 : i32
    %sign3A_518 = arith.cmpi slt, %sub3A_511, %sign3A_517 : i32
    %sign3A_519 = arith.extui %sign3A_518 : i1 to i32
    %sign3A_520 = arith.subi %sign3A_516, %sign3A_519 : i32
    %sign3A_521 = arith.constant 0 : i32
    %sign3A_522 = arith.cmpi sgt, %jit3A_512, %sign3A_521 : i32
    %sign3A_523 = arith.extui %sign3A_522 : i1 to i32
    %sign3A_524 = arith.constant 0 : i32
    %sign3A_525 = arith.cmpi slt, %jit3A_512, %sign3A_524 : i32
    %sign3A_526 = arith.extui %sign3A_525 : i1 to i32
    %sign3A_527 = arith.subi %sign3A_523, %sign3A_526 : i32
    %ne3A_528 = arith.cmpi ne, %sign3A_520, %sign3A_527 : i32
    %rem3A_529 = arith.remsi %sub3A_511, %jit3A_512 : i32
    %ne3A_530 = arith.constant 0 : i32
    %ne3A_531 = arith.cmpi ne, %rem3A_529, %ne3A_530 : i32
    %and3A_532 = arith.andi %ne3A_528, %ne3A_531 : i1
    %sub3A_533 = arith.constant 1 : i32
    %sub3A_534 = arith.subi %div3A_513, %sub3A_533 : i32
    %select_n3A_535 = arith.select %and3A_532, %sub3A_534, %div3A_513 : i32
    %sub3A_536 = arith.constant 4096 : i32
    %sub3A_537 = arith.subi %sub3A_536, %add3A_497 : i32
    %add3A_538 = arith.constant 16 : i32
    %add3A_539 = arith.addi %sub3A_537, %add3A_538 : i32
    %sub3A_540 = arith.constant 1 : i32
    %sub3A_541 = arith.subi %add3A_539, %sub3A_540 : i32
    %jit3A_542 = arith.constant 16 : i32
    %div3A_543 = arith.divsi %sub3A_541, %jit3A_542 : i32
    %sign3A_544 = arith.constant 0 : i32
    %sign3A_545 = arith.cmpi sgt, %sub3A_541, %sign3A_544 : i32
    %sign3A_546 = arith.extui %sign3A_545 : i1 to i32
    %sign3A_547 = arith.constant 0 : i32
    %sign3A_548 = arith.cmpi slt, %sub3A_541, %sign3A_547 : i32
    %sign3A_549 = arith.extui %sign3A_548 : i1 to i32
    %sign3A_550 = arith.subi %sign3A_546, %sign3A_549 : i32
    %sign3A_551 = arith.constant 0 : i32
    %sign3A_552 = arith.cmpi sgt, %jit3A_542, %sign3A_551 : i32
    %sign3A_553 = arith.extui %sign3A_552 : i1 to i32
    %sign3A_554 = arith.constant 0 : i32
    %sign3A_555 = arith.cmpi slt, %jit3A_542, %sign3A_554 : i32
    %sign3A_556 = arith.extui %sign3A_555 : i1 to i32
    %sign3A_557 = arith.subi %sign3A_553, %sign3A_556 : i32
    %ne3A_558 = arith.cmpi ne, %sign3A_550, %sign3A_557 : i32
    %rem3A_559 = arith.remsi %sub3A_541, %jit3A_542 : i32
    %ne3A_560 = arith.constant 0 : i32
    %ne3A_561 = arith.cmpi ne, %rem3A_559, %ne3A_560 : i32
    %and3A_562 = arith.andi %ne3A_558, %ne3A_561 : i1
    %sub3A_563 = arith.constant 1 : i32
    %sub3A_564 = arith.subi %div3A_543, %sub3A_563 : i32
    %select_n3A_565 = arith.select %and3A_562, %sub3A_564, %div3A_543 : i32
    %min3A_566 = arith.minsi %select_n3A_535, %select_n3A_565 : i32
    %max3A_567 = arith.constant 0 : i32
    %max3A_568 = arith.maxsi %max3A_567, %min3A_566 : i32
    %while3A_569 = arith.constant 0 : i32
    %while3A_570 = arith.constant 0 : i32
    %while3A_571 = arith.subi %max3A_568, %while3A_570 : i32
    %while3A_572 = arith.addi %while3A_570, %while3A_571 : i32
    %while3A_573 = arith.constant 1 : i32
    %while3A_574 = arith.divsi %while3A_571, %while3A_573 : i32
    %while3A_575 = arith.muli %while3A_574, %while3A_573 : i32
    %while3A_576 = arith.addi %while3A_570, %while3A_575 : i32
    %while3A_577 = arith.constant 1 : i32
    scf.for %while3A_1346 = %while3A_570 to %while3A_576 step %while3A_577  : i32 {
      %mul3A_1347 = arith.constant 16 : i32
      %mul3A_1348 = arith.muli %while3A_1346, %mul3A_1347 : i32
      %add3A_1349 = arith.constant 1926 : i32
      %add3A_1350 = arith.addi %add3A_1349, %mul3A_1348 : i32
      %mul3A_1351 = arith.constant 16 : i32
      %mul3A_1352 = arith.muli %while3A_1346, %mul3A_1351 : i32
      %add3A_1353 = arith.addi %add3A_497, %mul3A_1352 : i32
      %get3A = arith.index_cast %add3A_1350 : i32 to index
      %get3A_1354 = tpu.vector_load %arg21[%get3A] {strides = array<i32>} : memref<5136xi32, #tpu.memory_space<vmem>>, vector<16xi32>,
      %swap3A_1355 = arith.index_cast %add3A_1353 : i32 to index
      %swap3A_1356 = tpu.vector_load %arg18[%swap3A_1355] {strides = array<i32>} : memref<4128xi32, #tpu.memory_space<vmem>>, vector<16xi32>,
      tpu.vector_store %arg18[%swap3A_1355], %get3A_1354 {strides = array<i32>} : memref<4128xi32, #tpu.memory_space<vmem>>, vector<16xi32>,
      %get3A_1357 = arith.index_cast %add3A_1350 : i32 to index
      %get3A_1358 = tpu.vector_load %arg22[%get3A_1357] {strides = array<i32>} : memref<5136xi32, #tpu.memory_space<vmem>>, vector<16xi32>,
      %swap3A_1359 = arith.index_cast %add3A_1353 : i32 to index
      %swap3A_1360 = tpu.vector_load %arg19[%swap3A_1359] {strides = array<i32>} : memref<4128xi32, #tpu.memory_space<vmem>>, vector<16xi32>,
      tpu.vector_store %arg19[%swap3A_1359], %get3A_1358 {strides = array<i32>} : memref<4128xi32, #tpu.memory_space<vmem>>, vector<16xi32>,
      %get3A_1361 = arith.index_cast %add3A_1350 : i32 to index
      %get3A_1362 = tpu.vector_load %arg23[%get3A_1361] {strides = array<i32>} : memref<5136xf32, #tpu.memory_space<vmem>>, vector<16xf32>,
      %swap3A_1363 = arith.index_cast %add3A_1353 : i32 to index
      %swap3A_1364 = tpu.vector_load %arg20[%swap3A_1363] {strides = array<i32>} : memref<4128xf32, #tpu.memory_space<vmem>>, vector<16xf32>,
      tpu.vector_store %arg20[%swap3A_1363], %get3A_1362 {strides = array<i32>} : memref<4128xf32, #tpu.memory_space<vmem>>, vector<16xf32>,
    }
    %while3A_578 = arith.constant 1 : i32
    scf.for %while3A_1346 = %while3A_576 to %while3A_572 step %while3A_578  : i32 {
      %mul3A_1347 = arith.constant 16 : i32
      %mul3A_1348 = arith.muli %while3A_1346, %mul3A_1347 : i32
      %add3A_1349 = arith.constant 1926 : i32
      %add3A_1350 = arith.addi %add3A_1349, %mul3A_1348 : i32
      %mul3A_1351 = arith.constant 16 : i32
      %mul3A_1352 = arith.muli %while3A_1346, %mul3A_1351 : i32
      %add3A_1353 = arith.addi %add3A_497, %mul3A_1352 : i32
      %get3A = arith.index_cast %add3A_1350 : i32 to index
      %get3A_1354 = tpu.vector_load %arg21[%get3A] {strides = array<i32>} : memref<5136xi32, #tpu.memory_space<vmem>>, vector<16xi32>,
      %swap3A_1355 = arith.index_cast %add3A_1353 : i32 to index
      %swap3A_1356 = tpu.vector_load %arg18[%swap3A_1355] {strides = array<i32>} : memref<4128xi32, #tpu.memory_space<vmem>>, vector<16xi32>,
      tpu.vector_store %arg18[%swap3A_1355], %get3A_1354 {strides = array<i32>} : memref<4128xi32, #tpu.memory_space<vmem>>, vector<16xi32>,
      %get3A_1357 = arith.index_cast %add3A_1350 : i32 to index
      %get3A_1358 = tpu.vector_load %arg22[%get3A_1357] {strides = array<i32>} : memref<5136xi32, #tpu.memory_space<vmem>>, vector<16xi32>,
      %swap3A_1359 = arith.index_cast %add3A_1353 : i32 to index
      %swap3A_1360 = tpu.vector_load %arg19[%swap3A_1359] {strides = array<i32>} : memref<4128xi32, #tpu.memory_space<vmem>>, vector<16xi32>,
      tpu.vector_store %arg19[%swap3A_1359], %get3A_1358 {strides = array<i32>} : memref<4128xi32, #tpu.memory_space<vmem>>, vector<16xi32>,
      %get3A_1361 = arith.index_cast %add3A_1350 : i32 to index
      %get3A_1362 = tpu.vector_load %arg23[%get3A_1361] {strides = array<i32>} : memref<5136xf32, #tpu.memory_space<vmem>>, vector<16xf32>,
      %swap3A_1363 = arith.index_cast %add3A_1353 : i32 to index
      %swap3A_1364 = tpu.vector_load %arg20[%swap3A_1363] {strides = array<i32>} : memref<4128xf32, #tpu.memory_space<vmem>>, vector<16xf32>,
      tpu.vector_store %arg20[%swap3A_1363], %get3A_1362 {strides = array<i32>} : memref<4128xf32, #tpu.memory_space<vmem>>, vector<16xf32>,
    }
    %add3A_579 = arith.addi %add3A_497, %reduce_sum3A_507 : i32
    %eq3A_580 = arith.constant 7 : i32
    %eq3A_581 = vector.broadcast %eq3A_580 : i32 to vector<16xi32>
    %eq3A_582 = arith.cmpi eq, %iota3A, %eq3A_581 : vector<16xi32>
    %jit3A_583 = arith.constant 0 : i32
    %broadcast_in_dim3A_584 = vector.broadcast %jit3A_583 : i32 to vector<16xi32>
    %select_n3A_585 = arith.select %eq3A_582, %scan3A_14, %broadcast_in_dim3A_584 : vector<16xi1>, vector<16xi32>
    %reduce_sum3A_586 = arith.constant true
    %reduce_sum3A_587 = vector.broadcast %reduce_sum3A_586 : i1 to vector<16xi1>
    %reduce_sum3A_588 = tpu.scan <sum>, %select_n3A_585 masked %reduce_sum3A_587 : vector<16xi32>, vector<16xi1> -> vector<16xi32>
    %reduce_sum3A_589 = vector.extract %reduce_sum3A_588[15] : i32 from vector<16xi32>
    %add3A_590 = arith.constant 16 : i32
    %add3A_591 = arith.addi %reduce_sum3A_589, %add3A_590 : i32
    %sub3A_592 = arith.constant 1 : i32
    %sub3A_593 = arith.subi %add3A_591, %sub3A_592 : i32
    %jit3A_594 = arith.constant 16 : i32
    %div3A_595 = arith.divsi %sub3A_593, %jit3A_594 : i32
    %sign3A_596 = arith.constant 0 : i32
    %sign3A_597 = arith.cmpi sgt, %sub3A_593, %sign3A_596 : i32
    %sign3A_598 = arith.extui %sign3A_597 : i1 to i32
    %sign3A_599 = arith.constant 0 : i32
    %sign3A_600 = arith.cmpi slt, %sub3A_593, %sign3A_599 : i32
    %sign3A_601 = arith.extui %sign3A_600 : i1 to i32
    %sign3A_602 = arith.subi %sign3A_598, %sign3A_601 : i32
    %sign3A_603 = arith.constant 0 : i32
    %sign3A_604 = arith.cmpi sgt, %jit3A_594, %sign3A_603 : i32
    %sign3A_605 = arith.extui %sign3A_604 : i1 to i32
    %sign3A_606 = arith.constant 0 : i32
    %sign3A_607 = arith.cmpi slt, %jit3A_594, %sign3A_606 : i32
    %sign3A_608 = arith.extui %sign3A_607 : i1 to i32
    %sign3A_609 = arith.subi %sign3A_605, %sign3A_608 : i32
    %ne3A_610 = arith.cmpi ne, %sign3A_602, %sign3A_609 : i32
    %rem3A_611 = arith.remsi %sub3A_593, %jit3A_594 : i32
    %ne3A_612 = arith.constant 0 : i32
    %ne3A_613 = arith.cmpi ne, %rem3A_611, %ne3A_612 : i32
    %and3A_614 = arith.andi %ne3A_610, %ne3A_613 : i1
    %sub3A_615 = arith.constant 1 : i32
    %sub3A_616 = arith.subi %div3A_595, %sub3A_615 : i32
    %select_n3A_617 = arith.select %and3A_614, %sub3A_616, %div3A_595 : i32
    %sub3A_618 = arith.constant 4096 : i32
    %sub3A_619 = arith.subi %sub3A_618, %add3A_579 : i32
    %add3A_620 = arith.constant 16 : i32
    %add3A_621 = arith.addi %sub3A_619, %add3A_620 : i32
    %sub3A_622 = arith.constant 1 : i32
    %sub3A_623 = arith.subi %add3A_621, %sub3A_622 : i32
    %jit3A_624 = arith.constant 16 : i32
    %div3A_625 = arith.divsi %sub3A_623, %jit3A_624 : i32
    %sign3A_626 = arith.constant 0 : i32
    %sign3A_627 = arith.cmpi sgt, %sub3A_623, %sign3A_626 : i32
    %sign3A_628 = arith.extui %sign3A_627 : i1 to i32
    %sign3A_629 = arith.constant 0 : i32
    %sign3A_630 = arith.cmpi slt, %sub3A_623, %sign3A_629 : i32
    %sign3A_631 = arith.extui %sign3A_630 : i1 to i32
    %sign3A_632 = arith.subi %sign3A_628, %sign3A_631 : i32
    %sign3A_633 = arith.constant 0 : i32
    %sign3A_634 = arith.cmpi sgt, %jit3A_624, %sign3A_633 : i32
    %sign3A_635 = arith.extui %sign3A_634 : i1 to i32
    %sign3A_636 = arith.constant 0 : i32
    %sign3A_637 = arith.cmpi slt, %jit3A_624, %sign3A_636 : i32
    %sign3A_638 = arith.extui %sign3A_637 : i1 to i32
    %sign3A_639 = arith.subi %sign3A_635, %sign3A_638 : i32
    %ne3A_640 = arith.cmpi ne, %sign3A_632, %sign3A_639 : i32
    %rem3A_641 = arith.remsi %sub3A_623, %jit3A_624 : i32
    %ne3A_642 = arith.constant 0 : i32
    %ne3A_643 = arith.cmpi ne, %rem3A_641, %ne3A_642 : i32
    %and3A_644 = arith.andi %ne3A_640, %ne3A_643 : i1
    %sub3A_645 = arith.constant 1 : i32
    %sub3A_646 = arith.subi %div3A_625, %sub3A_645 : i32
    %select_n3A_647 = arith.select %and3A_644, %sub3A_646, %div3A_625 : i32
    %min3A_648 = arith.minsi %select_n3A_617, %select_n3A_647 : i32
    %max3A_649 = arith.constant 0 : i32
    %max3A_650 = arith.maxsi %max3A_649, %min3A_648 : i32
    %while3A_651 = arith.constant 0 : i32
    %while3A_652 = arith.constant 0 : i32
    %while3A_653 = arith.subi %max3A_650, %while3A_652 : i32
    %while3A_654 = arith.addi %while3A_652, %while3A_653 : i32
    %while3A_655 = arith.constant 1 : i32
    %while3A_656 = arith.divsi %while3A_653, %while3A_655 : i32
    %while3A_657 = arith.muli %while3A_656, %while3A_655 : i32
    %while3A_658 = arith.addi %while3A_652, %while3A_657 : i32
    %while3A_659 = arith.constant 1 : i32
    scf.for %while3A_1346 = %while3A_652 to %while3A_658 step %while3A_659  : i32 {
      %mul3A_1347 = arith.constant 16 : i32
      %mul3A_1348 = arith.muli %while3A_1346, %mul3A_1347 : i32
      %add3A_1349 = arith.constant 2247 : i32
      %add3A_1350 = arith.addi %add3A_1349, %mul3A_1348 : i32
      %mul3A_1351 = arith.constant 16 : i32
      %mul3A_1352 = arith.muli %while3A_1346, %mul3A_1351 : i32
      %add3A_1353 = arith.addi %add3A_579, %mul3A_1352 : i32
      %get3A = arith.index_cast %add3A_1350 : i32 to index
      %get3A_1354 = tpu.vector_load %arg21[%get3A] {strides = array<i32>} : memref<5136xi32, #tpu.memory_space<vmem>>, vector<16xi32>,
      %swap3A_1355 = arith.index_cast %add3A_1353 : i32 to index
      %swap3A_1356 = tpu.vector_load %arg18[%swap3A_1355] {strides = array<i32>} : memref<4128xi32, #tpu.memory_space<vmem>>, vector<16xi32>,
      tpu.vector_store %arg18[%swap3A_1355], %get3A_1354 {strides = array<i32>} : memref<4128xi32, #tpu.memory_space<vmem>>, vector<16xi32>,
      %get3A_1357 = arith.index_cast %add3A_1350 : i32 to index
      %get3A_1358 = tpu.vector_load %arg22[%get3A_1357] {strides = array<i32>} : memref<5136xi32, #tpu.memory_space<vmem>>, vector<16xi32>,
      %swap3A_1359 = arith.index_cast %add3A_1353 : i32 to index
      %swap3A_1360 = tpu.vector_load %arg19[%swap3A_1359] {strides = array<i32>} : memref<4128xi32, #tpu.memory_space<vmem>>, vector<16xi32>,
      tpu.vector_store %arg19[%swap3A_1359], %get3A_1358 {strides = array<i32>} : memref<4128xi32, #tpu.memory_space<vmem>>, vector<16xi32>,
      %get3A_1361 = arith.index_cast %add3A_1350 : i32 to index
      %get3A_1362 = tpu.vector_load %arg23[%get3A_1361] {strides = array<i32>} : memref<5136xf32, #tpu.memory_space<vmem>>, vector<16xf32>,
      %swap3A_1363 = arith.index_cast %add3A_1353 : i32 to index
      %swap3A_1364 = tpu.vector_load %arg20[%swap3A_1363] {strides = array<i32>} : memref<4128xf32, #tpu.memory_space<vmem>>, vector<16xf32>,
      tpu.vector_store %arg20[%swap3A_1363], %get3A_1362 {strides = array<i32>} : memref<4128xf32, #tpu.memory_space<vmem>>, vector<16xf32>,
    }
    %while3A_660 = arith.constant 1 : i32
    scf.for %while3A_1346 = %while3A_658 to %while3A_654 step %while3A_660  : i32 {
      %mul3A_1347 = arith.constant 16 : i32
      %mul3A_1348 = arith.muli %while3A_1346, %mul3A_1347 : i32
      %add3A_1349 = arith.constant 2247 : i32
      %add3A_1350 = arith.addi %add3A_1349, %mul3A_1348 : i32
      %mul3A_1351 = arith.constant 16 : i32
      %mul3A_1352 = arith.muli %while3A_1346, %mul3A_1351 : i32
      %add3A_1353 = arith.addi %add3A_579, %mul3A_1352 : i32
      %get3A = arith.index_cast %add3A_1350 : i32 to index
      %get3A_1354 = tpu.vector_load %arg21[%get3A] {strides = array<i32>} : memref<5136xi32, #tpu.memory_space<vmem>>, vector<16xi32>,
      %swap3A_1355 = arith.index_cast %add3A_1353 : i32 to index
      %swap3A_1356 = tpu.vector_load %arg18[%swap3A_1355] {strides = array<i32>} : memref<4128xi32, #tpu.memory_space<vmem>>, vector<16xi32>,
      tpu.vector_store %arg18[%swap3A_1355], %get3A_1354 {strides = array<i32>} : memref<4128xi32, #tpu.memory_space<vmem>>, vector<16xi32>,
      %get3A_1357 = arith.index_cast %add3A_1350 : i32 to index
      %get3A_1358 = tpu.vector_load %arg22[%get3A_1357] {strides = array<i32>} : memref<5136xi32, #tpu.memory_space<vmem>>, vector<16xi32>,
      %swap3A_1359 = arith.index_cast %add3A_1353 : i32 to index
      %swap3A_1360 = tpu.vector_load %arg19[%swap3A_1359] {strides = array<i32>} : memref<4128xi32, #tpu.memory_space<vmem>>, vector<16xi32>,
      tpu.vector_store %arg19[%swap3A_1359], %get3A_1358 {strides = array<i32>} : memref<4128xi32, #tpu.memory_space<vmem>>, vector<16xi32>,
      %get3A_1361 = arith.index_cast %add3A_1350 : i32 to index
      %get3A_1362 = tpu.vector_load %arg23[%get3A_1361] {strides = array<i32>} : memref<5136xf32, #tpu.memory_space<vmem>>, vector<16xf32>,
      %swap3A_1363 = arith.index_cast %add3A_1353 : i32 to index
      %swap3A_1364 = tpu.vector_load %arg20[%swap3A_1363] {strides = array<i32>} : memref<4128xf32, #tpu.memory_space<vmem>>, vector<16xf32>,
      tpu.vector_store %arg20[%swap3A_1363], %get3A_1362 {strides = array<i32>} : memref<4128xf32, #tpu.memory_space<vmem>>, vector<16xf32>,
    }
    %add3A_661 = arith.addi %add3A_579, %reduce_sum3A_589 : i32
    %eq3A_662 = arith.constant 8 : i32
    %eq3A_663 = vector.broadcast %eq3A_662 : i32 to vector<16xi32>
    %eq3A_664 = arith.cmpi eq, %iota3A, %eq3A_663 : vector<16xi32>
    %jit3A_665 = arith.constant 0 : i32
    %broadcast_in_dim3A_666 = vector.broadcast %jit3A_665 : i32 to vector<16xi32>
    %select_n3A_667 = arith.select %eq3A_664, %scan3A_14, %broadcast_in_dim3A_666 : vector<16xi1>, vector<16xi32>
    %reduce_sum3A_668 = arith.constant true
    %reduce_sum3A_669 = vector.broadcast %reduce_sum3A_668 : i1 to vector<16xi1>
    %reduce_sum3A_670 = tpu.scan <sum>, %select_n3A_667 masked %reduce_sum3A_669 : vector<16xi32>, vector<16xi1> -> vector<16xi32>
    %reduce_sum3A_671 = vector.extract %reduce_sum3A_670[15] : i32 from vector<16xi32>
    %add3A_672 = arith.constant 16 : i32
    %add3A_673 = arith.addi %reduce_sum3A_671, %add3A_672 : i32
    %sub3A_674 = arith.constant 1 : i32
    %sub3A_675 = arith.subi %add3A_673, %sub3A_674 : i32
    %jit3A_676 = arith.constant 16 : i32
    %div3A_677 = arith.divsi %sub3A_675, %jit3A_676 : i32
    %sign3A_678 = arith.constant 0 : i32
    %sign3A_679 = arith.cmpi sgt, %sub3A_675, %sign3A_678 : i32
    %sign3A_680 = arith.extui %sign3A_679 : i1 to i32
    %sign3A_681 = arith.constant 0 : i32
    %sign3A_682 = arith.cmpi slt, %sub3A_675, %sign3A_681 : i32
    %sign3A_683 = arith.extui %sign3A_682 : i1 to i32
    %sign3A_684 = arith.subi %sign3A_680, %sign3A_683 : i32
    %sign3A_685 = arith.constant 0 : i32
    %sign3A_686 = arith.cmpi sgt, %jit3A_676, %sign3A_685 : i32
    %sign3A_687 = arith.extui %sign3A_686 : i1 to i32
    %sign3A_688 = arith.constant 0 : i32
    %sign3A_689 = arith.cmpi slt, %jit3A_676, %sign3A_688 : i32
    %sign3A_690 = arith.extui %sign3A_689 : i1 to i32
    %sign3A_691 = arith.subi %sign3A_687, %sign3A_690 : i32
    %ne3A_692 = arith.cmpi ne, %sign3A_684, %sign3A_691 : i32
    %rem3A_693 = arith.remsi %sub3A_675, %jit3A_676 : i32
    %ne3A_694 = arith.constant 0 : i32
    %ne3A_695 = arith.cmpi ne, %rem3A_693, %ne3A_694 : i32
    %and3A_696 = arith.andi %ne3A_692, %ne3A_695 : i1
    %sub3A_697 = arith.constant 1 : i32
    %sub3A_698 = arith.subi %div3A_677, %sub3A_697 : i32
    %select_n3A_699 = arith.select %and3A_696, %sub3A_698, %div3A_677 : i32
    %sub3A_700 = arith.constant 4096 : i32
    %sub3A_701 = arith.subi %sub3A_700, %add3A_661 : i32
    %add3A_702 = arith.constant 16 : i32
    %add3A_703 = arith.addi %sub3A_701, %add3A_702 : i32
    %sub3A_704 = arith.constant 1 : i32
    %sub3A_705 = arith.subi %add3A_703, %sub3A_704 : i32
    %jit3A_706 = arith.constant 16 : i32
    %div3A_707 = arith.divsi %sub3A_705, %jit3A_706 : i32
    %sign3A_708 = arith.constant 0 : i32
    %sign3A_709 = arith.cmpi sgt, %sub3A_705, %sign3A_708 : i32
    %sign3A_710 = arith.extui %sign3A_709 : i1 to i32
    %sign3A_711 = arith.constant 0 : i32
    %sign3A_712 = arith.cmpi slt, %sub3A_705, %sign3A_711 : i32
    %sign3A_713 = arith.extui %sign3A_712 : i1 to i32
    %sign3A_714 = arith.subi %sign3A_710, %sign3A_713 : i32
    %sign3A_715 = arith.constant 0 : i32
    %sign3A_716 = arith.cmpi sgt, %jit3A_706, %sign3A_715 : i32
    %sign3A_717 = arith.extui %sign3A_716 : i1 to i32
    %sign3A_718 = arith.constant 0 : i32
    %sign3A_719 = arith.cmpi slt, %jit3A_706, %sign3A_718 : i32
    %sign3A_720 = arith.extui %sign3A_719 : i1 to i32
    %sign3A_721 = arith.subi %sign3A_717, %sign3A_720 : i32
    %ne3A_722 = arith.cmpi ne, %sign3A_714, %sign3A_721 : i32
    %rem3A_723 = arith.remsi %sub3A_705, %jit3A_706 : i32
    %ne3A_724 = arith.constant 0 : i32
    %ne3A_725 = arith.cmpi ne, %rem3A_723, %ne3A_724 : i32
    %and3A_726 = arith.andi %ne3A_722, %ne3A_725 : i1
    %sub3A_727 = arith.constant 1 : i32
    %sub3A_728 = arith.subi %div3A_707, %sub3A_727 : i32
    %select_n3A_729 = arith.select %and3A_726, %sub3A_728, %div3A_707 : i32
    %min3A_730 = arith.minsi %select_n3A_699, %select_n3A_729 : i32
    %max3A_731 = arith.constant 0 : i32
    %max3A_732 = arith.maxsi %max3A_731, %min3A_730 : i32
    %while3A_733 = arith.constant 0 : i32
    %while3A_734 = arith.constant 0 : i32
    %while3A_735 = arith.subi %max3A_732, %while3A_734 : i32
    %while3A_736 = arith.addi %while3A_734, %while3A_735 : i32
    %while3A_737 = arith.constant 1 : i32
    %while3A_738 = arith.divsi %while3A_735, %while3A_737 : i32
    %while3A_739 = arith.muli %while3A_738, %while3A_737 : i32
    %while3A_740 = arith.addi %while3A_734, %while3A_739 : i32
    %while3A_741 = arith.constant 1 : i32
    scf.for %while3A_1346 = %while3A_734 to %while3A_740 step %while3A_741  : i32 {
      %mul3A_1347 = arith.constant 16 : i32
      %mul3A_1348 = arith.muli %while3A_1346, %mul3A_1347 : i32
      %add3A_1349 = arith.constant 2568 : i32
      %add3A_1350 = arith.addi %add3A_1349, %mul3A_1348 : i32
      %mul3A_1351 = arith.constant 16 : i32
      %mul3A_1352 = arith.muli %while3A_1346, %mul3A_1351 : i32
      %add3A_1353 = arith.addi %add3A_661, %mul3A_1352 : i32
      %get3A = arith.index_cast %add3A_1350 : i32 to index
      %get3A_1354 = tpu.vector_load %arg21[%get3A] {strides = array<i32>} : memref<5136xi32, #tpu.memory_space<vmem>>, vector<16xi32>,
      %swap3A_1355 = arith.index_cast %add3A_1353 : i32 to index
      %swap3A_1356 = tpu.vector_load %arg18[%swap3A_1355] {strides = array<i32>} : memref<4128xi32, #tpu.memory_space<vmem>>, vector<16xi32>,
      tpu.vector_store %arg18[%swap3A_1355], %get3A_1354 {strides = array<i32>} : memref<4128xi32, #tpu.memory_space<vmem>>, vector<16xi32>,
      %get3A_1357 = arith.index_cast %add3A_1350 : i32 to index
      %get3A_1358 = tpu.vector_load %arg22[%get3A_1357] {strides = array<i32>} : memref<5136xi32, #tpu.memory_space<vmem>>, vector<16xi32>,
      %swap3A_1359 = arith.index_cast %add3A_1353 : i32 to index
      %swap3A_1360 = tpu.vector_load %arg19[%swap3A_1359] {strides = array<i32>} : memref<4128xi32, #tpu.memory_space<vmem>>, vector<16xi32>,
      tpu.vector_store %arg19[%swap3A_1359], %get3A_1358 {strides = array<i32>} : memref<4128xi32, #tpu.memory_space<vmem>>, vector<16xi32>,
      %get3A_1361 = arith.index_cast %add3A_1350 : i32 to index
      %get3A_1362 = tpu.vector_load %arg23[%get3A_1361] {strides = array<i32>} : memref<5136xf32, #tpu.memory_space<vmem>>, vector<16xf32>,
      %swap3A_1363 = arith.index_cast %add3A_1353 : i32 to index
      %swap3A_1364 = tpu.vector_load %arg20[%swap3A_1363] {strides = array<i32>} : memref<4128xf32, #tpu.memory_space<vmem>>, vector<16xf32>,
      tpu.vector_store %arg20[%swap3A_1363], %get3A_1362 {strides = array<i32>} : memref<4128xf32, #tpu.memory_space<vmem>>, vector<16xf32>,
    }
    %while3A_742 = arith.constant 1 : i32
    scf.for %while3A_1346 = %while3A_740 to %while3A_736 step %while3A_742  : i32 {
      %mul3A_1347 = arith.constant 16 : i32
      %mul3A_1348 = arith.muli %while3A_1346, %mul3A_1347 : i32
      %add3A_1349 = arith.constant 2568 : i32
      %add3A_1350 = arith.addi %add3A_1349, %mul3A_1348 : i32
      %mul3A_1351 = arith.constant 16 : i32
      %mul3A_1352 = arith.muli %while3A_1346, %mul3A_1351 : i32
      %add3A_1353 = arith.addi %add3A_661, %mul3A_1352 : i32
      %get3A = arith.index_cast %add3A_1350 : i32 to index
      %get3A_1354 = tpu.vector_load %arg21[%get3A] {strides = array<i32>} : memref<5136xi32, #tpu.memory_space<vmem>>, vector<16xi32>,
      %swap3A_1355 = arith.index_cast %add3A_1353 : i32 to index
      %swap3A_1356 = tpu.vector_load %arg18[%swap3A_1355] {strides = array<i32>} : memref<4128xi32, #tpu.memory_space<vmem>>, vector<16xi32>,
      tpu.vector_store %arg18[%swap3A_1355], %get3A_1354 {strides = array<i32>} : memref<4128xi32, #tpu.memory_space<vmem>>, vector<16xi32>,
      %get3A_1357 = arith.index_cast %add3A_1350 : i32 to index
      %get3A_1358 = tpu.vector_load %arg22[%get3A_1357] {strides = array<i32>} : memref<5136xi32, #tpu.memory_space<vmem>>, vector<16xi32>,
      %swap3A_1359 = arith.index_cast %add3A_1353 : i32 to index
      %swap3A_1360 = tpu.vector_load %arg19[%swap3A_1359] {strides = array<i32>} : memref<4128xi32, #tpu.memory_space<vmem>>, vector<16xi32>,
      tpu.vector_store %arg19[%swap3A_1359], %get3A_1358 {strides = array<i32>} : memref<4128xi32, #tpu.memory_space<vmem>>, vector<16xi32>,
      %get3A_1361 = arith.index_cast %add3A_1350 : i32 to index
      %get3A_1362 = tpu.vector_load %arg23[%get3A_1361] {strides = array<i32>} : memref<5136xf32, #tpu.memory_space<vmem>>, vector<16xf32>,
      %swap3A_1363 = arith.index_cast %add3A_1353 : i32 to index
      %swap3A_1364 = tpu.vector_load %arg20[%swap3A_1363] {strides = array<i32>} : memref<4128xf32, #tpu.memory_space<vmem>>, vector<16xf32>,
      tpu.vector_store %arg20[%swap3A_1363], %get3A_1362 {strides = array<i32>} : memref<4128xf32, #tpu.memory_space<vmem>>, vector<16xf32>,
    }
    %add3A_743 = arith.addi %add3A_661, %reduce_sum3A_671 : i32
    %eq3A_744 = arith.constant 9 : i32
    %eq3A_745 = vector.broadcast %eq3A_744 : i32 to vector<16xi32>
    %eq3A_746 = arith.cmpi eq, %iota3A, %eq3A_745 : vector<16xi32>
    %jit3A_747 = arith.constant 0 : i32
    %broadcast_in_dim3A_748 = vector.broadcast %jit3A_747 : i32 to vector<16xi32>
    %select_n3A_749 = arith.select %eq3A_746, %scan3A_14, %broadcast_in_dim3A_748 : vector<16xi1>, vector<16xi32>
    %reduce_sum3A_750 = arith.constant true
    %reduce_sum3A_751 = vector.broadcast %reduce_sum3A_750 : i1 to vector<16xi1>
    %reduce_sum3A_752 = tpu.scan <sum>, %select_n3A_749 masked %reduce_sum3A_751 : vector<16xi32>, vector<16xi1> -> vector<16xi32>
    %reduce_sum3A_753 = vector.extract %reduce_sum3A_752[15] : i32 from vector<16xi32>
    %add3A_754 = arith.constant 16 : i32
    %add3A_755 = arith.addi %reduce_sum3A_753, %add3A_754 : i32
    %sub3A_756 = arith.constant 1 : i32
    %sub3A_757 = arith.subi %add3A_755, %sub3A_756 : i32
    %jit3A_758 = arith.constant 16 : i32
    %div3A_759 = arith.divsi %sub3A_757, %jit3A_758 : i32
    %sign3A_760 = arith.constant 0 : i32
    %sign3A_761 = arith.cmpi sgt, %sub3A_757, %sign3A_760 : i32
    %sign3A_762 = arith.extui %sign3A_761 : i1 to i32
    %sign3A_763 = arith.constant 0 : i32
    %sign3A_764 = arith.cmpi slt, %sub3A_757, %sign3A_763 : i32
    %sign3A_765 = arith.extui %sign3A_764 : i1 to i32
    %sign3A_766 = arith.subi %sign3A_762, %sign3A_765 : i32
    %sign3A_767 = arith.constant 0 : i32
    %sign3A_768 = arith.cmpi sgt, %jit3A_758, %sign3A_767 : i32
    %sign3A_769 = arith.extui %sign3A_768 : i1 to i32
    %sign3A_770 = arith.constant 0 : i32
    %sign3A_771 = arith.cmpi slt, %jit3A_758, %sign3A_770 : i32
    %sign3A_772 = arith.extui %sign3A_771 : i1 to i32
    %sign3A_773 = arith.subi %sign3A_769, %sign3A_772 : i32
    %ne3A_774 = arith.cmpi ne, %sign3A_766, %sign3A_773 : i32
    %rem3A_775 = arith.remsi %sub3A_757, %jit3A_758 : i32
    %ne3A_776 = arith.constant 0 : i32
    %ne3A_777 = arith.cmpi ne, %rem3A_775, %ne3A_776 : i32
    %and3A_778 = arith.andi %ne3A_774, %ne3A_777 : i1
    %sub3A_779 = arith.constant 1 : i32
    %sub3A_780 = arith.subi %div3A_759, %sub3A_779 : i32
    %select_n3A_781 = arith.select %and3A_778, %sub3A_780, %div3A_759 : i32
    %sub3A_782 = arith.constant 4096 : i32
    %sub3A_783 = arith.subi %sub3A_782, %add3A_743 : i32
    %add3A_784 = arith.constant 16 : i32
    %add3A_785 = arith.addi %sub3A_783, %add3A_784 : i32
    %sub3A_786 = arith.constant 1 : i32
    %sub3A_787 = arith.subi %add3A_785, %sub3A_786 : i32
    %jit3A_788 = arith.constant 16 : i32
    %div3A_789 = arith.divsi %sub3A_787, %jit3A_788 : i32
    %sign3A_790 = arith.constant 0 : i32
    %sign3A_791 = arith.cmpi sgt, %sub3A_787, %sign3A_790 : i32
    %sign3A_792 = arith.extui %sign3A_791 : i1 to i32
    %sign3A_793 = arith.constant 0 : i32
    %sign3A_794 = arith.cmpi slt, %sub3A_787, %sign3A_793 : i32
    %sign3A_795 = arith.extui %sign3A_794 : i1 to i32
    %sign3A_796 = arith.subi %sign3A_792, %sign3A_795 : i32
    %sign3A_797 = arith.constant 0 : i32
    %sign3A_798 = arith.cmpi sgt, %jit3A_788, %sign3A_797 : i32
    %sign3A_799 = arith.extui %sign3A_798 : i1 to i32
    %sign3A_800 = arith.constant 0 : i32
    %sign3A_801 = arith.cmpi slt, %jit3A_788, %sign3A_800 : i32
    %sign3A_802 = arith.extui %sign3A_801 : i1 to i32
    %sign3A_803 = arith.subi %sign3A_799, %sign3A_802 : i32
    %ne3A_804 = arith.cmpi ne, %sign3A_796, %sign3A_803 : i32
    %rem3A_805 = arith.remsi %sub3A_787, %jit3A_788 : i32
    %ne3A_806 = arith.constant 0 : i32
    %ne3A_807 = arith.cmpi ne, %rem3A_805, %ne3A_806 : i32
    %and3A_808 = arith.andi %ne3A_804, %ne3A_807 : i1
    %sub3A_809 = arith.constant 1 : i32
    %sub3A_810 = arith.subi %div3A_789, %sub3A_809 : i32
    %select_n3A_811 = arith.select %and3A_808, %sub3A_810, %div3A_789 : i32
    %min3A_812 = arith.minsi %select_n3A_781, %select_n3A_811 : i32
    %max3A_813 = arith.constant 0 : i32
    %max3A_814 = arith.maxsi %max3A_813, %min3A_812 : i32
    %while3A_815 = arith.constant 0 : i32
    %while3A_816 = arith.constant 0 : i32
    %while3A_817 = arith.subi %max3A_814, %while3A_816 : i32
    %while3A_818 = arith.addi %while3A_816, %while3A_817 : i32
    %while3A_819 = arith.constant 1 : i32
    %while3A_820 = arith.divsi %while3A_817, %while3A_819 : i32
    %while3A_821 = arith.muli %while3A_820, %while3A_819 : i32
    %while3A_822 = arith.addi %while3A_816, %while3A_821 : i32
    %while3A_823 = arith.constant 1 : i32
    scf.for %while3A_1346 = %while3A_816 to %while3A_822 step %while3A_823  : i32 {
      %mul3A_1347 = arith.constant 16 : i32
      %mul3A_1348 = arith.muli %while3A_1346, %mul3A_1347 : i32
      %add3A_1349 = arith.constant 2889 : i32
      %add3A_1350 = arith.addi %add3A_1349, %mul3A_1348 : i32
      %mul3A_1351 = arith.constant 16 : i32
      %mul3A_1352 = arith.muli %while3A_1346, %mul3A_1351 : i32
      %add3A_1353 = arith.addi %add3A_743, %mul3A_1352 : i32
      %get3A = arith.index_cast %add3A_1350 : i32 to index
      %get3A_1354 = tpu.vector_load %arg21[%get3A] {strides = array<i32>} : memref<5136xi32, #tpu.memory_space<vmem>>, vector<16xi32>,
      %swap3A_1355 = arith.index_cast %add3A_1353 : i32 to index
      %swap3A_1356 = tpu.vector_load %arg18[%swap3A_1355] {strides = array<i32>} : memref<4128xi32, #tpu.memory_space<vmem>>, vector<16xi32>,
      tpu.vector_store %arg18[%swap3A_1355], %get3A_1354 {strides = array<i32>} : memref<4128xi32, #tpu.memory_space<vmem>>, vector<16xi32>,
      %get3A_1357 = arith.index_cast %add3A_1350 : i32 to index
      %get3A_1358 = tpu.vector_load %arg22[%get3A_1357] {strides = array<i32>} : memref<5136xi32, #tpu.memory_space<vmem>>, vector<16xi32>,
      %swap3A_1359 = arith.index_cast %add3A_1353 : i32 to index
      %swap3A_1360 = tpu.vector_load %arg19[%swap3A_1359] {strides = array<i32>} : memref<4128xi32, #tpu.memory_space<vmem>>, vector<16xi32>,
      tpu.vector_store %arg19[%swap3A_1359], %get3A_1358 {strides = array<i32>} : memref<4128xi32, #tpu.memory_space<vmem>>, vector<16xi32>,
      %get3A_1361 = arith.index_cast %add3A_1350 : i32 to index
      %get3A_1362 = tpu.vector_load %arg23[%get3A_1361] {strides = array<i32>} : memref<5136xf32, #tpu.memory_space<vmem>>, vector<16xf32>,
      %swap3A_1363 = arith.index_cast %add3A_1353 : i32 to index
      %swap3A_1364 = tpu.vector_load %arg20[%swap3A_1363] {strides = array<i32>} : memref<4128xf32, #tpu.memory_space<vmem>>, vector<16xf32>,
      tpu.vector_store %arg20[%swap3A_1363], %get3A_1362 {strides = array<i32>} : memref<4128xf32, #tpu.memory_space<vmem>>, vector<16xf32>,
    }
    %while3A_824 = arith.constant 1 : i32
    scf.for %while3A_1346 = %while3A_822 to %while3A_818 step %while3A_824  : i32 {
      %mul3A_1347 = arith.constant 16 : i32
      %mul3A_1348 = arith.muli %while3A_1346, %mul3A_1347 : i32
      %add3A_1349 = arith.constant 2889 : i32
      %add3A_1350 = arith.addi %add3A_1349, %mul3A_1348 : i32
      %mul3A_1351 = arith.constant 16 : i32
      %mul3A_1352 = arith.muli %while3A_1346, %mul3A_1351 : i32
      %add3A_1353 = arith.addi %add3A_743, %mul3A_1352 : i32
      %get3A = arith.index_cast %add3A_1350 : i32 to index
      %get3A_1354 = tpu.vector_load %arg21[%get3A] {strides = array<i32>} : memref<5136xi32, #tpu.memory_space<vmem>>, vector<16xi32>,
      %swap3A_1355 = arith.index_cast %add3A_1353 : i32 to index
      %swap3A_1356 = tpu.vector_load %arg18[%swap3A_1355] {strides = array<i32>} : memref<4128xi32, #tpu.memory_space<vmem>>, vector<16xi32>,
      tpu.vector_store %arg18[%swap3A_1355], %get3A_1354 {strides = array<i32>} : memref<4128xi32, #tpu.memory_space<vmem>>, vector<16xi32>,
      %get3A_1357 = arith.index_cast %add3A_1350 : i32 to index
      %get3A_1358 = tpu.vector_load %arg22[%get3A_1357] {strides = array<i32>} : memref<5136xi32, #tpu.memory_space<vmem>>, vector<16xi32>,
      %swap3A_1359 = arith.index_cast %add3A_1353 : i32 to index
      %swap3A_1360 = tpu.vector_load %arg19[%swap3A_1359] {strides = array<i32>} : memref<4128xi32, #tpu.memory_space<vmem>>, vector<16xi32>,
      tpu.vector_store %arg19[%swap3A_1359], %get3A_1358 {strides = array<i32>} : memref<4128xi32, #tpu.memory_space<vmem>>, vector<16xi32>,
      %get3A_1361 = arith.index_cast %add3A_1350 : i32 to index
      %get3A_1362 = tpu.vector_load %arg23[%get3A_1361] {strides = array<i32>} : memref<5136xf32, #tpu.memory_space<vmem>>, vector<16xf32>,
      %swap3A_1363 = arith.index_cast %add3A_1353 : i32 to index
      %swap3A_1364 = tpu.vector_load %arg20[%swap3A_1363] {strides = array<i32>} : memref<4128xf32, #tpu.memory_space<vmem>>, vector<16xf32>,
      tpu.vector_store %arg20[%swap3A_1363], %get3A_1362 {strides = array<i32>} : memref<4128xf32, #tpu.memory_space<vmem>>, vector<16xf32>,
    }
    %add3A_825 = arith.addi %add3A_743, %reduce_sum3A_753 : i32
    %eq3A_826 = arith.constant 10 : i32
    %eq3A_827 = vector.broadcast %eq3A_826 : i32 to vector<16xi32>
    %eq3A_828 = arith.cmpi eq, %iota3A, %eq3A_827 : vector<16xi32>
    %jit3A_829 = arith.constant 0 : i32
    %broadcast_in_dim3A_830 = vector.broadcast %jit3A_829 : i32 to vector<16xi32>
    %select_n3A_831 = arith.select %eq3A_828, %scan3A_14, %broadcast_in_dim3A_830 : vector<16xi1>, vector<16xi32>
    %reduce_sum3A_832 = arith.constant true
    %reduce_sum3A_833 = vector.broadcast %reduce_sum3A_832 : i1 to vector<16xi1>
    %reduce_sum3A_834 = tpu.scan <sum>, %select_n3A_831 masked %reduce_sum3A_833 : vector<16xi32>, vector<16xi1> -> vector<16xi32>
    %reduce_sum3A_835 = vector.extract %reduce_sum3A_834[15] : i32 from vector<16xi32>
    %add3A_836 = arith.constant 16 : i32
    %add3A_837 = arith.addi %reduce_sum3A_835, %add3A_836 : i32
    %sub3A_838 = arith.constant 1 : i32
    %sub3A_839 = arith.subi %add3A_837, %sub3A_838 : i32
    %jit3A_840 = arith.constant 16 : i32
    %div3A_841 = arith.divsi %sub3A_839, %jit3A_840 : i32
    %sign3A_842 = arith.constant 0 : i32
    %sign3A_843 = arith.cmpi sgt, %sub3A_839, %sign3A_842 : i32
    %sign3A_844 = arith.extui %sign3A_843 : i1 to i32
    %sign3A_845 = arith.constant 0 : i32
    %sign3A_846 = arith.cmpi slt, %sub3A_839, %sign3A_845 : i32
    %sign3A_847 = arith.extui %sign3A_846 : i1 to i32
    %sign3A_848 = arith.subi %sign3A_844, %sign3A_847 : i32
    %sign3A_849 = arith.constant 0 : i32
    %sign3A_850 = arith.cmpi sgt, %jit3A_840, %sign3A_849 : i32
    %sign3A_851 = arith.extui %sign3A_850 : i1 to i32
    %sign3A_852 = arith.constant 0 : i32
    %sign3A_853 = arith.cmpi slt, %jit3A_840, %sign3A_852 : i32
    %sign3A_854 = arith.extui %sign3A_853 : i1 to i32
    %sign3A_855 = arith.subi %sign3A_851, %sign3A_854 : i32
    %ne3A_856 = arith.cmpi ne, %sign3A_848, %sign3A_855 : i32
    %rem3A_857 = arith.remsi %sub3A_839, %jit3A_840 : i32
    %ne3A_858 = arith.constant 0 : i32
    %ne3A_859 = arith.cmpi ne, %rem3A_857, %ne3A_858 : i32
    %and3A_860 = arith.andi %ne3A_856, %ne3A_859 : i1
    %sub3A_861 = arith.constant 1 : i32
    %sub3A_862 = arith.subi %div3A_841, %sub3A_861 : i32
    %select_n3A_863 = arith.select %and3A_860, %sub3A_862, %div3A_841 : i32
    %sub3A_864 = arith.constant 4096 : i32
    %sub3A_865 = arith.subi %sub3A_864, %add3A_825 : i32
    %add3A_866 = arith.constant 16 : i32
    %add3A_867 = arith.addi %sub3A_865, %add3A_866 : i32
    %sub3A_868 = arith.constant 1 : i32
    %sub3A_869 = arith.subi %add3A_867, %sub3A_868 : i32
    %jit3A_870 = arith.constant 16 : i32
    %div3A_871 = arith.divsi %sub3A_869, %jit3A_870 : i32
    %sign3A_872 = arith.constant 0 : i32
    %sign3A_873 = arith.cmpi sgt, %sub3A_869, %sign3A_872 : i32
    %sign3A_874 = arith.extui %sign3A_873 : i1 to i32
    %sign3A_875 = arith.constant 0 : i32
    %sign3A_876 = arith.cmpi slt, %sub3A_869, %sign3A_875 : i32
    %sign3A_877 = arith.extui %sign3A_876 : i1 to i32
    %sign3A_878 = arith.subi %sign3A_874, %sign3A_877 : i32
    %sign3A_879 = arith.constant 0 : i32
    %sign3A_880 = arith.cmpi sgt, %jit3A_870, %sign3A_879 : i32
    %sign3A_881 = arith.extui %sign3A_880 : i1 to i32
    %sign3A_882 = arith.constant 0 : i32
    %sign3A_883 = arith.cmpi slt, %jit3A_870, %sign3A_882 : i32
    %sign3A_884 = arith.extui %sign3A_883 : i1 to i32
    %sign3A_885 = arith.subi %sign3A_881, %sign3A_884 : i32
    %ne3A_886 = arith.cmpi ne, %sign3A_878, %sign3A_885 : i32
    %rem3A_887 = arith.remsi %sub3A_869, %jit3A_870 : i32
    %ne3A_888 = arith.constant 0 : i32
    %ne3A_889 = arith.cmpi ne, %rem3A_887, %ne3A_888 : i32
    %and3A_890 = arith.andi %ne3A_886, %ne3A_889 : i1
    %sub3A_891 = arith.constant 1 : i32
    %sub3A_892 = arith.subi %div3A_871, %sub3A_891 : i32
    %select_n3A_893 = arith.select %and3A_890, %sub3A_892, %div3A_871 : i32
    %min3A_894 = arith.minsi %select_n3A_863, %select_n3A_893 : i32
    %max3A_895 = arith.constant 0 : i32
    %max3A_896 = arith.maxsi %max3A_895, %min3A_894 : i32
    %while3A_897 = arith.constant 0 : i32
    %while3A_898 = arith.constant 0 : i32
    %while3A_899 = arith.subi %max3A_896, %while3A_898 : i32
    %while3A_900 = arith.addi %while3A_898, %while3A_899 : i32
    %while3A_901 = arith.constant 1 : i32
    %while3A_902 = arith.divsi %while3A_899, %while3A_901 : i32
    %while3A_903 = arith.muli %while3A_902, %while3A_901 : i32
    %while3A_904 = arith.addi %while3A_898, %while3A_903 : i32
    %while3A_905 = arith.constant 1 : i32
    scf.for %while3A_1346 = %while3A_898 to %while3A_904 step %while3A_905  : i32 {
      %mul3A_1347 = arith.constant 16 : i32
      %mul3A_1348 = arith.muli %while3A_1346, %mul3A_1347 : i32
      %add3A_1349 = arith.constant 3210 : i32
      %add3A_1350 = arith.addi %add3A_1349, %mul3A_1348 : i32
      %mul3A_1351 = arith.constant 16 : i32
      %mul3A_1352 = arith.muli %while3A_1346, %mul3A_1351 : i32
      %add3A_1353 = arith.addi %add3A_825, %mul3A_1352 : i32
      %get3A = arith.index_cast %add3A_1350 : i32 to index
      %get3A_1354 = tpu.vector_load %arg21[%get3A] {strides = array<i32>} : memref<5136xi32, #tpu.memory_space<vmem>>, vector<16xi32>,
      %swap3A_1355 = arith.index_cast %add3A_1353 : i32 to index
      %swap3A_1356 = tpu.vector_load %arg18[%swap3A_1355] {strides = array<i32>} : memref<4128xi32, #tpu.memory_space<vmem>>, vector<16xi32>,
      tpu.vector_store %arg18[%swap3A_1355], %get3A_1354 {strides = array<i32>} : memref<4128xi32, #tpu.memory_space<vmem>>, vector<16xi32>,
      %get3A_1357 = arith.index_cast %add3A_1350 : i32 to index
      %get3A_1358 = tpu.vector_load %arg22[%get3A_1357] {strides = array<i32>} : memref<5136xi32, #tpu.memory_space<vmem>>, vector<16xi32>,
      %swap3A_1359 = arith.index_cast %add3A_1353 : i32 to index
      %swap3A_1360 = tpu.vector_load %arg19[%swap3A_1359] {strides = array<i32>} : memref<4128xi32, #tpu.memory_space<vmem>>, vector<16xi32>,
      tpu.vector_store %arg19[%swap3A_1359], %get3A_1358 {strides = array<i32>} : memref<4128xi32, #tpu.memory_space<vmem>>, vector<16xi32>,
      %get3A_1361 = arith.index_cast %add3A_1350 : i32 to index
      %get3A_1362 = tpu.vector_load %arg23[%get3A_1361] {strides = array<i32>} : memref<5136xf32, #tpu.memory_space<vmem>>, vector<16xf32>,
      %swap3A_1363 = arith.index_cast %add3A_1353 : i32 to index
      %swap3A_1364 = tpu.vector_load %arg20[%swap3A_1363] {strides = array<i32>} : memref<4128xf32, #tpu.memory_space<vmem>>, vector<16xf32>,
      tpu.vector_store %arg20[%swap3A_1363], %get3A_1362 {strides = array<i32>} : memref<4128xf32, #tpu.memory_space<vmem>>, vector<16xf32>,
    }
    %while3A_906 = arith.constant 1 : i32
    scf.for %while3A_1346 = %while3A_904 to %while3A_900 step %while3A_906  : i32 {
      %mul3A_1347 = arith.constant 16 : i32
      %mul3A_1348 = arith.muli %while3A_1346, %mul3A_1347 : i32
      %add3A_1349 = arith.constant 3210 : i32
      %add3A_1350 = arith.addi %add3A_1349, %mul3A_1348 : i32
      %mul3A_1351 = arith.constant 16 : i32
      %mul3A_1352 = arith.muli %while3A_1346, %mul3A_1351 : i32
      %add3A_1353 = arith.addi %add3A_825, %mul3A_1352 : i32
      %get3A = arith.index_cast %add3A_1350 : i32 to index
      %get3A_1354 = tpu.vector_load %arg21[%get3A] {strides = array<i32>} : memref<5136xi32, #tpu.memory_space<vmem>>, vector<16xi32>,
      %swap3A_1355 = arith.index_cast %add3A_1353 : i32 to index
      %swap3A_1356 = tpu.vector_load %arg18[%swap3A_1355] {strides = array<i32>} : memref<4128xi32, #tpu.memory_space<vmem>>, vector<16xi32>,
      tpu.vector_store %arg18[%swap3A_1355], %get3A_1354 {strides = array<i32>} : memref<4128xi32, #tpu.memory_space<vmem>>, vector<16xi32>,
      %get3A_1357 = arith.index_cast %add3A_1350 : i32 to index
      %get3A_1358 = tpu.vector_load %arg22[%get3A_1357] {strides = array<i32>} : memref<5136xi32, #tpu.memory_space<vmem>>, vector<16xi32>,
      %swap3A_1359 = arith.index_cast %add3A_1353 : i32 to index
      %swap3A_1360 = tpu.vector_load %arg19[%swap3A_1359] {strides = array<i32>} : memref<4128xi32, #tpu.memory_space<vmem>>, vector<16xi32>,
      tpu.vector_store %arg19[%swap3A_1359], %get3A_1358 {strides = array<i32>} : memref<4128xi32, #tpu.memory_space<vmem>>, vector<16xi32>,
      %get3A_1361 = arith.index_cast %add3A_1350 : i32 to index
      %get3A_1362 = tpu.vector_load %arg23[%get3A_1361] {strides = array<i32>} : memref<5136xf32, #tpu.memory_space<vmem>>, vector<16xf32>,
      %swap3A_1363 = arith.index_cast %add3A_1353 : i32 to index
      %swap3A_1364 = tpu.vector_load %arg20[%swap3A_1363] {strides = array<i32>} : memref<4128xf32, #tpu.memory_space<vmem>>, vector<16xf32>,
      tpu.vector_store %arg20[%swap3A_1363], %get3A_1362 {strides = array<i32>} : memref<4128xf32, #tpu.memory_space<vmem>>, vector<16xf32>,
    }
    %add3A_907 = arith.addi %add3A_825, %reduce_sum3A_835 : i32
    %eq3A_908 = arith.constant 11 : i32
    %eq3A_909 = vector.broadcast %eq3A_908 : i32 to vector<16xi32>
    %eq3A_910 = arith.cmpi eq, %iota3A, %eq3A_909 : vector<16xi32>
    %jit3A_911 = arith.constant 0 : i32
    %broadcast_in_dim3A_912 = vector.broadcast %jit3A_911 : i32 to vector<16xi32>
    %select_n3A_913 = arith.select %eq3A_910, %scan3A_14, %broadcast_in_dim3A_912 : vector<16xi1>, vector<16xi32>
    %reduce_sum3A_914 = arith.constant true
    %reduce_sum3A_915 = vector.broadcast %reduce_sum3A_914 : i1 to vector<16xi1>
    %reduce_sum3A_916 = tpu.scan <sum>, %select_n3A_913 masked %reduce_sum3A_915 : vector<16xi32>, vector<16xi1> -> vector<16xi32>
    %reduce_sum3A_917 = vector.extract %reduce_sum3A_916[15] : i32 from vector<16xi32>
    %add3A_918 = arith.constant 16 : i32
    %add3A_919 = arith.addi %reduce_sum3A_917, %add3A_918 : i32
    %sub3A_920 = arith.constant 1 : i32
    %sub3A_921 = arith.subi %add3A_919, %sub3A_920 : i32
    %jit3A_922 = arith.constant 16 : i32
    %div3A_923 = arith.divsi %sub3A_921, %jit3A_922 : i32
    %sign3A_924 = arith.constant 0 : i32
    %sign3A_925 = arith.cmpi sgt, %sub3A_921, %sign3A_924 : i32
    %sign3A_926 = arith.extui %sign3A_925 : i1 to i32
    %sign3A_927 = arith.constant 0 : i32
    %sign3A_928 = arith.cmpi slt, %sub3A_921, %sign3A_927 : i32
    %sign3A_929 = arith.extui %sign3A_928 : i1 to i32
    %sign3A_930 = arith.subi %sign3A_926, %sign3A_929 : i32
    %sign3A_931 = arith.constant 0 : i32
    %sign3A_932 = arith.cmpi sgt, %jit3A_922, %sign3A_931 : i32
    %sign3A_933 = arith.extui %sign3A_932 : i1 to i32
    %sign3A_934 = arith.constant 0 : i32
    %sign3A_935 = arith.cmpi slt, %jit3A_922, %sign3A_934 : i32
    %sign3A_936 = arith.extui %sign3A_935 : i1 to i32
    %sign3A_937 = arith.subi %sign3A_933, %sign3A_936 : i32
    %ne3A_938 = arith.cmpi ne, %sign3A_930, %sign3A_937 : i32
    %rem3A_939 = arith.remsi %sub3A_921, %jit3A_922 : i32
    %ne3A_940 = arith.constant 0 : i32
    %ne3A_941 = arith.cmpi ne, %rem3A_939, %ne3A_940 : i32
    %and3A_942 = arith.andi %ne3A_938, %ne3A_941 : i1
    %sub3A_943 = arith.constant 1 : i32
    %sub3A_944 = arith.subi %div3A_923, %sub3A_943 : i32
    %select_n3A_945 = arith.select %and3A_942, %sub3A_944, %div3A_923 : i32
    %sub3A_946 = arith.constant 4096 : i32
    %sub3A_947 = arith.subi %sub3A_946, %add3A_907 : i32
    %add3A_948 = arith.constant 16 : i32
    %add3A_949 = arith.addi %sub3A_947, %add3A_948 : i32
    %sub3A_950 = arith.constant 1 : i32
    %sub3A_951 = arith.subi %add3A_949, %sub3A_950 : i32
    %jit3A_952 = arith.constant 16 : i32
    %div3A_953 = arith.divsi %sub3A_951, %jit3A_952 : i32
    %sign3A_954 = arith.constant 0 : i32
    %sign3A_955 = arith.cmpi sgt, %sub3A_951, %sign3A_954 : i32
    %sign3A_956 = arith.extui %sign3A_955 : i1 to i32
    %sign3A_957 = arith.constant 0 : i32
    %sign3A_958 = arith.cmpi slt, %sub3A_951, %sign3A_957 : i32
    %sign3A_959 = arith.extui %sign3A_958 : i1 to i32
    %sign3A_960 = arith.subi %sign3A_956, %sign3A_959 : i32
    %sign3A_961 = arith.constant 0 : i32
    %sign3A_962 = arith.cmpi sgt, %jit3A_952, %sign3A_961 : i32
    %sign3A_963 = arith.extui %sign3A_962 : i1 to i32
    %sign3A_964 = arith.constant 0 : i32
    %sign3A_965 = arith.cmpi slt, %jit3A_952, %sign3A_964 : i32
    %sign3A_966 = arith.extui %sign3A_965 : i1 to i32
    %sign3A_967 = arith.subi %sign3A_963, %sign3A_966 : i32
    %ne3A_968 = arith.cmpi ne, %sign3A_960, %sign3A_967 : i32
    %rem3A_969 = arith.remsi %sub3A_951, %jit3A_952 : i32
    %ne3A_970 = arith.constant 0 : i32
    %ne3A_971 = arith.cmpi ne, %rem3A_969, %ne3A_970 : i32
    %and3A_972 = arith.andi %ne3A_968, %ne3A_971 : i1
    %sub3A_973 = arith.constant 1 : i32
    %sub3A_974 = arith.subi %div3A_953, %sub3A_973 : i32
    %select_n3A_975 = arith.select %and3A_972, %sub3A_974, %div3A_953 : i32
    %min3A_976 = arith.minsi %select_n3A_945, %select_n3A_975 : i32
    %max3A_977 = arith.constant 0 : i32
    %max3A_978 = arith.maxsi %max3A_977, %min3A_976 : i32
    %while3A_979 = arith.constant 0 : i32
    %while3A_980 = arith.constant 0 : i32
    %while3A_981 = arith.subi %max3A_978, %while3A_980 : i32
    %while3A_982 = arith.addi %while3A_980, %while3A_981 : i32
    %while3A_983 = arith.constant 1 : i32
    %while3A_984 = arith.divsi %while3A_981, %while3A_983 : i32
    %while3A_985 = arith.muli %while3A_984, %while3A_983 : i32
    %while3A_986 = arith.addi %while3A_980, %while3A_985 : i32
    %while3A_987 = arith.constant 1 : i32
    scf.for %while3A_1346 = %while3A_980 to %while3A_986 step %while3A_987  : i32 {
      %mul3A_1347 = arith.constant 16 : i32
      %mul3A_1348 = arith.muli %while3A_1346, %mul3A_1347 : i32
      %add3A_1349 = arith.constant 3531 : i32
      %add3A_1350 = arith.addi %add3A_1349, %mul3A_1348 : i32
      %mul3A_1351 = arith.constant 16 : i32
      %mul3A_1352 = arith.muli %while3A_1346, %mul3A_1351 : i32
      %add3A_1353 = arith.addi %add3A_907, %mul3A_1352 : i32
      %get3A = arith.index_cast %add3A_1350 : i32 to index
      %get3A_1354 = tpu.vector_load %arg21[%get3A] {strides = array<i32>} : memref<5136xi32, #tpu.memory_space<vmem>>, vector<16xi32>,
      %swap3A_1355 = arith.index_cast %add3A_1353 : i32 to index
      %swap3A_1356 = tpu.vector_load %arg18[%swap3A_1355] {strides = array<i32>} : memref<4128xi32, #tpu.memory_space<vmem>>, vector<16xi32>,
      tpu.vector_store %arg18[%swap3A_1355], %get3A_1354 {strides = array<i32>} : memref<4128xi32, #tpu.memory_space<vmem>>, vector<16xi32>,
      %get3A_1357 = arith.index_cast %add3A_1350 : i32 to index
      %get3A_1358 = tpu.vector_load %arg22[%get3A_1357] {strides = array<i32>} : memref<5136xi32, #tpu.memory_space<vmem>>, vector<16xi32>,
      %swap3A_1359 = arith.index_cast %add3A_1353 : i32 to index
      %swap3A_1360 = tpu.vector_load %arg19[%swap3A_1359] {strides = array<i32>} : memref<4128xi32, #tpu.memory_space<vmem>>, vector<16xi32>,
      tpu.vector_store %arg19[%swap3A_1359], %get3A_1358 {strides = array<i32>} : memref<4128xi32, #tpu.memory_space<vmem>>, vector<16xi32>,
      %get3A_1361 = arith.index_cast %add3A_1350 : i32 to index
      %get3A_1362 = tpu.vector_load %arg23[%get3A_1361] {strides = array<i32>} : memref<5136xf32, #tpu.memory_space<vmem>>, vector<16xf32>,
      %swap3A_1363 = arith.index_cast %add3A_1353 : i32 to index
      %swap3A_1364 = tpu.vector_load %arg20[%swap3A_1363] {strides = array<i32>} : memref<4128xf32, #tpu.memory_space<vmem>>, vector<16xf32>,
      tpu.vector_store %arg20[%swap3A_1363], %get3A_1362 {strides = array<i32>} : memref<4128xf32, #tpu.memory_space<vmem>>, vector<16xf32>,
    }
    %while3A_988 = arith.constant 1 : i32
    scf.for %while3A_1346 = %while3A_986 to %while3A_982 step %while3A_988  : i32 {
      %mul3A_1347 = arith.constant 16 : i32
      %mul3A_1348 = arith.muli %while3A_1346, %mul3A_1347 : i32
      %add3A_1349 = arith.constant 3531 : i32
      %add3A_1350 = arith.addi %add3A_1349, %mul3A_1348 : i32
      %mul3A_1351 = arith.constant 16 : i32
      %mul3A_1352 = arith.muli %while3A_1346, %mul3A_1351 : i32
      %add3A_1353 = arith.addi %add3A_907, %mul3A_1352 : i32
      %get3A = arith.index_cast %add3A_1350 : i32 to index
      %get3A_1354 = tpu.vector_load %arg21[%get3A] {strides = array<i32>} : memref<5136xi32, #tpu.memory_space<vmem>>, vector<16xi32>,
      %swap3A_1355 = arith.index_cast %add3A_1353 : i32 to index
      %swap3A_1356 = tpu.vector_load %arg18[%swap3A_1355] {strides = array<i32>} : memref<4128xi32, #tpu.memory_space<vmem>>, vector<16xi32>,
      tpu.vector_store %arg18[%swap3A_1355], %get3A_1354 {strides = array<i32>} : memref<4128xi32, #tpu.memory_space<vmem>>, vector<16xi32>,
      %get3A_1357 = arith.index_cast %add3A_1350 : i32 to index
      %get3A_1358 = tpu.vector_load %arg22[%get3A_1357] {strides = array<i32>} : memref<5136xi32, #tpu.memory_space<vmem>>, vector<16xi32>,
      %swap3A_1359 = arith.index_cast %add3A_1353 : i32 to index
      %swap3A_1360 = tpu.vector_load %arg19[%swap3A_1359] {strides = array<i32>} : memref<4128xi32, #tpu.memory_space<vmem>>, vector<16xi32>,
      tpu.vector_store %arg19[%swap3A_1359], %get3A_1358 {strides = array<i32>} : memref<4128xi32, #tpu.memory_space<vmem>>, vector<16xi32>,
      %get3A_1361 = arith.index_cast %add3A_1350 : i32 to index
      %get3A_1362 = tpu.vector_load %arg23[%get3A_1361] {strides = array<i32>} : memref<5136xf32, #tpu.memory_space<vmem>>, vector<16xf32>,
      %swap3A_1363 = arith.index_cast %add3A_1353 : i32 to index
      %swap3A_1364 = tpu.vector_load %arg20[%swap3A_1363] {strides = array<i32>} : memref<4128xf32, #tpu.memory_space<vmem>>, vector<16xf32>,
      tpu.vector_store %arg20[%swap3A_1363], %get3A_1362 {strides = array<i32>} : memref<4128xf32, #tpu.memory_space<vmem>>, vector<16xf32>,
    }
    %add3A_989 = arith.addi %add3A_907, %reduce_sum3A_917 : i32
    %eq3A_990 = arith.constant 12 : i32
    %eq3A_991 = vector.broadcast %eq3A_990 : i32 to vector<16xi32>
    %eq3A_992 = arith.cmpi eq, %iota3A, %eq3A_991 : vector<16xi32>
    %jit3A_993 = arith.constant 0 : i32
    %broadcast_in_dim3A_994 = vector.broadcast %jit3A_993 : i32 to vector<16xi32>
    %select_n3A_995 = arith.select %eq3A_992, %scan3A_14, %broadcast_in_dim3A_994 : vector<16xi1>, vector<16xi32>
    %reduce_sum3A_996 = arith.constant true
    %reduce_sum3A_997 = vector.broadcast %reduce_sum3A_996 : i1 to vector<16xi1>
    %reduce_sum3A_998 = tpu.scan <sum>, %select_n3A_995 masked %reduce_sum3A_997 : vector<16xi32>, vector<16xi1> -> vector<16xi32>
    %reduce_sum3A_999 = vector.extract %reduce_sum3A_998[15] : i32 from vector<16xi32>
    %add3A_1000 = arith.constant 16 : i32
    %add3A_1001 = arith.addi %reduce_sum3A_999, %add3A_1000 : i32
    %sub3A_1002 = arith.constant 1 : i32
    %sub3A_1003 = arith.subi %add3A_1001, %sub3A_1002 : i32
    %jit3A_1004 = arith.constant 16 : i32
    %div3A_1005 = arith.divsi %sub3A_1003, %jit3A_1004 : i32
    %sign3A_1006 = arith.constant 0 : i32
    %sign3A_1007 = arith.cmpi sgt, %sub3A_1003, %sign3A_1006 : i32
    %sign3A_1008 = arith.extui %sign3A_1007 : i1 to i32
    %sign3A_1009 = arith.constant 0 : i32
    %sign3A_1010 = arith.cmpi slt, %sub3A_1003, %sign3A_1009 : i32
    %sign3A_1011 = arith.extui %sign3A_1010 : i1 to i32
    %sign3A_1012 = arith.subi %sign3A_1008, %sign3A_1011 : i32
    %sign3A_1013 = arith.constant 0 : i32
    %sign3A_1014 = arith.cmpi sgt, %jit3A_1004, %sign3A_1013 : i32
    %sign3A_1015 = arith.extui %sign3A_1014 : i1 to i32
    %sign3A_1016 = arith.constant 0 : i32
    %sign3A_1017 = arith.cmpi slt, %jit3A_1004, %sign3A_1016 : i32
    %sign3A_1018 = arith.extui %sign3A_1017 : i1 to i32
    %sign3A_1019 = arith.subi %sign3A_1015, %sign3A_1018 : i32
    %ne3A_1020 = arith.cmpi ne, %sign3A_1012, %sign3A_1019 : i32
    %rem3A_1021 = arith.remsi %sub3A_1003, %jit3A_1004 : i32
    %ne3A_1022 = arith.constant 0 : i32
    %ne3A_1023 = arith.cmpi ne, %rem3A_1021, %ne3A_1022 : i32
    %and3A_1024 = arith.andi %ne3A_1020, %ne3A_1023 : i1
    %sub3A_1025 = arith.constant 1 : i32
    %sub3A_1026 = arith.subi %div3A_1005, %sub3A_1025 : i32
    %select_n3A_1027 = arith.select %and3A_1024, %sub3A_1026, %div3A_1005 : i32
    %sub3A_1028 = arith.constant 4096 : i32
    %sub3A_1029 = arith.subi %sub3A_1028, %add3A_989 : i32
    %add3A_1030 = arith.constant 16 : i32
    %add3A_1031 = arith.addi %sub3A_1029, %add3A_1030 : i32
    %sub3A_1032 = arith.constant 1 : i32
    %sub3A_1033 = arith.subi %add3A_1031, %sub3A_1032 : i32
    %jit3A_1034 = arith.constant 16 : i32
    %div3A_1035 = arith.divsi %sub3A_1033, %jit3A_1034 : i32
    %sign3A_1036 = arith.constant 0 : i32
    %sign3A_1037 = arith.cmpi sgt, %sub3A_1033, %sign3A_1036 : i32
    %sign3A_1038 = arith.extui %sign3A_1037 : i1 to i32
    %sign3A_1039 = arith.constant 0 : i32
    %sign3A_1040 = arith.cmpi slt, %sub3A_1033, %sign3A_1039 : i32
    %sign3A_1041 = arith.extui %sign3A_1040 : i1 to i32
    %sign3A_1042 = arith.subi %sign3A_1038, %sign3A_1041 : i32
    %sign3A_1043 = arith.constant 0 : i32
    %sign3A_1044 = arith.cmpi sgt, %jit3A_1034, %sign3A_1043 : i32
    %sign3A_1045 = arith.extui %sign3A_1044 : i1 to i32
    %sign3A_1046 = arith.constant 0 : i32
    %sign3A_1047 = arith.cmpi slt, %jit3A_1034, %sign3A_1046 : i32
    %sign3A_1048 = arith.extui %sign3A_1047 : i1 to i32
    %sign3A_1049 = arith.subi %sign3A_1045, %sign3A_1048 : i32
    %ne3A_1050 = arith.cmpi ne, %sign3A_1042, %sign3A_1049 : i32
    %rem3A_1051 = arith.remsi %sub3A_1033, %jit3A_1034 : i32
    %ne3A_1052 = arith.constant 0 : i32
    %ne3A_1053 = arith.cmpi ne, %rem3A_1051, %ne3A_1052 : i32
    %and3A_1054 = arith.andi %ne3A_1050, %ne3A_1053 : i1
    %sub3A_1055 = arith.constant 1 : i32
    %sub3A_1056 = arith.subi %div3A_1035, %sub3A_1055 : i32
    %select_n3A_1057 = arith.select %and3A_1054, %sub3A_1056, %div3A_1035 : i32
    %min3A_1058 = arith.minsi %select_n3A_1027, %select_n3A_1057 : i32
    %max3A_1059 = arith.constant 0 : i32
    %max3A_1060 = arith.maxsi %max3A_1059, %min3A_1058 : i32
    %while3A_1061 = arith.constant 0 : i32
    %while3A_1062 = arith.constant 0 : i32
    %while3A_1063 = arith.subi %max3A_1060, %while3A_1062 : i32
    %while3A_1064 = arith.addi %while3A_1062, %while3A_1063 : i32
    %while3A_1065 = arith.constant 1 : i32
    %while3A_1066 = arith.divsi %while3A_1063, %while3A_1065 : i32
    %while3A_1067 = arith.muli %while3A_1066, %while3A_1065 : i32
    %while3A_1068 = arith.addi %while3A_1062, %while3A_1067 : i32
    %while3A_1069 = arith.constant 1 : i32
    scf.for %while3A_1346 = %while3A_1062 to %while3A_1068 step %while3A_1069  : i32 {
      %mul3A_1347 = arith.constant 16 : i32
      %mul3A_1348 = arith.muli %while3A_1346, %mul3A_1347 : i32
      %add3A_1349 = arith.constant 3852 : i32
      %add3A_1350 = arith.addi %add3A_1349, %mul3A_1348 : i32
      %mul3A_1351 = arith.constant 16 : i32
      %mul3A_1352 = arith.muli %while3A_1346, %mul3A_1351 : i32
      %add3A_1353 = arith.addi %add3A_989, %mul3A_1352 : i32
      %get3A = arith.index_cast %add3A_1350 : i32 to index
      %get3A_1354 = tpu.vector_load %arg21[%get3A] {strides = array<i32>} : memref<5136xi32, #tpu.memory_space<vmem>>, vector<16xi32>,
      %swap3A_1355 = arith.index_cast %add3A_1353 : i32 to index
      %swap3A_1356 = tpu.vector_load %arg18[%swap3A_1355] {strides = array<i32>} : memref<4128xi32, #tpu.memory_space<vmem>>, vector<16xi32>,
      tpu.vector_store %arg18[%swap3A_1355], %get3A_1354 {strides = array<i32>} : memref<4128xi32, #tpu.memory_space<vmem>>, vector<16xi32>,
      %get3A_1357 = arith.index_cast %add3A_1350 : i32 to index
      %get3A_1358 = tpu.vector_load %arg22[%get3A_1357] {strides = array<i32>} : memref<5136xi32, #tpu.memory_space<vmem>>, vector<16xi32>,
      %swap3A_1359 = arith.index_cast %add3A_1353 : i32 to index
      %swap3A_1360 = tpu.vector_load %arg19[%swap3A_1359] {strides = array<i32>} : memref<4128xi32, #tpu.memory_space<vmem>>, vector<16xi32>,
      tpu.vector_store %arg19[%swap3A_1359], %get3A_1358 {strides = array<i32>} : memref<4128xi32, #tpu.memory_space<vmem>>, vector<16xi32>,
      %get3A_1361 = arith.index_cast %add3A_1350 : i32 to index
      %get3A_1362 = tpu.vector_load %arg23[%get3A_1361] {strides = array<i32>} : memref<5136xf32, #tpu.memory_space<vmem>>, vector<16xf32>,
      %swap3A_1363 = arith.index_cast %add3A_1353 : i32 to index
      %swap3A_1364 = tpu.vector_load %arg20[%swap3A_1363] {strides = array<i32>} : memref<4128xf32, #tpu.memory_space<vmem>>, vector<16xf32>,
      tpu.vector_store %arg20[%swap3A_1363], %get3A_1362 {strides = array<i32>} : memref<4128xf32, #tpu.memory_space<vmem>>, vector<16xf32>,
    }
    %while3A_1070 = arith.constant 1 : i32
    scf.for %while3A_1346 = %while3A_1068 to %while3A_1064 step %while3A_1070  : i32 {
      %mul3A_1347 = arith.constant 16 : i32
      %mul3A_1348 = arith.muli %while3A_1346, %mul3A_1347 : i32
      %add3A_1349 = arith.constant 3852 : i32
      %add3A_1350 = arith.addi %add3A_1349, %mul3A_1348 : i32
      %mul3A_1351 = arith.constant 16 : i32
      %mul3A_1352 = arith.muli %while3A_1346, %mul3A_1351 : i32
      %add3A_1353 = arith.addi %add3A_989, %mul3A_1352 : i32
      %get3A = arith.index_cast %add3A_1350 : i32 to index
      %get3A_1354 = tpu.vector_load %arg21[%get3A] {strides = array<i32>} : memref<5136xi32, #tpu.memory_space<vmem>>, vector<16xi32>,
      %swap3A_1355 = arith.index_cast %add3A_1353 : i32 to index
      %swap3A_1356 = tpu.vector_load %arg18[%swap3A_1355] {strides = array<i32>} : memref<4128xi32, #tpu.memory_space<vmem>>, vector<16xi32>,
      tpu.vector_store %arg18[%swap3A_1355], %get3A_1354 {strides = array<i32>} : memref<4128xi32, #tpu.memory_space<vmem>>, vector<16xi32>,
      %get3A_1357 = arith.index_cast %add3A_1350 : i32 to index
      %get3A_1358 = tpu.vector_load %arg22[%get3A_1357] {strides = array<i32>} : memref<5136xi32, #tpu.memory_space<vmem>>, vector<16xi32>,
      %swap3A_1359 = arith.index_cast %add3A_1353 : i32 to index
      %swap3A_1360 = tpu.vector_load %arg19[%swap3A_1359] {strides = array<i32>} : memref<4128xi32, #tpu.memory_space<vmem>>, vector<16xi32>,
      tpu.vector_store %arg19[%swap3A_1359], %get3A_1358 {strides = array<i32>} : memref<4128xi32, #tpu.memory_space<vmem>>, vector<16xi32>,
      %get3A_1361 = arith.index_cast %add3A_1350 : i32 to index
      %get3A_1362 = tpu.vector_load %arg23[%get3A_1361] {strides = array<i32>} : memref<5136xf32, #tpu.memory_space<vmem>>, vector<16xf32>,
      %swap3A_1363 = arith.index_cast %add3A_1353 : i32 to index
      %swap3A_1364 = tpu.vector_load %arg20[%swap3A_1363] {strides = array<i32>} : memref<4128xf32, #tpu.memory_space<vmem>>, vector<16xf32>,
      tpu.vector_store %arg20[%swap3A_1363], %get3A_1362 {strides = array<i32>} : memref<4128xf32, #tpu.memory_space<vmem>>, vector<16xf32>,
    }
    %add3A_1071 = arith.addi %add3A_989, %reduce_sum3A_999 : i32
    %eq3A_1072 = arith.constant 13 : i32
    %eq3A_1073 = vector.broadcast %eq3A_1072 : i32 to vector<16xi32>
    %eq3A_1074 = arith.cmpi eq, %iota3A, %eq3A_1073 : vector<16xi32>
    %jit3A_1075 = arith.constant 0 : i32
    %broadcast_in_dim3A_1076 = vector.broadcast %jit3A_1075 : i32 to vector<16xi32>
    %select_n3A_1077 = arith.select %eq3A_1074, %scan3A_14, %broadcast_in_dim3A_1076 : vector<16xi1>, vector<16xi32>
    %reduce_sum3A_1078 = arith.constant true
    %reduce_sum3A_1079 = vector.broadcast %reduce_sum3A_1078 : i1 to vector<16xi1>
    %reduce_sum3A_1080 = tpu.scan <sum>, %select_n3A_1077 masked %reduce_sum3A_1079 : vector<16xi32>, vector<16xi1> -> vector<16xi32>
    %reduce_sum3A_1081 = vector.extract %reduce_sum3A_1080[15] : i32 from vector<16xi32>
    %add3A_1082 = arith.constant 16 : i32
    %add3A_1083 = arith.addi %reduce_sum3A_1081, %add3A_1082 : i32
    %sub3A_1084 = arith.constant 1 : i32
    %sub3A_1085 = arith.subi %add3A_1083, %sub3A_1084 : i32
    %jit3A_1086 = arith.constant 16 : i32
    %div3A_1087 = arith.divsi %sub3A_1085, %jit3A_1086 : i32
    %sign3A_1088 = arith.constant 0 : i32
    %sign3A_1089 = arith.cmpi sgt, %sub3A_1085, %sign3A_1088 : i32
    %sign3A_1090 = arith.extui %sign3A_1089 : i1 to i32
    %sign3A_1091 = arith.constant 0 : i32
    %sign3A_1092 = arith.cmpi slt, %sub3A_1085, %sign3A_1091 : i32
    %sign3A_1093 = arith.extui %sign3A_1092 : i1 to i32
    %sign3A_1094 = arith.subi %sign3A_1090, %sign3A_1093 : i32
    %sign3A_1095 = arith.constant 0 : i32
    %sign3A_1096 = arith.cmpi sgt, %jit3A_1086, %sign3A_1095 : i32
    %sign3A_1097 = arith.extui %sign3A_1096 : i1 to i32
    %sign3A_1098 = arith.constant 0 : i32
    %sign3A_1099 = arith.cmpi slt, %jit3A_1086, %sign3A_1098 : i32
    %sign3A_1100 = arith.extui %sign3A_1099 : i1 to i32
    %sign3A_1101 = arith.subi %sign3A_1097, %sign3A_1100 : i32
    %ne3A_1102 = arith.cmpi ne, %sign3A_1094, %sign3A_1101 : i32
    %rem3A_1103 = arith.remsi %sub3A_1085, %jit3A_1086 : i32
    %ne3A_1104 = arith.constant 0 : i32
    %ne3A_1105 = arith.cmpi ne, %rem3A_1103, %ne3A_1104 : i32
    %and3A_1106 = arith.andi %ne3A_1102, %ne3A_1105 : i1
    %sub3A_1107 = arith.constant 1 : i32
    %sub3A_1108 = arith.subi %div3A_1087, %sub3A_1107 : i32
    %select_n3A_1109 = arith.select %and3A_1106, %sub3A_1108, %div3A_1087 : i32
    %sub3A_1110 = arith.constant 4096 : i32
    %sub3A_1111 = arith.subi %sub3A_1110, %add3A_1071 : i32
    %add3A_1112 = arith.constant 16 : i32
    %add3A_1113 = arith.addi %sub3A_1111, %add3A_1112 : i32
    %sub3A_1114 = arith.constant 1 : i32
    %sub3A_1115 = arith.subi %add3A_1113, %sub3A_1114 : i32
    %jit3A_1116 = arith.constant 16 : i32
    %div3A_1117 = arith.divsi %sub3A_1115, %jit3A_1116 : i32
    %sign3A_1118 = arith.constant 0 : i32
    %sign3A_1119 = arith.cmpi sgt, %sub3A_1115, %sign3A_1118 : i32
    %sign3A_1120 = arith.extui %sign3A_1119 : i1 to i32
    %sign3A_1121 = arith.constant 0 : i32
    %sign3A_1122 = arith.cmpi slt, %sub3A_1115, %sign3A_1121 : i32
    %sign3A_1123 = arith.extui %sign3A_1122 : i1 to i32
    %sign3A_1124 = arith.subi %sign3A_1120, %sign3A_1123 : i32
    %sign3A_1125 = arith.constant 0 : i32
    %sign3A_1126 = arith.cmpi sgt, %jit3A_1116, %sign3A_1125 : i32
    %sign3A_1127 = arith.extui %sign3A_1126 : i1 to i32
    %sign3A_1128 = arith.constant 0 : i32
    %sign3A_1129 = arith.cmpi slt, %jit3A_1116, %sign3A_1128 : i32
    %sign3A_1130 = arith.extui %sign3A_1129 : i1 to i32
    %sign3A_1131 = arith.subi %sign3A_1127, %sign3A_1130 : i32
    %ne3A_1132 = arith.cmpi ne, %sign3A_1124, %sign3A_1131 : i32
    %rem3A_1133 = arith.remsi %sub3A_1115, %jit3A_1116 : i32
    %ne3A_1134 = arith.constant 0 : i32
    %ne3A_1135 = arith.cmpi ne, %rem3A_1133, %ne3A_1134 : i32
    %and3A_1136 = arith.andi %ne3A_1132, %ne3A_1135 : i1
    %sub3A_1137 = arith.constant 1 : i32
    %sub3A_1138 = arith.subi %div3A_1117, %sub3A_1137 : i32
    %select_n3A_1139 = arith.select %and3A_1136, %sub3A_1138, %div3A_1117 : i32
    %min3A_1140 = arith.minsi %select_n3A_1109, %select_n3A_1139 : i32
    %max3A_1141 = arith.constant 0 : i32
    %max3A_1142 = arith.maxsi %max3A_1141, %min3A_1140 : i32
    %while3A_1143 = arith.constant 0 : i32
    %while3A_1144 = arith.constant 0 : i32
    %while3A_1145 = arith.subi %max3A_1142, %while3A_1144 : i32
    %while3A_1146 = arith.addi %while3A_1144, %while3A_1145 : i32
    %while3A_1147 = arith.constant 1 : i32
    %while3A_1148 = arith.divsi %while3A_1145, %while3A_1147 : i32
    %while3A_1149 = arith.muli %while3A_1148, %while3A_1147 : i32
    %while3A_1150 = arith.addi %while3A_1144, %while3A_1149 : i32
    %while3A_1151 = arith.constant 1 : i32
    scf.for %while3A_1346 = %while3A_1144 to %while3A_1150 step %while3A_1151  : i32 {
      %mul3A_1347 = arith.constant 16 : i32
      %mul3A_1348 = arith.muli %while3A_1346, %mul3A_1347 : i32
      %add3A_1349 = arith.constant 4173 : i32
      %add3A_1350 = arith.addi %add3A_1349, %mul3A_1348 : i32
      %mul3A_1351 = arith.constant 16 : i32
      %mul3A_1352 = arith.muli %while3A_1346, %mul3A_1351 : i32
      %add3A_1353 = arith.addi %add3A_1071, %mul3A_1352 : i32
      %get3A = arith.index_cast %add3A_1350 : i32 to index
      %get3A_1354 = tpu.vector_load %arg21[%get3A] {strides = array<i32>} : memref<5136xi32, #tpu.memory_space<vmem>>, vector<16xi32>,
      %swap3A_1355 = arith.index_cast %add3A_1353 : i32 to index
      %swap3A_1356 = tpu.vector_load %arg18[%swap3A_1355] {strides = array<i32>} : memref<4128xi32, #tpu.memory_space<vmem>>, vector<16xi32>,
      tpu.vector_store %arg18[%swap3A_1355], %get3A_1354 {strides = array<i32>} : memref<4128xi32, #tpu.memory_space<vmem>>, vector<16xi32>,
      %get3A_1357 = arith.index_cast %add3A_1350 : i32 to index
      %get3A_1358 = tpu.vector_load %arg22[%get3A_1357] {strides = array<i32>} : memref<5136xi32, #tpu.memory_space<vmem>>, vector<16xi32>,
      %swap3A_1359 = arith.index_cast %add3A_1353 : i32 to index
      %swap3A_1360 = tpu.vector_load %arg19[%swap3A_1359] {strides = array<i32>} : memref<4128xi32, #tpu.memory_space<vmem>>, vector<16xi32>,
      tpu.vector_store %arg19[%swap3A_1359], %get3A_1358 {strides = array<i32>} : memref<4128xi32, #tpu.memory_space<vmem>>, vector<16xi32>,
      %get3A_1361 = arith.index_cast %add3A_1350 : i32 to index
      %get3A_1362 = tpu.vector_load %arg23[%get3A_1361] {strides = array<i32>} : memref<5136xf32, #tpu.memory_space<vmem>>, vector<16xf32>,
      %swap3A_1363 = arith.index_cast %add3A_1353 : i32 to index
      %swap3A_1364 = tpu.vector_load %arg20[%swap3A_1363] {strides = array<i32>} : memref<4128xf32, #tpu.memory_space<vmem>>, vector<16xf32>,
      tpu.vector_store %arg20[%swap3A_1363], %get3A_1362 {strides = array<i32>} : memref<4128xf32, #tpu.memory_space<vmem>>, vector<16xf32>,
    }
    %while3A_1152 = arith.constant 1 : i32
    scf.for %while3A_1346 = %while3A_1150 to %while3A_1146 step %while3A_1152  : i32 {
      %mul3A_1347 = arith.constant 16 : i32
      %mul3A_1348 = arith.muli %while3A_1346, %mul3A_1347 : i32
      %add3A_1349 = arith.constant 4173 : i32
      %add3A_1350 = arith.addi %add3A_1349, %mul3A_1348 : i32
      %mul3A_1351 = arith.constant 16 : i32
      %mul3A_1352 = arith.muli %while3A_1346, %mul3A_1351 : i32
      %add3A_1353 = arith.addi %add3A_1071, %mul3A_1352 : i32
      %get3A = arith.index_cast %add3A_1350 : i32 to index
      %get3A_1354 = tpu.vector_load %arg21[%get3A] {strides = array<i32>} : memref<5136xi32, #tpu.memory_space<vmem>>, vector<16xi32>,
      %swap3A_1355 = arith.index_cast %add3A_1353 : i32 to index
      %swap3A_1356 = tpu.vector_load %arg18[%swap3A_1355] {strides = array<i32>} : memref<4128xi32, #tpu.memory_space<vmem>>, vector<16xi32>,
      tpu.vector_store %arg18[%swap3A_1355], %get3A_1354 {strides = array<i32>} : memref<4128xi32, #tpu.memory_space<vmem>>, vector<16xi32>,
      %get3A_1357 = arith.index_cast %add3A_1350 : i32 to index
      %get3A_1358 = tpu.vector_load %arg22[%get3A_1357] {strides = array<i32>} : memref<5136xi32, #tpu.memory_space<vmem>>, vector<16xi32>,
      %swap3A_1359 = arith.index_cast %add3A_1353 : i32 to index
      %swap3A_1360 = tpu.vector_load %arg19[%swap3A_1359] {strides = array<i32>} : memref<4128xi32, #tpu.memory_space<vmem>>, vector<16xi32>,
      tpu.vector_store %arg19[%swap3A_1359], %get3A_1358 {strides = array<i32>} : memref<4128xi32, #tpu.memory_space<vmem>>, vector<16xi32>,
      %get3A_1361 = arith.index_cast %add3A_1350 : i32 to index
      %get3A_1362 = tpu.vector_load %arg23[%get3A_1361] {strides = array<i32>} : memref<5136xf32, #tpu.memory_space<vmem>>, vector<16xf32>,
      %swap3A_1363 = arith.index_cast %add3A_1353 : i32 to index
      %swap3A_1364 = tpu.vector_load %arg20[%swap3A_1363] {strides = array<i32>} : memref<4128xf32, #tpu.memory_space<vmem>>, vector<16xf32>,
      tpu.vector_store %arg20[%swap3A_1363], %get3A_1362 {strides = array<i32>} : memref<4128xf32, #tpu.memory_space<vmem>>, vector<16xf32>,
    }
    %add3A_1153 = arith.addi %add3A_1071, %reduce_sum3A_1081 : i32
    %eq3A_1154 = arith.constant 14 : i32
    %eq3A_1155 = vector.broadcast %eq3A_1154 : i32 to vector<16xi32>
    %eq3A_1156 = arith.cmpi eq, %iota3A, %eq3A_1155 : vector<16xi32>
    %jit3A_1157 = arith.constant 0 : i32
    %broadcast_in_dim3A_1158 = vector.broadcast %jit3A_1157 : i32 to vector<16xi32>
    %select_n3A_1159 = arith.select %eq3A_1156, %scan3A_14, %broadcast_in_dim3A_1158 : vector<16xi1>, vector<16xi32>
    %reduce_sum3A_1160 = arith.constant true
    %reduce_sum3A_1161 = vector.broadcast %reduce_sum3A_1160 : i1 to vector<16xi1>
    %reduce_sum3A_1162 = tpu.scan <sum>, %select_n3A_1159 masked %reduce_sum3A_1161 : vector<16xi32>, vector<16xi1> -> vector<16xi32>
    %reduce_sum3A_1163 = vector.extract %reduce_sum3A_1162[15] : i32 from vector<16xi32>
    %add3A_1164 = arith.constant 16 : i32
    %add3A_1165 = arith.addi %reduce_sum3A_1163, %add3A_1164 : i32
    %sub3A_1166 = arith.constant 1 : i32
    %sub3A_1167 = arith.subi %add3A_1165, %sub3A_1166 : i32
    %jit3A_1168 = arith.constant 16 : i32
    %div3A_1169 = arith.divsi %sub3A_1167, %jit3A_1168 : i32
    %sign3A_1170 = arith.constant 0 : i32
    %sign3A_1171 = arith.cmpi sgt, %sub3A_1167, %sign3A_1170 : i32
    %sign3A_1172 = arith.extui %sign3A_1171 : i1 to i32
    %sign3A_1173 = arith.constant 0 : i32
    %sign3A_1174 = arith.cmpi slt, %sub3A_1167, %sign3A_1173 : i32
    %sign3A_1175 = arith.extui %sign3A_1174 : i1 to i32
    %sign3A_1176 = arith.subi %sign3A_1172, %sign3A_1175 : i32
    %sign3A_1177 = arith.constant 0 : i32
    %sign3A_1178 = arith.cmpi sgt, %jit3A_1168, %sign3A_1177 : i32
    %sign3A_1179 = arith.extui %sign3A_1178 : i1 to i32
    %sign3A_1180 = arith.constant 0 : i32
    %sign3A_1181 = arith.cmpi slt, %jit3A_1168, %sign3A_1180 : i32
    %sign3A_1182 = arith.extui %sign3A_1181 : i1 to i32
    %sign3A_1183 = arith.subi %sign3A_1179, %sign3A_1182 : i32
    %ne3A_1184 = arith.cmpi ne, %sign3A_1176, %sign3A_1183 : i32
    %rem3A_1185 = arith.remsi %sub3A_1167, %jit3A_1168 : i32
    %ne3A_1186 = arith.constant 0 : i32
    %ne3A_1187 = arith.cmpi ne, %rem3A_1185, %ne3A_1186 : i32
    %and3A_1188 = arith.andi %ne3A_1184, %ne3A_1187 : i1
    %sub3A_1189 = arith.constant 1 : i32
    %sub3A_1190 = arith.subi %div3A_1169, %sub3A_1189 : i32
    %select_n3A_1191 = arith.select %and3A_1188, %sub3A_1190, %div3A_1169 : i32
    %sub3A_1192 = arith.constant 4096 : i32
    %sub3A_1193 = arith.subi %sub3A_1192, %add3A_1153 : i32
    %add3A_1194 = arith.constant 16 : i32
    %add3A_1195 = arith.addi %sub3A_1193, %add3A_1194 : i32
    %sub3A_1196 = arith.constant 1 : i32
    %sub3A_1197 = arith.subi %add3A_1195, %sub3A_1196 : i32
    %jit3A_1198 = arith.constant 16 : i32
    %div3A_1199 = arith.divsi %sub3A_1197, %jit3A_1198 : i32
    %sign3A_1200 = arith.constant 0 : i32
    %sign3A_1201 = arith.cmpi sgt, %sub3A_1197, %sign3A_1200 : i32
    %sign3A_1202 = arith.extui %sign3A_1201 : i1 to i32
    %sign3A_1203 = arith.constant 0 : i32
    %sign3A_1204 = arith.cmpi slt, %sub3A_1197, %sign3A_1203 : i32
    %sign3A_1205 = arith.extui %sign3A_1204 : i1 to i32
    %sign3A_1206 = arith.subi %sign3A_1202, %sign3A_1205 : i32
    %sign3A_1207 = arith.constant 0 : i32
    %sign3A_1208 = arith.cmpi sgt, %jit3A_1198, %sign3A_1207 : i32
    %sign3A_1209 = arith.extui %sign3A_1208 : i1 to i32
    %sign3A_1210 = arith.constant 0 : i32
    %sign3A_1211 = arith.cmpi slt, %jit3A_1198, %sign3A_1210 : i32
    %sign3A_1212 = arith.extui %sign3A_1211 : i1 to i32
    %sign3A_1213 = arith.subi %sign3A_1209, %sign3A_1212 : i32
    %ne3A_1214 = arith.cmpi ne, %sign3A_1206, %sign3A_1213 : i32
    %rem3A_1215 = arith.remsi %sub3A_1197, %jit3A_1198 : i32
    %ne3A_1216 = arith.constant 0 : i32
    %ne3A_1217 = arith.cmpi ne, %rem3A_1215, %ne3A_1216 : i32
    %and3A_1218 = arith.andi %ne3A_1214, %ne3A_1217 : i1
    %sub3A_1219 = arith.constant 1 : i32
    %sub3A_1220 = arith.subi %div3A_1199, %sub3A_1219 : i32
    %select_n3A_1221 = arith.select %and3A_1218, %sub3A_1220, %div3A_1199 : i32
    %min3A_1222 = arith.minsi %select_n3A_1191, %select_n3A_1221 : i32
    %max3A_1223 = arith.constant 0 : i32
    %max3A_1224 = arith.maxsi %max3A_1223, %min3A_1222 : i32
    %while3A_1225 = arith.constant 0 : i32
    %while3A_1226 = arith.constant 0 : i32
    %while3A_1227 = arith.subi %max3A_1224, %while3A_1226 : i32
    %while3A_1228 = arith.addi %while3A_1226, %while3A_1227 : i32
    %while3A_1229 = arith.constant 1 : i32
    %while3A_1230 = arith.divsi %while3A_1227, %while3A_1229 : i32
    %while3A_1231 = arith.muli %while3A_1230, %while3A_1229 : i32
    %while3A_1232 = arith.addi %while3A_1226, %while3A_1231 : i32
    %while3A_1233 = arith.constant 1 : i32
    scf.for %while3A_1346 = %while3A_1226 to %while3A_1232 step %while3A_1233  : i32 {
      %mul3A_1347 = arith.constant 16 : i32
      %mul3A_1348 = arith.muli %while3A_1346, %mul3A_1347 : i32
      %add3A_1349 = arith.constant 4494 : i32
      %add3A_1350 = arith.addi %add3A_1349, %mul3A_1348 : i32
      %mul3A_1351 = arith.constant 16 : i32
      %mul3A_1352 = arith.muli %while3A_1346, %mul3A_1351 : i32
      %add3A_1353 = arith.addi %add3A_1153, %mul3A_1352 : i32
      %get3A = arith.index_cast %add3A_1350 : i32 to index
      %get3A_1354 = tpu.vector_load %arg21[%get3A] {strides = array<i32>} : memref<5136xi32, #tpu.memory_space<vmem>>, vector<16xi32>,
      %swap3A_1355 = arith.index_cast %add3A_1353 : i32 to index
      %swap3A_1356 = tpu.vector_load %arg18[%swap3A_1355] {strides = array<i32>} : memref<4128xi32, #tpu.memory_space<vmem>>, vector<16xi32>,
      tpu.vector_store %arg18[%swap3A_1355], %get3A_1354 {strides = array<i32>} : memref<4128xi32, #tpu.memory_space<vmem>>, vector<16xi32>,
      %get3A_1357 = arith.index_cast %add3A_1350 : i32 to index
      %get3A_1358 = tpu.vector_load %arg22[%get3A_1357] {strides = array<i32>} : memref<5136xi32, #tpu.memory_space<vmem>>, vector<16xi32>,
      %swap3A_1359 = arith.index_cast %add3A_1353 : i32 to index
      %swap3A_1360 = tpu.vector_load %arg19[%swap3A_1359] {strides = array<i32>} : memref<4128xi32, #tpu.memory_space<vmem>>, vector<16xi32>,
      tpu.vector_store %arg19[%swap3A_1359], %get3A_1358 {strides = array<i32>} : memref<4128xi32, #tpu.memory_space<vmem>>, vector<16xi32>,
      %get3A_1361 = arith.index_cast %add3A_1350 : i32 to index
      %get3A_1362 = tpu.vector_load %arg23[%get3A_1361] {strides = array<i32>} : memref<5136xf32, #tpu.memory_space<vmem>>, vector<16xf32>,
      %swap3A_1363 = arith.index_cast %add3A_1353 : i32 to index
      %swap3A_1364 = tpu.vector_load %arg20[%swap3A_1363] {strides = array<i32>} : memref<4128xf32, #tpu.memory_space<vmem>>, vector<16xf32>,
      tpu.vector_store %arg20[%swap3A_1363], %get3A_1362 {strides = array<i32>} : memref<4128xf32, #tpu.memory_space<vmem>>, vector<16xf32>,
    }
    %while3A_1234 = arith.constant 1 : i32
    scf.for %while3A_1346 = %while3A_1232 to %while3A_1228 step %while3A_1234  : i32 {
      %mul3A_1347 = arith.constant 16 : i32
      %mul3A_1348 = arith.muli %while3A_1346, %mul3A_1347 : i32
      %add3A_1349 = arith.constant 4494 : i32
      %add3A_1350 = arith.addi %add3A_1349, %mul3A_1348 : i32
      %mul3A_1351 = arith.constant 16 : i32
      %mul3A_1352 = arith.muli %while3A_1346, %mul3A_1351 : i32
      %add3A_1353 = arith.addi %add3A_1153, %mul3A_1352 : i32
      %get3A = arith.index_cast %add3A_1350 : i32 to index
      %get3A_1354 = tpu.vector_load %arg21[%get3A] {strides = array<i32>} : memref<5136xi32, #tpu.memory_space<vmem>>, vector<16xi32>,
      %swap3A_1355 = arith.index_cast %add3A_1353 : i32 to index
      %swap3A_1356 = tpu.vector_load %arg18[%swap3A_1355] {strides = array<i32>} : memref<4128xi32, #tpu.memory_space<vmem>>, vector<16xi32>,
      tpu.vector_store %arg18[%swap3A_1355], %get3A_1354 {strides = array<i32>} : memref<4128xi32, #tpu.memory_space<vmem>>, vector<16xi32>,
      %get3A_1357 = arith.index_cast %add3A_1350 : i32 to index
      %get3A_1358 = tpu.vector_load %arg22[%get3A_1357] {strides = array<i32>} : memref<5136xi32, #tpu.memory_space<vmem>>, vector<16xi32>,
      %swap3A_1359 = arith.index_cast %add3A_1353 : i32 to index
      %swap3A_1360 = tpu.vector_load %arg19[%swap3A_1359] {strides = array<i32>} : memref<4128xi32, #tpu.memory_space<vmem>>, vector<16xi32>,
      tpu.vector_store %arg19[%swap3A_1359], %get3A_1358 {strides = array<i32>} : memref<4128xi32, #tpu.memory_space<vmem>>, vector<16xi32>,
      %get3A_1361 = arith.index_cast %add3A_1350 : i32 to index
      %get3A_1362 = tpu.vector_load %arg23[%get3A_1361] {strides = array<i32>} : memref<5136xf32, #tpu.memory_space<vmem>>, vector<16xf32>,
      %swap3A_1363 = arith.index_cast %add3A_1353 : i32 to index
      %swap3A_1364 = tpu.vector_load %arg20[%swap3A_1363] {strides = array<i32>} : memref<4128xf32, #tpu.memory_space<vmem>>, vector<16xf32>,
      tpu.vector_store %arg20[%swap3A_1363], %get3A_1362 {strides = array<i32>} : memref<4128xf32, #tpu.memory_space<vmem>>, vector<16xf32>,
    }
    %add3A_1235 = arith.addi %add3A_1153, %reduce_sum3A_1163 : i32
    %eq3A_1236 = arith.constant 15 : i32
    %eq3A_1237 = vector.broadcast %eq3A_1236 : i32 to vector<16xi32>
    %eq3A_1238 = arith.cmpi eq, %iota3A, %eq3A_1237 : vector<16xi32>
    %jit3A_1239 = arith.constant 0 : i32
    %broadcast_in_dim3A_1240 = vector.broadcast %jit3A_1239 : i32 to vector<16xi32>
    %select_n3A_1241 = arith.select %eq3A_1238, %scan3A_14, %broadcast_in_dim3A_1240 : vector<16xi1>, vector<16xi32>
    %reduce_sum3A_1242 = arith.constant true
    %reduce_sum3A_1243 = vector.broadcast %reduce_sum3A_1242 : i1 to vector<16xi1>
    %reduce_sum3A_1244 = tpu.scan <sum>, %select_n3A_1241 masked %reduce_sum3A_1243 : vector<16xi32>, vector<16xi1> -> vector<16xi32>
    %reduce_sum3A_1245 = vector.extract %reduce_sum3A_1244[15] : i32 from vector<16xi32>
    %add3A_1246 = arith.constant 16 : i32
    %add3A_1247 = arith.addi %reduce_sum3A_1245, %add3A_1246 : i32
    %sub3A_1248 = arith.constant 1 : i32
    %sub3A_1249 = arith.subi %add3A_1247, %sub3A_1248 : i32
    %jit3A_1250 = arith.constant 16 : i32
    %div3A_1251 = arith.divsi %sub3A_1249, %jit3A_1250 : i32
    %sign3A_1252 = arith.constant 0 : i32
    %sign3A_1253 = arith.cmpi sgt, %sub3A_1249, %sign3A_1252 : i32
    %sign3A_1254 = arith.extui %sign3A_1253 : i1 to i32
    %sign3A_1255 = arith.constant 0 : i32
    %sign3A_1256 = arith.cmpi slt, %sub3A_1249, %sign3A_1255 : i32
    %sign3A_1257 = arith.extui %sign3A_1256 : i1 to i32
    %sign3A_1258 = arith.subi %sign3A_1254, %sign3A_1257 : i32
    %sign3A_1259 = arith.constant 0 : i32
    %sign3A_1260 = arith.cmpi sgt, %jit3A_1250, %sign3A_1259 : i32
    %sign3A_1261 = arith.extui %sign3A_1260 : i1 to i32
    %sign3A_1262 = arith.constant 0 : i32
    %sign3A_1263 = arith.cmpi slt, %jit3A_1250, %sign3A_1262 : i32
    %sign3A_1264 = arith.extui %sign3A_1263 : i1 to i32
    %sign3A_1265 = arith.subi %sign3A_1261, %sign3A_1264 : i32
    %ne3A_1266 = arith.cmpi ne, %sign3A_1258, %sign3A_1265 : i32
    %rem3A_1267 = arith.remsi %sub3A_1249, %jit3A_1250 : i32
    %ne3A_1268 = arith.constant 0 : i32
    %ne3A_1269 = arith.cmpi ne, %rem3A_1267, %ne3A_1268 : i32
    %and3A_1270 = arith.andi %ne3A_1266, %ne3A_1269 : i1
    %sub3A_1271 = arith.constant 1 : i32
    %sub3A_1272 = arith.subi %div3A_1251, %sub3A_1271 : i32
    %select_n3A_1273 = arith.select %and3A_1270, %sub3A_1272, %div3A_1251 : i32
    %sub3A_1274 = arith.constant 4096 : i32
    %sub3A_1275 = arith.subi %sub3A_1274, %add3A_1235 : i32
    %add3A_1276 = arith.constant 16 : i32
    %add3A_1277 = arith.addi %sub3A_1275, %add3A_1276 : i32
    %sub3A_1278 = arith.constant 1 : i32
    %sub3A_1279 = arith.subi %add3A_1277, %sub3A_1278 : i32
    %jit3A_1280 = arith.constant 16 : i32
    %div3A_1281 = arith.divsi %sub3A_1279, %jit3A_1280 : i32
    %sign3A_1282 = arith.constant 0 : i32
    %sign3A_1283 = arith.cmpi sgt, %sub3A_1279, %sign3A_1282 : i32
    %sign3A_1284 = arith.extui %sign3A_1283 : i1 to i32
    %sign3A_1285 = arith.constant 0 : i32
    %sign3A_1286 = arith.cmpi slt, %sub3A_1279, %sign3A_1285 : i32
    %sign3A_1287 = arith.extui %sign3A_1286 : i1 to i32
    %sign3A_1288 = arith.subi %sign3A_1284, %sign3A_1287 : i32
    %sign3A_1289 = arith.constant 0 : i32
    %sign3A_1290 = arith.cmpi sgt, %jit3A_1280, %sign3A_1289 : i32
    %sign3A_1291 = arith.extui %sign3A_1290 : i1 to i32
    %sign3A_1292 = arith.constant 0 : i32
    %sign3A_1293 = arith.cmpi slt, %jit3A_1280, %sign3A_1292 : i32
    %sign3A_1294 = arith.extui %sign3A_1293 : i1 to i32
    %sign3A_1295 = arith.subi %sign3A_1291, %sign3A_1294 : i32
    %ne3A_1296 = arith.cmpi ne, %sign3A_1288, %sign3A_1295 : i32
    %rem3A_1297 = arith.remsi %sub3A_1279, %jit3A_1280 : i32
    %ne3A_1298 = arith.constant 0 : i32
    %ne3A_1299 = arith.cmpi ne, %rem3A_1297, %ne3A_1298 : i32
    %and3A_1300 = arith.andi %ne3A_1296, %ne3A_1299 : i1
    %sub3A_1301 = arith.constant 1 : i32
    %sub3A_1302 = arith.subi %div3A_1281, %sub3A_1301 : i32
    %select_n3A_1303 = arith.select %and3A_1300, %sub3A_1302, %div3A_1281 : i32
    %min3A_1304 = arith.minsi %select_n3A_1273, %select_n3A_1303 : i32
    %max3A_1305 = arith.constant 0 : i32
    %max3A_1306 = arith.maxsi %max3A_1305, %min3A_1304 : i32
    %while3A_1307 = arith.constant 0 : i32
    %while3A_1308 = arith.constant 0 : i32
    %while3A_1309 = arith.subi %max3A_1306, %while3A_1308 : i32
    %while3A_1310 = arith.addi %while3A_1308, %while3A_1309 : i32
    %while3A_1311 = arith.constant 1 : i32
    %while3A_1312 = arith.divsi %while3A_1309, %while3A_1311 : i32
    %while3A_1313 = arith.muli %while3A_1312, %while3A_1311 : i32
    %while3A_1314 = arith.addi %while3A_1308, %while3A_1313 : i32
    %while3A_1315 = arith.constant 1 : i32
    scf.for %while3A_1346 = %while3A_1308 to %while3A_1314 step %while3A_1315  : i32 {
      %mul3A_1347 = arith.constant 16 : i32
      %mul3A_1348 = arith.muli %while3A_1346, %mul3A_1347 : i32
      %add3A_1349 = arith.constant 4815 : i32
      %add3A_1350 = arith.addi %add3A_1349, %mul3A_1348 : i32
      %mul3A_1351 = arith.constant 16 : i32
      %mul3A_1352 = arith.muli %while3A_1346, %mul3A_1351 : i32
      %add3A_1353 = arith.addi %add3A_1235, %mul3A_1352 : i32
      %get3A = arith.index_cast %add3A_1350 : i32 to index
      %get3A_1354 = tpu.vector_load %arg21[%get3A] {strides = array<i32>} : memref<5136xi32, #tpu.memory_space<vmem>>, vector<16xi32>,
      %swap3A_1355 = arith.index_cast %add3A_1353 : i32 to index
      %swap3A_1356 = tpu.vector_load %arg18[%swap3A_1355] {strides = array<i32>} : memref<4128xi32, #tpu.memory_space<vmem>>, vector<16xi32>,
      tpu.vector_store %arg18[%swap3A_1355], %get3A_1354 {strides = array<i32>} : memref<4128xi32, #tpu.memory_space<vmem>>, vector<16xi32>,
      %get3A_1357 = arith.index_cast %add3A_1350 : i32 to index
      %get3A_1358 = tpu.vector_load %arg22[%get3A_1357] {strides = array<i32>} : memref<5136xi32, #tpu.memory_space<vmem>>, vector<16xi32>,
      %swap3A_1359 = arith.index_cast %add3A_1353 : i32 to index
      %swap3A_1360 = tpu.vector_load %arg19[%swap3A_1359] {strides = array<i32>} : memref<4128xi32, #tpu.memory_space<vmem>>, vector<16xi32>,
      tpu.vector_store %arg19[%swap3A_1359], %get3A_1358 {strides = array<i32>} : memref<4128xi32, #tpu.memory_space<vmem>>, vector<16xi32>,
      %get3A_1361 = arith.index_cast %add3A_1350 : i32 to index
      %get3A_1362 = tpu.vector_load %arg23[%get3A_1361] {strides = array<i32>} : memref<5136xf32, #tpu.memory_space<vmem>>, vector<16xf32>,
      %swap3A_1363 = arith.index_cast %add3A_1353 : i32 to index
      %swap3A_1364 = tpu.vector_load %arg20[%swap3A_1363] {strides = array<i32>} : memref<4128xf32, #tpu.memory_space<vmem>>, vector<16xf32>,
      tpu.vector_store %arg20[%swap3A_1363], %get3A_1362 {strides = array<i32>} : memref<4128xf32, #tpu.memory_space<vmem>>, vector<16xf32>,
    }
    %while3A_1316 = arith.constant 1 : i32
    scf.for %while3A_1346 = %while3A_1314 to %while3A_1310 step %while3A_1316  : i32 {
      %mul3A_1347 = arith.constant 16 : i32
      %mul3A_1348 = arith.muli %while3A_1346, %mul3A_1347 : i32
      %add3A_1349 = arith.constant 4815 : i32
      %add3A_1350 = arith.addi %add3A_1349, %mul3A_1348 : i32
      %mul3A_1351 = arith.constant 16 : i32
      %mul3A_1352 = arith.muli %while3A_1346, %mul3A_1351 : i32
      %add3A_1353 = arith.addi %add3A_1235, %mul3A_1352 : i32
      %get3A = arith.index_cast %add3A_1350 : i32 to index
      %get3A_1354 = tpu.vector_load %arg21[%get3A] {strides = array<i32>} : memref<5136xi32, #tpu.memory_space<vmem>>, vector<16xi32>,
      %swap3A_1355 = arith.index_cast %add3A_1353 : i32 to index
      %swap3A_1356 = tpu.vector_load %arg18[%swap3A_1355] {strides = array<i32>} : memref<4128xi32, #tpu.memory_space<vmem>>, vector<16xi32>,
      tpu.vector_store %arg18[%swap3A_1355], %get3A_1354 {strides = array<i32>} : memref<4128xi32, #tpu.memory_space<vmem>>, vector<16xi32>,
      %get3A_1357 = arith.index_cast %add3A_1350 : i32 to index
      %get3A_1358 = tpu.vector_load %arg22[%get3A_1357] {strides = array<i32>} : memref<5136xi32, #tpu.memory_space<vmem>>, vector<16xi32>,
      %swap3A_1359 = arith.index_cast %add3A_1353 : i32 to index
      %swap3A_1360 = tpu.vector_load %arg19[%swap3A_1359] {strides = array<i32>} : memref<4128xi32, #tpu.memory_space<vmem>>, vector<16xi32>,
      tpu.vector_store %arg19[%swap3A_1359], %get3A_1358 {strides = array<i32>} : memref<4128xi32, #tpu.memory_space<vmem>>, vector<16xi32>,
      %get3A_1361 = arith.index_cast %add3A_1350 : i32 to index
      %get3A_1362 = tpu.vector_load %arg23[%get3A_1361] {strides = array<i32>} : memref<5136xf32, #tpu.memory_space<vmem>>, vector<16xf32>,
      %swap3A_1363 = arith.index_cast %add3A_1353 : i32 to index
      %swap3A_1364 = tpu.vector_load %arg20[%swap3A_1363] {strides = array<i32>} : memref<4128xf32, #tpu.memory_space<vmem>>, vector<16xf32>,
      tpu.vector_store %arg20[%swap3A_1363], %get3A_1362 {strides = array<i32>} : memref<4128xf32, #tpu.memory_space<vmem>>, vector<16xf32>,
    }
    %add3A_1317 = arith.addi %add3A_1235, %reduce_sum3A_1245 : i32
    %reduce_sum3A_1318 = arith.constant true
    %reduce_sum3A_1319 = vector.broadcast %reduce_sum3A_1318 : i1 to vector<16xi1>
    %reduce_sum3A_1320 = tpu.scan <sum>, %scan3A_14 masked %reduce_sum3A_1319 : vector<16xi32>, vector<16xi1> -> vector<16xi32>
    %reduce_sum3A_1321 = vector.extract %reduce_sum3A_1320[15] : i32 from vector<16xi32>
    %min3A_1322 = arith.constant 4096 : i32
    %min3A_1323 = arith.minsi %reduce_sum3A_1321, %min3A_1322 : i32
    %broadcast_in_dim3A_1324 = arith.constant 0 : i32
    %broadcast_in_dim3A_1325 = vector.broadcast %broadcast_in_dim3A_1324 : i32 to vector<16xi32>
    %swap3A = arith.index_cast %min3A_1323 : i32 to index
    %swap3A_1326 = tpu.vector_load %arg18[%swap3A] {strides = array<i32>} : memref<4128xi32, #tpu.memory_space<vmem>>, vector<16xi32>,
    tpu.vector_store %arg18[%swap3A], %broadcast_in_dim3A_1325 {strides = array<i32>} : memref<4128xi32, #tpu.memory_space<vmem>>, vector<16xi32>,
    %add3A_1327 = arith.constant 16 : i32
    %add3A_1328 = arith.addi %min3A_1323, %add3A_1327 : i32
    %swap3A_1329 = arith.index_cast %add3A_1328 : i32 to index
    %swap3A_1330 = tpu.vector_load %arg18[%swap3A_1329] {strides = array<i32>} : memref<4128xi32, #tpu.memory_space<vmem>>, vector<16xi32>,
    tpu.vector_store %arg18[%swap3A_1329], %broadcast_in_dim3A_1325 {strides = array<i32>} : memref<4128xi32, #tpu.memory_space<vmem>>, vector<16xi32>,
    %swap3A_1331 = arith.index_cast %min3A_1323 : i32 to index
    %swap3A_1332 = tpu.vector_load %arg19[%swap3A_1331] {strides = array<i32>} : memref<4128xi32, #tpu.memory_space<vmem>>, vector<16xi32>,
    tpu.vector_store %arg19[%swap3A_1331], %broadcast_in_dim3A_1325 {strides = array<i32>} : memref<4128xi32, #tpu.memory_space<vmem>>, vector<16xi32>,
    %add3A_1333 = arith.constant 16 : i32
    %add3A_1334 = arith.addi %min3A_1323, %add3A_1333 : i32
    %swap3A_1335 = arith.index_cast %add3A_1334 : i32 to index
    %swap3A_1336 = tpu.vector_load %arg19[%swap3A_1335] {strides = array<i32>} : memref<4128xi32, #tpu.memory_space<vmem>>, vector<16xi32>,
    tpu.vector_store %arg19[%swap3A_1335], %broadcast_in_dim3A_1325 {strides = array<i32>} : memref<4128xi32, #tpu.memory_space<vmem>>, vector<16xi32>,
    %eq3A_1337 = arith.constant 0 : i32
    %eq3A_1338 = vector.broadcast %eq3A_1337 : i32 to vector<16xi32>
    %eq3A_1339 = arith.cmpi eq, %iota3A, %eq3A_1338 : vector<16xi32>
    %jit3A_1340 = arith.constant 0 : i32
    %broadcast_in_dim3A_1341 = vector.broadcast %min3A_1323 : i32 to vector<16xi32>
    %broadcast_in_dim3A_1342 = vector.broadcast %jit3A_1340 : i32 to vector<16xi32>
    %select_n3A_1343 = arith.select %eq3A_1339, %broadcast_in_dim3A_1341, %broadcast_in_dim3A_1342 : vector<16xi1>, vector<16xi32>
    %swap3A_1344 = arith.constant 0 : index
    %swap3A_1345 = tpu.vector_load %arg24[%swap3A_1344] {strides = array<i32>} : memref<16xi32, #tpu.memory_space<vmem>>, vector<16xi32>,
    tpu.vector_store %arg24[%swap3A_1344], %select_n3A_1343 {strides = array<i32>} : memref<16xi32, #tpu.memory_space<vmem>>, vector<16xi32>,
    "tpu.region"() ({
      %run_scoped3A = tpu.sem_alloc : memref<!tpu.dma_semaphore, #tpu.memory_space<semaphore_mem>>
      %dma_start3A = arith.constant 0 : i32
      %dma_start3A_1346 = tpu.memref_slice %arg11[%add3A, %dma_start3A] : memref<32x16xi32, #tpu.memory_space<hbm>> -> memref<1x16xi32, #tpu.memory_space<hbm>>
      %dma_start3A_1347 = tpu.memref_squeeze %dma_start3A_1346 : memref<1x16xi32, #tpu.memory_space<hbm>> -> memref<16xi32, #tpu.memory_space<hbm>>
      %dma_start3A_1348 = arith.constant 0 : i32
      %dma_start3A_1349 = tpu.memref_slice %arg11[%add3A, %dma_start3A_1348] : memref<32x16xi32, #tpu.memory_space<hbm>> -> memref<1x16xi32, #tpu.memory_space<hbm>>
      %dma_start3A_1350 = tpu.memref_squeeze %dma_start3A_1349 : memref<1x16xi32, #tpu.memory_space<hbm>> -> memref<16xi32, #tpu.memory_space<hbm>>
      tpu.enqueue_dma source(%arg24 : memref<16xi32, #tpu.memory_space<vmem>>) target(%dma_start3A_1350 : memref<16xi32, #tpu.memory_space<hbm>>) target_semaphore(%run_scoped3A : memref<!tpu.dma_semaphore, #tpu.memory_space<semaphore_mem>>)
      %dma_wait3A = arith.constant 0 : i32
      %dma_wait3A_1351 = tpu.memref_slice %arg11[%add3A, %dma_wait3A] : memref<32x16xi32, #tpu.memory_space<hbm>> -> memref<1x16xi32, #tpu.memory_space<hbm>>
      %dma_wait3A_1352 = tpu.memref_squeeze %dma_wait3A_1351 : memref<1x16xi32, #tpu.memory_space<hbm>> -> memref<16xi32, #tpu.memory_space<hbm>>
      %dma_wait3A_1353 = arith.constant 0 : i32
      %dma_wait3A_1354 = tpu.memref_slice %arg11[%add3A, %dma_wait3A_1353] : memref<32x16xi32, #tpu.memory_space<hbm>> -> memref<1x16xi32, #tpu.memory_space<hbm>>
      %dma_wait3A_1355 = tpu.memref_squeeze %dma_wait3A_1354 : memref<1x16xi32, #tpu.memory_space<hbm>> -> memref<16xi32, #tpu.memory_space<hbm>>
      tpu.wait_dma2 semaphore(%run_scoped3A : memref<!tpu.dma_semaphore, #tpu.memory_space<semaphore_mem>>) src(%arg24 : memref<16xi32, #tpu.memory_space<vmem>>) dst(%dma_wait3A_1355 : memref<16xi32, #tpu.memory_space<hbm>>)
      tpu.yield
    }) : () -> ()
    "tpu.region"() ({
      %run_scoped3A = tpu.sem_alloc : memref<!tpu.dma_semaphore, #tpu.memory_space<semaphore_mem>>
      %dma_start3A = arith.constant 0 : i32
      %dma_start3A_1346 = tpu.memref_slice %arg18[%dma_start3A] : memref<4128xi32, #tpu.memory_space<vmem>> -> memref<4096xi32, #tpu.memory_space<vmem>>
      %dma_start3A_1347 = arith.constant 0 : i32
      %dma_start3A_1348 = tpu.memref_slice %arg8[%add3A, %dma_start3A_1347] : memref<32x4096xi32, #tpu.memory_space<hbm>> -> memref<1x4096xi32, #tpu.memory_space<hbm>>
      %dma_start3A_1349 = tpu.memref_squeeze %dma_start3A_1348 : memref<1x4096xi32, #tpu.memory_space<hbm>> -> memref<4096xi32, #tpu.memory_space<hbm>>
      %dma_start3A_1350 = arith.constant 0 : i32
      %dma_start3A_1351 = tpu.memref_slice %arg8[%add3A, %dma_start3A_1350] : memref<32x4096xi32, #tpu.memory_space<hbm>> -> memref<1x4096xi32, #tpu.memory_space<hbm>>
      %dma_start3A_1352 = tpu.memref_squeeze %dma_start3A_1351 : memref<1x4096xi32, #tpu.memory_space<hbm>> -> memref<4096xi32, #tpu.memory_space<hbm>>
      %dma_start3A_1353 = arith.constant 0 : i32
      %dma_start3A_1354 = tpu.memref_slice %arg18[%dma_start3A_1353] : memref<4128xi32, #tpu.memory_space<vmem>> -> memref<4096xi32, #tpu.memory_space<vmem>>
      tpu.enqueue_dma source(%dma_start3A_1354 : memref<4096xi32, #tpu.memory_space<vmem>>) target(%dma_start3A_1352 : memref<4096xi32, #tpu.memory_space<hbm>>) target_semaphore(%run_scoped3A : memref<!tpu.dma_semaphore, #tpu.memory_space<semaphore_mem>>)
      %dma_wait3A = arith.constant 0 : i32
      %dma_wait3A_1355 = tpu.memref_slice %arg18[%dma_wait3A] : memref<4128xi32, #tpu.memory_space<vmem>> -> memref<4096xi32, #tpu.memory_space<vmem>>
      %dma_wait3A_1356 = arith.constant 0 : i32
      %dma_wait3A_1357 = tpu.memref_slice %arg8[%add3A, %dma_wait3A_1356] : memref<32x4096xi32, #tpu.memory_space<hbm>> -> memref<1x4096xi32, #tpu.memory_space<hbm>>
      %dma_wait3A_1358 = tpu.memref_squeeze %dma_wait3A_1357 : memref<1x4096xi32, #tpu.memory_space<hbm>> -> memref<4096xi32, #tpu.memory_space<hbm>>
      %dma_wait3A_1359 = arith.constant 0 : i32
      %dma_wait3A_1360 = tpu.memref_slice %arg8[%add3A, %dma_wait3A_1359] : memref<32x4096xi32, #tpu.memory_space<hbm>> -> memref<1x4096xi32, #tpu.memory_space<hbm>>
      %dma_wait3A_1361 = tpu.memref_squeeze %dma_wait3A_1360 : memref<1x4096xi32, #tpu.memory_space<hbm>> -> memref<4096xi32, #tpu.memory_space<hbm>>
      %dma_wait3A_1362 = arith.constant 0 : i32
      %dma_wait3A_1363 = tpu.memref_slice %arg18[%dma_wait3A_1362] : memref<4128xi32, #tpu.memory_space<vmem>> -> memref<4096xi32, #tpu.memory_space<vmem>>
      tpu.wait_dma2 semaphore(%run_scoped3A : memref<!tpu.dma_semaphore, #tpu.memory_space<semaphore_mem>>) src(%dma_wait3A_1363 : memref<4096xi32, #tpu.memory_space<vmem>>) dst(%dma_wait3A_1361 : memref<4096xi32, #tpu.memory_space<hbm>>)
      tpu.yield
    }) : () -> ()
    "tpu.region"() ({
      %run_scoped3A = tpu.sem_alloc : memref<!tpu.dma_semaphore, #tpu.memory_space<semaphore_mem>>
      %dma_start3A = arith.constant 0 : i32
      %dma_start3A_1346 = tpu.memref_slice %arg19[%dma_start3A] : memref<4128xi32, #tpu.memory_space<vmem>> -> memref<4096xi32, #tpu.memory_space<vmem>>
      %dma_start3A_1347 = arith.constant 0 : i32
      %dma_start3A_1348 = tpu.memref_slice %arg9[%add3A, %dma_start3A_1347] : memref<32x4096xi32, #tpu.memory_space<hbm>> -> memref<1x4096xi32, #tpu.memory_space<hbm>>
      %dma_start3A_1349 = tpu.memref_squeeze %dma_start3A_1348 : memref<1x4096xi32, #tpu.memory_space<hbm>> -> memref<4096xi32, #tpu.memory_space<hbm>>
      %dma_start3A_1350 = arith.constant 0 : i32
      %dma_start3A_1351 = tpu.memref_slice %arg9[%add3A, %dma_start3A_1350] : memref<32x4096xi32, #tpu.memory_space<hbm>> -> memref<1x4096xi32, #tpu.memory_space<hbm>>
      %dma_start3A_1352 = tpu.memref_squeeze %dma_start3A_1351 : memref<1x4096xi32, #tpu.memory_space<hbm>> -> memref<4096xi32, #tpu.memory_space<hbm>>
      %dma_start3A_1353 = arith.constant 0 : i32
      %dma_start3A_1354 = tpu.memref_slice %arg19[%dma_start3A_1353] : memref<4128xi32, #tpu.memory_space<vmem>> -> memref<4096xi32, #tpu.memory_space<vmem>>
      tpu.enqueue_dma source(%dma_start3A_1354 : memref<4096xi32, #tpu.memory_space<vmem>>) target(%dma_start3A_1352 : memref<4096xi32, #tpu.memory_space<hbm>>) target_semaphore(%run_scoped3A : memref<!tpu.dma_semaphore, #tpu.memory_space<semaphore_mem>>)
      %dma_wait3A = arith.constant 0 : i32
      %dma_wait3A_1355 = tpu.memref_slice %arg19[%dma_wait3A] : memref<4128xi32, #tpu.memory_space<vmem>> -> memref<4096xi32, #tpu.memory_space<vmem>>
      %dma_wait3A_1356 = arith.constant 0 : i32
      %dma_wait3A_1357 = tpu.memref_slice %arg9[%add3A, %dma_wait3A_1356] : memref<32x4096xi32, #tpu.memory_space<hbm>> -> memref<1x4096xi32, #tpu.memory_space<hbm>>
      %dma_wait3A_1358 = tpu.memref_squeeze %dma_wait3A_1357 : memref<1x4096xi32, #tpu.memory_space<hbm>> -> memref<4096xi32, #tpu.memory_space<hbm>>
      %dma_wait3A_1359 = arith.constant 0 : i32
      %dma_wait3A_1360 = tpu.memref_slice %arg9[%add3A, %dma_wait3A_1359] : memref<32x4096xi32, #tpu.memory_space<hbm>> -> memref<1x4096xi32, #tpu.memory_space<hbm>>
      %dma_wait3A_1361 = tpu.memref_squeeze %dma_wait3A_1360 : memref<1x4096xi32, #tpu.memory_space<hbm>> -> memref<4096xi32, #tpu.memory_space<hbm>>
      %dma_wait3A_1362 = arith.constant 0 : i32
      %dma_wait3A_1363 = tpu.memref_slice %arg19[%dma_wait3A_1362] : memref<4128xi32, #tpu.memory_space<vmem>> -> memref<4096xi32, #tpu.memory_space<vmem>>
      tpu.wait_dma2 semaphore(%run_scoped3A : memref<!tpu.dma_semaphore, #tpu.memory_space<semaphore_mem>>) src(%dma_wait3A_1363 : memref<4096xi32, #tpu.memory_space<vmem>>) dst(%dma_wait3A_1361 : memref<4096xi32, #tpu.memory_space<hbm>>)
      tpu.yield
    }) : () -> ()
    "tpu.region"() ({
      %run_scoped3A = tpu.sem_alloc : memref<!tpu.dma_semaphore, #tpu.memory_space<semaphore_mem>>
      %dma_start3A = arith.constant 0 : i32
      %dma_start3A_1346 = tpu.memref_slice %arg20[%dma_start3A] : memref<4128xf32, #tpu.memory_space<vmem>> -> memref<4096xf32, #tpu.memory_space<vmem>>
      %dma_start3A_1347 = arith.constant 0 : i32
      %dma_start3A_1348 = tpu.memref_slice %arg10[%add3A, %dma_start3A_1347] : memref<32x4096xf32, #tpu.memory_space<hbm>> -> memref<1x4096xf32, #tpu.memory_space<hbm>>
      %dma_start3A_1349 = tpu.memref_squeeze %dma_start3A_1348 : memref<1x4096xf32, #tpu.memory_space<hbm>> -> memref<4096xf32, #tpu.memory_space<hbm>>
      %dma_start3A_1350 = arith.constant 0 : i32
      %dma_start3A_1351 = tpu.memref_slice %arg10[%add3A, %dma_start3A_1350] : memref<32x4096xf32, #tpu.memory_space<hbm>> -> memref<1x4096xf32, #tpu.memory_space<hbm>>
      %dma_start3A_1352 = tpu.memref_squeeze %dma_start3A_1351 : memref<1x4096xf32, #tpu.memory_space<hbm>> -> memref<4096xf32, #tpu.memory_space<hbm>>
      %dma_start3A_1353 = arith.constant 0 : i32
      %dma_start3A_1354 = tpu.memref_slice %arg20[%dma_start3A_1353] : memref<4128xf32, #tpu.memory_space<vmem>> -> memref<4096xf32, #tpu.memory_space<vmem>>
      tpu.enqueue_dma source(%dma_start3A_1354 : memref<4096xf32, #tpu.memory_space<vmem>>) target(%dma_start3A_1352 : memref<4096xf32, #tpu.memory_space<hbm>>) target_semaphore(%run_scoped3A : memref<!tpu.dma_semaphore, #tpu.memory_space<semaphore_mem>>)
      %dma_wait3A = arith.constant 0 : i32
      %dma_wait3A_1355 = tpu.memref_slice %arg20[%dma_wait3A] : memref<4128xf32, #tpu.memory_space<vmem>> -> memref<4096xf32, #tpu.memory_space<vmem>>
      %dma_wait3A_1356 = arith.constant 0 : i32
      %dma_wait3A_1357 = tpu.memref_slice %arg10[%add3A, %dma_wait3A_1356] : memref<32x4096xf32, #tpu.memory_space<hbm>> -> memref<1x4096xf32, #tpu.memory_space<hbm>>
      %dma_wait3A_1358 = tpu.memref_squeeze %dma_wait3A_1357 : memref<1x4096xf32, #tpu.memory_space<hbm>> -> memref<4096xf32, #tpu.memory_space<hbm>>
      %dma_wait3A_1359 = arith.constant 0 : i32
      %dma_wait3A_1360 = tpu.memref_slice %arg10[%add3A, %dma_wait3A_1359] : memref<32x4096xf32, #tpu.memory_space<hbm>> -> memref<1x4096xf32, #tpu.memory_space<hbm>>
      %dma_wait3A_1361 = tpu.memref_squeeze %dma_wait3A_1360 : memref<1x4096xf32, #tpu.memory_space<hbm>> -> memref<4096xf32, #tpu.memory_space<hbm>>
      %dma_wait3A_1362 = arith.constant 0 : i32
      %dma_wait3A_1363 = tpu.memref_slice %arg20[%dma_wait3A_1362] : memref<4128xf32, #tpu.memory_space<vmem>> -> memref<4096xf32, #tpu.memory_space<vmem>>
      tpu.wait_dma2 semaphore(%run_scoped3A : memref<!tpu.dma_semaphore, #tpu.memory_space<semaphore_mem>>) src(%dma_wait3A_1363 : memref<4096xf32, #tpu.memory_space<vmem>>) dst(%dma_wait3A_1361 : memref<4096xf32, #tpu.memory_space<hbm>>)
      tpu.yield
    }) : () -> ()
    return
  }
}

module attributes {stable_mosaic.version = 14 : i64} {
  func.func @_prep_body(%arg0: i32, %arg1: memref<1024x1xf32, #tpu.memory_space<vmem>>, %arg2: memref<128x128xf32, #tpu.memory_space<vmem>>, %arg3: memref<128x128xf32, #tpu.memory_space<vmem>>, %arg4: memref<1x128xf32, #tpu.memory_space<vmem>>, %arg5: memref<1024x128xf32, #tpu.memory_space<vmem>>, %arg6: memref<1024x128xf32, #tpu.memory_space<vmem>>) attributes {dimension_semantics = [#tpu.dimension_semantics<arbitrary>], iteration_bounds = array<i64: 4>, scalar_prefetch = 0 : i64, scratch_operands = 0 : i64, tpu.core_type = #tpu.core_type<tc>, window_params = [{transform_indices = @transform_0, window_bounds = array<i64: 1024, 1>}, {pipeline_mode = #tpu.pipeline_mode<synchronous>, transform_indices = @transform_1, window_bounds = array<i64: 128, 128>}, {pipeline_mode = #tpu.pipeline_mode<synchronous>, transform_indices = @transform_2, window_bounds = array<i64: 128, 128>}, {pipeline_mode = #tpu.pipeline_mode<synchronous>, transform_indices = @transform_3, window_bounds = array<i64: 1, 128>}, {transform_indices = @transform_4, window_bounds = array<i64: 1024, 128>}, {transform_indices = @transform_5, window_bounds = array<i64: 1024, 128>}]} {
    %get3A = arith.constant 0 : index
    %get3A_0 = arith.constant 0 : index
    %get3A_1 = vector.load %arg1[%get3A, %get3A_0] : memref<1024x1xf32, #tpu.memory_space<vmem>>, vector<1024x1xf32>
    %iota3A = tpu.iota {dimensions = array<i32: 1>} : vector<1024x128xi32>
    %convert_element_type3A = arith.sitofp %iota3A : vector<1024x128xi32> to vector<1024x128xf32>
    %eq3A = vector.broadcast %get3A_1 : vector<1024x1xf32> to vector<1024x128xf32>
    %eq3A_2 = arith.cmpf oeq, %eq3A, %convert_element_type3A : vector<1024x128xf32>
    %convert_element_type3A_3 = arith.extui %eq3A_2 : vector<1024x128xi1> to vector<1024x128xi32>
    %convert_element_type3A_4 = arith.sitofp %convert_element_type3A_3 : vector<1024x128xi32> to vector<1024x128xf32>
    %get3A_5 = arith.constant 0 : index
    %get3A_6 = arith.constant 0 : index
    %get3A_7 = vector.load %arg2[%get3A_5, %get3A_6] : memref<128x128xf32, #tpu.memory_space<vmem>>, vector<128x128xf32>
    %dot_general3A = arith.constant dense<0.000000e+00> : vector<1024x128xf32>
    %dot_general3A_8 = tpu.matmul %convert_element_type3A_4, %get3A_7, %dot_general3A {dimension_numbers = #tpu.dot_dimension_numbers<[1], [0], [0], [1], [0, 0, 1, 1], [], []>, transpose_lhs_hint = false} : vector<1024x128xf32>, vector<128x128xf32>, vector<1024x128xf32> -> vector<1024x128xf32>
    %swap3A = arith.constant 0 : index
    %swap3A_9 = arith.constant 0 : index
    %swap3A_10 = vector.load %arg5[%swap3A, %swap3A_9] : memref<1024x128xf32, #tpu.memory_space<vmem>>, vector<1024x128xf32>
    tpu.vector_store %arg5[%swap3A, %swap3A_9], %dot_general3A_8 {strides = array<i32>} : memref<1024x128xf32, #tpu.memory_space<vmem>>, vector<1024x128xf32>,
    %get3A_11 = arith.constant 0 : index
    %get3A_12 = arith.constant 0 : index
    %get3A_13 = vector.load %arg3[%get3A_11, %get3A_12] : memref<128x128xf32, #tpu.memory_space<vmem>>, vector<128x128xf32>
    %dot_general3A_14 = arith.constant dense<0.000000e+00> : vector<1024x128xf32>
    %dot_general3A_15 = tpu.matmul %dot_general3A_8, %get3A_13, %dot_general3A_14 {dimension_numbers = #tpu.dot_dimension_numbers<[1], [0], [0], [1], [0, 0, 1, 1], [], []>, transpose_lhs_hint = false} : vector<1024x128xf32>, vector<128x128xf32>, vector<1024x128xf32> -> vector<1024x128xf32>
    %get3A_16 = arith.constant 0 : index
    %get3A_17 = arith.constant 0 : index
    %get3A_18 = vector.load %arg4[%get3A_16, %get3A_17] : memref<1x128xf32, #tpu.memory_space<vmem>>, vector<1x128xf32>
    %add3A = vector.broadcast %get3A_18 : vector<1x128xf32> to vector<1024x128xf32>
    %add3A_19 = arith.addf %dot_general3A_15, %add3A : vector<1024x128xf32>
    %swap3A_20 = arith.constant 0 : index
    %swap3A_21 = arith.constant 0 : index
    %swap3A_22 = vector.load %arg6[%swap3A_20, %swap3A_21] : memref<1024x128xf32, #tpu.memory_space<vmem>>, vector<1024x128xf32>
    tpu.vector_store %arg6[%swap3A_20, %swap3A_21], %add3A_19 {strides = array<i32>} : memref<1024x128xf32, #tpu.memory_space<vmem>>, vector<1024x128xf32>,
    return
  }
  func.func @transform_0(%arg0: i32) -> (i32, i32) {
    %c0_i32 = arith.constant 0 : i32
    %c0_i32_0 = arith.constant 0 : i32
    return %arg0, %c0_i32 : i32, i32
  }
  func.func @transform_1(%arg0: i32) -> (i32, i32) {
    %c0_i32 = arith.constant 0 : i32
    %c0_i32_0 = arith.constant 0 : i32
    %c0_i32_1 = arith.constant 0 : i32
    return %c0_i32, %c0_i32_0 : i32, i32
  }
  func.func @transform_2(%arg0: i32) -> (i32, i32) {
    %c0_i32 = arith.constant 0 : i32
    %c0_i32_0 = arith.constant 0 : i32
    %c0_i32_1 = arith.constant 0 : i32
    return %c0_i32, %c0_i32_0 : i32, i32
  }
  func.func @transform_3(%arg0: i32) -> (i32, i32) {
    %c0_i32 = arith.constant 0 : i32
    %c0_i32_0 = arith.constant 0 : i32
    %c0_i32_1 = arith.constant 0 : i32
    return %c0_i32, %c0_i32_0 : i32, i32
  }
  func.func @transform_4(%arg0: i32) -> (i32, i32) {
    %c0_i32 = arith.constant 0 : i32
    %c0_i32_0 = arith.constant 0 : i32
    return %arg0, %c0_i32 : i32, i32
  }
  func.func @transform_5(%arg0: i32) -> (i32, i32) {
    %c0_i32 = arith.constant 0 : i32
    %c0_i32_0 = arith.constant 0 : i32
    return %arg0, %c0_i32 : i32, i32
  }
}

module attributes {stable_mosaic.version = 14 : i64} {
  func.func @_final_body(%arg0: i32, %arg1: memref<512x128xf32, #tpu.memory_space<vmem>>, %arg2: memref<512x128xf32, #tpu.memory_space<vmem>>, %arg3: memref<512x128xf32, #tpu.memory_space<vmem>>, %arg4: memref<128x128xf32, #tpu.memory_space<vmem>>, %arg5: memref<128x128xf32, #tpu.memory_space<vmem>>, %arg6: memref<1x128xf32, #tpu.memory_space<vmem>>, %arg7: memref<128x1xf32, #tpu.memory_space<vmem>>, %arg8: memref<1x1xf32, #tpu.memory_space<smem>>) attributes {dimension_semantics = [#tpu.dimension_semantics<arbitrary>], iteration_bounds = array<i64: 8>, scalar_prefetch = 0 : i64, scratch_operands = 0 : i64, tpu.core_type = #tpu.core_type<tc>, window_params = [{transform_indices = @transform_0, window_bounds = array<i64: 512, 128>}, {transform_indices = @transform_1, window_bounds = array<i64: 512, 128>}, {transform_indices = @transform_2, window_bounds = array<i64: 512, 128>}, {pipeline_mode = #tpu.pipeline_mode<synchronous>, transform_indices = @transform_3, window_bounds = array<i64: 128, 128>}, {pipeline_mode = #tpu.pipeline_mode<synchronous>, transform_indices = @transform_4, window_bounds = array<i64: 128, 128>}, {pipeline_mode = #tpu.pipeline_mode<synchronous>, transform_indices = @transform_5, window_bounds = array<i64: 1, 128>}, {pipeline_mode = #tpu.pipeline_mode<synchronous>, transform_indices = @transform_6, window_bounds = array<i64: 128, 1>}, {transform_indices = @transform_7, window_bounds = array<i64: 1, 1>}]} {
    %get3A = arith.constant 0 : index
    %get3A_0 = arith.constant 0 : index
    %get3A_1 = vector.load %arg2[%get3A, %get3A_0] : memref<512x128xf32, #tpu.memory_space<vmem>>, vector<512x128xf32>
    %get3A_2 = arith.constant 0 : index
    %get3A_3 = arith.constant 0 : index
    %get3A_4 = vector.load %arg3[%get3A_2, %get3A_3] : memref<512x128xf32, #tpu.memory_space<vmem>>, vector<512x128xf32>
    %add3A = arith.addf %get3A_1, %get3A_4 : vector<512x128xf32>
    %get3A_5 = arith.constant 0 : index
    %get3A_6 = arith.constant 0 : index
    %get3A_7 = vector.load %arg1[%get3A_5, %get3A_6] : memref<512x128xf32, #tpu.memory_space<vmem>>, vector<512x128xf32>
    %get3A_8 = arith.constant 0 : index
    %get3A_9 = arith.constant 0 : index
    %get3A_10 = vector.load %arg4[%get3A_8, %get3A_9] : memref<128x128xf32, #tpu.memory_space<vmem>>, vector<128x128xf32>
    %dot_general3A = arith.constant dense<0.000000e+00> : vector<512x128xf32>
    %dot_general3A_11 = tpu.matmul %add3A, %get3A_10, %dot_general3A {dimension_numbers = #tpu.dot_dimension_numbers<[1], [0], [0], [1], [0, 0, 1, 1], [], []>, transpose_lhs_hint = false} : vector<512x128xf32>, vector<128x128xf32>, vector<512x128xf32> -> vector<512x128xf32>
    %add3A_12 = arith.addf %get3A_7, %dot_general3A_11 : vector<512x128xf32>
    %get3A_13 = arith.constant 0 : index
    %get3A_14 = arith.constant 0 : index
    %get3A_15 = vector.load %arg5[%get3A_13, %get3A_14] : memref<128x128xf32, #tpu.memory_space<vmem>>, vector<128x128xf32>
    %dot_general3A_16 = arith.constant dense<0.000000e+00> : vector<512x128xf32>
    %dot_general3A_17 = tpu.matmul %add3A_12, %get3A_15, %dot_general3A_16 {dimension_numbers = #tpu.dot_dimension_numbers<[1], [0], [0], [1], [0, 0, 1, 1], [], []>, transpose_lhs_hint = false} : vector<512x128xf32>, vector<128x128xf32>, vector<512x128xf32> -> vector<512x128xf32>
    %get3A_18 = arith.constant 0 : index
    %get3A_19 = arith.constant 0 : index
    %get3A_20 = vector.load %arg6[%get3A_18, %get3A_19] : memref<1x128xf32, #tpu.memory_space<vmem>>, vector<1x128xf32>
    %add3A_21 = vector.broadcast %get3A_20 : vector<1x128xf32> to vector<512x128xf32>
    %add3A_22 = arith.addf %dot_general3A_17, %add3A_21 : vector<512x128xf32>
    %max3A = arith.constant 0.000000e+00 : f32
    %max3A_23 = vector.broadcast %max3A : f32 to vector<512x128xf32>
    %max3A_24 = arith.maximumf %add3A_22, %max3A_23 : vector<512x128xf32>
    %abs3A = math.absf %add3A_22 : vector<512x128xf32>
    %neg3A = arith.constant 0.000000e+00 : f32
    %neg3A_25 = vector.broadcast %neg3A : f32 to vector<512x128xf32>
    %neg3A_26 = arith.subf %neg3A_25, %abs3A : vector<512x128xf32>
    %exp3A = math.exp %neg3A_26 : vector<512x128xf32>
    %add3A_27 = arith.constant 1.000000e+00 : f32
    %add3A_28 = vector.broadcast %add3A_27 : f32 to vector<512x128xf32>
    %add3A_29 = arith.addf %add3A_28, %exp3A : vector<512x128xf32>
    %log3A = math.log %add3A_29 : vector<512x128xf32>
    %add3A_30 = arith.addf %max3A_24, %log3A : vector<512x128xf32>
    %sub3A = arith.constant 0.693147182 : f32
    %sub3A_31 = vector.broadcast %sub3A : f32 to vector<512x128xf32>
    %sub3A_32 = arith.subf %add3A_30, %sub3A_31 : vector<512x128xf32>
    %get3A_33 = arith.constant 0 : index
    %get3A_34 = arith.constant 0 : index
    %get3A_35 = vector.load %arg7[%get3A_33, %get3A_34] : memref<128x1xf32, #tpu.memory_space<vmem>>, vector<128x1xf32>
    %dot_general3A_36 = arith.constant dense<0.000000e+00> : vector<512x1xf32>
    %dot_general3A_37 = tpu.matmul %sub3A_32, %get3A_35, %dot_general3A_36 {dimension_numbers = #tpu.dot_dimension_numbers<[1], [0], [0], [1], [0, 0, 1, 1], [], []>, transpose_lhs_hint = false} : vector<512x128xf32>, vector<128x1xf32>, vector<512x1xf32> -> vector<512x1xf32>
    %reduce_sum3A = vector.shape_cast %dot_general3A_37 : vector<512x1xf32> to vector<1x512x1xf32>
    %reduce_sum3A_38 = arith.constant dense<0.000000e+00> : vector<1xf32>
    %reduce_sum3A_39 = vector.multi_reduction <add>, %reduce_sum3A, %reduce_sum3A_38 [1, 2] : vector<1x512x1xf32> to vector<1xf32>
    %reduce_sum3A_40 = vector.shape_cast %reduce_sum3A_39 : vector<1xf32> to vector<1x1x1xf32>
    %reduce_sum3A_41 = vector.extract %reduce_sum3A_40[0, 0, 0] : f32 from vector<1x1x1xf32>
    %eq3A = arith.constant 0 : i32
    %eq3A_42 = arith.cmpi eq, %arg0, %eq3A : i32
    %get3A_43 = arith.constant 0 : index
    %get3A_44 = arith.constant 0 : index
    %get3A_45 = memref.load %arg8[%get3A_43, %get3A_44] : memref<1x1xf32, #tpu.memory_space<smem>>
    %jit3A = arith.constant 0.000000e+00 : f32
    %select_n3A = arith.select %eq3A_42, %jit3A, %get3A_45 : f32
    %add3A_46 = arith.addf %select_n3A, %reduce_sum3A_41 : f32
    %swap3A = arith.constant 0 : index
    %swap3A_47 = arith.constant 0 : index
    %swap3A_48 = memref.load %arg8[%swap3A, %swap3A_47] : memref<1x1xf32, #tpu.memory_space<smem>>
    memref.store %add3A_46, %arg8[%swap3A, %swap3A_47] : memref<1x1xf32, #tpu.memory_space<smem>>
    return
  }
  func.func @transform_0(%arg0: i32) -> (i32, i32) {
    %c0_i32 = arith.constant 0 : i32
    %c0_i32_0 = arith.constant 0 : i32
    return %arg0, %c0_i32 : i32, i32
  }
  func.func @transform_1(%arg0: i32) -> (i32, i32) {
    %c0_i32 = arith.constant 0 : i32
    %c0_i32_0 = arith.constant 0 : i32
    return %arg0, %c0_i32 : i32, i32
  }
  func.func @transform_2(%arg0: i32) -> (i32, i32) {
    %add3A = arith.constant 8 : i32
    %add3A_0 = arith.addi %add3A, %arg0 : i32
    %c0_i32 = arith.constant 0 : i32
    %c0_i32_1 = arith.constant 0 : i32
    return %add3A_0, %c0_i32 : i32, i32
  }
  func.func @transform_3(%arg0: i32) -> (i32, i32) {
    %c0_i32 = arith.constant 0 : i32
    %c0_i32_0 = arith.constant 0 : i32
    %c0_i32_1 = arith.constant 0 : i32
    return %c0_i32, %c0_i32_0 : i32, i32
  }
  func.func @transform_4(%arg0: i32) -> (i32, i32) {
    %c0_i32 = arith.constant 0 : i32
    %c0_i32_0 = arith.constant 0 : i32
    %c0_i32_1 = arith.constant 0 : i32
    return %c0_i32, %c0_i32_0 : i32, i32
  }
  func.func @transform_5(%arg0: i32) -> (i32, i32) {
    %c0_i32 = arith.constant 0 : i32
    %c0_i32_0 = arith.constant 0 : i32
    %c0_i32_1 = arith.constant 0 : i32
    return %c0_i32, %c0_i32_0 : i32, i32
  }
  func.func @transform_6(%arg0: i32) -> (i32, i32) {
    %c0_i32 = arith.constant 0 : i32
    %c0_i32_0 = arith.constant 0 : i32
    %c0_i32_1 = arith.constant 0 : i32
    return %c0_i32, %c0_i32_0 : i32, i32
  }
  func.func @transform_7(%arg0: i32) -> (i32, i32) {
    %c0_i32 = arith.constant 0 : i32
    %c0_i32_0 = arith.constant 0 : i32
    %c0_i32_1 = arith.constant 0 : i32
    return %c0_i32, %c0_i32_0 : i32, i32
  }
}

module attributes {stable_mosaic.version = 14 : i64} {
  func.func @_filt_body(%arg0: i32, %arg1: memref<4096x1xf32, #tpu.memory_space<vmem>>, %arg2: memref<1x1x16xi32, #tpu.memory_space<smem>>, %arg3: memref<64x128xf32, #tpu.memory_space<vmem>>, %arg4: memref<1x128xf32, #tpu.memory_space<vmem>>, %arg5: memref<128x128xf32, #tpu.memory_space<vmem>>, %arg6: memref<1x128xf32, #tpu.memory_space<vmem>>, %arg7: memref<4096x128xf32, #tpu.memory_space<vmem>>) attributes {dimension_semantics = [#tpu.dimension_semantics<arbitrary>], iteration_bounds = array<i64: 32>, scalar_prefetch = 0 : i64, scratch_operands = 0 : i64, tpu.core_type = #tpu.core_type<tc>, window_params = [{transform_indices = @transform_0, window_bounds = array<i64: 4096, 1>}, {transform_indices = @transform_1, window_bounds = array<i64: 1, 1, 16>}, {pipeline_mode = #tpu.pipeline_mode<synchronous>, transform_indices = @transform_2, window_bounds = array<i64: 64, 128>}, {pipeline_mode = #tpu.pipeline_mode<synchronous>, transform_indices = @transform_3, window_bounds = array<i64: 1, 128>}, {pipeline_mode = #tpu.pipeline_mode<synchronous>, transform_indices = @transform_4, window_bounds = array<i64: 128, 128>}, {pipeline_mode = #tpu.pipeline_mode<synchronous>, transform_indices = @transform_5, window_bounds = array<i64: 1, 128>}, {transform_indices = @transform_6, window_bounds = array<i64: 4096, 128>}]} {
    %get3A = arith.constant 0 : index
    %get3A_0 = arith.constant 0 : index
    %get3A_1 = vector.load %arg1[%get3A, %get3A_0] : memref<4096x1xf32, #tpu.memory_space<vmem>>, vector<4096x1xf32>
    %sqrt3A = math.sqrt %get3A_1 : vector<4096x1xf32>
    %iota3A = tpu.iota {dimensions = array<i32: 1>} : vector<4096x64xi32>
    %convert_element_type3A = arith.sitofp %iota3A : vector<4096x64xi32> to vector<4096x64xf32>
    %mul3A = arith.constant 0.00190476188 : f32
    %mul3A_2 = vector.broadcast %mul3A : f32 to vector<4096x64xf32>
    %mul3A_3 = arith.mulf %convert_element_type3A, %mul3A_2 : vector<4096x64xf32>
    %sub3A = vector.broadcast %sqrt3A : vector<4096x1xf32> to vector<4096x64xf32>
    %sub3A_4 = arith.subf %sub3A, %mul3A_3 : vector<4096x64xf32>
    %integer_pow3A = arith.mulf %sub3A_4, %sub3A_4 : vector<4096x64xf32>
    %mul3A_5 = arith.constant -284444.438 : f32
    %mul3A_6 = vector.broadcast %mul3A_5 : f32 to vector<4096x64xf32>
    %mul3A_7 = arith.mulf %mul3A_6, %integer_pow3A : vector<4096x64xf32>
    %exp3A = math.exp %mul3A_7 : vector<4096x64xf32>
    %get3A_8 = arith.constant 0 : index
    %get3A_9 = arith.constant 0 : index
    %get3A_10 = vector.load %arg3[%get3A_8, %get3A_9] : memref<64x128xf32, #tpu.memory_space<vmem>>, vector<64x128xf32>
    %dot_general3A = arith.constant dense<0.000000e+00> : vector<4096x128xf32>
    %dot_general3A_11 = tpu.matmul %exp3A, %get3A_10, %dot_general3A {dimension_numbers = #tpu.dot_dimension_numbers<[1], [0], [0], [1], [0, 0, 1, 1], [], []>, transpose_lhs_hint = false} : vector<4096x64xf32>, vector<64x128xf32>, vector<4096x128xf32> -> vector<4096x128xf32>
    %get3A_12 = arith.constant 0 : index
    %get3A_13 = arith.constant 0 : index
    %get3A_14 = vector.load %arg4[%get3A_12, %get3A_13] : memref<1x128xf32, #tpu.memory_space<vmem>>, vector<1x128xf32>
    %add3A = vector.broadcast %get3A_14 : vector<1x128xf32> to vector<4096x128xf32>
    %add3A_15 = arith.addf %dot_general3A_11, %add3A : vector<4096x128xf32>
    %max3A = arith.constant 0.000000e+00 : f32
    %max3A_16 = vector.broadcast %max3A : f32 to vector<4096x128xf32>
    %max3A_17 = arith.maximumf %add3A_15, %max3A_16 : vector<4096x128xf32>
    %abs3A = math.absf %add3A_15 : vector<4096x128xf32>
    %neg3A = arith.constant 0.000000e+00 : f32
    %neg3A_18 = vector.broadcast %neg3A : f32 to vector<4096x128xf32>
    %neg3A_19 = arith.subf %neg3A_18, %abs3A : vector<4096x128xf32>
    %exp3A_20 = math.exp %neg3A_19 : vector<4096x128xf32>
    %add3A_21 = arith.constant 1.000000e+00 : f32
    %add3A_22 = vector.broadcast %add3A_21 : f32 to vector<4096x128xf32>
    %add3A_23 = arith.addf %add3A_22, %exp3A_20 : vector<4096x128xf32>
    %log3A = math.log %add3A_23 : vector<4096x128xf32>
    %add3A_24 = arith.addf %max3A_17, %log3A : vector<4096x128xf32>
    %sub3A_25 = arith.constant 0.693147182 : f32
    %sub3A_26 = vector.broadcast %sub3A_25 : f32 to vector<4096x128xf32>
    %sub3A_27 = arith.subf %add3A_24, %sub3A_26 : vector<4096x128xf32>
    %get3A_28 = arith.constant 0 : index
    %get3A_29 = arith.constant 0 : index
    %get3A_30 = vector.load %arg5[%get3A_28, %get3A_29] : memref<128x128xf32, #tpu.memory_space<vmem>>, vector<128x128xf32>
    %dot_general3A_31 = arith.constant dense<0.000000e+00> : vector<4096x128xf32>
    %dot_general3A_32 = tpu.matmul %sub3A_27, %get3A_30, %dot_general3A_31 {dimension_numbers = #tpu.dot_dimension_numbers<[1], [0], [0], [1], [0, 0, 1, 1], [], []>, transpose_lhs_hint = false} : vector<4096x128xf32>, vector<128x128xf32>, vector<4096x128xf32> -> vector<4096x128xf32>
    %get3A_33 = arith.constant 0 : index
    %get3A_34 = arith.constant 0 : index
    %get3A_35 = vector.load %arg6[%get3A_33, %get3A_34] : memref<1x128xf32, #tpu.memory_space<vmem>>, vector<1x128xf32>
    %add3A_36 = vector.broadcast %get3A_35 : vector<1x128xf32> to vector<4096x128xf32>
    %add3A_37 = arith.addf %dot_general3A_32, %add3A_36 : vector<4096x128xf32>
    %get3A_38 = arith.constant 0 : index
    %get3A_39 = arith.constant 0 : index
    %get3A_40 = arith.constant 0 : index
    %get3A_41 = memref.load %arg2[%get3A_38, %get3A_39, %get3A_40] : memref<1x1x16xi32, #tpu.memory_space<smem>>
    %iota3A_42 = tpu.iota {dimensions = array<i32: 0>} : vector<4096x1xi32>
    %lt3A = vector.broadcast %get3A_41 : i32 to vector<4096x1xi32>
    %lt3A_43 = arith.cmpi slt, %iota3A_42, %lt3A : vector<4096x1xi32>
    %jit3A = arith.constant 0.000000e+00 : f32
    %broadcast_in_dim3A = vector.shape_cast %lt3A_43 : vector<4096x1xi1> to vector<4096x1xi1>
    %broadcast_in_dim3A_44 = vector.broadcast %broadcast_in_dim3A : vector<4096x1xi1> to vector<4096x128xi1>
    %broadcast_in_dim3A_45 = vector.broadcast %jit3A : f32 to vector<4096x128xf32>
    %select_n3A = arith.select %broadcast_in_dim3A_44, %add3A_37, %broadcast_in_dim3A_45 : vector<4096x128xi1>, vector<4096x128xf32>
    %swap3A = arith.constant 0 : index
    %swap3A_46 = arith.constant 0 : index
    %swap3A_47 = vector.load %arg7[%swap3A, %swap3A_46] : memref<4096x128xf32, #tpu.memory_space<vmem>>, vector<4096x128xf32>
    tpu.vector_store %arg7[%swap3A, %swap3A_46], %select_n3A {strides = array<i32>} : memref<4096x128xf32, #tpu.memory_space<vmem>>, vector<4096x128xf32>,
    return
  }
  func.func @transform_0(%arg0: i32) -> (i32, i32) {
    %c0_i32 = arith.constant 0 : i32
    %c0_i32_0 = arith.constant 0 : i32
    return %arg0, %c0_i32 : i32, i32
  }
  func.func @transform_1(%arg0: i32) -> (i32, i32, i32) {
    %c0_i32 = arith.constant 0 : i32
    %c0_i32_0 = arith.constant 0 : i32
    %c0_i32_1 = arith.constant 0 : i32
    return %arg0, %c0_i32, %c0_i32_0 : i32, i32, i32
  }
  func.func @transform_2(%arg0: i32) -> (i32, i32) {
    %c0_i32 = arith.constant 0 : i32
    %c0_i32_0 = arith.constant 0 : i32
    %c0_i32_1 = arith.constant 0 : i32
    return %c0_i32, %c0_i32_0 : i32, i32
  }
  func.func @transform_3(%arg0: i32) -> (i32, i32) {
    %c0_i32 = arith.constant 0 : i32
    %c0_i32_0 = arith.constant 0 : i32
    %c0_i32_1 = arith.constant 0 : i32
    return %c0_i32, %c0_i32_0 : i32, i32
  }
  func.func @transform_4(%arg0: i32) -> (i32, i32) {
    %c0_i32 = arith.constant 0 : i32
    %c0_i32_0 = arith.constant 0 : i32
    %c0_i32_1 = arith.constant 0 : i32
    return %c0_i32, %c0_i32_0 : i32, i32
  }
  func.func @transform_5(%arg0: i32) -> (i32, i32) {
    %c0_i32 = arith.constant 0 : i32
    %c0_i32_0 = arith.constant 0 : i32
    %c0_i32_1 = arith.constant 0 : i32
    return %c0_i32, %c0_i32_0 : i32, i32
  }
  func.func @transform_6(%arg0: i32) -> (i32, i32) {
    %c0_i32 = arith.constant 0 : i32
    %c0_i32_0 = arith.constant 0 : i32
    return %arg0, %c0_i32 : i32, i32
  }
}

</mosaic_0001>

<sc_bundles>
// kernel: kernel.10.cloned.1.call-start
scs
__scs_entry_jumppad:
0x0: {  	(pc) =	sbr.rel $0x88, $3  }
0x1: {  	(tag) =	ssettag $0x0;
	lr =	simm.s32 $0x1  }
0x2: {  	[smem:$0x3F94] =	sst lr;
	_ =	strace $0xD0000000  }
0x3: {  	_ = 	snop  }
0x4: {  	_ = 	snop  }
0x5: {  	_ = 	snop  }
0x6: {  	_ = 	snop  }
0x7: {  	_ = 	snop  }
__scs_overlays_trampoline_lowered:
0x8: {  	[smem:$0x3FA3] =	sst s0  }
0x9: {  	[smem:$0x3FA4] =	sst s1  }
0xa: {  	[smem:$0x3FA5] =	sst s2  }
0xb: {  	[smem:$0x3FA6] =	sst s3  }
0xc: {  	[smem:$0x3FA7] =	sst s4  }
0xd: {  	[smem:$0x3FA8] =	sst s5  }
0xe: {  	[smem:$0x3FA9] =	sst s6  }
0xf: {  	[smem:$0x3FAA] =	sst s7  }
0x10: {  	[smem:$0x3FAB] =	sst s8  }
0x11: {  	[smem:$0x3FAC] =	sst s9;
	s0 =	simm.s32 @!p0 $0x0  }
0x12: {  	s1 =	sld [smem:$0x3F92];
	s0 =	simm.s32 @p0 $0x1  }
0x13: {  	[smem:$0x3FAD] =	sst s0;
	s0 =	simm.s32 @!p1 $0x0  }
0x14: {  	s2 =	sld [smem:$0x3F91];
	s0 =	simm.s32 @p1 $0x1  }
0x15: {  	[smem:$0x3FAE] =	sst s0;
	s0 =	simm.s32 @!p2 $0x0  }
0x16: {  	s3 =	sld [smem:$0x3FDB];
	s0 =	simm.s32 @p2 $0x1  }
0x17: {  	s4 =	simm.s32 $0x1BF5;
	[smem:$0x3FB0] =	sst s0  }
0x18: {  	s0 =	sld [smem:$0x3F93];
	_ =	swait.ge [sflag:s4], $0x0  }
0x19: {  	s7 =	sld [smem:$0x3F94]  }
0x1a: {  	s8 =	sadd.s32 $0xFFFFE003, lr  }
0x1b: {  	s9 =	sadd.s32 $0xFFFFFEF7, lr;
	s5 =	simm.s32 $0xFFFFFFFF;
	p2 =	slt.u32 s8, $0xFFFFF086  }
0x1c: {  	p1 =	slt.u32 s9, $0xF7A;
	s5 =	simm.s32 @!p2 $0x0  }
0x1d: {  	s5 =	simm.s32 @p1 $0x1;
	p0 =	seq.s32 s7, s2  }
0x1e: {  	s7 =	smul.u32 @!p0 $0xF7A, s2;
	p2 =	seq.s32 @!p0 s5, $0x0  }
0x1f: {  	s9 =	smul.u32 $0xF7A, s1;
	s8 =	simm.s32 @!p0 $0x1BF5;
	p2 =	por !p2, p0  }
0x20: {  	[sflag:s8] =	ssyncset.s32 @!p0 $0xFFFFF086;
	s6 =	sadd.s32 @!p0 s3, s7;
	s7 =	simm.s32 @!p0 $0x108  }
0x21: {  	s3 =	sadd.s32 s3, s9;
	s6 =	sadd.s32 @!p0 $0x88, s6;
	s7 =	simm.s32 @p2 $0x1082  }
0x22: {  	[simem:s7], [sflag:s8] =	dma.local @!p0 [hbm:s6], $0xF7A  }
0x23: {  	s9 =	sor.u32 $0xD0000000, s2;
	s6 =	simm.s32 $0x108;
	_ =	swait.ge @!p0 [sflag:s8], $0x0  }
0x24: {  	s3 =	sadd.s32 $0x88, s3;
	s6 =	simm.s32 @!p1 $0x1082;
	[sflag:s4] =	ssyncset.s32 $0xFFFFF086  }
0x25: {  	[simem:s6], [sflag:s4] =	dma.local [hbm:s3], $0xF7A  }
0x26: {  	[smem:$0x3F94] =	sst s1;
	(tag) =	ssettag s2;
	_ =	strace s9  }
0x27: {  	s1 =	sld [smem:$0x3FA4]  }
0x28: {  	s2 =	sld [smem:$0x3FA5]  }
0x29: {  	s4 =	sld [smem:$0x3FA7]  }
0x2a: {  	p0 =	seq.s32 s5, $0x0;
	s5 =	sld [smem:$0x3FA8]  }
0x2b: {  	s6 =	sld [smem:$0x3FA9]  }
0x2c: {  	s7 =	sld [smem:$0x3FAA]  }
0x2d: {  	s3 =	simm.s32 $0x108;
	s8 =	sld [smem:$0x3FAB]  }
0x2e: {  	s3 =	simm.s32 @!p0 $0x1082;
	s9 =	sld [smem:$0x3FAC]  }
0x2f: {  	lr =	sadd.s32 s0, s3;
	s0 =	sld [smem:$0x3FA3]  }
0x30: {  	s3 =	sld [smem:$0x3FA6]  }
0x31: {  	[smem:$0x3FAF] =	sst s10  }
0x32: {  	s10 =	sld [smem:$0x3FAD];
	_ =	sdelay $0x3  }
0x33: {  	p0 =	seq.s32 s10, $0x1;
	s10 =	sld [smem:$0x3FAF];
	_ =	sdelay $0x3  }
0x34: {  	[smem:$0x3FAF] =	sst s10  }
0x35: {  	s10 =	sld [smem:$0x3FAE];
	_ =	sdelay $0x3  }
0x36: {  	p1 =	seq.s32 s10, $0x1;
	s10 =	sld [smem:$0x3FAF];
	_ =	sdelay $0x3  }
0x37: {  	[smem:$0x3FAF] =	sst s10  }
0x38: {  	s10 =	sld [smem:$0x3FB0]  }
0x39: {  	_ = 	snop;
	(pc) =	sbr.ind lr, $3  }
0x3a: {  	_ = 	snop  }
0x3b: {  	_ = 	snop  }
0x3c: {  	p2 =	seq.s32 s10, $0x1;
	s10 =	sld [smem:$0x3FAF]  }
0x3d: {  	_ =	shalt  }
0x3e: {  	_ =	shalt  }
0x3f: {  	_ =	shalt  }
0x40: {  	_ =	shalt  }
0x41: {  	_ =	shalt  }
0x42: {  	_ =	shalt  }
0x43: {  	_ =	shalt  }
0x44: {  	_ =	shalt  }
0x45: {  	_ =	shalt  }
0x46: {  	_ =	shalt  }
0x47: {  	_ =	shalt  }
0x48: {  	_ =	shalt  }
0x49: {  	_ =	shalt  }
0x4a: {  	_ =	shalt  }
0x4b: {  	_ =	shalt  }
0x4c: {  	_ =	shalt  }
0x4d: {  	_ =	shalt  }
0x4e: {  	_ =	shalt  }
0x4f: {  	_ =	shalt  }
0x50: {  	_ =	shalt  }
0x51: {  	_ =	shalt  }
0x52: {  	_ =	shalt  }
0x53: {  	_ =	shalt  }
0x54: {  	_ =	shalt  }
0x55: {  	_ =	shalt  }
0x56: {  	_ =	shalt  }
0x57: {  	_ =	shalt  }
0x58: {  	_ =	shalt  }
0x59: {  	_ =	shalt  }
0x5a: {  	_ =	shalt  }
0x5b: {  	_ =	shalt  }
0x5c: {  	_ =	shalt  }
0x5d: {  	_ =	shalt  }
0x5e: {  	_ =	shalt  }
0x5f: {  	_ =	shalt  }
0x60: {  	_ =	shalt  }
0x61: {  	_ =	shalt  }
0x62: {  	_ =	shalt  }
0x63: {  	_ =	shalt  }
0x64: {  	_ =	shalt  }
0x65: {  	_ =	shalt  }
0x66: {  	_ =	shalt  }
0x67: {  	_ =	shalt  }
0x68: {  	_ =	shalt  }
0x69: {  	_ =	shalt  }
0x6a: {  	_ =	shalt  }
0x6b: {  	_ =	shalt  }
0x6c: {  	_ =	shalt  }
0x6d: {  	_ =	shalt  }
0x6e: {  	_ =	shalt  }
0x6f: {  	_ =	shalt  }
0x70: {  	_ =	shalt  }
0x71: {  	_ =	shalt  }
0x72: {  	_ =	shalt  }
0x73: {  	_ =	shalt  }
0x74: {  	_ =	shalt  }
0x75: {  	_ =	shalt  }
0x76: {  	_ =	shalt  }
0x77: {  	_ =	shalt  }
0x78: {  	_ =	shalt  }
0x79: {  	_ =	shalt  }
0x7a: {  	_ =	shalt  }
0x7b: {  	_ =	shalt  }
0x7c: {  	_ =	shalt  }
0x7d: {  	_ =	shalt  }
0x7e: {  	_ =	shalt  }
0x7f: {  	_ =	shalt  }
0x80: {  	_ =	shalt  }
0x81: {  	_ =	shalt  }
0x82: {  	_ =	shalt  }
0x83: {  	_ =	shalt  }
0x84: {  	_ =	shalt  }
0x85: {  	_ =	shalt  }
0x86: {  	_ =	shalt  }
0x87: {  	_ =	shalt  }
.Lfunc_end0:
.L_simem_size_0:
called_computation.1_lowered:
.L_overlay_start_0:
0x88: {  	s2 =	sld [smem:$0x3FD9]  }
0x89: {  	s3 =	sld [smem:$0x3FFE];
	_ =	sdelay $0x1  }
0x8a: {  	s1 =	srdreg.scid  }
0x8b: {  	s0 =	sand.u32 $0x1, s1  }
0x8c: {  	s16 =	sshll.u32 s0, $0xA;
	s2 =	sadd.s32 s3, s2  }
0x8d: {  	s2 =	sadd.s32 s2, s16  }
0x8e: {  	[smem:$0x3FBB] =	sst s2  }
0x8f: {  	_ = 	snop  }
0x90: {  	(tm) =	ssettm $0x1  }
0x91: {  	s17 =	sld [smem:$0x3FFB];
	_ =	sdelay $0x3  }
0x92: {  	_ =	strace s17  }
0x93: {  	s2 =	sld [smem:$0x3FFC];
	_ =	sdelay $0x3  }
0x94: {  	_ =	strace s2  }
0x95: {  	s2 =	sld [smem:$0x3FFD];
	_ =	sdelay $0x3  }
0x96: {  	_ =	strace s2  }
0x97: {  	_ =	strace $0x8FFFFFFF  }
0x98: {  	s18 =	sld [smem:$0x3FDB];
	_ =	sdelay $0x1  }
0x99: {  	s19 =	simm.s32 $_scs_section_size  }
0x9a: {  	s4 =	simm.s32 $_size__tile_overlayer_lowered;
	s5 =	simm.s32 $_tile_overlayer_lowered  }
0x9b: {  	s22 =	simm.s32 $0x1BFF;
	s21 =	sshll.u32 s5, $0x1;
	s2 =	sadd.s32 s19, s18  }
0x9c: {  	s6 =	simm.s32 $0x0;
	s20 =	sshll.u32 s4, $0x1;
	s4 =	sadd.s32 s21, s2  }
0x9d: {  	[timem:s6], [sflag:s22] =	dma.local [hbm:s4], s20  }
0x9e: {  	_ =	swait.ge [sflag:s22], s20  }
0x9f: {  	s3 =	ssub.s32 $0x0, s20;
	[sflag:s22] =	ssyncset.done $0x0  }
0xa0: {  	[sflag:s22] =	ssyncadd.s32 s3;
	_ =	sdelay $0x1  }
0xa1: {  	s23 =	simm.s32 $0x1B8B  }
0xa2: {  	_ =	swait.ge [sflag:s23], $0x1  }
0xa3: {  	[sflag:s23] =	ssyncset.done $0x0  }
0xa4: {  	s25 =	simm.s32 $0x1B8E;
	s24 =	sld [smem:$0x3FFE];
	[sflag:s23] =	ssyncadd.s32 $0xFFFFFFFF  }
0xa5: {  	s26 =	simm.s32 $execute0_lowered;
	[smem:$0x3FD2] =	sst s25  }
0xa6: {  	s4 =	sshll.u32 s26, $0x1;
	_ =	strace $0x80000049;
	[dreg:$0x1] =	wrdreg $0xFFFFFFFF  }
0xa7: {  	s28 =	simm.s32 $_size_execute0_lowered;
	s2 =	sadd.s32 s2, s4;
	[dreg:$0x0] =	wrdreg $0x0  }
0xa8: {  	s4 =	sshll.u32 s28, $0x1;
	[dreg:$0x2] =	wrdreg s2  }
0xa9: {  	[dreg:$0x3] =	wrdreg s4  }
0xaa: {  	[dreg:$0x4] =	wrdreg $0xC0  }
0xab: {  	_ =	task [dreg:s6], $0x5FFFF  }
0xac: {  	[dreg:$0x1] =	wrdreg $0xFFFFFFFF  }
0xad: {  	[dreg:$0x0] =	wrdreg $0x60  }
0xae: {  	[dreg:$0x2] =	wrdreg s24  }
0xaf: {  	[dreg:$0x3] =	wrdreg $0xE0100  }
0xb0: {  	[dreg:$0x4] =	wrdreg $0x9  }
0xb1: {  	_ =	task.clear_ibuf [dreg:s6], $0x5FFFF;
	_ =	strace $0x90000049  }
0xb2: {  	s29 =	simm.s32 $0x9;
	_ =	strace $0x8000004B  }
0xb3: {  	_ =	swait.ge [sflag:s29], $0x1  }
0xb4: {  	[sflag:s29] =	ssyncadd.s32 $0xFFFFFFFF  }
0xb5: {  	_ =	strace $0x9000004B  }
0xb6: {  	_ =	sfence  }
0xb7: {  	s30 =	sld [smem:$0x0];
	_ =	sdelay $0x2  }
0xb8: {  	s31 =	sshll.u32 s1, $0xD;
	s1 =	sshrl.u32 s1, $0x2  }
0xb9: {  	s3 =	sand.u32 $0x4000, s31;
	s1 =	sadd.s32 s1, s30  }
0xba: {  	s0 =	sor.u32 s3, s0;
	s1 =	sshll.u32 s1, $0x11  }
0xbb: {  	s0 =	sor.u32 s1, s0  }
0xbc: {  	s0 =	sadd.s32 $0x8F2B, s0  }
0xbd: {  	[sflag:s0] =	ssyncadd.remote.s32 $0x1  }
0xbe: {  	_ =	sfence.sel $0xFFFF  }
0xbf: {  	[dreg:$0x0] =	wrdreg $0xFFFFFFFF;
	(pc) =	sbr.abs _section_cstart, $3  }
0xc0: {  	[dreg:$0x1] =	wrdreg $0xFFFFFFFF  }
0xc1: {  	_ =	task.clear_ibuf [dreg:s6], $0x2FFFF;
	_ =	strace $0x9FFFFFFF  }
0xc2: {  	(tm) =	ssettm $0x7FFFFFFF  }
0xc3: {  	_ =	shalt  }
tec
execute0_lowered:
.L_overlay_start_1:
0x0: {  	(tag) =	ssettag $0x1  }
0x1: {  	s0 =	rddreg [dreg:$0x0]  }
0x2: {  	s1 =	srdreg.scid;
	s11 =	stileid.u32  }
0x3: {  	s2 =	rddreg [dreg:$0x1];
	s3 =	simm.s32 $0x0;
	s18 =	simm.s32 $0x2010  }
0x4: {  	s19 =	simm.s32 $0x7;
	s28 =	simm.s32 $0x8010;
	s30 =	simm.s32 $0xC010  }
0x5: {  	s31 =	simm.s32 $0x2;
	s29 =	simm.s32 $0x5;
	s1 =	sand.u32 $0x1, s1  }
0x6: {  	s4 =	sshll.u32 s11, $0x1;
	[smem:$0x7FF] =	sst s3;
	s5 =	sadd.s32 $0x14400, s0  }
0x7: {  	s21 =	sshll.u32 s11, $0xC;
	s11 =	sshll.u32 s11, $0xF;
	s7 =	sor.u32 s1, s4  }
0x8: {  	_ =	strace $0x8000004A;
	s10 =	ssub.s32 $0x2, s1;
	s1 =	sshll.u32 s1, $0x10  }
0x9: {  	s4 =	sshll.u32 s7, $0x9;
	s6 =	sshll.u32 s7, $0x1;
	s12 =	sshrl.u32 s10, $0x1  }
0xa: {  	s25 =	sshll.u32 s7, $0x10;
	s15 =	sshll.u32 s7, $0x13;
	s8 =	sadd.s32 s4, s0  }
0xb: {  	s4 =	sadd.s32 $0x224400, s0;
	s9 =	sadd.s32 s6, s0;
	s6 =	sadd.s32 s11, s2  }
0xc: {  	s0 =	sadd.s32 s21, s0;
	s10 =	ssub.s32 s10, s12;
	s11 =	sadd.s32 $0x2000, s6  }
0xd: {  	s21 =	simm.s32 $0x6;
	s22 =	sadd.s32 $0x4000, s6;
	[dreg:$0x3] =	wrdreg s11  }
0xe: {  	s23 =	sadd.s32 $0x6000, s6;
	s24 =	sadd.s32 $0xC200, s8;
	[dreg:$0x4] =	wrdreg s22  }
0xf: {  	s8 =	sadd.s32 $0x10200, s8;
	s26 =	sadd.s32 s4, s25;
	[dreg:$0x5] =	wrdreg s23  }
0x10: {  	s9 =	sadd.s32 $0x14200, s9;
	s0 =	sadd.s32 s1, s0;
	[dreg:$0x6] =	wrdreg s24  }
.Ltmp0:
0x11: {  	s17 =	smax.u32 s10, $0x1;
	[dreg:$0x7] =	wrdreg s8;
	(pc) =	sbr.rel .LBB2_1-.Ltmp0, $4  }
0x12: {  	s25 =	simm.s32 $0xA010;
	s1 =	simm.s32 $0x3;
	[dreg:$0x9] =	wrdreg s9  }
0x13: {  	[dreg:$0x8] =	wrdreg s26;
	s8 =	sadd.s32 $0x400, s26;
	s16 =	sadd.s32 $0x24400, s0  }
0x14: {  	s22 =	simm.s32 $0x1;
	s23 =	simm.s32 $0x40;
	s24 =	simm.s32 $0x6010  }
0x15: {  	v0 =	vimm.f32 $0.0e+00;
	s26 =	simm.s32 $0x4;
	s0 =	simm.s32 $0x0;
	[dreg:$0xa] =	wrdreg s8  }
.LBB2_10:
0x16: {  	s7 =	stileid.u32;
	s0 =	sadd.s32 $0x1, s0  }
0x17: {  	[bflag:$0x0] =	sbarrier.arrive $0xFFFF;
	s7 =	sshll.u32 s7, $0x6;
	p0 =	sne.s32 s0, s17  }
.Ltmp1:
0x18: {  	s8 =	sshrl.u32 s6, $0x3;
	s7 =	sor.u32 $0x1C07, s7;
	(pc) =	sbr.rel @!p0 .LBB2_11-.Ltmp1, $4  }
0x19: {  	[hbm:s16], [sflag:s7] =	dma.local [spmem:s8], $0x1000  }
0x1a: {  	_ =	swait.ge [sflag:s19], $0x1000  }
0x1b: {  	[sflag:s19] =	ssyncset.done $0x0  }
0x1c: {  	[sflag:s19] =	ssyncadd.s32 $0xFFFFF000  }
.LBB2_1:
0x1d: {  	s7 =	simm.s32 $0x0;
	s8 =	simm.s32 $0x200  }
.LBB2_2:
0x1e: {  	p0 =	sne.s32 s8, $0x7E00;
	[tilespmem:s7+$0x2080] =	vst v0  }
0x1f: {  	[tilespmem:s7+$0x2010] =	vst v0  }
0x20: {  	[tilespmem:s7+$0x2020] =	vst v0  }
.Ltmp2:
0x21: {  	[tilespmem:s7+$0x2030] =	vst v0;
	(pc) =	sbr.rel @p0 .LBB2_2-.Ltmp2, $4  }
0x22: {  	[tilespmem:s7+$0x2040] =	vst v0  }
0x23: {  	[tilespmem:s7+$0x2050] =	vst v0  }
0x24: {  	[tilespmem:s7+$0x2060] =	vst v0  }
0x25: {  	[tilespmem:s7+$0x2070] =	vst v0;
	s7 =	sshra.s32 s8, $0x2;
	s8 =	sadd.s32 $0x200, s8  }
0x26: {  	[tilespmem:s7+$0x2080] =	vst v0  }
0x27: {  	[tilespmem:s7+$0x2010] =	vst v0  }
0x28: {  	[tilespmem:s7+$0x2020] =	vst v0  }
0x29: {  	[tilespmem:s7+$0x2030] =	vst v0  }
0x2a: {  	[tilespmem:s7+$0x2040] =	vst v0  }
0x2b: {  	[tilespmem:s7+$0x2050] =	vst v0  }
0x2c: {  	[tilespmem:s7+$0x2060] =	vst v0  }
0x2d: {  	[tilespmem:s7+$0x2070] =	vst v0  }
0x2e: {  	[spmem:s6] =	stream.linear.scatter [tilespmem:s18], [sflag:$0x7], $0x2000, $0x38;
	[tilespmem:$0x16010] =	vst v63  }
0x2f: {  	_ =	swait.ge [sflag:s19], $0x2000  }
0x30: {  	[sflag:s19] =	ssyncset.done $0x0  }
0x31: {  	s14 =	rddreg [dreg:$0x3];
	[sflag:s19] =	ssyncadd.s32 $0xFFFFE000  }
0x32: {  	[spmem:s14] =	stream.linear.scatter [tilespmem:s18], [sflag:$0x7], $0x2000, $0x38;
	[tilespmem:$0x16010] =	vst v63  }
0x33: {  	_ =	swait.ge [sflag:s19], $0x2000  }
0x34: {  	[sflag:s19] =	ssyncset.done $0x0  }
0x35: {  	s20 =	rddreg [dreg:$0x4];
	[sflag:s19] =	ssyncadd.s32 $0xFFFFE000  }
0x36: {  	[spmem:s20] =	stream.linear.scatter [tilespmem:s18], [sflag:$0x7], $0x2000, $0x38;
	[tilespmem:$0x16010] =	vst v63  }
0x37: {  	_ =	swait.ge [sflag:s19], $0x2000  }
0x38: {  	[sflag:s19] =	ssyncset.done $0x0  }
0x39: {  	s8 =	rddreg [dreg:$0x5];
	[sflag:s19] =	ssyncadd.s32 $0xFFFFE000  }
0x3a: {  	[spmem:s8] =	stream.linear.scatter [tilespmem:s18], [sflag:$0x7], $0x2000, $0x38;
	[tilespmem:$0x16010] =	vst v63  }
0x3b: {  	_ =	swait.ge [sflag:s19], $0x2000  }
0x3c: {  	[sflag:s19] =	ssyncset.done $0x0  }
0x3d: {  	[sflag:s19] =	ssyncadd.s32 $0xFFFFE000  }
0x3e: {  	[bflag:$0x0] =	sbarrier.arrive $0xFFFF  }
0x3f: {  	s9 =	rddreg [dreg:$0x6]  }
0x40: {  	[tilespmem:s3], [sflag:$0x7] =	stream.linear.gather [hbm4b:s9+s3], $0x1000, $0x38;
	[tilespmem:$0x16010] =	vst v63  }
0x41: {  	_ =	swait.ge [sflag:s19], $0x1000  }
0x42: {  	[sflag:s19] =	ssyncset.done $0x0  }
0x43: {  	s8 =	simm.s32 $0x1000;
	s10 =	rddreg [dreg:$0x7];
	[sflag:s19] =	ssyncadd.s32 $0xFFFFF000  }
0x44: {  	[tilespmem:s8], [sflag:$0x7] =	stream.linear.gather [hbm4b:s10+s3], $0x1000, $0x38;
	[tilespmem:$0x16010] =	vst v63  }
0x45: {  	_ =	swait.ge [sflag:s19], $0x1000  }
0x46: {  	[sflag:s19] =	ssyncset.done $0x0  }
0x47: {  	s12 =	simm.s32 $0x2000;
	s11 =	rddreg [dreg:$0x9];
	[sflag:s19] =	ssyncadd.s32 $0xFFFFF000  }
0x48: {  	[tilespmem:s12], [sflag:$0x7] =	stream.linear.gather [hbm4b:s11+s3], $0x10, $0x38;
	[tilespmem:$0x16010] =	vst v63  }
0x49: {  	_ =	swait.ge [sflag:s19], $0x10  }
0x4a: {  	[sflag:s19] =	ssyncset.done $0x0  }
0x4b: {  	[sflag:s19] =	ssyncadd.s32 $0xFFFFFFF0  }
0x4c: {  	v1 =	vld [tilespmem:$0x2000];
	_ =	sdelay $0x4  }
0x4d: {  	(xrf0) =	vadd.scan.msk.s32 $0xffff, v1;
	_ =	sdelay $0x5  }
0x4e: {  	v1, _, _ =	vpop (xrf0)  }
0x4f: {  	(v2sf) =	vpush v1, $0xF;
	_ =	sdelay $0xe  }
0x50: {  	s13 =	spop (v2sf)  }
0x51: {  	s7 =	sadd.s32 $0x7F, s13  }
0x52: {  	s14 =	sand.u32 $0x7F, s7  }
0x53: {  	s20 =	sshra.s32 s7, $0x1F;
	p1 =	slt.s32 s7, $0x1;
	p0 =	sne.s32 s14, $0x0  }
0x54: {  	s8 =	sshrl.u32 s20, $0x19;
	p0 =	por !p1, !p0  }
0x55: {  	s7 =	sadd.s32 s8, s7;
	s8 =	simm.s32 $0x1;
	p0 =	por !p0, !p0  }
0x56: {  	s7 =	sshra.s32 s7, $0x7;
	s8 =	simm.s32 @!p0 $0x0  }
0x57: {  	s14 =	ssub.s32 s7, s8  }
0x58: {  	p0 =	slt.s32 s14, $0x1  }
.Ltmp3:
0x59: {  	_ = 	snop;
	(pc) =	sbr.rel @p0 .LBB2_10-.Ltmp3, $1  }
0x5a: {  	_ =	sdelay $0x3  }
0x5b: {  	s12 =	simm.s32 $0x0;
	s7 =	rddreg [dreg:$0x8]  }
0x5c: {  	[tilespmem:s18], [sflag:$0x1] =	stream.linear.gather [hbm4b:s7+s12], $0x2000, $0x38;
	[tilespmem:$0x16010] =	vst v63  }
0x5d: {  	_ = 	snop  }
0x5e: {  	[tilespmem:s24], [sflag:$0x2] =	stream.indirect.gather [hbm4b:s5+s23], $0x80, s12, s23, $0xb8;
	[tilespmem:$0x16010] =	vst v63  }
0x5f: {  	s11 =	simm.s32 $0x1000  }
0x60: {  	[tilespmem:s25], [sflag:$0x3] =	stream.indirect.gather [hbm4b:s5+s23], $0x80, s11, s23, $0xb8;
	[tilespmem:$0x16010] =	vst v63  }
0x61: {  	s13 =	rddreg [dreg:$0xa];
	s8 =	simm.s32 $0x4010  }
0x62: {  	[tilespmem:s8], [sflag:$0x4] =	stream.linear.gather [hbm4b:s13+s12], $0x2000, $0x38;
	[tilespmem:$0x16010] =	vst v63  }
0x63: {  	_ = 	snop  }
0x64: {  	[tilespmem:s28], [sflag:$0x5] =	stream.indirect.gather [hbm4b:s5+s23], $0x80, s23, s23, $0xb8;
	[tilespmem:$0x16010] =	vst v63  }
0x65: {  	s20 =	simm.s32 $0x1040  }
0x66: {  	[tilespmem:s30], [sflag:$0x6] =	stream.indirect.gather [hbm4b:s5+s23], $0x80, s20, s23, $0xb8;
	[tilespmem:$0x16010] =	vst v63  }
0x67: {  	s20 =	sshll.u32 s14, $0x1  }
.LBB2_5:
0x68: {  	_ =	swait.ge [sflag:s22], $0x2000  }
0x69: {  	[sflag:s22] =	ssyncset.done $0x0  }
0x6a: {  	[sflag:s22] =	ssyncadd.s32 $0xFFFFE000  }
0x6b: {  	_ =	swait.ge [sflag:s31], $0x2000  }
0x6c: {  	[sflag:s31] =	ssyncset.done $0x0  }
0x6d: {  	[sflag:s31] =	ssyncadd.s32 $0xFFFFE000  }
0x6e: {  	_ =	swait.ge [sflag:s1], $0x2000  }
0x6f: {  	[sflag:s1] =	ssyncset.done $0x0  }
0x70: {  	s7 =	simm.s32 $0x0;
	[sflag:s1] =	ssyncadd.s32 $0xFFFFE000  }
0x71: {  	v4 =	vld [tilespmem:s7+$0x2010]  }
0x72: {  	v5 =	vld [tilespmem:s7+$0x2020]  }
0x73: {  	v6 =	vld [tilespmem:s7+$0x2030]  }
0x74: {  	v7 =	vld [tilespmem:s7+$0x2040]  }
0x75: {  	v8 =	vld [tilespmem:s7+$0x2050]  }
0x76: {  	v3 =	vld [tilespmem:s7+$0x2060]  }
0x77: {  	v2 =	vld [tilespmem:s7+$0x2070]  }
0x78: {  	v1 =	vld [tilespmem:s7+$0x2080]  }
0x79: {  	v9 =	vld [tilespmem:s7+$0x6010]  }
0x7a: {  	v10 =	vld [tilespmem:s7+$0xA010]  }
0x7b: {  	v11 =	vld [tilespmem:s7+$0x6020]  }
0x7c: {  	v12 =	vld [tilespmem:s7+$0xA020]  }
0x7d: {  	v13 =	vld [tilespmem:s7+$0x6030]  }
0x7e: {  	v14 =	vld [tilespmem:s7+$0xA030];
	v9 =	vmul.f32 v9, v4  }
0x7f: {  	v15 =	vld [tilespmem:s7+$0x6040];
	v4 =	vmul.f32 v10, v4  }
0x80: {  	v10 =	vmul.f32 v11, v5;
	[tilespmem:s7+$0x6010] =	vst v9;
	v9 =	vld [tilespmem:s7+$0xA040]  }
0x81: {  	v11 =	vld [tilespmem:s7+$0x6050];
	[tilespmem:s7+$0xA010] =	vst v4;
	v4 =	vmul.f32 v12, v5  }
0x82: {  	v63 =	vld [tilespmem:s7+$0xA050];
	[tilespmem:s7+$0x6020] =	vst v10;
	v10 =	vmul.f32 v13, v6  }
0x83: {  	v5 =	vld [tilespmem:s7+$0x6060];
	v6 =	vmul.f32 v14, v6;
	[tilespmem:s7+$0xA020] =	vst v4  }
0x84: {  	[tilespmem:s7+$0x6030] =	vst v10;
	v4 =	vld [tilespmem:s7+$0xA060];
	v10 =	vmul.f32 v15, v7  }
0x85: {  	[tilespmem:s7+$0xA030] =	vst v6;
	v6 =	vld [tilespmem:s7+$0x6070];
	v9 =	vmul.f32 v9, v7  }
0x86: {  	[tilespmem:s7+$0x6040] =	vst v10;
	v10 =	vmul.f32 v11, v8;
	v7 =	vld [tilespmem:s7+$0xA070]  }
0x87: {  	s8 =	simm.s32 $0x200;
	[tilespmem:s7+$0xA040] =	vst v9;
	v9 =	vmul.f32 v63, v8;
	v8 =	vld [tilespmem:s7+$0x6080]  }
.LBB2_6:
0x88: {  	s9 =	sshra.s32 s8, $0x2;
	p0 =	sne.s32 s8, $0x7E00;
	[tilespmem:s7+$0x6050] =	vst v10;
	v5 =	vmul.f32 v5, v3;
	v10 =	vld [tilespmem:s7+$0xA080]  }
0x89: {  	v11 =	vld [tilespmem:s9+$0x2010];
	[tilespmem:s7+$0xA050] =	vst v9;
	v3 =	vmul.f32 v4, v3  }
0x8a: {  	v4 =	vld [tilespmem:s9+$0x2020];
	[tilespmem:s7+$0x6060] =	vst v5;
	v5 =	vmul.f32 v6, v2  }
0x8b: {  	v6 =	vld [tilespmem:s9+$0x2030];
	[tilespmem:s7+$0xA060] =	vst v3;
	v2 =	vmul.f32 v7, v2  }
0x8c: {  	v7 =	vld [tilespmem:s9+$0x2040];
	[tilespmem:s7+$0x6070] =	vst v5;
	v5 =	vmul.f32 v8, v1  }
0x8d: {  	v8 =	vld [tilespmem:s9+$0x2050];
	[tilespmem:s7+$0xA070] =	vst v2;
	v1 =	vmul.f32 v10, v1  }
0x8e: {  	v3 =	vld [tilespmem:s9+$0x2060];
	[tilespmem:s7+$0x6080] =	vst v5  }
0x8f: {  	v2 =	vld [tilespmem:s9+$0x2070];
	[tilespmem:s7+$0xA080] =	vst v1;
	s7 =	smov.u32 s9  }
0x90: {  	v1 =	vld [tilespmem:s7+$0x2080]  }
0x91: {  	v5 =	vld [tilespmem:s7+$0x6010]  }
0x92: {  	v9 =	vld [tilespmem:s7+$0xA010]  }
0x93: {  	v10 =	vld [tilespmem:s7+$0x6020]  }
0x94: {  	v12 =	vld [tilespmem:s7+$0xA020]  }
0x95: {  	v13 =	vld [tilespmem:s7+$0x6030]  }
0x96: {  	v5 =	vmul.f32 v5, v11;
	v14 =	vld [tilespmem:s7+$0xA030]  }
0x97: {  	v9 =	vmul.f32 v9, v11;
	v11 =	vld [tilespmem:s7+$0x6040]  }
0x98: {  	[tilespmem:s7+$0x6010] =	vst v5;
	v5 =	vmul.f32 v10, v4;
	v10 =	vld [tilespmem:s7+$0xA040]  }
0x99: {  	[tilespmem:s7+$0xA010] =	vst v9;
	v4 =	vmul.f32 v12, v4;
	v9 =	vld [tilespmem:s7+$0x6050]  }
0x9a: {  	[tilespmem:s7+$0x6020] =	vst v5;
	v12 =	vmul.f32 v13, v6;
	v13 =	vld [tilespmem:s7+$0xA050]  }
.Ltmp4:
0x9b: {  	[tilespmem:s7+$0xA020] =	vst v4;
	v6 =	vmul.f32 v14, v6;
	v5 =	vld [tilespmem:s7+$0x6060];
	(pc) =	sbr.rel @p0 .LBB2_6-.Ltmp4, $4  }
0x9c: {  	[tilespmem:s7+$0x6030] =	vst v12;
	v11 =	vmul.f32 v11, v7;
	v4 =	vld [tilespmem:s7+$0xA060]  }
0x9d: {  	[tilespmem:s7+$0xA030] =	vst v6;
	v12 =	vmul.f32 v10, v7;
	v6 =	vld [tilespmem:s7+$0x6070]  }
0x9e: {  	[tilespmem:s7+$0x6040] =	vst v11;
	v10 =	vmul.f32 v9, v8;
	v7 =	vld [tilespmem:s7+$0xA070]  }
0x9f: {  	s8 =	sadd.s32 $0x200, s8;
	[tilespmem:s7+$0xA040] =	vst v12;
	v9 =	vmul.f32 v13, v8;
	v8 =	vld [tilespmem:s7+$0x6080]  }
0xa0: {  	[tilespmem:s7+$0x6050] =	vst v10;
	v5 =	vmul.f32 v5, v3;
	v10 =	vld [tilespmem:s7+$0xA080]  }
0xa1: {  	[tilespmem:s7+$0xA050] =	vst v9;
	v3 =	vmul.f32 v4, v3  }
0xa2: {  	[tilespmem:s7+$0x6060] =	vst v5;
	v4 =	vmul.f32 v6, v2  }
0xa3: {  	[tilespmem:s7+$0xA060] =	vst v3;
	v2 =	vmul.f32 v7, v2  }
0xa4: {  	[tilespmem:s7+$0x6070] =	vst v4;
	v3 =	vmul.f32 v8, v1  }
0xa5: {  	[tilespmem:s7+$0xA070] =	vst v2;
	v1 =	vmul.f32 v10, v1  }
0xa6: {  	[tilespmem:s7+$0x6080] =	vst v3  }
0xa7: {  	[tilespmem:s7+$0xA080] =	vst v1;
	s7 =	sshll.u32 s12, $0x7  }
0xa8: {  	[spmem:s2] =	stream.indirect.scatter.add.f32 [tilespmem:s25], [sflag:$0x7], $0x80, s7, s23, $0xb8;
	[tilespmem:$0x16010] =	vst v63  }
0xa9: {  	_ =	swait.ge [sflag:s19], $0x2000  }
0xaa: {  	[sflag:s19] =	ssyncset.done $0x0  }
0xab: {  	s8 =	sshll.u32 s12, $0x1;
	s9 =	sadd.s32 $0x1000, s7;
	[sflag:s19] =	ssyncadd.s32 $0xFFFFE000  }
0xac: {  	[spmem:s2] =	stream.indirect.scatter.add.f32 [tilespmem:s24], [sflag:$0x7], $0x80, s9, s23, $0xb8;
	[tilespmem:$0x16010] =	vst v63  }
0xad: {  	s9 =	sadd.s32 $0x2, s8  }
0xae: {  	p0 =	sge.s32 s9, s20  }
0xaf: {  	s10 =	sshll.u32 @!p0 s9, $0xD  }
0xb0: {  	_ =	swait.ge [sflag:s19], $0x2000;
	s10 =	sadd.s32 @!p0 s15, s10  }
0xb1: {  	[sflag:s19] =	ssyncset.done $0x0;
	s11 =	simm.s32 @!p0 $0x0;
	s10 =	sshrl.u32 @!p0 s10, $0x3  }
0xb2: {  	s13 =	simm.s32 @!p0 $0x2010;
	[sflag:s19] =	ssyncadd.s32 $0xFFFFE000;
	s10 =	sadd.s32 @!p0 s4, s10  }
0xb3: {  	[tilespmem:s13], [sflag:$0x1] =	stream.linear.gather @!p0 [hbm4b:s10+s11], $0x2000, $0x38;
	[tilespmem:$0x16010] =	vst v63  }
0xb4: {  	s9 =	sshll.u32 @!p0 s9, $0x6;
	s10 =	simm.s32 @!p0 $0x40;
	s11 =	simm.s32 @!p0 $0x6010  }
0xb5: {  	[tilespmem:s11], [sflag:$0x2] =	stream.indirect.gather @!p0 [hbm4b:s5+s10], $0x80, s9, s10, $0xb8;
	[tilespmem:$0x16010] =	vst v63  }
0xb6: {  	s9 =	sadd.s32 @!p0 $0x1000, s9;
	s11 =	simm.s32 @!p0 $0xA010  }
0xb7: {  	[tilespmem:s11], [sflag:$0x3] =	stream.indirect.gather @!p0 [hbm4b:s5+s10], $0x80, s9, s10, $0xb8;
	[tilespmem:$0x16010] =	vst v63  }
0xb8: {  	_ =	swait.ge [sflag:s26], $0x2000  }
0xb9: {  	[sflag:s26] =	ssyncset.done $0x0  }
0xba: {  	[sflag:s26] =	ssyncadd.s32 $0xFFFFE000  }
0xbb: {  	_ =	swait.ge [sflag:s29], $0x2000  }
0xbc: {  	[sflag:s29] =	ssyncset.done $0x0  }
0xbd: {  	[sflag:s29] =	ssyncadd.s32 $0xFFFFE000  }
0xbe: {  	_ =	swait.ge [sflag:s21], $0x2000  }
0xbf: {  	[sflag:s21] =	ssyncset.done $0x0  }
0xc0: {  	s9 =	simm.s32 $0x0;
	[sflag:s21] =	ssyncadd.s32 $0xFFFFE000  }
0xc1: {  	v4 =	vld [tilespmem:s9+$0x4010]  }
0xc2: {  	v5 =	vld [tilespmem:s9+$0x4020]  }
0xc3: {  	v6 =	vld [tilespmem:s9+$0x4030]  }
0xc4: {  	v7 =	vld [tilespmem:s9+$0x4040]  }
0xc5: {  	v8 =	vld [tilespmem:s9+$0x4050]  }
0xc6: {  	v3 =	vld [tilespmem:s9+$0x4060]  }
0xc7: {  	v2 =	vld [tilespmem:s9+$0x4070]  }
0xc8: {  	v1 =	vld [tilespmem:s9+$0x4080]  }
0xc9: {  	v9 =	vld [tilespmem:s9+$0x8010]  }
0xca: {  	v10 =	vld [tilespmem:s9+$0xC010]  }
0xcb: {  	v11 =	vld [tilespmem:s9+$0x8020]  }
0xcc: {  	v12 =	vld [tilespmem:s9+$0xC020]  }
0xcd: {  	v13 =	vld [tilespmem:s9+$0x8030]  }
0xce: {  	v14 =	vld [tilespmem:s9+$0xC030];
	v9 =	vmul.f32 v9, v4  }
0xcf: {  	v15 =	vld [tilespmem:s9+$0x8040];
	v4 =	vmul.f32 v10, v4  }
0xd0: {  	v10 =	vmul.f32 v11, v5;
	[tilespmem:s9+$0x8010] =	vst v9;
	v9 =	vld [tilespmem:s9+$0xC040]  }
0xd1: {  	v11 =	vld [tilespmem:s9+$0x8050];
	[tilespmem:s9+$0xC010] =	vst v4;
	v4 =	vmul.f32 v12, v5  }
0xd2: {  	v63 =	vld [tilespmem:s9+$0xC050];
	[tilespmem:s9+$0x8020] =	vst v10;
	v10 =	vmul.f32 v13, v6  }
0xd3: {  	v5 =	vld [tilespmem:s9+$0x8060];
	v6 =	vmul.f32 v14, v6;
	[tilespmem:s9+$0xC020] =	vst v4  }
0xd4: {  	[tilespmem:s9+$0x8030] =	vst v10;
	v4 =	vld [tilespmem:s9+$0xC060];
	v10 =	vmul.f32 v15, v7  }
0xd5: {  	[tilespmem:s9+$0xC030] =	vst v6;
	v6 =	vld [tilespmem:s9+$0x8070];
	v9 =	vmul.f32 v9, v7  }
0xd6: {  	[tilespmem:s9+$0x8040] =	vst v10;
	v10 =	vmul.f32 v11, v8;
	v7 =	vld [tilespmem:s9+$0xC070]  }
0xd7: {  	s10 =	simm.s32 $0x200;
	[tilespmem:s9+$0xC040] =	vst v9;
	v9 =	vmul.f32 v63, v8;
	v8 =	vld [tilespmem:s9+$0x8080]  }
.LBB2_8:
0xd8: {  	s11 =	sshra.s32 s10, $0x2;
	p0 =	sne.s32 s10, $0x7E00;
	[tilespmem:s9+$0x8050] =	vst v10;
	v5 =	vmul.f32 v5, v3;
	v10 =	vld [tilespmem:s9+$0xC080]  }
0xd9: {  	v11 =	vld [tilespmem:s11+$0x4010];
	[tilespmem:s9+$0xC050] =	vst v9;
	v3 =	vmul.f32 v4, v3  }
0xda: {  	v4 =	vld [tilespmem:s11+$0x4020];
	[tilespmem:s9+$0x8060] =	vst v5;
	v5 =	vmul.f32 v6, v2  }
0xdb: {  	v6 =	vld [tilespmem:s11+$0x4030];
	[tilespmem:s9+$0xC060] =	vst v3;
	v2 =	vmul.f32 v7, v2  }
0xdc: {  	v7 =	vld [tilespmem:s11+$0x4040];
	[tilespmem:s9+$0x8070] =	vst v5;
	v5 =	vmul.f32 v8, v1  }
0xdd: {  	v8 =	vld [tilespmem:s11+$0x4050];
	[tilespmem:s9+$0xC070] =	vst v2;
	v1 =	vmul.f32 v10, v1  }
0xde: {  	v3 =	vld [tilespmem:s11+$0x4060];
	[tilespmem:s9+$0x8080] =	vst v5  }
0xdf: {  	v2 =	vld [tilespmem:s11+$0x4070];
	[tilespmem:s9+$0xC080] =	vst v1;
	s9 =	smov.u32 s11  }
0xe0: {  	v1 =	vld [tilespmem:s9+$0x4080]  }
0xe1: {  	v5 =	vld [tilespmem:s9+$0x8010]  }
0xe2: {  	v9 =	vld [tilespmem:s9+$0xC010]  }
0xe3: {  	v10 =	vld [tilespmem:s9+$0x8020]  }
0xe4: {  	v12 =	vld [tilespmem:s9+$0xC020]  }
0xe5: {  	v13 =	vld [tilespmem:s9+$0x8030]  }
0xe6: {  	v5 =	vmul.f32 v5, v11;
	v14 =	vld [tilespmem:s9+$0xC030]  }
0xe7: {  	v9 =	vmul.f32 v9, v11;
	v11 =	vld [tilespmem:s9+$0x8040]  }
0xe8: {  	[tilespmem:s9+$0x8010] =	vst v5;
	v5 =	vmul.f32 v10, v4;
	v10 =	vld [tilespmem:s9+$0xC040]  }
0xe9: {  	[tilespmem:s9+$0xC010] =	vst v9;
	v4 =	vmul.f32 v12, v4;
	v9 =	vld [tilespmem:s9+$0x8050]  }
0xea: {  	[tilespmem:s9+$0x8020] =	vst v5;
	v12 =	vmul.f32 v13, v6;
	v13 =	vld [tilespmem:s9+$0xC050]  }
.Ltmp5:
0xeb: {  	[tilespmem:s9+$0xC020] =	vst v4;
	v6 =	vmul.f32 v14, v6;
	v5 =	vld [tilespmem:s9+$0x8060];
	(pc) =	sbr.rel @p0 .LBB2_8-.Ltmp5, $4  }
0xec: {  	[tilespmem:s9+$0x8030] =	vst v12;
	v11 =	vmul.f32 v11, v7;
	v4 =	vld [tilespmem:s9+$0xC060]  }
0xed: {  	[tilespmem:s9+$0xC030] =	vst v6;
	v12 =	vmul.f32 v10, v7;
	v6 =	vld [tilespmem:s9+$0x8070]  }
0xee: {  	[tilespmem:s9+$0x8040] =	vst v11;
	v10 =	vmul.f32 v9, v8;
	v7 =	vld [tilespmem:s9+$0xC070]  }
0xef: {  	s10 =	sadd.s32 $0x200, s10;
	[tilespmem:s9+$0xC040] =	vst v12;
	v9 =	vmul.f32 v13, v8;
	v8 =	vld [tilespmem:s9+$0x8080]  }
0xf0: {  	[tilespmem:s9+$0x8050] =	vst v10;
	v5 =	vmul.f32 v5, v3;
	v62 =	vld [tilespmem:s9+$0xC080]  }
0xf1: {  	[tilespmem:s9+$0xC050] =	vst v9;
	v3 =	vmul.f32 v4, v3  }
0xf2: {  	[tilespmem:s9+$0x8060] =	vst v5;
	v63 =	vmul.f32 v6, v2  }
0xf3: {  	[tilespmem:s9+$0xC060] =	vst v3;
	v2 =	vmul.f32 v7, v2  }
0xf4: {  	[tilespmem:s9+$0x8070] =	vst v63;
	v3 =	vmul.f32 v8, v1  }
0xf5: {  	[tilespmem:s9+$0xC070] =	vst v2;
	v1 =	vmul.f32 v62, v1  }
0xf6: {  	[tilespmem:s9+$0x8080] =	vst v3  }
0xf7: {  	s11 =	sor.u32 $0x40, s7;
	[tilespmem:s9+$0xC080] =	vst v1  }
0xf8: {  	[spmem:s2] =	stream.indirect.scatter.add.f32 [tilespmem:s30], [sflag:$0x7], $0x80, s11, s23, $0xb8;
	[tilespmem:$0x16010] =	vst v63  }
0xf9: {  	s13 =	sadd.s32 $0x1040, s7;
	s7 =	sadd.s32 $0x3, s8;
	_ =	swait.ge [sflag:s19], $0x2000  }
0xfa: {  	p0 =	sge.s32 s7, s20;
	[sflag:s19] =	ssyncset.done $0x0  }
0xfb: {  	s8 =	sshll.u32 @!p0 s7, $0xD;
	[sflag:s19] =	ssyncadd.s32 $0xFFFFE000  }
0xfc: {  	[spmem:s2] =	stream.indirect.scatter.add.f32 [tilespmem:s28], [sflag:$0x7], $0x80, s13, s23, $0xb8;
	[tilespmem:$0x16010] =	vst v63  }
0xfd: {  	s8 =	sadd.s32 @!p0 s15, s8;
	_ =	swait.ge [sflag:s19], $0x2000  }
0xfe: {  	s10 =	simm.s32 @!p0 $0x4010;
	s8 =	sshrl.u32 @!p0 s8, $0x3;
	[sflag:s19] =	ssyncset.done $0x0  }
0xff: {  	s8 =	sadd.s32 @!p0 s4, s8;
	s9 =	simm.s32 @!p0 $0x0;
	[sflag:s19] =	ssyncadd.s32 $0xFFFFE000  }
0x100: {  	[tilespmem:s10], [sflag:$0x4] =	stream.linear.gather @!p0 [hbm4b:s8+s9], $0x2000, $0x38;
	[tilespmem:$0x16010] =	vst v63  }
0x101: {  	s7 =	sshll.u32 @!p0 s7, $0x6;
	s8 =	simm.s32 @!p0 $0x40;
	s9 =	simm.s32 @!p0 $0x8010  }
0x102: {  	[tilespmem:s9], [sflag:$0x5] =	stream.indirect.gather @!p0 [hbm4b:s5+s8], $0x80, s7, s8, $0xb8;
	[tilespmem:$0x16010] =	vst v63  }
0x103: {  	s12 =	sadd.s32 $0x1, s12;
	s7 =	sadd.s32 @!p0 $0x1000, s7;
	s9 =	simm.s32 @!p0 $0xC010  }
0x104: {  	[tilespmem:s9], [sflag:$0x6] =	stream.indirect.gather @!p0 [hbm4b:s5+s8], $0x80, s7, s8, $0xb8;
	[tilespmem:$0x16010] =	vst v63  }
0x105: {  	p0 =	sne.s32 s12, s14  }
.Ltmp6:
0x106: {  	_ = 	snop;
	(pc) =	sbr.rel @p0 .LBB2_5-.Ltmp6, $4  }
.Ltmp7:
0x107: {  	_ = 	snop;
	(pc) =	sbr.rel @!p0 .LBB2_10-.Ltmp7, $4  }
0x108: {  	_ = 	snop  }
0x109: {  	_ = 	snop  }
0x10a: {  	_ = 	snop  }
0x10b: {  	_ = 	snop  }
.LBB2_11:
0x10c: {  	_ =	sfence.sel $0x180000  }
0x10d: {  	[bflag:$0x0] =	sbarrier.arrive $0xFFFF  }
0x10e: {  	_ =	strace $0x9000004A  }
0x10f: {  	s0 =	stileid.u32;
	[bflag:$0x2] =	sbarrier.arrive $0xFFFF  }
0x110: {  	p0 =	sne.s32 s0, $0x0;
	s0 =	rddreg [dreg:$0x2]  }
0x111: {  	s0 =	sadd.s32 @!p0 $0x100000, s0  }
0x112: {  	[sflag:s0] =	ssyncadd.tile.s32 @!p0 $0x1;
	_ =	shalt  }
.Lfunc_end2:
_tile_overlayer_lowered:
.L_overlay_start_2:
0x113: {  	(tag) =	ssettag $0x2  }
0x114: {  	s0 =	rddreg [dreg:$0x0];
	s2 =	stileid.u32  }
0x115: {  	s1 =	rddreg [dreg:$0x1];
	p0 =	sne.s32 s2, $0x0  }
0x116: {  	s3 =	rddreg [dreg:$0x2];
	[bflag:$0x3] =	sbarrier.arrive $0xFFFF;
	s2 =	simm.s32 @!p0 $0x1C07  }
0x117: {  	[timem:s3], [sflag:s2] =	dma.local @!p0 [hbm:s0], s1  }
0x118: {  	s0 =	simm.s32 @!p0 $0x7  }
0x119: {  	_ =	swait.ge @!p0 [sflag:s0], s1  }
0x11a: {  	s1 =	ssub.s32 @!p0 $0x0, s1;
	[sflag:s0] =	ssyncset.done @!p0 $0x0  }
0x11b: {  	[sflag:s0] =	ssyncadd.s32 @!p0 s1  }
0x11c: {  	[bflag:$0x3] =	sbarrier.arrive $0xFFFF  }
0x11d: {  	_ =	shalt  }

// kernel: kernel.7.cloned.1.call-start
scs
__scs_entry_jumppad:
0x0: {  	(pc) =	sbr.rel $0x88, $3  }
0x1: {  	(tag) =	ssettag $0x0;
	lr =	simm.s32 $0x1  }
0x2: {  	[smem:$0x3F94] =	sst lr;
	_ =	strace $0xD0000000  }
0x3: {  	_ = 	snop  }
0x4: {  	_ = 	snop  }
0x5: {  	_ = 	snop  }
0x6: {  	_ = 	snop  }
0x7: {  	_ = 	snop  }
__scs_overlays_trampoline_lowered:
0x8: {  	[smem:$0x3FA3] =	sst s0  }
0x9: {  	[smem:$0x3FA4] =	sst s1  }
0xa: {  	[smem:$0x3FA5] =	sst s2  }
0xb: {  	[smem:$0x3FA6] =	sst s3  }
0xc: {  	[smem:$0x3FA7] =	sst s4  }
0xd: {  	[smem:$0x3FA8] =	sst s5  }
0xe: {  	[smem:$0x3FA9] =	sst s6  }
0xf: {  	[smem:$0x3FAA] =	sst s7  }
0x10: {  	[smem:$0x3FAB] =	sst s8  }
0x11: {  	[smem:$0x3FAC] =	sst s9;
	s0 =	simm.s32 @!p0 $0x0  }
0x12: {  	s1 =	sld [smem:$0x3F92];
	s0 =	simm.s32 @p0 $0x1  }
0x13: {  	[smem:$0x3FAD] =	sst s0;
	s0 =	simm.s32 @!p1 $0x0  }
0x14: {  	s2 =	sld [smem:$0x3F91];
	s0 =	simm.s32 @p1 $0x1  }
0x15: {  	[smem:$0x3FAE] =	sst s0;
	s0 =	simm.s32 @!p2 $0x0  }
0x16: {  	s3 =	sld [smem:$0x3FDB];
	s0 =	simm.s32 @p2 $0x1  }
0x17: {  	s4 =	simm.s32 $0x1BF5;
	[smem:$0x3FB0] =	sst s0  }
0x18: {  	s0 =	sld [smem:$0x3F93];
	_ =	swait.ge [sflag:s4], $0x0  }
0x19: {  	s7 =	sld [smem:$0x3F94]  }
0x1a: {  	s8 =	sadd.s32 $0xFFFFE003, lr  }
0x1b: {  	s9 =	sadd.s32 $0xFFFFFEF7, lr;
	s5 =	simm.s32 $0xFFFFFFFF;
	p2 =	slt.u32 s8, $0xFFFFF086  }
0x1c: {  	p1 =	slt.u32 s9, $0xF7A;
	s5 =	simm.s32 @!p2 $0x0  }
0x1d: {  	s5 =	simm.s32 @p1 $0x1;
	p0 =	seq.s32 s7, s2  }
0x1e: {  	s7 =	smul.u32 @!p0 $0xF7A, s2;
	p2 =	seq.s32 @!p0 s5, $0x0  }
0x1f: {  	s9 =	smul.u32 $0xF7A, s1;
	s8 =	simm.s32 @!p0 $0x1BF5;
	p2 =	por !p2, p0  }
0x20: {  	[sflag:s8] =	ssyncset.s32 @!p0 $0xFFFFF086;
	s6 =	sadd.s32 @!p0 s3, s7;
	s7 =	simm.s32 @!p0 $0x108  }
0x21: {  	s3 =	sadd.s32 s3, s9;
	s6 =	sadd.s32 @!p0 $0x88, s6;
	s7 =	simm.s32 @p2 $0x1082  }
0x22: {  	[simem:s7], [sflag:s8] =	dma.local @!p0 [hbm:s6], $0xF7A  }
0x23: {  	s9 =	sor.u32 $0xD0000000, s2;
	s6 =	simm.s32 $0x108;
	_ =	swait.ge @!p0 [sflag:s8], $0x0  }
0x24: {  	s3 =	sadd.s32 $0x88, s3;
	s6 =	simm.s32 @!p1 $0x1082;
	[sflag:s4] =	ssyncset.s32 $0xFFFFF086  }
0x25: {  	[simem:s6], [sflag:s4] =	dma.local [hbm:s3], $0xF7A  }
0x26: {  	[smem:$0x3F94] =	sst s1;
	(tag) =	ssettag s2;
	_ =	strace s9  }
0x27: {  	s1 =	sld [smem:$0x3FA4]  }
0x28: {  	s2 =	sld [smem:$0x3FA5]  }
0x29: {  	s4 =	sld [smem:$0x3FA7]  }
0x2a: {  	p0 =	seq.s32 s5, $0x0;
	s5 =	sld [smem:$0x3FA8]  }
0x2b: {  	s6 =	sld [smem:$0x3FA9]  }
0x2c: {  	s7 =	sld [smem:$0x3FAA]  }
0x2d: {  	s3 =	simm.s32 $0x108;
	s8 =	sld [smem:$0x3FAB]  }
0x2e: {  	s3 =	simm.s32 @!p0 $0x1082;
	s9 =	sld [smem:$0x3FAC]  }
0x2f: {  	lr =	sadd.s32 s0, s3;
	s0 =	sld [smem:$0x3FA3]  }
0x30: {  	s3 =	sld [smem:$0x3FA6]  }
0x31: {  	[smem:$0x3FAF] =	sst s10  }
0x32: {  	s10 =	sld [smem:$0x3FAD];
	_ =	sdelay $0x3  }
0x33: {  	p0 =	seq.s32 s10, $0x1;
	s10 =	sld [smem:$0x3FAF];
	_ =	sdelay $0x3  }
0x34: {  	[smem:$0x3FAF] =	sst s10  }
0x35: {  	s10 =	sld [smem:$0x3FAE];
	_ =	sdelay $0x3  }
0x36: {  	p1 =	seq.s32 s10, $0x1;
	s10 =	sld [smem:$0x3FAF];
	_ =	sdelay $0x3  }
0x37: {  	[smem:$0x3FAF] =	sst s10  }
0x38: {  	s10 =	sld [smem:$0x3FB0]  }
0x39: {  	_ = 	snop;
	(pc) =	sbr.ind lr, $3  }
0x3a: {  	_ = 	snop  }
0x3b: {  	_ = 	snop  }
0x3c: {  	p2 =	seq.s32 s10, $0x1;
	s10 =	sld [smem:$0x3FAF]  }
0x3d: {  	_ =	shalt  }
0x3e: {  	_ =	shalt  }
0x3f: {  	_ =	shalt  }
0x40: {  	_ =	shalt  }
0x41: {  	_ =	shalt  }
0x42: {  	_ =	shalt  }
0x43: {  	_ =	shalt  }
0x44: {  	_ =	shalt  }
0x45: {  	_ =	shalt  }
0x46: {  	_ =	shalt  }
0x47: {  	_ =	shalt  }
0x48: {  	_ =	shalt  }
0x49: {  	_ =	shalt  }
0x4a: {  	_ =	shalt  }
0x4b: {  	_ =	shalt  }
0x4c: {  	_ =	shalt  }
0x4d: {  	_ =	shalt  }
0x4e: {  	_ =	shalt  }
0x4f: {  	_ =	shalt  }
0x50: {  	_ =	shalt  }
0x51: {  	_ =	shalt  }
0x52: {  	_ =	shalt  }
0x53: {  	_ =	shalt  }
0x54: {  	_ =	shalt  }
0x55: {  	_ =	shalt  }
0x56: {  	_ =	shalt  }
0x57: {  	_ =	shalt  }
0x58: {  	_ =	shalt  }
0x59: {  	_ =	shalt  }
0x5a: {  	_ =	shalt  }
0x5b: {  	_ =	shalt  }
0x5c: {  	_ =	shalt  }
0x5d: {  	_ =	shalt  }
0x5e: {  	_ =	shalt  }
0x5f: {  	_ =	shalt  }
0x60: {  	_ =	shalt  }
0x61: {  	_ =	shalt  }
0x62: {  	_ =	shalt  }
0x63: {  	_ =	shalt  }
0x64: {  	_ =	shalt  }
0x65: {  	_ =	shalt  }
0x66: {  	_ =	shalt  }
0x67: {  	_ =	shalt  }
0x68: {  	_ =	shalt  }
0x69: {  	_ =	shalt  }
0x6a: {  	_ =	shalt  }
0x6b: {  	_ =	shalt  }
0x6c: {  	_ =	shalt  }
0x6d: {  	_ =	shalt  }
0x6e: {  	_ =	shalt  }
0x6f: {  	_ =	shalt  }
0x70: {  	_ =	shalt  }
0x71: {  	_ =	shalt  }
0x72: {  	_ =	shalt  }
0x73: {  	_ =	shalt  }
0x74: {  	_ =	shalt  }
0x75: {  	_ =	shalt  }
0x76: {  	_ =	shalt  }
0x77: {  	_ =	shalt  }
0x78: {  	_ =	shalt  }
0x79: {  	_ =	shalt  }
0x7a: {  	_ =	shalt  }
0x7b: {  	_ =	shalt  }
0x7c: {  	_ =	shalt  }
0x7d: {  	_ =	shalt  }
0x7e: {  	_ =	shalt  }
0x7f: {  	_ =	shalt  }
0x80: {  	_ =	shalt  }
0x81: {  	_ =	shalt  }
0x82: {  	_ =	shalt  }
0x83: {  	_ =	shalt  }
0x84: {  	_ =	shalt  }
0x85: {  	_ =	shalt  }
0x86: {  	_ =	shalt  }
0x87: {  	_ =	shalt  }
.Lfunc_end0:
.L_simem_size_0:
called_computation_lowered:
.L_overlay_start_0:
0x88: {  	s2 =	sld [smem:$0x3FD9]  }
0x89: {  	s3 =	sld [smem:$0x3FFE];
	_ =	sdelay $0x1  }
0x8a: {  	s1 =	srdreg.scid  }
0x8b: {  	s0 =	sand.u32 $0x1, s1  }
0x8c: {  	s16 =	sshll.u32 s0, $0xA;
	s2 =	sadd.s32 s3, s2  }
0x8d: {  	s2 =	sadd.s32 s2, s16  }
0x8e: {  	[smem:$0x3FBB] =	sst s2  }
0x8f: {  	_ = 	snop  }
0x90: {  	(tm) =	ssettm $0x1  }
0x91: {  	s17 =	sld [smem:$0x3FFB];
	_ =	sdelay $0x3  }
0x92: {  	_ =	strace s17  }
0x93: {  	s2 =	sld [smem:$0x3FFC];
	_ =	sdelay $0x3  }
0x94: {  	_ =	strace s2  }
0x95: {  	s2 =	sld [smem:$0x3FFD];
	_ =	sdelay $0x3  }
0x96: {  	_ =	strace s2  }
0x97: {  	_ =	strace $0x8FFFFFFF  }
0x98: {  	s18 =	sld [smem:$0x3FDB];
	_ =	sdelay $0x1  }
0x99: {  	s19 =	simm.s32 $_scs_section_size  }
0x9a: {  	s4 =	simm.s32 $_size__tile_overlayer_lowered;
	s5 =	simm.s32 $_tile_overlayer_lowered  }
0x9b: {  	s22 =	simm.s32 $0x1BFF;
	s21 =	sshll.u32 s5, $0x1;
	s2 =	sadd.s32 s19, s18  }
0x9c: {  	s6 =	simm.s32 $0x0;
	s20 =	sshll.u32 s4, $0x1;
	s4 =	sadd.s32 s21, s2  }
0x9d: {  	[timem:s6], [sflag:s22] =	dma.local [hbm:s4], s20  }
0x9e: {  	_ =	swait.ge [sflag:s22], s20  }
0x9f: {  	s3 =	ssub.s32 $0x0, s20;
	[sflag:s22] =	ssyncset.done $0x0  }
0xa0: {  	[sflag:s22] =	ssyncadd.s32 s3;
	_ =	sdelay $0x1  }
0xa1: {  	s23 =	simm.s32 $0x1B8B  }
0xa2: {  	_ =	swait.ge [sflag:s23], $0x1  }
0xa3: {  	[sflag:s23] =	ssyncset.done $0x0  }
0xa4: {  	s25 =	simm.s32 $0x1B8E;
	s24 =	sld [smem:$0x3FFE];
	[sflag:s23] =	ssyncadd.s32 $0xFFFFFFFF  }
0xa5: {  	s26 =	simm.s32 $execute0_lowered;
	[smem:$0x3FD2] =	sst s25  }
0xa6: {  	s4 =	sshll.u32 s26, $0x1;
	_ =	strace $0x80000046;
	[dreg:$0x1] =	wrdreg $0xFFFFFFFF  }
0xa7: {  	s28 =	simm.s32 $_size_execute0_lowered;
	s2 =	sadd.s32 s2, s4;
	[dreg:$0x0] =	wrdreg $0x0  }
0xa8: {  	s4 =	sshll.u32 s28, $0x1;
	[dreg:$0x2] =	wrdreg s2  }
0xa9: {  	[dreg:$0x3] =	wrdreg s4  }
0xaa: {  	[dreg:$0x4] =	wrdreg $0xC0  }
0xab: {  	_ =	task [dreg:s6], $0x5FFFF  }
0xac: {  	[dreg:$0x1] =	wrdreg $0xFFFFFFFF  }
0xad: {  	[dreg:$0x0] =	wrdreg $0x60  }
0xae: {  	[dreg:$0x2] =	wrdreg s24  }
0xaf: {  	[dreg:$0x3] =	wrdreg $0x9  }
0xb0: {  	_ =	task.clear_ibuf [dreg:s6], $0x4FFFF;
	_ =	strace $0x90000046  }
0xb1: {  	s29 =	simm.s32 $0x9;
	_ =	strace $0x80000048  }
0xb2: {  	_ =	swait.ge [sflag:s29], $0x1  }
0xb3: {  	[sflag:s29] =	ssyncadd.s32 $0xFFFFFFFF  }
0xb4: {  	_ =	strace $0x90000048  }
0xb5: {  	_ =	sfence  }
0xb6: {  	s30 =	sld [smem:$0x0];
	_ =	sdelay $0x2  }
0xb7: {  	s31 =	sshll.u32 s1, $0xD;
	s1 =	sshrl.u32 s1, $0x2  }
0xb8: {  	s3 =	sand.u32 $0x4000, s31;
	s1 =	sadd.s32 s1, s30  }
0xb9: {  	s0 =	sor.u32 s3, s0;
	s1 =	sshll.u32 s1, $0x11  }
0xba: {  	s0 =	sor.u32 s1, s0  }
0xbb: {  	s0 =	sadd.s32 $0x8F2B, s0  }
0xbc: {  	[sflag:s0] =	ssyncadd.remote.s32 $0x1  }
0xbd: {  	_ =	sfence.sel $0xFFFF  }
0xbe: {  	[dreg:$0x0] =	wrdreg $0xFFFFFFFF;
	(pc) =	sbr.abs _section_cstart, $3  }
0xbf: {  	[dreg:$0x1] =	wrdreg $0xFFFFFFFF  }
0xc0: {  	_ =	task.clear_ibuf [dreg:s6], $0x2FFFF;
	_ =	strace $0x9FFFFFFF  }
0xc1: {  	(tm) =	ssettm $0x7FFFFFFF  }
tec
execute0_lowered:
.L_overlay_start_1:
0x0: {  	(tag) =	ssettag $0x1  }
0x1: {  	s0 =	rddreg [dreg:$0x0];
	s2 =	simm.s32 $0x0  }
0x2: {  	s1 =	srdreg.scid;
	s3 =	stileid.u32;
	s15 =	simm.s32 $0x1  }
0x3: {  	[smem:$0x7FF] =	sst s2;
	s1 =	sand.u32 $0x1, s1;
	s4 =	sadd.s32 $0x2000, s0  }
0x4: {  	s21 =	sadd.s32 $0x1E00, s0;
	_ =	strace $0x80000047;
	[dreg:$0x2] =	wrdreg s4  }
0x5: {  	s3 =	sshll.u32 s3, $0x1;
	s5 =	sadd.s32 $0x1C00, s0;
	[dreg:$0x3] =	wrdreg s21  }
0x6: {  	s29 =	simm.s32 $0x0;
	s3 =	sor.u32 s1, s3;
	[dreg:$0x4] =	wrdreg s5  }
0x7: {  	s1 =	ssub.s32 $0x2, s1;
	s21 =	simm.s32 $0x7860;
	s22 =	sshll.u32 s3, $0x8  }
0x8: {  	s23 =	sshll.u32 s3, $0x9;
	s6 =	sshll.u32 s3, $0x1;
	s4 =	sadd.s32 s22, s0  }
0x9: {  	s7 =	sshrl.u32 s1, $0x1;
	s26 =	sand.u32 $0xF, s3;
	s24 =	sadd.s32 $0x6200, s4  }
0xa: {  	s5 =	sadd.s32 s23, s0;
	s25 =	sadd.s32 $0x4200, s4;
	[dreg:$0x5] =	wrdreg s24  }
0xb: {  	v0 =	vlaneseq.u32;
	s0 =	sadd.s32 s6, s0;
	s4 =	sadd.s32 $0x2200, s4;
	[dreg:$0x6] =	wrdreg s25  }
.Ltmp0:
0xc: {  	v2 =	vimm.s32 $0x0;
	vm0 =	vmmov $0x1;
	vm5 =	vcmask $0x1318;
	s0 =	sadd.s32 $0x14200, s0;
	[dreg:$0x7] =	wrdreg s4;
	(pc) =	sbr.rel .LBB2_1-.Ltmp0, $4  }
0xd: {  	vm6 =	vcmask $0x171C;
	vm7 =	vcmask $0x1B20;
	vm8 =	vcmask $0x1F24;
	s1 =	ssub.s32 s1, s7;
	s28 =	sadd.s32 $0xC200, s5;
	[dreg:$0x8] =	wrdreg s0  }
0xe: {  	vm9 =	vcmask $0x2328;
	vm10 =	vcmask $0x272C;
	vm11 =	vcmask $0x2B30;
	p0 =	sne.s32 s26, $0x0;
	s30 =	sadd.s32 $0x10200, s5;
	[dreg:$0x9] =	wrdreg s28  }
0xf: {  	vm12 =	vcmask $0x2F34;
	vm13 =	vcmask $0x3338;
	vm14 =	vcmask $0x373C;
	s22 =	simm.s32 $0x8C70;
	s31 =	sadd.s32 $0x8200, s5;
	[dreg:$0xa] =	wrdreg s30  }
0x10: {  	vm15 =	vmmov $0x7fff;
	vm1 =	vcmask $0x300;
	v1 =	vmul.u32 $0x141, v0;
	s23 =	simm.s32 $0xA080;
	s14 =	smax.u32 s1, $0x1;
	[dreg:$0xb] =	wrdreg s31  }
.LBB2_83:
0x11: {  	v7 =	vld [tilespmem:s0+$0x7860];
	_ =	sdelay $0x4  }
0x12: {  	[tilespmem:v6+s0+$0xFFFFED31 ss:$0x1] =	vst.idx.msk $0xffff, v7  }
0x13: {  	v6 =	vld [tilespmem:s0+$0x8C70];
	_ =	sdelay $0x4  }
0x14: {  	[tilespmem:v5+s0+$0xFFFFED31 ss:$0x1] =	vst.idx.msk $0xffff, v6  }
0x15: {  	v5 =	vld [tilespmem:s0+$0xA080];
	_ =	sdelay $0x4  }
0x16: {  	[tilespmem:v4+s0+$0xFFFFED31 ss:$0x1] =	vst.idx.msk $0xffff, v5  }
.LBB2_84:
0x17: {  	(xrf0) =	vadd.scan.msk.s32 $0xffff, v3;
	_ =	sdelay $0x5  }
0x18: {  	v3, _, _ =	vpop (xrf0)  }
0x19: {  	(v2sf) =	vpush v3, $0xF;
	_ =	sdelay $0xe  }
0x1a: {  	s0 =	spop (v2sf)  }
0x1b: {  	p1 =	slt.s32 s0, $0x1000  }
0x1c: {  	s0 =	simm.s32 @!p1 $0x1000  }
0x1d: {  	[tilespmem:s0+$0x4800] =	vst v2  }
0x1e: {  	[tilespmem:s0+$0x4810] =	vst v2  }
0x1f: {  	[tilespmem:s0+$0x5820] =	vst v2;
	v3 =	vmov s0  }
0x20: {  	[tilespmem:s0+$0x5830] =	vst v2;
	v3 =	vnsel vm1, $0x0, v3  }
0x21: {  	s20 =	rddreg [dreg:$0x8];
	s1 =	simm.s32 $0xB490;
	[tilespmem:$0xB490] =	vst v3  }
0x22: {  	[hbm4b:s20+s2] =	stream.linear.scatter [tilespmem:s1], [sflag:$0x1], $0x10, $0x38;
	[tilespmem:$0xB4A0] =	vst v63  }
0x23: {  	_ =	swait.ge [sflag:s15], $0x10  }
0x24: {  	[sflag:s15] =	ssyncset.done $0x0  }
0x25: {  	s25 =	simm.s32 $0x4800;
	s24 =	rddreg [dreg:$0x9];
	[sflag:s15] =	ssyncadd.s32 $0xFFFFFFF0  }
0x26: {  	[hbm4b:s24+s2] =	stream.linear.scatter [tilespmem:s25], [sflag:$0x1], $0x1000, $0x38;
	[tilespmem:$0xB4A0] =	vst v63  }
0x27: {  	_ =	swait.ge [sflag:s15], $0x1000  }
0x28: {  	[sflag:s15] =	ssyncset.done $0x0  }
0x29: {  	s28 =	simm.s32 $0x5820;
	s26 =	rddreg [dreg:$0xa];
	[sflag:s15] =	ssyncadd.s32 $0xFFFFF000  }
0x2a: {  	[hbm4b:s26+s2] =	stream.linear.scatter [tilespmem:s28], [sflag:$0x1], $0x1000, $0x38;
	[tilespmem:$0xB4A0] =	vst v63  }
0x2b: {  	s29 =	sadd.s32 $0x1, s29;
	_ =	swait.ge [sflag:s15], $0x1000  }
0x2c: {  	s31 =	simm.s32 $0x6840;
	p1 =	sne.s32 s29, s14;
	[sflag:s15] =	ssyncset.done $0x0  }
.Ltmp1:
0x2d: {  	s30 =	rddreg [dreg:$0xb];
	[sflag:s15] =	ssyncadd.s32 $0xFFFFF000;
	(pc) =	sbr.rel @!p1 .LBB2_85-.Ltmp1, $4  }
0x2e: {  	[hbm4b:s30+s2] =	stream.linear.scatter [tilespmem:s31], [sflag:$0x1], $0x1000, $0x38;
	[tilespmem:$0xB4A0] =	vst v63  }
0x2f: {  	_ =	swait.ge [sflag:s15], $0x1000  }
0x30: {  	[sflag:s15] =	ssyncset.done $0x0  }
0x31: {  	[sflag:s15] =	ssyncadd.s32 $0xFFFFF000  }
.LBB2_1:
0x32: {  	s0 =	rddreg [dreg:$0x2]  }
0x33: {  	[tilespmem:s2], [sflag:$0x1] =	stream.linear.gather [hbm4b:s0+s2], $0x1000, $0x38;
	[tilespmem:$0xB4A0] =	vst v63  }
0x34: {  	_ =	swait.ge [sflag:s15], $0x1000  }
0x35: {  	[sflag:s15] =	ssyncset.done $0x0  }
0x36: {  	s1 =	simm.s32 $0x1000;
	s18 =	rddreg [dreg:$0x3];
	[sflag:s15] =	ssyncadd.s32 $0xFFFFF000  }
0x37: {  	[tilespmem:s1], [sflag:$0x1] =	stream.linear.gather [hbm4b:s18+s2], $0x1000, $0x38;
	[tilespmem:$0xB4A0] =	vst v63  }
0x38: {  	_ =	swait.ge [sflag:s15], $0x1000  }
0x39: {  	[sflag:s15] =	ssyncset.done $0x0  }
0x3a: {  	s20 =	simm.s32 $0x2000;
	s19 =	rddreg [dreg:$0x4];
	[sflag:s15] =	ssyncadd.s32 $0xFFFFF000  }
0x3b: {  	[tilespmem:s20], [sflag:$0x1] =	stream.linear.gather [hbm4b:s19+s2], $0x1000, $0x38;
	[tilespmem:$0xB4A0] =	vst v63  }
0x3c: {  	_ =	swait.ge [sflag:s15], $0x1000  }
0x3d: {  	[sflag:s15] =	ssyncset.done $0x0  }
0x3e: {  	s25 =	simm.s32 $0x3000;
	s24 =	rddreg [dreg:$0x5];
	[sflag:s15] =	ssyncadd.s32 $0xFFFFF000  }
0x3f: {  	[tilespmem:s25], [sflag:$0x1] =	stream.linear.gather [hbm4b:s24+s2], $0x800, $0x38;
	[tilespmem:$0xB4A0] =	vst v63  }
0x40: {  	_ =	swait.ge [sflag:s15], $0x800  }
0x41: {  	[sflag:s15] =	ssyncset.done $0x0  }
0x42: {  	s28 =	simm.s32 $0x3800;
	s26 =	rddreg [dreg:$0x6];
	[sflag:s15] =	ssyncadd.s32 $0xFFFFF800  }
0x43: {  	[tilespmem:s28], [sflag:$0x1] =	stream.linear.gather [hbm4b:s26+s2], $0x800, $0x38;
	[tilespmem:$0xB4A0] =	vst v63  }
0x44: {  	_ =	swait.ge [sflag:s15], $0x800  }
0x45: {  	[sflag:s15] =	ssyncset.done $0x0  }
0x46: {  	s31 =	simm.s32 $0x4000;
	s30 =	rddreg [dreg:$0x7];
	[sflag:s15] =	ssyncadd.s32 $0xFFFFF800  }
0x47: {  	[tilespmem:s31], [sflag:$0x1] =	stream.linear.gather [hbm4b:s30+s2], $0x800, $0x38;
	[tilespmem:$0xB4A0] =	vst v63  }
0x48: {  	_ =	swait.ge [sflag:s15], $0x800  }
0x49: {  	[sflag:s15] =	ssyncset.done $0x0  }
0x4a: {  	s0 =	simm.s32 $0x0;
	[sflag:s15] =	ssyncadd.s32 $0xFFFFF800  }
.LBB2_2:
0x4b: {  	p1 =	sne.s32 s0, $0x4040  }
.Ltmp2:
0x4c: {  	_ = 	snop;
	(pc) =	sbr.rel @p1 .LBB2_2-.Ltmp2, $4  }
0x4d: {  	_ = 	snop  }
0x4e: {  	s1 =	sshra.s32 s0, $0x2;
	v3 =	vimm.s32 $0x0  }
0x4f: {  	[tilespmem:s1+$0x4800] =	vst v3  }
0x50: {  	s0 =	sadd.s32 $0x40, s0;
	[tilespmem:s1+$0x5820] =	vst v3  }
.Ltmp3:
0x51: {  	(pc) =	sbr.rel .LBB2_4-.Ltmp3, $2  }
0x52: {  	_ =	sdelay $0x2  }
0x53: {  	s0 =	simm.s32 $0x0  }
.LBB2_7:
0x54: {  	s0 =	sadd.s32 $0x1, s0  }
0x55: {  	p1 =	sne.s32 s0, $0x80  }
.Ltmp4:
0x56: {  	_ = 	snop;
	(pc) =	sbr.rel @!p1 .LBB2_8-.Ltmp4, $1  }
0x57: {  	_ =	sdelay $0x3  }
.LBB2_4:
0x58: {  	s1 =	sshll.u32 s0, $0x5  }
0x59: {  	s5 =	sor.u32 s3, s1  }
0x5a: {  	p1 =	seq.s32 s5, $0x0  }
0x5b: {  	p1 =	por !p0, !p1  }
0x5c: {  	s1 =	simm.s32 $0x1;
	p1 =	por !p1, !p1  }
0x5d: {  	s4 =	sshrl.u32 s5, $0x4;
	s1 =	simm.s32 @!p1 $0x0  }
0x5e: {  	s1 =	ssub.s32 s4, s1  }
0x5f: {  	s4 =	sand.u32 $0x1, s1  }
0x60: {  	p6 =	slt.s32 s1, $0x1;
	p2 =	seq.s32 s4, $0x1  }
0x61: {  	s31 =	sshrl.u32 s1, $0x1F;
	p1 =	por !p6, !p2  }
0x62: {  	s1 =	sadd.s32 s31, s1;
	s4 =	simm.s32 $0x1;
	p1 =	por !p1, !p1  }
0x63: {  	s1 =	sshra.s32 s1, $0x1;
	s4 =	simm.s32 @!p1 $0x0  }
0x64: {  	s1 =	ssub.s32 s1, s4  }
0x65: {  	p1 =	sgt.s32 s1, $0x7F  }
.Ltmp5:
0x66: {  	_ = 	snop;
	(pc) =	sbr.rel @p1 .LBB2_7-.Ltmp5, $1  }
0x67: {  	_ =	sdelay $0x3  }
0x68: {  	s6 =	sshll.u32 s0, $0x4  }
0x69: {  	s4 =	sshll.u32 s1, $0x5;
	s7 =	sshll.u32 s1, $0x7;
	v4 =	vld [tilespmem:s6+$0x3000]  }
0x6a: {  	s1 =	ssub.s32 $0x80, s1;
	v5 =	vld [tilespmem:s6+$0x3800];
	s4 =	sor.u32 $0x10, s4;
	s7 =	sshra.s32 s7, $0x2  }
0x6b: {  	v7 =	vmov s5;
	v6 =	vld [tilespmem:s6+$0x4000];
	s5 =	sadd.s32 $0x1010, s7;
	s6 =	sadd.s32 $0x2010, s7;
	s7 =	sor.u32 $0x10, s7  }
.LBB2_6:
0x6c: {  	v8 =	vld [tilespmem:s7+$0xFFFFFFF0]  }
0x6d: {  	v9 =	vld [tilespmem:s5+$0xFFFFFFF0];
	_ =	sdelay $0x1  }
0x6e: {  	v10 =	vld [tilespmem:s6+$0xFFFFFFF0];
	_ =	sdelay $0x2  }
0x6f: {  	v8 =	vsub.f32 v8, v4;
	v9 =	vsub.f32 v9, v5;
	_ =	sdelay $0x1  }
0x70: {  	v10 =	vsub.f32 v10, v6;
	v8 =	vand.u32 $0x7FFFFFFF, v8;
	v9 =	vand.u32 $0x7FFFFFFF, v9  }
0x71: {  	v11 =	vsub.f32 $1.000000000e+00, v8;
	v12 =	vsub.f32 $1.000000000e+00, v9  }
0x72: {  	v10 =	vand.u32 $0x7FFFFFFF, v10  }
0x73: {  	v52 =	vsub.f32 $1.000000000e+00, v10;
	v8 =	vmin.f32 v8, v11;
	v9 =	vmin.f32 v9, v12  }
0x74: {  	v8 =	vmul.f32 v8, v8;
	v9 =	vmul.f32 v9, v9  }
0x75: {  	v10 =	vmin.f32 v10, v52  }
0x76: {  	v53 =	vmul.f32 v10, v10;
	v8 =	vadd.f32 v9, v8;
	_ =	sdelay $0x1  }
0x77: {  	v8 =	vadd.f32 v53, v8;
	_ =	sdelay $0x1  }
0x78: {  	s8 =	sadd.s32 $0xFFFFFFF0, s4;
	vm2 =	vlt.f32 v8, $0.0e+00;
	vm3 =	vgt.f32 v8, $0.0e+00  }
0x79: {  	v54 =	vor.u32 s8, v0;
	vm4 =	vlt.f32 v8, $1.439999980e-02;
	vm2 =	vmor vm3, vm2  }
0x7a: {  	vm3 =	vgt.s32 v54, v7;
	vm2 =	vmand vm4, vm2  }
0x7b: {  	vm2 =	vmand vm3, vm2  }
0x7c: {  	v55 =	vadd.s32 v1, v3;
	_ =	sdelay $0x4  }
0x7d: {  	[tilespmem:v55+s21+$0x0] =	vst.idx.msk vm2, v7  }
0x7e: {  	[tilespmem:v55+s22+$0x0] =	vst.idx.msk vm2, v54  }
0x7f: {  	[tilespmem:v55+s23+$0x0] =	vst.idx.msk vm2, v8  }
0x80: {  	v8 =	vld [tilespmem:s7+$0x0]  }
0x81: {  	v9 =	vld [tilespmem:s5+$0x0];
	_ =	sdelay $0x1  }
0x82: {  	v10 =	vld [tilespmem:s6+$0x0];
	_ =	sdelay $0x2  }
0x83: {  	v8 =	vsub.f32 v8, v4;
	v9 =	vsub.f32 v9, v5;
	_ =	sdelay $0x1  }
0x84: {  	v10 =	vsub.f32 v10, v6;
	v8 =	vand.u32 $0x7FFFFFFF, v8;
	v9 =	vand.u32 $0x7FFFFFFF, v9  }
0x85: {  	v56 =	vsub.f32 $1.000000000e+00, v8;
	v57 =	vsub.f32 $1.000000000e+00, v9  }
0x86: {  	v10 =	vand.u32 $0x7FFFFFFF, v10  }
0x87: {  	v58 =	vsub.f32 $1.000000000e+00, v10;
	v8 =	vmin.f32 v8, v56;
	v9 =	vmin.f32 v9, v57  }
0x88: {  	v8 =	vmul.f32 v8, v8;
	v9 =	vmul.f32 v9, v9  }
0x89: {  	v10 =	vmin.f32 v10, v58  }
0x8a: {  	v59 =	vmul.f32 v10, v10;
	v8 =	vadd.f32 v9, v8;
	_ =	sdelay $0x1  }
0x8b: {  	v8 =	vadd.f32 v59, v8  }
0x8c: {  	v61 =	vor.u32 s4, v0  }
0x8d: {  	v60 =	vsel vm2, $0x1, v2;
	vm2 =	vlt.f32 v8, $0.0e+00;
	vm3 =	vgt.f32 v8, $0.0e+00  }
0x8e: {  	v3 =	vadd.s32 v60, v3;
	vm4 =	vlt.f32 v8, $1.439999980e-02;
	vm2 =	vmor vm3, vm2  }
0x8f: {  	vm3 =	vlt.s32 v3, $0x140;
	vm2 =	vmand vm4, vm2;
	vm4 =	vgt.s32 v61, v7  }
0x90: {  	v3 =	vnsel vm3, $0x140, v3;
	vm2 =	vmand vm4, vm2  }
0x91: {  	v62 =	vadd.s32 v1, v3;
	_ =	sdelay $0x1  }
0x92: {  	p1 =	sne.s32 s1, $0x1  }
.Ltmp6:
0x93: {  	_ = 	snop;
	(pc) =	sbr.rel @p1 .LBB2_6-.Ltmp6, $4  }
0x94: {  	v63 =	vsel vm2, $0x1, v2  }
0x95: {  	v3 =	vadd.s32 v63, v3;
	[tilespmem:v62+s21+$0x0] =	vst.idx.msk vm2, v7  }
0x96: {  	s4 =	sadd.s32 $0x20, s4;
	s1 =	sadd.s32 $0xFFFFFFFF, s1;
	vm3 =	vlt.s32 v3, $0x140;
	[tilespmem:v62+s22+$0x0] =	vst.idx.msk vm2, v61  }
0x97: {  	s5 =	sadd.s32 $0x20, s5;
	s6 =	sadd.s32 $0x20, s6;
	s7 =	sadd.s32 $0x20, s7;
	v3 =	vnsel vm3, $0x140, v3;
	[tilespmem:v62+s23+$0x0] =	vst.idx.msk vm2, v8  }
.Ltmp7:
0x98: {  	_ = 	snop;
	(pc) =	sbr.rel .LBB2_7-.Ltmp7, $1  }
0x99: {  	_ =	sdelay $0x3  }
.LBB2_8:
0x9a: {  	v4 =	vnsel vm0, $0x0, v3  }
0x9b: {  	(xrf0) =	vadd.scan.msk.s32 $0xffff, v4;
	_ =	sdelay $0x5  }
0x9c: {  	v4, _, _ =	vpop (xrf0)  }
0x9d: {  	(v2sf) =	vpush v4, $0xF;
	_ =	sdelay $0xe  }
0x9e: {  	s16 =	spop (v2sf)  }
0x9f: {  	s0 =	sadd.s32 $0xF, s16  }
0xa0: {  	s1 =	sand.u32 $0xF, s0  }
0xa1: {  	s31 =	sshra.s32 s0, $0x1F;
	p2 =	slt.s32 s0, $0x1;
	p1 =	sne.s32 s1, $0x0  }
0xa2: {  	s1 =	sshrl.u32 s31, $0x1C;
	p1 =	por !p2, !p1  }
0xa3: {  	s0 =	sadd.s32 s1, s0;
	s1 =	simm.s32 $0x1;
	p1 =	por !p1, !p1  }
0xa4: {  	s0 =	sshra.s32 s0, $0x4;
	s1 =	simm.s32 @!p1 $0x0  }
0xa5: {  	s0 =	ssub.s32 s0, s1  }
0xa6: {  	p1 =	slt.s32 s0, $0x1  }
.Ltmp8:
0xa7: {  	_ = 	snop;
	(pc) =	sbr.rel @p1 .LBB2_15-.Ltmp8, $1  }
0xa8: {  	_ =	sdelay $0x3  }
0xa9: {  	s7 =	smin.u32 s0, $0x100  }
0xaa: {  	p2 =	sne.s32 s7, $0x1  }
.Ltmp9:
0xab: {  	_ = 	snop;
	(pc) =	sbr.rel @!p2 .LBB2_10-.Ltmp9, $4  }
0xac: {  	_ = 	snop  }
0xad: {  	s8 =	simm.s32 $0x7860;
	s6 =	simm.s32 $0x4800  }
0xae: {  	s5 =	simm.s32 $0x8C70;
	s4 =	simm.s32 $0x5820;
	s1 =	simm.s32 $0xA080  }
0xaf: {  	s0 =	simm.s32 $0x6840;
	p1 =	por $0x0, $0x0;
	v4 =	vld [tilespmem:s8+$0x0];
	s7 =	sadd.s32 $0xFFFFFFFF, s7  }
0xb0: {  	_ =	sdelay $0x3  }
0xb1: {  	[tilespmem:s6+$0x0] =	vst v4  }
0xb2: {  	v4 =	vld [tilespmem:s5+$0x0];
	_ =	sdelay $0x4  }
0xb3: {  	[tilespmem:s4+$0x0] =	vst v4  }
0xb4: {  	v4 =	vld [tilespmem:s1+$0x0]  }
0xb5: {  	p2 =	sne.s32 s7, $0x1  }
.Ltmp10:
0xb6: {  	_ = 	snop;
	(pc) =	sbr.rel @!p2 .LBB2_12-.Ltmp10, $4  }
0xb7: {  	_ = 	snop  }
0xb8: {  	s24 =	simm.s32 $0x7870;
	s25 =	sadd.s32 $0xFFFFFFFF, s7  }
0xb9: {  	p1 =	por $0x1, $0x1;
	s7 =	simm.s32 $0x4800;
	s17 =	simm.s32 $0x8C70;
	[tilespmem:s0+$0x0] =	vst v4  }
0xba: {  	s18 =	simm.s32 $0x5820;
	s20 =	simm.s32 $0xA080;
	s19 =	simm.s32 $0x6840;
	v4 =	vld [tilespmem:s24+$0x0]  }
.LBB2_13:
0xbb: {  	p2 =	sne.s32 s25, $0x1;
	_ =	sdelay $0x2  }
0xbc: {  	s7 =	sadd.s32 $0x10, s7  }
0xbd: {  	s17 =	sadd.s32 $0x10, s17;
	[tilespmem:s7+$0x0] =	vst v4  }
0xbe: {  	v4 =	vld [tilespmem:s17+$0x0];
	_ =	sdelay $0x3  }
0xbf: {  	s18 =	sadd.s32 $0x10, s18  }
0xc0: {  	s20 =	sadd.s32 $0x10, s20;
	[tilespmem:s18+$0x0] =	vst v4  }
0xc1: {  	v4 =	vld [tilespmem:s20+$0x0];
	_ =	sdelay $0x1  }
.Ltmp11:
0xc2: {  	(pc) =	sbr.rel @p2 .LBB2_13-.Ltmp11, $4  }
0xc3: {  	_ = 	snop  }
0xc4: {  	s19 =	sadd.s32 $0x10, s19  }
0xc5: {  	s24 =	sadd.s32 $0x10, s24;
	[tilespmem:s19+$0x0] =	vst v4  }
0xc6: {  	s25 =	sadd.s32 $0xFFFFFFFF, s25;
	v4 =	vld [tilespmem:s24+$0x0]  }
.LBB2_14:
0xc7: {  	_ =	sdelay $0x1  }
0xc8: {  	s7 =	sadd.s32 @p1 $0x10, s7  }
0xc9: {  	s6 =	smov.u32 @p1 s7;
	s7 =	sadd.s32 @p1 $0x10, s17  }
0xca: {  	s5 =	smov.u32 @p1 s7;
	[tilespmem:s6+$0x0] =	vst v4  }
0xcb: {  	v4 =	vld [tilespmem:s5+$0x0];
	_ =	sdelay $0x2  }
0xcc: {  	s5 =	sadd.s32 @p1 $0x10, s18  }
0xcd: {  	s4 =	smov.u32 @p1 s5;
	s5 =	sadd.s32 @p1 $0x10, s20  }
0xce: {  	s1 =	smov.u32 @p1 s5;
	[tilespmem:s4+$0x0] =	vst v4  }
0xcf: {  	v4 =	vld [tilespmem:s1+$0x0];
	_ =	sdelay $0x2  }
0xd0: {  	s1 =	sadd.s32 @p1 $0x10, s19  }
0xd1: {  	s0 =	smov.u32 @p1 s1  }
0xd2: {  	[tilespmem:s0+$0x0] =	vst v4  }
.LBB2_15:
0xd3: {  	vm2 =	vcmask $0x308  }
0xd4: {  	v4 =	vsel vm2, $0x0, v3  }
0xd5: {  	(xrf0) =	vadd.scan.msk.s32 $0xffff, v4;
	_ =	sdelay $0x5  }
0xd6: {  	v4, _, _ =	vpop (xrf0)  }
0xd7: {  	(v2sf) =	vpush v4, $0xF;
	_ =	sdelay $0xd  }
0xd8: {  	s5 =	ssub.s32 $0x100F, s16;
	p1 =	sne.s32 s16, $0x100F  }
0xd9: {  	s6 =	simm.s32 $0x1;
	s7 =	sshra.s32 s5, $0x1F;
	s0 =	spop (v2sf)  }
0xda: {  	s6 =	simm.s32 @!p1 $0x0;
	s8 =	sand.u32 $0xF, s5;
	s1 =	sadd.s32 $0xF, s0  }
0xdb: {  	s6 =	sor.u32 s6, s7;
	p4 =	sne.s32 s8, $0x0;
	s4 =	sshra.s32 s1, $0x1F  }
0xdc: {  	s31 =	sshrl.u32 s7, $0x1C;
	p3 =	sne.s32 s6, $0x1;
	s4 =	sshrl.u32 s4, $0x1C  }
0xdd: {  	p2 =	slt.s32 s1, $0x1;
	s4 =	sadd.s32 s4, s1;
	s1 =	sand.u32 $0xF, s1  }
0xde: {  	s5 =	sadd.s32 s31, s5;
	s6 =	simm.s32 $0x1;
	p5 =	sne.s32 s1, $0x0  }
0xdf: {  	p6 =	por !p4, !p3;
	s28 =	sshra.s32 s4, $0x4;
	p1 =	por !p2, !p5  }
0xe0: {  	s4 =	simm.s32 $0x1;
	p2 =	por !p6, !p6;
	p1 =	por !p1, !p1  }
0xe1: {  	s5 =	sshra.s32 s5, $0x4;
	s6 =	simm.s32 @!p2 $0x0;
	s4 =	simm.s32 @!p1 $0x0  }
0xe2: {  	s8 =	ssub.s32 s5, s6;
	s1 =	ssub.s32 s28, s4  }
0xe3: {  	p1 =	slt.s32 s1, s8  }
0xe4: {  	s8 =	smov.u32 @p1 s1  }
0xe5: {  	p1 =	slt.s32 s8, $0x1  }
.Ltmp12:
0xe6: {  	_ = 	snop;
	(pc) =	sbr.rel @p1 .LBB2_22-.Ltmp12, $2  }
0xe7: {  	_ =	sdelay $0x2  }
0xe8: {  	s30 =	sshll.u32 s16, $0x2  }
0xe9: {  	p2 =	sne.s32 s8, $0x1  }
.Ltmp13:
0xea: {  	_ = 	snop;
	(pc) =	sbr.rel @!p2 .LBB2_17-.Ltmp13, $4  }
0xeb: {  	_ = 	snop  }
0xec: {  	s5 =	sshra.s32 s30, $0x2;
	s9 =	simm.s32 $0x79A1;
	s7 =	simm.s32 $0x8DB1  }
0xed: {  	s8 =	sadd.s32 $0xFFFFFFFF, s8;
	p1 =	por $0x0, $0x0;
	s1 =	sadd.s32 $0x6840, s5  }
0xee: {  	s4 =	sadd.s32 $0x5820, s5;
	s6 =	sadd.s32 $0x4800, s5;
	s5 =	simm.s32 $0xA1C1;
	v4 =	vld [tilespmem:s9+$0x0]  }
0xef: {  	_ =	sdelay $0x3  }
0xf0: {  	[tilespmem:s6+$0x0] =	vst v4  }
0xf1: {  	v4 =	vld [tilespmem:s7+$0x0];
	_ =	sdelay $0x4  }
0xf2: {  	[tilespmem:s4+$0x0] =	vst v4  }
0xf3: {  	v4 =	vld [tilespmem:s5+$0x0]  }
0xf4: {  	p2 =	sne.s32 s8, $0x1  }
.Ltmp14:
0xf5: {  	_ = 	snop;
	(pc) =	sbr.rel @!p2 .LBB2_19-.Ltmp14, $4  }
0xf6: {  	_ = 	snop  }
0xf7: {  	s25 =	simm.s32 $0x79B1;
	s26 =	sadd.s32 $0xFFFFFFFF, s8  }
0xf8: {  	p1 =	por $0x1, $0x1;
	s17 =	smov.u32 s6;
	s20 =	simm.s32 $0x8DB1;
	[tilespmem:s1+$0x0] =	vst v4  }
0xf9: {  	s18 =	smov.u32 s4;
	s24 =	simm.s32 $0xA1C1;
	s19 =	smov.u32 s1;
	v4 =	vld [tilespmem:s25+$0x0]  }
.LBB2_20:
0xfa: {  	p2 =	sne.s32 s26, $0x1;
	_ =	sdelay $0x2  }
0xfb: {  	s17 =	sadd.s32 $0x10, s17  }
0xfc: {  	s20 =	sadd.s32 $0x10, s20;
	[tilespmem:s17+$0x0] =	vst v4  }
0xfd: {  	v4 =	vld [tilespmem:s20+$0x0];
	_ =	sdelay $0x3  }
0xfe: {  	s18 =	sadd.s32 $0x10, s18  }
0xff: {  	s24 =	sadd.s32 $0x10, s24;
	[tilespmem:s18+$0x0] =	vst v4  }
0x100: {  	v4 =	vld [tilespmem:s24+$0x0];
	_ =	sdelay $0x1  }
.Ltmp15:
0x101: {  	(pc) =	sbr.rel @p2 .LBB2_20-.Ltmp15, $4  }
0x102: {  	_ = 	snop  }
0x103: {  	s19 =	sadd.s32 $0x10, s19  }
0x104: {  	s25 =	sadd.s32 $0x10, s25;
	[tilespmem:s19+$0x0] =	vst v4  }
0x105: {  	s26 =	sadd.s32 $0xFFFFFFFF, s26;
	v4 =	vld [tilespmem:s25+$0x0]  }
.LBB2_21:
0x106: {  	_ =	sdelay $0x1  }
0x107: {  	s8 =	sadd.s32 @p1 $0x10, s17  }
0x108: {  	s6 =	smov.u32 @p1 s8;
	s8 =	sadd.s32 @p1 $0x10, s20  }
0x109: {  	s7 =	smov.u32 @p1 s8;
	[tilespmem:s6+$0x0] =	vst v4  }
0x10a: {  	v4 =	vld [tilespmem:s7+$0x0];
	_ =	sdelay $0x2  }
0x10b: {  	s6 =	sadd.s32 @p1 $0x10, s18  }
0x10c: {  	s4 =	smov.u32 @p1 s6;
	s6 =	sadd.s32 @p1 $0x10, s24  }
0x10d: {  	s5 =	smov.u32 @p1 s6;
	[tilespmem:s4+$0x0] =	vst v4  }
0x10e: {  	v4 =	vld [tilespmem:s5+$0x0];
	_ =	sdelay $0x2  }
0x10f: {  	s4 =	sadd.s32 @p1 $0x10, s19  }
0x110: {  	s1 =	smov.u32 @p1 s4  }
0x111: {  	[tilespmem:s1+$0x0] =	vst v4  }
.LBB2_22:
0x112: {  	vm2 =	vcmask $0x70C  }
0x113: {  	v4 =	vsel vm2, $0x0, v3  }
0x114: {  	(xrf0) =	vadd.scan.msk.s32 $0xffff, v4;
	_ =	sdelay $0x5  }
0x115: {  	v4, _, _ =	vpop (xrf0)  }
0x116: {  	(v2sf) =	vpush v4, $0xF;
	_ =	sdelay $0xe  }
0x117: {  	s1 =	spop (v2sf)  }
0x118: {  	s4 =	sadd.s32 $0xF, s1  }
0x119: {  	s5 =	sshra.s32 s4, $0x1F  }
0x11a: {  	s8 =	simm.s32 $0x1;
	s6 =	sshrl.u32 s5, $0x1C;
	s5 =	sadd.s32 s0, s16  }
0x11b: {  	p2 =	slt.s32 s4, $0x1;
	s6 =	sadd.s32 s6, s4;
	s7 =	ssub.s32 $0x100F, s5  }
0x11c: {  	p1 =	sne.s32 s5, $0x100F;
	s4 =	sand.u32 $0xF, s4;
	s9 =	sshra.s32 s7, $0x1F  }
0x11d: {  	s8 =	simm.s32 @!p1 $0x0;
	s26 =	sand.u32 $0xF, s7;
	p5 =	sne.s32 s4, $0x0  }
0x11e: {  	s28 =	sshra.s32 s6, $0x4;
	s6 =	simm.s32 $0x1;
	s8 =	sor.u32 s8, s9  }
0x11f: {  	p4 =	sne.s32 s26, $0x0;
	p1 =	por !p2, !p5;
	p3 =	sne.s32 s8, $0x1  }
0x120: {  	s31 =	sshrl.u32 s9, $0x1C;
	p1 =	por !p1, !p1;
	p6 =	por !p4, !p3  }
0x121: {  	s7 =	sadd.s32 s31, s7;
	s8 =	simm.s32 $0x1;
	p2 =	por !p6, !p6  }
0x122: {  	s6 =	simm.s32 @!p1 $0x0;
	s7 =	sshra.s32 s7, $0x4;
	s8 =	simm.s32 @!p2 $0x0  }
0x123: {  	s4 =	ssub.s32 s28, s6;
	s8 =	ssub.s32 s7, s8  }
0x124: {  	p1 =	slt.s32 s4, s8  }
0x125: {  	s8 =	smov.u32 @p1 s4  }
0x126: {  	p1 =	slt.s32 s8, $0x1  }
.Ltmp16:
0x127: {  	_ = 	snop;
	(pc) =	sbr.rel @p1 .LBB2_29-.Ltmp16, $1  }
0x128: {  	_ =	sdelay $0x3  }
0x129: {  	p2 =	sne.s32 s8, $0x1  }
.Ltmp17:
0x12a: {  	_ = 	snop;
	(pc) =	sbr.rel @!p2 .LBB2_24-.Ltmp17, $4  }
0x12b: {  	s4 =	sshll.u32 s5, $0x2  }
0x12c: {  	s9 =	simm.s32 $0x7AE2;
	s17 =	simm.s32 $0x8EF2;
	s7 =	sshra.s32 s4, $0x2  }
0x12d: {  	s8 =	sadd.s32 $0xFFFFFFFF, s8;
	p1 =	por $0x0, $0x0;
	s4 =	sadd.s32 $0x6840, s7  }
0x12e: {  	v4 =	vld [tilespmem:s9+$0x0];
	s6 =	sadd.s32 $0x5820, s7;
	s16 =	sadd.s32 $0x4800, s7;
	s7 =	simm.s32 $0xA302  }
0x12f: {  	_ =	sdelay $0x3  }
0x130: {  	[tilespmem:s16+$0x0] =	vst v4  }
0x131: {  	v4 =	vld [tilespmem:s17+$0x0];
	_ =	sdelay $0x4  }
0x132: {  	[tilespmem:s6+$0x0] =	vst v4  }
0x133: {  	v4 =	vld [tilespmem:s7+$0x0]  }
0x134: {  	p2 =	sne.s32 s8, $0x1  }
.Ltmp18:
0x135: {  	_ = 	snop;
	(pc) =	sbr.rel @!p2 .LBB2_26-.Ltmp18, $4  }
0x136: {  	_ = 	snop  }
0x137: {  	s26 =	simm.s32 $0x7AF2;
	s28 =	sadd.s32 $0xFFFFFFFF, s8  }
0x138: {  	p1 =	por $0x1, $0x1;
	s18 =	smov.u32 s16;
	s24 =	simm.s32 $0x8EF2;
	[tilespmem:s4+$0x0] =	vst v4  }
0x139: {  	s19 =	smov.u32 s6;
	s25 =	simm.s32 $0xA302;
	s20 =	smov.u32 s4;
	v4 =	vld [tilespmem:s26+$0x0]  }
.LBB2_27:
0x13a: {  	p2 =	sne.s32 s28, $0x1;
	_ =	sdelay $0x2  }
0x13b: {  	s18 =	sadd.s32 $0x10, s18  }
0x13c: {  	s24 =	sadd.s32 $0x10, s24;
	[tilespmem:s18+$0x0] =	vst v4  }
0x13d: {  	v4 =	vld [tilespmem:s24+$0x0];
	_ =	sdelay $0x3  }
0x13e: {  	s19 =	sadd.s32 $0x10, s19  }
0x13f: {  	s25 =	sadd.s32 $0x10, s25;
	[tilespmem:s19+$0x0] =	vst v4  }
0x140: {  	v4 =	vld [tilespmem:s25+$0x0];
	_ =	sdelay $0x1  }
.Ltmp19:
0x141: {  	(pc) =	sbr.rel @p2 .LBB2_27-.Ltmp19, $4  }
0x142: {  	_ = 	snop  }
0x143: {  	s20 =	sadd.s32 $0x10, s20  }
0x144: {  	s26 =	sadd.s32 $0x10, s26;
	[tilespmem:s20+$0x0] =	vst v4  }
0x145: {  	s28 =	sadd.s32 $0xFFFFFFFF, s28;
	v4 =	vld [tilespmem:s26+$0x0]  }
.LBB2_28:
0x146: {  	_ =	sdelay $0x1  }
0x147: {  	s8 =	sadd.s32 @p1 $0x10, s18  }
0x148: {  	s16 =	smov.u32 @p1 s8;
	s8 =	sadd.s32 @p1 $0x10, s24  }
0x149: {  	s17 =	smov.u32 @p1 s8;
	[tilespmem:s16+$0x0] =	vst v4  }
0x14a: {  	v4 =	vld [tilespmem:s17+$0x0];
	_ =	sdelay $0x2  }
0x14b: {  	s8 =	sadd.s32 @p1 $0x10, s19  }
0x14c: {  	s6 =	smov.u32 @p1 s8;
	s8 =	sadd.s32 @p1 $0x10, s25  }
0x14d: {  	s7 =	smov.u32 @p1 s8;
	[tilespmem:s6+$0x0] =	vst v4  }
0x14e: {  	v4 =	vld [tilespmem:s7+$0x0];
	_ =	sdelay $0x2  }
0x14f: {  	s6 =	sadd.s32 @p1 $0x10, s20  }
0x150: {  	s4 =	smov.u32 @p1 s6  }
0x151: {  	[tilespmem:s4+$0x0] =	vst v4  }
.LBB2_29:
0x152: {  	vm2 =	vcmask $0xB10  }
0x153: {  	v4 =	vsel vm2, $0x0, v3  }
0x154: {  	(xrf0) =	vadd.scan.msk.s32 $0xffff, v4;
	_ =	sdelay $0x5  }
0x155: {  	v4, _, _ =	vpop (xrf0)  }
0x156: {  	(v2sf) =	vpush v4, $0xF;
	_ =	sdelay $0xc  }
0x157: {  	s5 =	sadd.s32 s1, s5  }
0x158: {  	s9 =	simm.s32 $0x1;
	s8 =	ssub.s32 $0x100F, s5  }
0x159: {  	p1 =	sne.s32 s5, $0x100F;
	s16 =	sshra.s32 s8, $0x1F;
	s4 =	spop (v2sf)  }
0x15a: {  	s9 =	simm.s32 @!p1 $0x0;
	s17 =	sand.u32 $0xF, s8;
	s6 =	sadd.s32 $0xF, s4  }
0x15b: {  	s9 =	sor.u32 s9, s16;
	p4 =	sne.s32 s17, $0x0;
	s7 =	sshra.s32 s6, $0x1F  }
0x15c: {  	s31 =	sshrl.u32 s16, $0x1C;
	p3 =	sne.s32 s9, $0x1;
	s7 =	sshrl.u32 s7, $0x1C  }
0x15d: {  	p2 =	slt.s32 s6, $0x1;
	s7 =	sadd.s32 s7, s6;
	s6 =	sand.u32 $0xF, s6  }
0x15e: {  	s8 =	sadd.s32 s31, s8;
	s9 =	simm.s32 $0x1;
	p5 =	sne.s32 s6, $0x0  }
0x15f: {  	p6 =	por !p4, !p3;
	s28 =	sshra.s32 s7, $0x4;
	p1 =	por !p2, !p5  }
0x160: {  	s7 =	simm.s32 $0x1;
	p2 =	por !p6, !p6;
	p1 =	por !p1, !p1  }
0x161: {  	s8 =	sshra.s32 s8, $0x4;
	s9 =	simm.s32 @!p2 $0x0;
	s7 =	simm.s32 @!p1 $0x0  }
0x162: {  	s8 =	ssub.s32 s8, s9;
	s6 =	ssub.s32 s28, s7  }
0x163: {  	p1 =	slt.s32 s6, s8  }
0x164: {  	s8 =	smov.u32 @p1 s6  }
0x165: {  	p1 =	slt.s32 s8, $0x1  }
.Ltmp20:
0x166: {  	_ = 	snop;
	(pc) =	sbr.rel @p1 .LBB2_36-.Ltmp20, $1  }
0x167: {  	_ =	sdelay $0x3  }
0x168: {  	p2 =	sne.s32 s8, $0x1  }
.Ltmp21:
0x169: {  	_ = 	snop;
	(pc) =	sbr.rel @!p2 .LBB2_31-.Ltmp21, $4  }
0x16a: {  	s6 =	sshll.u32 s5, $0x2  }
0x16b: {  	s16 =	simm.s32 $0xA443;
	s31 =	simm.s32 $0x7C23;
	s18 =	simm.s32 $0x9033  }
0x16c: {  	s8 =	sadd.s32 $0xFFFFFFFF, s8;
	p1 =	por $0x0, $0x0;
	s9 =	sshra.s32 s6, $0x2  }
0x16d: {  	v4 =	vld [tilespmem:s31+$0x0];
	s6 =	sadd.s32 $0x6840, s9;
	s7 =	sadd.s32 $0x5820, s9;
	s17 =	sadd.s32 $0x4800, s9  }
0x16e: {  	_ =	sdelay $0x3  }
0x16f: {  	[tilespmem:s17+$0x0] =	vst v4  }
0x170: {  	v4 =	vld [tilespmem:s18+$0x0];
	_ =	sdelay $0x4  }
0x171: {  	[tilespmem:s7+$0x0] =	vst v4  }
0x172: {  	v4 =	vld [tilespmem:s16+$0x0]  }
0x173: {  	p2 =	sne.s32 s8, $0x1  }
.Ltmp22:
0x174: {  	_ = 	snop;
	(pc) =	sbr.rel @!p2 .LBB2_33-.Ltmp22, $4  }
0x175: {  	_ = 	snop  }
0x176: {  	s28 =	simm.s32 $0x7C33;
	s31 =	sadd.s32 $0xFFFFFFFF, s8  }
0x177: {  	p1 =	por $0x1, $0x1;
	s19 =	smov.u32 s17;
	s25 =	simm.s32 $0x9033;
	[tilespmem:s6+$0x0] =	vst v4  }
0x178: {  	s20 =	smov.u32 s7;
	s26 =	simm.s32 $0xA443;
	s24 =	smov.u32 s6;
	v4 =	vld [tilespmem:s28+$0x0]  }
.LBB2_34:
0x179: {  	p2 =	sne.s32 s31, $0x1;
	_ =	sdelay $0x2  }
0x17a: {  	s19 =	sadd.s32 $0x10, s19  }
0x17b: {  	s25 =	sadd.s32 $0x10, s25;
	[tilespmem:s19+$0x0] =	vst v4  }
0x17c: {  	v4 =	vld [tilespmem:s25+$0x0];
	_ =	sdelay $0x3  }
0x17d: {  	s20 =	sadd.s32 $0x10, s20  }
0x17e: {  	s26 =	sadd.s32 $0x10, s26;
	[tilespmem:s20+$0x0] =	vst v4  }
0x17f: {  	v4 =	vld [tilespmem:s26+$0x0];
	_ =	sdelay $0x1  }
.Ltmp23:
0x180: {  	(pc) =	sbr.rel @p2 .LBB2_34-.Ltmp23, $4  }
0x181: {  	_ = 	snop  }
0x182: {  	s24 =	sadd.s32 $0x10, s24  }
0x183: {  	s28 =	sadd.s32 $0x10, s28;
	[tilespmem:s24+$0x0] =	vst v4  }
0x184: {  	s31 =	sadd.s32 $0xFFFFFFFF, s31;
	v4 =	vld [tilespmem:s28+$0x0]  }
.LBB2_35:
0x185: {  	_ =	sdelay $0x1  }
0x186: {  	s8 =	sadd.s32 @p1 $0x10, s19  }
0x187: {  	s17 =	smov.u32 @p1 s8;
	s8 =	sadd.s32 @p1 $0x10, s25  }
0x188: {  	s18 =	smov.u32 @p1 s8;
	[tilespmem:s17+$0x0] =	vst v4  }
0x189: {  	v4 =	vld [tilespmem:s18+$0x0];
	_ =	sdelay $0x2  }
0x18a: {  	s8 =	sadd.s32 @p1 $0x10, s20  }
0x18b: {  	s7 =	smov.u32 @p1 s8;
	s8 =	sadd.s32 @p1 $0x10, s26  }
0x18c: {  	s16 =	smov.u32 @p1 s8;
	[tilespmem:s7+$0x0] =	vst v4  }
0x18d: {  	v4 =	vld [tilespmem:s16+$0x0];
	_ =	sdelay $0x2  }
0x18e: {  	s7 =	sadd.s32 @p1 $0x10, s24  }
0x18f: {  	s6 =	smov.u32 @p1 s7  }
0x190: {  	[tilespmem:s6+$0x0] =	vst v4  }
.LBB2_36:
0x191: {  	vm2 =	vcmask $0xF14  }
0x192: {  	v4 =	vsel vm2, $0x0, v3  }
0x193: {  	(xrf0) =	vadd.scan.msk.s32 $0xffff, v4;
	_ =	sdelay $0x5  }
0x194: {  	v4, _, _ =	vpop (xrf0)  }
0x195: {  	(v2sf) =	vpush v4, $0xF;
	_ =	sdelay $0xe  }
0x196: {  	s6 =	spop (v2sf)  }
0x197: {  	s8 =	sadd.s32 $0xF, s6  }
0x198: {  	s7 =	sshra.s32 s8, $0x1F  }
0x199: {  	s16 =	simm.s32 $0x1;
	s9 =	sshrl.u32 s7, $0x1C;
	s7 =	sadd.s32 s4, s5  }
0x19a: {  	p2 =	slt.s32 s8, $0x1;
	s25 =	sadd.s32 s9, s8;
	s26 =	ssub.s32 $0x100F, s7  }
0x19b: {  	p1 =	sne.s32 s7, $0x100F;
	s8 =	sand.u32 $0xF, s8;
	s17 =	sshra.s32 s26, $0x1F  }
0x19c: {  	s16 =	simm.s32 @!p1 $0x0;
	s18 =	sand.u32 $0xF, s26;
	p5 =	sne.s32 s8, $0x0  }
0x19d: {  	s5 =	sshra.s32 s25, $0x4;
	s8 =	simm.s32 $0x1;
	s16 =	sor.u32 s16, s17  }
0x19e: {  	p4 =	sne.s32 s18, $0x0;
	p1 =	por !p2, !p5;
	p3 =	sne.s32 s16, $0x1  }
0x19f: {  	s28 =	sshrl.u32 s17, $0x1C;
	p1 =	por !p1, !p1;
	p6 =	por !p4, !p3  }
0x1a0: {  	s9 =	sadd.s32 s28, s26;
	s16 =	simm.s32 $0x1;
	p2 =	por !p6, !p6  }
0x1a1: {  	s8 =	simm.s32 @!p1 $0x0;
	s9 =	sshra.s32 s9, $0x4;
	s16 =	simm.s32 @!p2 $0x0  }
0x1a2: {  	s5 =	ssub.s32 s5, s8;
	s8 =	ssub.s32 s9, s16  }
0x1a3: {  	p1 =	slt.s32 s5, s8  }
0x1a4: {  	s8 =	smov.u32 @p1 s5  }
0x1a5: {  	p1 =	slt.s32 s8, $0x1  }
.Ltmp24:
0x1a6: {  	_ = 	snop;
	(pc) =	sbr.rel @p1 .LBB2_40-.Ltmp24, $3  }
0x1a7: {  	_ =	sdelay $0x1  }
0x1a8: {  	s31 =	sshll.u32 s0, $0x2  }
0x1a9: {  	s0 =	sshll.u32 s4, $0x2;
	s1 =	sshll.u32 s1, $0x2;
	s17 =	sadd.s32 s30, s31  }
0x1aa: {  	p1 =	sne.s32 s8, $0x1  }
.Ltmp25:
0x1ab: {  	s4 =	sadd.s32 s0, s17;
	(pc) =	sbr.rel @!p1 .LBB2_39-.Ltmp25, $4  }
0x1ac: {  	s4 =	sadd.s32 s1, s4  }
0x1ad: {  	s4 =	sshra.s32 s4, $0x2  }
0x1ae: {  	s9 =	sadd.s32 $0x6840, s4;
	s16 =	sadd.s32 $0x5820, s4;
	s4 =	sadd.s32 $0x4800, s4  }
0x1af: {  	s5 =	simm.s32 $0x1410;
	s8 =	sadd.s32 $0xFFFFFFFF, s8;
	v6 =	vmov s4;
	v5 =	vmov s16;
	v4 =	vmov s9;
	s4 =	simm.s32 $0x504  }
.LBB2_38:
0x1b0: {  	p1 =	sne.s32 s8, $0x1;
	v7 =	vld [tilespmem:s4+$0x7860];
	_ =	sdelay $0x4  }
0x1b1: {  	[tilespmem:v6+s4+$0xFFFFFAFC ss:$0x1] =	vst.idx.msk $0xffff, v7  }
0x1b2: {  	v7 =	vld [tilespmem:s4+$0x8C70];
	_ =	sdelay $0x4  }
0x1b3: {  	[tilespmem:v5+s4+$0xFFFFFAFC ss:$0x1] =	vst.idx.msk $0xffff, v7  }
0x1b4: {  	v7 =	vld [tilespmem:s4+$0xA080]  }
.Ltmp26:
0x1b5: {  	(pc) =	sbr.rel @p1 .LBB2_38-.Ltmp26, $3  }
0x1b6: {  	_ =	sdelay $0x1  }
0x1b7: {  	s5 =	sadd.s32 $0x40, s5  }
0x1b8: {  	s8 =	sadd.s32 $0xFFFFFFFF, s8;
	[tilespmem:v4+s4+$0xFFFFFAFC ss:$0x1] =	vst.idx.msk $0xffff, v7;
	s4 =	sshra.s32 s5, $0x2  }
.LBB2_39:
0x1b9: {  	v7 =	vld [tilespmem:s4+$0x7860];
	_ =	sdelay $0x4  }
0x1ba: {  	[tilespmem:v6+s4+$0xFFFFFAFC ss:$0x1] =	vst.idx.msk $0xffff, v7  }
0x1bb: {  	v6 =	vld [tilespmem:s4+$0x8C70];
	_ =	sdelay $0x4  }
0x1bc: {  	[tilespmem:v5+s4+$0xFFFFFAFC ss:$0x1] =	vst.idx.msk $0xffff, v6  }
0x1bd: {  	v5 =	vld [tilespmem:s4+$0xA080];
	_ =	sdelay $0x4  }
0x1be: {  	[tilespmem:v4+s4+$0xFFFFFAFC ss:$0x1] =	vst.idx.msk $0xffff, v5  }
.LBB2_40:
0x1bf: {  	v4 =	vsel vm5, $0x0, v3  }
0x1c0: {  	(xrf0) =	vadd.scan.msk.s32 $0xffff, v4;
	_ =	sdelay $0x5  }
0x1c1: {  	v4, _, _ =	vpop (xrf0)  }
0x1c2: {  	(v2sf) =	vpush v4, $0xF;
	_ =	sdelay $0xc  }
0x1c3: {  	s7 =	sadd.s32 s6, s7  }
0x1c4: {  	s16 =	simm.s32 $0x1;
	s9 =	ssub.s32 $0x100F, s7  }
0x1c5: {  	p1 =	sne.s32 s7, $0x100F;
	s18 =	sshra.s32 s9, $0x1F;
	s5 =	spop (v2sf)  }
0x1c6: {  	s16 =	simm.s32 @!p1 $0x0;
	s19 =	sand.u32 $0xF, s9;
	s4 =	sadd.s32 $0xF, s5  }
0x1c7: {  	s16 =	sor.u32 s16, s18;
	p4 =	sne.s32 s19, $0x0;
	s8 =	sshra.s32 s4, $0x1F  }
0x1c8: {  	s28 =	sshrl.u32 s18, $0x1C;
	p3 =	sne.s32 s16, $0x1;
	s8 =	sshrl.u32 s8, $0x1C  }
0x1c9: {  	p2 =	slt.s32 s4, $0x1;
	s8 =	sadd.s32 s8, s4;
	s4 =	sand.u32 $0xF, s4  }
0x1ca: {  	s9 =	sadd.s32 s28, s9;
	s16 =	simm.s32 $0x1;
	p5 =	sne.s32 s4, $0x0  }
0x1cb: {  	p6 =	por !p4, !p3;
	s26 =	sshra.s32 s8, $0x4;
	p1 =	por !p2, !p5  }
0x1cc: {  	s8 =	simm.s32 $0x1;
	p2 =	por !p6, !p6;
	p1 =	por !p1, !p1  }
0x1cd: {  	s9 =	sshra.s32 s9, $0x4;
	s16 =	simm.s32 @!p2 $0x0;
	s8 =	simm.s32 @!p1 $0x0  }
0x1ce: {  	s4 =	ssub.s32 s26, s8;
	s8 =	ssub.s32 s9, s16  }
0x1cf: {  	p1 =	slt.s32 s4, s8  }
0x1d0: {  	s8 =	smov.u32 @p1 s4  }
0x1d1: {  	p1 =	slt.s32 s8, $0x1  }
.Ltmp27:
0x1d2: {  	_ = 	snop;
	(pc) =	sbr.rel @p1 .LBB2_44-.Ltmp27, $2  }
0x1d3: {  	_ =	sdelay $0x2  }
0x1d4: {  	s16 =	sshll.u32 s6, $0x2  }
0x1d5: {  	s4 =	sadd.s32 s16, s17;
	p1 =	sne.s32 s8, $0x1  }
.Ltmp28:
0x1d6: {  	s4 =	sadd.s32 s0, s4;
	(pc) =	sbr.rel @!p1 .LBB2_43-.Ltmp28, $4  }
0x1d7: {  	s4 =	sadd.s32 s1, s4  }
0x1d8: {  	s4 =	sshra.s32 s4, $0x2  }
0x1d9: {  	s9 =	sadd.s32 $0x6840, s4;
	s18 =	sadd.s32 $0x5820, s4;
	s4 =	sadd.s32 $0x4800, s4  }
0x1da: {  	s6 =	simm.s32 $0x1914;
	s8 =	sadd.s32 $0xFFFFFFFF, s8;
	v6 =	vmov s4;
	v5 =	vmov s18;
	v4 =	vmov s9;
	s4 =	simm.s32 $0x645  }
.LBB2_42:
0x1db: {  	p1 =	sne.s32 s8, $0x1;
	v7 =	vld [tilespmem:s4+$0x7860];
	_ =	sdelay $0x4  }
0x1dc: {  	[tilespmem:v6+s4+$0xFFFFF9BB ss:$0x1] =	vst.idx.msk $0xffff, v7  }
0x1dd: {  	v7 =	vld [tilespmem:s4+$0x8C70];
	_ =	sdelay $0x4  }
0x1de: {  	[tilespmem:v5+s4+$0xFFFFF9BB ss:$0x1] =	vst.idx.msk $0xffff, v7  }
0x1df: {  	v7 =	vld [tilespmem:s4+$0xA080]  }
.Ltmp29:
0x1e0: {  	(pc) =	sbr.rel @p1 .LBB2_42-.Ltmp29, $3  }
0x1e1: {  	_ =	sdelay $0x1  }
0x1e2: {  	s6 =	sadd.s32 $0x40, s6  }
0x1e3: {  	s8 =	sadd.s32 $0xFFFFFFFF, s8;
	[tilespmem:v4+s4+$0xFFFFF9BB ss:$0x1] =	vst.idx.msk $0xffff, v7;
	s4 =	sshra.s32 s6, $0x2  }
.LBB2_43:
0x1e4: {  	v7 =	vld [tilespmem:s4+$0x7860];
	_ =	sdelay $0x4  }
0x1e5: {  	[tilespmem:v6+s4+$0xFFFFF9BB ss:$0x1] =	vst.idx.msk $0xffff, v7  }
0x1e6: {  	v6 =	vld [tilespmem:s4+$0x8C70];
	_ =	sdelay $0x4  }
0x1e7: {  	[tilespmem:v5+s4+$0xFFFFF9BB ss:$0x1] =	vst.idx.msk $0xffff, v6  }
0x1e8: {  	v5 =	vld [tilespmem:s4+$0xA080];
	_ =	sdelay $0x4  }
0x1e9: {  	[tilespmem:v4+s4+$0xFFFFF9BB ss:$0x1] =	vst.idx.msk $0xffff, v5  }
.LBB2_44:
0x1ea: {  	v4 =	vsel vm6, $0x0, v3  }
0x1eb: {  	(xrf0) =	vadd.scan.msk.s32 $0xffff, v4;
	_ =	sdelay $0x5  }
0x1ec: {  	v4, _, _ =	vpop (xrf0)  }
0x1ed: {  	(v2sf) =	vpush v4, $0xF;
	_ =	sdelay $0xe  }
0x1ee: {  	s4 =	spop (v2sf)  }
0x1ef: {  	s8 =	sadd.s32 $0xF, s4  }
0x1f0: {  	s6 =	sshra.s32 s8, $0x1F  }
0x1f1: {  	s18 =	simm.s32 $0x1;
	s9 =	sshrl.u32 s6, $0x1C;
	s6 =	sadd.s32 s5, s7  }
0x1f2: {  	p2 =	slt.s32 s8, $0x1;
	s25 =	sadd.s32 s9, s8;
	s26 =	ssub.s32 $0x100F, s6  }
0x1f3: {  	p1 =	sne.s32 s6, $0x100F;
	s8 =	sand.u32 $0xF, s8;
	s19 =	sshra.s32 s26, $0x1F  }
0x1f4: {  	s18 =	simm.s32 @!p1 $0x0;
	s20 =	sand.u32 $0xF, s26;
	p5 =	sne.s32 s8, $0x0  }
0x1f5: {  	s7 =	sshra.s32 s25, $0x4;
	s8 =	simm.s32 $0x1;
	s18 =	sor.u32 s18, s19  }
0x1f6: {  	p4 =	sne.s32 s20, $0x0;
	p1 =	por !p2, !p5;
	p3 =	sne.s32 s18, $0x1  }
0x1f7: {  	s28 =	sshrl.u32 s19, $0x1C;
	p1 =	por !p1, !p1;
	p6 =	por !p4, !p3  }
0x1f8: {  	s9 =	sadd.s32 s28, s26;
	s18 =	simm.s32 $0x1;
	p2 =	por !p6, !p6  }
0x1f9: {  	s8 =	simm.s32 @!p1 $0x0;
	s9 =	sshra.s32 s9, $0x4;
	s18 =	simm.s32 @!p2 $0x0  }
0x1fa: {  	s7 =	ssub.s32 s7, s8;
	s8 =	ssub.s32 s9, s18  }
0x1fb: {  	p1 =	slt.s32 s7, s8  }
0x1fc: {  	s8 =	smov.u32 @p1 s7  }
0x1fd: {  	p1 =	slt.s32 s8, $0x1  }
.Ltmp30:
0x1fe: {  	_ = 	snop;
	(pc) =	sbr.rel @p1 .LBB2_48-.Ltmp30, $2  }
0x1ff: {  	_ =	sdelay $0x2  }
0x200: {  	s18 =	sshll.u32 s5, $0x2  }
0x201: {  	s5 =	sadd.s32 s18, s17  }
0x202: {  	p1 =	sne.s32 s8, $0x1;
	s5 =	sadd.s32 s16, s5  }
.Ltmp31:
0x203: {  	s5 =	sadd.s32 s0, s5;
	(pc) =	sbr.rel @!p1 .LBB2_47-.Ltmp31, $4  }
0x204: {  	s5 =	sadd.s32 s1, s5  }
0x205: {  	s5 =	sshra.s32 s5, $0x2  }
0x206: {  	s9 =	sadd.s32 $0x6840, s5;
	s19 =	sadd.s32 $0x5820, s5;
	s5 =	sadd.s32 $0x4800, s5  }
0x207: {  	s7 =	simm.s32 $0x1E18;
	s8 =	sadd.s32 $0xFFFFFFFF, s8;
	v6 =	vmov s5;
	v5 =	vmov s19;
	v4 =	vmov s9;
	s5 =	simm.s32 $0x786  }
.LBB2_46:
0x208: {  	p1 =	sne.s32 s8, $0x1;
	v7 =	vld [tilespmem:s5+$0x7860];
	_ =	sdelay $0x4  }
0x209: {  	[tilespmem:v6+s5+$0xFFFFF87A ss:$0x1] =	vst.idx.msk $0xffff, v7  }
0x20a: {  	v7 =	vld [tilespmem:s5+$0x8C70];
	_ =	sdelay $0x4  }
0x20b: {  	[tilespmem:v5+s5+$0xFFFFF87A ss:$0x1] =	vst.idx.msk $0xffff, v7  }
0x20c: {  	v7 =	vld [tilespmem:s5+$0xA080]  }
.Ltmp32:
0x20d: {  	(pc) =	sbr.rel @p1 .LBB2_46-.Ltmp32, $3  }
0x20e: {  	_ =	sdelay $0x1  }
0x20f: {  	s7 =	sadd.s32 $0x40, s7  }
0x210: {  	s8 =	sadd.s32 $0xFFFFFFFF, s8;
	[tilespmem:v4+s5+$0xFFFFF87A ss:$0x1] =	vst.idx.msk $0xffff, v7;
	s5 =	sshra.s32 s7, $0x2  }
.LBB2_47:
0x211: {  	v7 =	vld [tilespmem:s5+$0x7860];
	_ =	sdelay $0x4  }
0x212: {  	[tilespmem:v6+s5+$0xFFFFF87A ss:$0x1] =	vst.idx.msk $0xffff, v7  }
0x213: {  	v6 =	vld [tilespmem:s5+$0x8C70];
	_ =	sdelay $0x4  }
0x214: {  	[tilespmem:v5+s5+$0xFFFFF87A ss:$0x1] =	vst.idx.msk $0xffff, v6  }
0x215: {  	v5 =	vld [tilespmem:s5+$0xA080];
	_ =	sdelay $0x4  }
0x216: {  	[tilespmem:v4+s5+$0xFFFFF87A ss:$0x1] =	vst.idx.msk $0xffff, v5  }
.LBB2_48:
0x217: {  	v4 =	vsel vm7, $0x0, v3  }
0x218: {  	(xrf0) =	vadd.scan.msk.s32 $0xffff, v4;
	_ =	sdelay $0x5  }
0x219: {  	v4, _, _ =	vpop (xrf0)  }
0x21a: {  	(v2sf) =	vpush v4, $0xF;
	_ =	sdelay $0xc  }
0x21b: {  	s6 =	sadd.s32 s4, s6  }
0x21c: {  	s19 =	simm.s32 $0x1;
	s9 =	ssub.s32 $0x100F, s6  }
0x21d: {  	p1 =	sne.s32 s6, $0x100F;
	s20 =	sshra.s32 s9, $0x1F;
	s5 =	spop (v2sf)  }
0x21e: {  	s19 =	simm.s32 @!p1 $0x0;
	s24 =	sand.u32 $0xF, s9;
	s7 =	sadd.s32 $0xF, s5  }
0x21f: {  	s19 =	sor.u32 s19, s20;
	p4 =	sne.s32 s24, $0x0;
	s8 =	sshra.s32 s7, $0x1F  }
0x220: {  	s28 =	sshrl.u32 s20, $0x1C;
	p3 =	sne.s32 s19, $0x1;
	s8 =	sshrl.u32 s8, $0x1C  }
0x221: {  	p2 =	slt.s32 s7, $0x1;
	s8 =	sadd.s32 s8, s7;
	s7 =	sand.u32 $0xF, s7  }
0x222: {  	s9 =	sadd.s32 s28, s9;
	s19 =	simm.s32 $0x1;
	p5 =	sne.s32 s7, $0x0  }
0x223: {  	p6 =	por !p4, !p3;
	s26 =	sshra.s32 s8, $0x4;
	p1 =	por !p2, !p5  }
0x224: {  	s8 =	simm.s32 $0x1;
	p2 =	por !p6, !p6;
	p1 =	por !p1, !p1  }
0x225: {  	s9 =	sshra.s32 s9, $0x4;
	s19 =	simm.s32 @!p2 $0x0;
	s8 =	simm.s32 @!p1 $0x0  }
0x226: {  	s7 =	ssub.s32 s26, s8;
	s8 =	ssub.s32 s9, s19  }
0x227: {  	p1 =	slt.s32 s7, s8  }
0x228: {  	s8 =	smov.u32 @p1 s7  }
0x229: {  	p1 =	slt.s32 s8, $0x1  }
.Ltmp33:
0x22a: {  	_ = 	snop;
	(pc) =	sbr.rel @p1 .LBB2_52-.Ltmp33, $2  }
0x22b: {  	_ =	sdelay $0x2  }
0x22c: {  	s19 =	sshll.u32 s4, $0x2  }
0x22d: {  	s4 =	sadd.s32 s19, s17  }
0x22e: {  	s4 =	sadd.s32 s18, s4  }
0x22f: {  	p1 =	sne.s32 s8, $0x1;
	s4 =	sadd.s32 s16, s4  }
.Ltmp34:
0x230: {  	s4 =	sadd.s32 s0, s4;
	(pc) =	sbr.rel @!p1 .LBB2_51-.Ltmp34, $4  }
0x231: {  	s4 =	sadd.s32 s1, s4  }
0x232: {  	s4 =	sshra.s32 s4, $0x2  }
0x233: {  	s9 =	sadd.s32 $0x6840, s4;
	s20 =	sadd.s32 $0x5820, s4;
	s4 =	sadd.s32 $0x4800, s4  }
0x234: {  	s7 =	simm.s32 $0x231C;
	s8 =	sadd.s32 $0xFFFFFFFF, s8;
	v6 =	vmov s4;
	v5 =	vmov s20;
	v4 =	vmov s9;
	s4 =	simm.s32 $0x8C7  }
.LBB2_50:
0x235: {  	p1 =	sne.s32 s8, $0x1;
	v7 =	vld [tilespmem:s4+$0x7860];
	_ =	sdelay $0x4  }
0x236: {  	[tilespmem:v6+s4+$0xFFFFF739 ss:$0x1] =	vst.idx.msk $0xffff, v7  }
0x237: {  	v7 =	vld [tilespmem:s4+$0x8C70];
	_ =	sdelay $0x4  }
0x238: {  	[tilespmem:v5+s4+$0xFFFFF739 ss:$0x1] =	vst.idx.msk $0xffff, v7  }
0x239: {  	v7 =	vld [tilespmem:s4+$0xA080]  }
.Ltmp35:
0x23a: {  	(pc) =	sbr.rel @p1 .LBB2_50-.Ltmp35, $3  }
0x23b: {  	_ =	sdelay $0x1  }
0x23c: {  	s7 =	sadd.s32 $0x40, s7  }
0x23d: {  	s8 =	sadd.s32 $0xFFFFFFFF, s8;
	[tilespmem:v4+s4+$0xFFFFF739 ss:$0x1] =	vst.idx.msk $0xffff, v7;
	s4 =	sshra.s32 s7, $0x2  }
.LBB2_51:
0x23e: {  	v7 =	vld [tilespmem:s4+$0x7860];
	_ =	sdelay $0x4  }
0x23f: {  	[tilespmem:v6+s4+$0xFFFFF739 ss:$0x1] =	vst.idx.msk $0xffff, v7  }
0x240: {  	v6 =	vld [tilespmem:s4+$0x8C70];
	_ =	sdelay $0x4  }
0x241: {  	[tilespmem:v5+s4+$0xFFFFF739 ss:$0x1] =	vst.idx.msk $0xffff, v6  }
0x242: {  	v5 =	vld [tilespmem:s4+$0xA080];
	_ =	sdelay $0x4  }
0x243: {  	[tilespmem:v4+s4+$0xFFFFF739 ss:$0x1] =	vst.idx.msk $0xffff, v5  }
.LBB2_52:
0x244: {  	v4 =	vsel vm8, $0x0, v3  }
0x245: {  	(xrf0) =	vadd.scan.msk.s32 $0xffff, v4;
	_ =	sdelay $0x5  }
0x246: {  	v4, _, _ =	vpop (xrf0)  }
0x247: {  	(v2sf) =	vpush v4, $0xF;
	_ =	sdelay $0xc  }
0x248: {  	s6 =	sadd.s32 s5, s6  }
0x249: {  	s20 =	simm.s32 $0x1;
	s9 =	ssub.s32 $0x100F, s6  }
0x24a: {  	p1 =	sne.s32 s6, $0x100F;
	s24 =	sshra.s32 s9, $0x1F;
	s4 =	spop (v2sf)  }
0x24b: {  	s20 =	simm.s32 @!p1 $0x0;
	s25 =	sand.u32 $0xF, s9;
	s7 =	sadd.s32 $0xF, s4  }
0x24c: {  	s20 =	sor.u32 s20, s24;
	p4 =	sne.s32 s25, $0x0;
	s8 =	sshra.s32 s7, $0x1F  }
0x24d: {  	s28 =	sshrl.u32 s24, $0x1C;
	p3 =	sne.s32 s20, $0x1;
	s8 =	sshrl.u32 s8, $0x1C  }
0x24e: {  	p2 =	slt.s32 s7, $0x1;
	s8 =	sadd.s32 s8, s7;
	s7 =	sand.u32 $0xF, s7  }
0x24f: {  	s9 =	sadd.s32 s28, s9;
	s20 =	simm.s32 $0x1;
	p5 =	sne.s32 s7, $0x0  }
0x250: {  	p6 =	por !p4, !p3;
	s26 =	sshra.s32 s8, $0x4;
	p1 =	por !p2, !p5  }
0x251: {  	s8 =	simm.s32 $0x1;
	p2 =	por !p6, !p6;
	p1 =	por !p1, !p1  }
0x252: {  	s9 =	sshra.s32 s9, $0x4;
	s20 =	simm.s32 @!p2 $0x0;
	s8 =	simm.s32 @!p1 $0x0  }
0x253: {  	s7 =	ssub.s32 s26, s8;
	s8 =	ssub.s32 s9, s20  }
0x254: {  	p1 =	slt.s32 s7, s8  }
0x255: {  	s8 =	smov.u32 @p1 s7  }
0x256: {  	p1 =	slt.s32 s8, $0x1  }
.Ltmp36:
0x257: {  	_ = 	snop;
	(pc) =	sbr.rel @p1 .LBB2_56-.Ltmp36, $2  }
0x258: {  	_ =	sdelay $0x2  }
0x259: {  	s20 =	sshll.u32 s5, $0x2  }
0x25a: {  	s5 =	sadd.s32 s20, s17  }
0x25b: {  	s5 =	sadd.s32 s19, s5  }
0x25c: {  	s5 =	sadd.s32 s18, s5  }
0x25d: {  	p1 =	sne.s32 s8, $0x1;
	s5 =	sadd.s32 s16, s5  }
.Ltmp37:
0x25e: {  	s5 =	sadd.s32 s0, s5;
	(pc) =	sbr.rel @!p1 .LBB2_55-.Ltmp37, $4  }
0x25f: {  	s5 =	sadd.s32 s1, s5  }
0x260: {  	s5 =	sshra.s32 s5, $0x2  }
0x261: {  	s9 =	sadd.s32 $0x6840, s5;
	s24 =	sadd.s32 $0x5820, s5;
	s5 =	sadd.s32 $0x4800, s5  }
0x262: {  	s7 =	simm.s32 $0x2820;
	s8 =	sadd.s32 $0xFFFFFFFF, s8;
	v6 =	vmov s5;
	v5 =	vmov s24;
	v4 =	vmov s9;
	s5 =	simm.s32 $0xA08  }
.LBB2_54:
0x263: {  	p1 =	sne.s32 s8, $0x1;
	v7 =	vld [tilespmem:s5+$0x7860];
	_ =	sdelay $0x4  }
0x264: {  	[tilespmem:v6+s5+$0xFFFFF5F8 ss:$0x1] =	vst.idx.msk $0xffff, v7  }
0x265: {  	v7 =	vld [tilespmem:s5+$0x8C70];
	_ =	sdelay $0x4  }
0x266: {  	[tilespmem:v5+s5+$0xFFFFF5F8 ss:$0x1] =	vst.idx.msk $0xffff, v7  }
0x267: {  	v7 =	vld [tilespmem:s5+$0xA080]  }
.Ltmp38:
0x268: {  	(pc) =	sbr.rel @p1 .LBB2_54-.Ltmp38, $3  }
0x269: {  	_ =	sdelay $0x1  }
0x26a: {  	s7 =	sadd.s32 $0x40, s7  }
0x26b: {  	s8 =	sadd.s32 $0xFFFFFFFF, s8;
	[tilespmem:v4+s5+$0xFFFFF5F8 ss:$0x1] =	vst.idx.msk $0xffff, v7;
	s5 =	sshra.s32 s7, $0x2  }
.LBB2_55:
0x26c: {  	v7 =	vld [tilespmem:s5+$0x7860];
	_ =	sdelay $0x4  }
0x26d: {  	[tilespmem:v6+s5+$0xFFFFF5F8 ss:$0x1] =	vst.idx.msk $0xffff, v7  }
0x26e: {  	v6 =	vld [tilespmem:s5+$0x8C70];
	_ =	sdelay $0x4  }
0x26f: {  	[tilespmem:v5+s5+$0xFFFFF5F8 ss:$0x1] =	vst.idx.msk $0xffff, v6  }
0x270: {  	v5 =	vld [tilespmem:s5+$0xA080];
	_ =	sdelay $0x4  }
0x271: {  	[tilespmem:v4+s5+$0xFFFFF5F8 ss:$0x1] =	vst.idx.msk $0xffff, v5  }
.LBB2_56:
0x272: {  	v4 =	vsel vm9, $0x0, v3  }
0x273: {  	(xrf0) =	vadd.scan.msk.s32 $0xffff, v4;
	_ =	sdelay $0x5  }
0x274: {  	v4, _, _ =	vpop (xrf0)  }
0x275: {  	(v2sf) =	vpush v4, $0xF;
	_ =	sdelay $0xc  }
0x276: {  	s6 =	sadd.s32 s4, s6  }
0x277: {  	s24 =	simm.s32 $0x1;
	s9 =	ssub.s32 $0x100F, s6  }
0x278: {  	p1 =	sne.s32 s6, $0x100F;
	s25 =	sshra.s32 s9, $0x1F;
	s5 =	spop (v2sf)  }
0x279: {  	s24 =	simm.s32 @!p1 $0x0;
	s26 =	sand.u32 $0xF, s9;
	s7 =	sadd.s32 $0xF, s5  }
0x27a: {  	s24 =	sor.u32 s24, s25;
	p4 =	sne.s32 s26, $0x0;
	s8 =	sshra.s32 s7, $0x1F  }
0x27b: {  	s28 =	sshrl.u32 s25, $0x1C;
	p3 =	sne.s32 s24, $0x1;
	s8 =	sshrl.u32 s8, $0x1C  }
0x27c: {  	p2 =	slt.s32 s7, $0x1;
	s8 =	sadd.s32 s8, s7;
	s7 =	sand.u32 $0xF, s7  }
0x27d: {  	s9 =	sadd.s32 s28, s9;
	s24 =	simm.s32 $0x1;
	p5 =	sne.s32 s7, $0x0  }
0x27e: {  	p6 =	por !p4, !p3;
	s26 =	sshra.s32 s8, $0x4;
	p1 =	por !p2, !p5  }
0x27f: {  	s8 =	simm.s32 $0x1;
	p2 =	por !p6, !p6;
	p1 =	por !p1, !p1  }
0x280: {  	s9 =	sshra.s32 s9, $0x4;
	s24 =	simm.s32 @!p2 $0x0;
	s8 =	simm.s32 @!p1 $0x0  }
0x281: {  	s7 =	ssub.s32 s26, s8;
	s8 =	ssub.s32 s9, s24  }
0x282: {  	p1 =	slt.s32 s7, s8  }
0x283: {  	s8 =	smov.u32 @p1 s7  }
0x284: {  	p1 =	slt.s32 s8, $0x1  }
.Ltmp39:
0x285: {  	_ = 	snop;
	(pc) =	sbr.rel @p1 .LBB2_60-.Ltmp39, $2  }
0x286: {  	_ =	sdelay $0x2  }
0x287: {  	s24 =	sshll.u32 s4, $0x2  }
0x288: {  	s4 =	sadd.s32 s24, s17  }
0x289: {  	s4 =	sadd.s32 s20, s4  }
0x28a: {  	s4 =	sadd.s32 s19, s4  }
0x28b: {  	s4 =	sadd.s32 s18, s4  }
0x28c: {  	p1 =	sne.s32 s8, $0x1;
	s4 =	sadd.s32 s16, s4  }
.Ltmp40:
0x28d: {  	s4 =	sadd.s32 s0, s4;
	(pc) =	sbr.rel @!p1 .LBB2_59-.Ltmp40, $4  }
0x28e: {  	s4 =	sadd.s32 s1, s4  }
0x28f: {  	s4 =	sshra.s32 s4, $0x2  }
0x290: {  	s9 =	sadd.s32 $0x6840, s4;
	s25 =	sadd.s32 $0x5820, s4;
	s4 =	sadd.s32 $0x4800, s4  }
0x291: {  	s7 =	simm.s32 $0x2D24;
	s8 =	sadd.s32 $0xFFFFFFFF, s8;
	v6 =	vmov s4;
	v5 =	vmov s25;
	v4 =	vmov s9;
	s4 =	simm.s32 $0xB49  }
.LBB2_58:
0x292: {  	p1 =	sne.s32 s8, $0x1;
	v7 =	vld [tilespmem:s4+$0x7860];
	_ =	sdelay $0x4  }
0x293: {  	[tilespmem:v6+s4+$0xFFFFF4B7 ss:$0x1] =	vst.idx.msk $0xffff, v7  }
0x294: {  	v7 =	vld [tilespmem:s4+$0x8C70];
	_ =	sdelay $0x4  }
0x295: {  	[tilespmem:v5+s4+$0xFFFFF4B7 ss:$0x1] =	vst.idx.msk $0xffff, v7  }
0x296: {  	v7 =	vld [tilespmem:s4+$0xA080]  }
.Ltmp41:
0x297: {  	(pc) =	sbr.rel @p1 .LBB2_58-.Ltmp41, $3  }
0x298: {  	_ =	sdelay $0x1  }
0x299: {  	s7 =	sadd.s32 $0x40, s7  }
0x29a: {  	s8 =	sadd.s32 $0xFFFFFFFF, s8;
	[tilespmem:v4+s4+$0xFFFFF4B7 ss:$0x1] =	vst.idx.msk $0xffff, v7;
	s4 =	sshra.s32 s7, $0x2  }
.LBB2_59:
0x29b: {  	v7 =	vld [tilespmem:s4+$0x7860];
	_ =	sdelay $0x4  }
0x29c: {  	[tilespmem:v6+s4+$0xFFFFF4B7 ss:$0x1] =	vst.idx.msk $0xffff, v7  }
0x29d: {  	v6 =	vld [tilespmem:s4+$0x8C70];
	_ =	sdelay $0x4  }
0x29e: {  	[tilespmem:v5+s4+$0xFFFFF4B7 ss:$0x1] =	vst.idx.msk $0xffff, v6  }
0x29f: {  	v5 =	vld [tilespmem:s4+$0xA080];
	_ =	sdelay $0x4  }
0x2a0: {  	[tilespmem:v4+s4+$0xFFFFF4B7 ss:$0x1] =	vst.idx.msk $0xffff, v5  }
.LBB2_60:
0x2a1: {  	v4 =	vsel vm10, $0x0, v3  }
0x2a2: {  	(xrf0) =	vadd.scan.msk.s32 $0xffff, v4;
	_ =	sdelay $0x5  }
0x2a3: {  	v4, _, _ =	vpop (xrf0)  }
0x2a4: {  	(v2sf) =	vpush v4, $0xF;
	_ =	sdelay $0xc  }
0x2a5: {  	s6 =	sadd.s32 s5, s6  }
0x2a6: {  	s25 =	simm.s32 $0x1;
	s9 =	ssub.s32 $0x100F, s6  }
0x2a7: {  	p1 =	sne.s32 s6, $0x100F;
	s26 =	sshra.s32 s9, $0x1F;
	s4 =	spop (v2sf)  }
0x2a8: {  	s25 =	simm.s32 @!p1 $0x0;
	s28 =	sand.u32 $0xF, s9;
	s7 =	sadd.s32 $0xF, s4  }
0x2a9: {  	s25 =	sor.u32 s25, s26;
	p4 =	sne.s32 s28, $0x0;
	s8 =	sshra.s32 s7, $0x1F  }
0x2aa: {  	s28 =	sshrl.u32 s26, $0x1C;
	p3 =	sne.s32 s25, $0x1;
	s8 =	sshrl.u32 s8, $0x1C  }
0x2ab: {  	p2 =	slt.s32 s7, $0x1;
	s8 =	sadd.s32 s8, s7;
	s7 =	sand.u32 $0xF, s7  }
0x2ac: {  	s9 =	sadd.s32 s28, s9;
	s25 =	simm.s32 $0x1;
	p5 =	sne.s32 s7, $0x0  }
0x2ad: {  	p6 =	por !p4, !p3;
	s13 =	sshra.s32 s8, $0x4;
	p1 =	por !p2, !p5  }
0x2ae: {  	s8 =	simm.s32 $0x1;
	p2 =	por !p6, !p6;
	p1 =	por !p1, !p1  }
0x2af: {  	s9 =	sshra.s32 s9, $0x4;
	s25 =	simm.s32 @!p2 $0x0;
	s8 =	simm.s32 @!p1 $0x0  }
0x2b0: {  	s7 =	ssub.s32 s13, s8;
	s8 =	ssub.s32 s9, s25  }
0x2b1: {  	p1 =	slt.s32 s7, s8  }
0x2b2: {  	s8 =	smov.u32 @p1 s7  }
0x2b3: {  	p1 =	slt.s32 s8, $0x1  }
.Ltmp42:
0x2b4: {  	_ = 	snop;
	(pc) =	sbr.rel @p1 .LBB2_64-.Ltmp42, $2  }
0x2b5: {  	_ =	sdelay $0x2  }
0x2b6: {  	s25 =	sshll.u32 s5, $0x2  }
0x2b7: {  	s5 =	sadd.s32 s25, s17  }
0x2b8: {  	s5 =	sadd.s32 s24, s5  }
0x2b9: {  	s5 =	sadd.s32 s20, s5  }
0x2ba: {  	s5 =	sadd.s32 s19, s5  }
0x2bb: {  	s5 =	sadd.s32 s18, s5  }
0x2bc: {  	p1 =	sne.s32 s8, $0x1;
	s5 =	sadd.s32 s16, s5  }
.Ltmp43:
0x2bd: {  	s5 =	sadd.s32 s0, s5;
	(pc) =	sbr.rel @!p1 .LBB2_63-.Ltmp43, $4  }
0x2be: {  	s5 =	sadd.s32 s1, s5  }
0x2bf: {  	s5 =	sshra.s32 s5, $0x2  }
0x2c0: {  	s9 =	sadd.s32 $0x6840, s5;
	s26 =	sadd.s32 $0x5820, s5;
	s5 =	sadd.s32 $0x4800, s5  }
0x2c1: {  	s7 =	simm.s32 $0x3228;
	s8 =	sadd.s32 $0xFFFFFFFF, s8;
	v6 =	vmov s5;
	v5 =	vmov s26;
	v4 =	vmov s9;
	s5 =	simm.s32 $0xC8A  }
.LBB2_62:
0x2c2: {  	p1 =	sne.s32 s8, $0x1;
	v7 =	vld [tilespmem:s5+$0x7860];
	_ =	sdelay $0x4  }
0x2c3: {  	[tilespmem:v6+s5+$0xFFFFF376 ss:$0x1] =	vst.idx.msk $0xffff, v7  }
0x2c4: {  	v7 =	vld [tilespmem:s5+$0x8C70];
	_ =	sdelay $0x4  }
0x2c5: {  	[tilespmem:v5+s5+$0xFFFFF376 ss:$0x1] =	vst.idx.msk $0xffff, v7  }
0x2c6: {  	v7 =	vld [tilespmem:s5+$0xA080]  }
.Ltmp44:
0x2c7: {  	(pc) =	sbr.rel @p1 .LBB2_62-.Ltmp44, $3  }
0x2c8: {  	_ =	sdelay $0x1  }
0x2c9: {  	s7 =	sadd.s32 $0x40, s7  }
0x2ca: {  	s8 =	sadd.s32 $0xFFFFFFFF, s8;
	[tilespmem:v4+s5+$0xFFFFF376 ss:$0x1] =	vst.idx.msk $0xffff, v7;
	s5 =	sshra.s32 s7, $0x2  }
.LBB2_63:
0x2cb: {  	v7 =	vld [tilespmem:s5+$0x7860];
	_ =	sdelay $0x4  }
0x2cc: {  	[tilespmem:v6+s5+$0xFFFFF376 ss:$0x1] =	vst.idx.msk $0xffff, v7  }
0x2cd: {  	v6 =	vld [tilespmem:s5+$0x8C70];
	_ =	sdelay $0x4  }
0x2ce: {  	[tilespmem:v5+s5+$0xFFFFF376 ss:$0x1] =	vst.idx.msk $0xffff, v6  }
0x2cf: {  	v5 =	vld [tilespmem:s5+$0xA080];
	_ =	sdelay $0x4  }
0x2d0: {  	[tilespmem:v4+s5+$0xFFFFF376 ss:$0x1] =	vst.idx.msk $0xffff, v5  }
.LBB2_64:
0x2d1: {  	v4 =	vsel vm11, $0x0, v3  }
0x2d2: {  	(xrf0) =	vadd.scan.msk.s32 $0xffff, v4;
	_ =	sdelay $0x5  }
0x2d3: {  	v4, _, _ =	vpop (xrf0)  }
0x2d4: {  	(v2sf) =	vpush v4, $0xF;
	_ =	sdelay $0xc  }
0x2d5: {  	s6 =	sadd.s32 s4, s6  }
0x2d6: {  	s26 =	simm.s32 $0x1;
	s9 =	ssub.s32 $0x100F, s6  }
0x2d7: {  	p1 =	sne.s32 s6, $0x100F;
	s28 =	sshra.s32 s9, $0x1F;
	s5 =	spop (v2sf)  }
0x2d8: {  	s26 =	simm.s32 @!p1 $0x0;
	s10 =	sand.u32 $0xF, s9;
	s7 =	sadd.s32 $0xF, s5  }
0x2d9: {  	s26 =	sor.u32 s26, s28;
	p4 =	sne.s32 s10, $0x0;
	s8 =	sshra.s32 s7, $0x1F  }
0x2da: {  	s28 =	sshrl.u32 s28, $0x1C;
	s10 =	simm.s32 $0x1;
	s8 =	sshrl.u32 s8, $0x1C  }
0x2db: {  	p2 =	slt.s32 s7, $0x1;
	s8 =	sadd.s32 s8, s7;
	s7 =	sand.u32 $0xF, s7  }
0x2dc: {  	p3 =	sne.s32 s26, $0x1;
	s9 =	sadd.s32 s28, s9;
	p5 =	sne.s32 s7, $0x0  }
0x2dd: {  	p6 =	por !p4, !p3;
	s26 =	sshra.s32 s8, $0x4;
	p1 =	por !p2, !p5  }
0x2de: {  	s8 =	simm.s32 $0x1;
	p2 =	por !p6, !p6;
	p1 =	por !p1, !p1  }
0x2df: {  	s9 =	sshra.s32 s9, $0x4;
	s10 =	simm.s32 @!p2 $0x0;
	s8 =	simm.s32 @!p1 $0x0  }
0x2e0: {  	s7 =	ssub.s32 s26, s8;
	s8 =	ssub.s32 s9, s10  }
0x2e1: {  	p1 =	slt.s32 s7, s8  }
0x2e2: {  	s8 =	smov.u32 @p1 s7  }
0x2e3: {  	p1 =	slt.s32 s8, $0x1  }
.Ltmp45:
0x2e4: {  	_ = 	snop;
	(pc) =	sbr.rel @p1 .LBB2_68-.Ltmp45, $2  }
0x2e5: {  	_ =	sdelay $0x2  }
0x2e6: {  	s26 =	sshll.u32 s4, $0x2  }
0x2e7: {  	s4 =	sadd.s32 s26, s17  }
0x2e8: {  	s4 =	sadd.s32 s25, s4  }
0x2e9: {  	s4 =	sadd.s32 s24, s4  }
0x2ea: {  	s4 =	sadd.s32 s20, s4  }
0x2eb: {  	s4 =	sadd.s32 s19, s4  }
0x2ec: {  	s4 =	sadd.s32 s18, s4  }
0x2ed: {  	p1 =	sne.s32 s8, $0x1;
	s4 =	sadd.s32 s16, s4  }
.Ltmp46:
0x2ee: {  	s4 =	sadd.s32 s0, s4;
	(pc) =	sbr.rel @!p1 .LBB2_67-.Ltmp46, $4  }
0x2ef: {  	s4 =	sadd.s32 s1, s4  }
0x2f0: {  	s4 =	sshra.s32 s4, $0x2  }
0x2f1: {  	s9 =	sadd.s32 $0x6840, s4;
	s10 =	sadd.s32 $0x5820, s4;
	s4 =	sadd.s32 $0x4800, s4  }
0x2f2: {  	s7 =	simm.s32 $0x372C;
	s8 =	sadd.s32 $0xFFFFFFFF, s8;
	v6 =	vmov s4;
	v5 =	vmov s10;
	v4 =	vmov s9;
	s4 =	simm.s32 $0xDCB  }
.LBB2_66:
0x2f3: {  	p1 =	sne.s32 s8, $0x1;
	v7 =	vld [tilespmem:s4+$0x7860];
	_ =	sdelay $0x4  }
0x2f4: {  	[tilespmem:v6+s4+$0xFFFFF235 ss:$0x1] =	vst.idx.msk $0xffff, v7  }
0x2f5: {  	v7 =	vld [tilespmem:s4+$0x8C70];
	_ =	sdelay $0x4  }
0x2f6: {  	[tilespmem:v5+s4+$0xFFFFF235 ss:$0x1] =	vst.idx.msk $0xffff, v7  }
0x2f7: {  	v7 =	vld [tilespmem:s4+$0xA080]  }
.Ltmp47:
0x2f8: {  	(pc) =	sbr.rel @p1 .LBB2_66-.Ltmp47, $3  }
0x2f9: {  	_ =	sdelay $0x1  }
0x2fa: {  	s7 =	sadd.s32 $0x40, s7  }
0x2fb: {  	s8 =	sadd.s32 $0xFFFFFFFF, s8;
	[tilespmem:v4+s4+$0xFFFFF235 ss:$0x1] =	vst.idx.msk $0xffff, v7;
	s4 =	sshra.s32 s7, $0x2  }
.LBB2_67:
0x2fc: {  	v7 =	vld [tilespmem:s4+$0x7860];
	_ =	sdelay $0x4  }
0x2fd: {  	[tilespmem:v6+s4+$0xFFFFF235 ss:$0x1] =	vst.idx.msk $0xffff, v7  }
0x2fe: {  	v6 =	vld [tilespmem:s4+$0x8C70];
	_ =	sdelay $0x4  }
0x2ff: {  	[tilespmem:v5+s4+$0xFFFFF235 ss:$0x1] =	vst.idx.msk $0xffff, v6  }
0x300: {  	v5 =	vld [tilespmem:s4+$0xA080];
	_ =	sdelay $0x4  }
0x301: {  	[tilespmem:v4+s4+$0xFFFFF235 ss:$0x1] =	vst.idx.msk $0xffff, v5  }
.LBB2_68:
0x302: {  	v4 =	vsel vm12, $0x0, v3  }
0x303: {  	(xrf0) =	vadd.scan.msk.s32 $0xffff, v4;
	_ =	sdelay $0x5  }
0x304: {  	v4, _, _ =	vpop (xrf0)  }
0x305: {  	(v2sf) =	vpush v4, $0xF;
	_ =	sdelay $0xe  }
0x306: {  	s4 =	spop (v2sf)  }
0x307: {  	s8 =	sadd.s32 $0xF, s4  }
0x308: {  	s7 =	sshra.s32 s8, $0x1F  }
0x309: {  	s10 =	simm.s32 $0x1;
	s9 =	sshrl.u32 s7, $0x1C;
	s7 =	sadd.s32 s5, s6  }
0x30a: {  	p2 =	slt.s32 s8, $0x1;
	s9 =	sadd.s32 s9, s8;
	s12 =	ssub.s32 $0x100F, s7  }
0x30b: {  	p1 =	sne.s32 s7, $0x100F;
	s8 =	sand.u32 $0xF, s8;
	s28 =	sshra.s32 s12, $0x1F  }
0x30c: {  	s10 =	simm.s32 @!p1 $0x0;
	s11 =	sand.u32 $0xF, s12;
	p5 =	sne.s32 s8, $0x0  }
0x30d: {  	s6 =	sshra.s32 s9, $0x4;
	s8 =	simm.s32 $0x1;
	s10 =	sor.u32 s10, s28  }
0x30e: {  	p4 =	sne.s32 s11, $0x0;
	p1 =	por !p2, !p5;
	p3 =	sne.s32 s10, $0x1  }
0x30f: {  	s13 =	sshrl.u32 s28, $0x1C;
	p1 =	por !p1, !p1;
	p6 =	por !p4, !p3  }
0x310: {  	s9 =	sadd.s32 s13, s12;
	s10 =	simm.s32 $0x1;
	p2 =	por !p6, !p6  }
0x311: {  	s8 =	simm.s32 @!p1 $0x0;
	s9 =	sshra.s32 s9, $0x4;
	s10 =	simm.s32 @!p2 $0x0  }
0x312: {  	s6 =	ssub.s32 s6, s8;
	s8 =	ssub.s32 s9, s10  }
0x313: {  	p1 =	slt.s32 s6, s8  }
0x314: {  	s8 =	smov.u32 @p1 s6  }
0x315: {  	p1 =	slt.s32 s8, $0x1  }
.Ltmp48:
0x316: {  	_ = 	snop;
	(pc) =	sbr.rel @p1 .LBB2_72-.Ltmp48, $2  }
0x317: {  	_ =	sdelay $0x2  }
0x318: {  	s28 =	sshll.u32 s5, $0x2  }
0x319: {  	s5 =	sadd.s32 s28, s17  }
0x31a: {  	s5 =	sadd.s32 s26, s5  }
0x31b: {  	s5 =	sadd.s32 s25, s5  }
0x31c: {  	s5 =	sadd.s32 s24, s5  }
0x31d: {  	s5 =	sadd.s32 s20, s5  }
0x31e: {  	s5 =	sadd.s32 s19, s5  }
0x31f: {  	s5 =	sadd.s32 s18, s5  }
0x320: {  	p1 =	sne.s32 s8, $0x1;
	s5 =	sadd.s32 s16, s5  }
.Ltmp49:
0x321: {  	s5 =	sadd.s32 s0, s5;
	(pc) =	sbr.rel @!p1 .LBB2_71-.Ltmp49, $4  }
0x322: {  	s5 =	sadd.s32 s1, s5  }
0x323: {  	s5 =	sshra.s32 s5, $0x2  }
0x324: {  	s9 =	sadd.s32 $0x6840, s5;
	s10 =	sadd.s32 $0x5820, s5;
	s5 =	sadd.s32 $0x4800, s5  }
0x325: {  	s6 =	simm.s32 $0x3C30;
	s8 =	sadd.s32 $0xFFFFFFFF, s8;
	v6 =	vmov s5;
	v5 =	vmov s10;
	v4 =	vmov s9;
	s5 =	simm.s32 $0xF0C  }
.LBB2_70:
0x326: {  	p1 =	sne.s32 s8, $0x1;
	v7 =	vld [tilespmem:s5+$0x7860];
	_ =	sdelay $0x4  }
0x327: {  	[tilespmem:v6+s5+$0xFFFFF0F4 ss:$0x1] =	vst.idx.msk $0xffff, v7  }
0x328: {  	v7 =	vld [tilespmem:s5+$0x8C70];
	_ =	sdelay $0x4  }
0x329: {  	[tilespmem:v5+s5+$0xFFFFF0F4 ss:$0x1] =	vst.idx.msk $0xffff, v7  }
0x32a: {  	v7 =	vld [tilespmem:s5+$0xA080]  }
.Ltmp50:
0x32b: {  	(pc) =	sbr.rel @p1 .LBB2_70-.Ltmp50, $3  }
0x32c: {  	_ =	sdelay $0x1  }
0x32d: {  	s6 =	sadd.s32 $0x40, s6  }
0x32e: {  	s8 =	sadd.s32 $0xFFFFFFFF, s8;
	[tilespmem:v4+s5+$0xFFFFF0F4 ss:$0x1] =	vst.idx.msk $0xffff, v7;
	s5 =	sshra.s32 s6, $0x2  }
.LBB2_71:
0x32f: {  	v7 =	vld [tilespmem:s5+$0x7860];
	_ =	sdelay $0x4  }
0x330: {  	[tilespmem:v6+s5+$0xFFFFF0F4 ss:$0x1] =	vst.idx.msk $0xffff, v7  }
0x331: {  	v6 =	vld [tilespmem:s5+$0x8C70];
	_ =	sdelay $0x4  }
0x332: {  	[tilespmem:v5+s5+$0xFFFFF0F4 ss:$0x1] =	vst.idx.msk $0xffff, v6  }
0x333: {  	v5 =	vld [tilespmem:s5+$0xA080];
	_ =	sdelay $0x4  }
0x334: {  	[tilespmem:v4+s5+$0xFFFFF0F4 ss:$0x1] =	vst.idx.msk $0xffff, v5  }
.LBB2_72:
0x335: {  	v4 =	vsel vm13, $0x0, v3  }
0x336: {  	(xrf0) =	vadd.scan.msk.s32 $0xffff, v4;
	_ =	sdelay $0x5  }
0x337: {  	v4, _, _ =	vpop (xrf0)  }
0x338: {  	(v2sf) =	vpush v4, $0xF;
	_ =	sdelay $0xc  }
0x339: {  	s7 =	sadd.s32 s4, s7  }
0x33a: {  	s10 =	simm.s32 $0x1;
	s9 =	ssub.s32 $0x100F, s7  }
0x33b: {  	p1 =	sne.s32 s7, $0x100F;
	s11 =	sshra.s32 s9, $0x1F;
	s6 =	spop (v2sf)  }
0x33c: {  	s10 =	simm.s32 @!p1 $0x0;
	s12 =	sand.u32 $0xF, s9;
	s5 =	sadd.s32 $0xF, s6  }
0x33d: {  	s10 =	sor.u32 s10, s11;
	p4 =	sne.s32 s12, $0x0;
	s8 =	sshra.s32 s5, $0x1F  }
0x33e: {  	s13 =	sshrl.u32 s11, $0x1C;
	p3 =	sne.s32 s10, $0x1;
	s8 =	sshrl.u32 s8, $0x1C  }
0x33f: {  	p2 =	slt.s32 s5, $0x1;
	s8 =	sadd.s32 s8, s5;
	s5 =	sand.u32 $0xF, s5  }
0x340: {  	s9 =	sadd.s32 s13, s9;
	s10 =	simm.s32 $0x1;
	p5 =	sne.s32 s5, $0x0  }
0x341: {  	p6 =	por !p4, !p3;
	s12 =	sshra.s32 s8, $0x4;
	p1 =	por !p2, !p5  }
0x342: {  	s8 =	simm.s32 $0x1;
	p2 =	por !p6, !p6;
	p1 =	por !p1, !p1  }
0x343: {  	s9 =	sshra.s32 s9, $0x4;
	s10 =	simm.s32 @!p2 $0x0;
	s8 =	simm.s32 @!p1 $0x0  }
0x344: {  	s9 =	ssub.s32 s9, s10;
	s5 =	ssub.s32 s12, s8  }
0x345: {  	p1 =	slt.s32 s5, s9  }
0x346: {  	s9 =	smov.u32 @p1 s5  }
0x347: {  	p1 =	slt.s32 s9, $0x1  }
.Ltmp51:
0x348: {  	_ = 	snop;
	(pc) =	sbr.rel @p1 .LBB2_76-.Ltmp51, $2  }
0x349: {  	_ =	sdelay $0x2  }
0x34a: {  	s4 =	sshll.u32 s4, $0x2  }
0x34b: {  	s5 =	sadd.s32 s4, s17  }
0x34c: {  	s5 =	sadd.s32 s28, s5  }
0x34d: {  	s5 =	sadd.s32 s26, s5  }
0x34e: {  	s5 =	sadd.s32 s25, s5  }
0x34f: {  	s5 =	sadd.s32 s24, s5  }
0x350: {  	s5 =	sadd.s32 s20, s5  }
0x351: {  	s5 =	sadd.s32 s19, s5  }
0x352: {  	s5 =	sadd.s32 s18, s5  }
0x353: {  	p1 =	sne.s32 s9, $0x1;
	s5 =	sadd.s32 s16, s5  }
.Ltmp52:
0x354: {  	s5 =	sadd.s32 s0, s5;
	(pc) =	sbr.rel @!p1 .LBB2_75-.Ltmp52, $4  }
0x355: {  	s5 =	sadd.s32 s1, s5  }
0x356: {  	s5 =	sshra.s32 s5, $0x2  }
0x357: {  	s10 =	sadd.s32 $0x6840, s5;
	s11 =	sadd.s32 $0x5820, s5;
	s5 =	sadd.s32 $0x4800, s5  }
0x358: {  	s8 =	simm.s32 $0x4134;
	s9 =	sadd.s32 $0xFFFFFFFF, s9;
	v6 =	vmov s5;
	v5 =	vmov s11;
	v4 =	vmov s10;
	s5 =	simm.s32 $0x104D  }
.LBB2_74:
0x359: {  	p1 =	sne.s32 s9, $0x1;
	v7 =	vld [tilespmem:s5+$0x7860];
	_ =	sdelay $0x4  }
0x35a: {  	[tilespmem:v6+s5+$0xFFFFEFB3 ss:$0x1] =	vst.idx.msk $0xffff, v7  }
0x35b: {  	v7 =	vld [tilespmem:s5+$0x8C70];
	_ =	sdelay $0x4  }
0x35c: {  	[tilespmem:v5+s5+$0xFFFFEFB3 ss:$0x1] =	vst.idx.msk $0xffff, v7  }
0x35d: {  	v7 =	vld [tilespmem:s5+$0xA080]  }
.Ltmp53:
0x35e: {  	(pc) =	sbr.rel @p1 .LBB2_74-.Ltmp53, $3  }
0x35f: {  	_ =	sdelay $0x1  }
0x360: {  	s8 =	sadd.s32 $0x40, s8  }
0x361: {  	s9 =	sadd.s32 $0xFFFFFFFF, s9;
	[tilespmem:v4+s5+$0xFFFFEFB3 ss:$0x1] =	vst.idx.msk $0xffff, v7;
	s5 =	sshra.s32 s8, $0x2  }
.LBB2_75:
0x362: {  	v7 =	vld [tilespmem:s5+$0x7860];
	_ =	sdelay $0x4  }
0x363: {  	[tilespmem:v6+s5+$0xFFFFEFB3 ss:$0x1] =	vst.idx.msk $0xffff, v7  }
0x364: {  	v6 =	vld [tilespmem:s5+$0x8C70];
	_ =	sdelay $0x4  }
0x365: {  	[tilespmem:v5+s5+$0xFFFFEFB3 ss:$0x1] =	vst.idx.msk $0xffff, v6  }
0x366: {  	v5 =	vld [tilespmem:s5+$0xA080];
	_ =	sdelay $0x4  }
0x367: {  	[tilespmem:v4+s5+$0xFFFFEFB3 ss:$0x1] =	vst.idx.msk $0xffff, v5  }
.LBB2_76:
0x368: {  	v4 =	vsel vm14, $0x0, v3  }
0x369: {  	(xrf0) =	vadd.scan.msk.s32 $0xffff, v4;
	_ =	sdelay $0x5  }
0x36a: {  	v4, _, _ =	vpop (xrf0)  }
0x36b: {  	(v2sf) =	vpush v4, $0xF;
	_ =	sdelay $0xc  }
0x36c: {  	s7 =	sadd.s32 s6, s7  }
0x36d: {  	s11 =	simm.s32 $0x1;
	s10 =	ssub.s32 $0x100F, s7  }
0x36e: {  	p1 =	sne.s32 s7, $0x100F;
	s12 =	sshra.s32 s10, $0x1F;
	s5 =	spop (v2sf)  }
0x36f: {  	s11 =	simm.s32 @!p1 $0x0;
	s13 =	sand.u32 $0xF, s10;
	s8 =	sadd.s32 $0xF, s5  }
0x370: {  	s11 =	sor.u32 s11, s12;
	p4 =	sne.s32 s13, $0x0;
	s9 =	sshra.s32 s8, $0x1F  }
0x371: {  	s13 =	sshrl.u32 s12, $0x1C;
	p3 =	sne.s32 s11, $0x1;
	s9 =	sshrl.u32 s9, $0x1C  }
0x372: {  	p2 =	slt.s32 s8, $0x1;
	s9 =	sadd.s32 s9, s8;
	s8 =	sand.u32 $0xF, s8  }
0x373: {  	s10 =	sadd.s32 s13, s10;
	s11 =	simm.s32 $0x1;
	p5 =	sne.s32 s8, $0x0  }
0x374: {  	p6 =	por !p4, !p3;
	s8 =	sshra.s32 s9, $0x4;
	p1 =	por !p2, !p5  }
0x375: {  	s9 =	simm.s32 $0x1;
	p2 =	por !p6, !p6;
	p1 =	por !p1, !p1  }
0x376: {  	s10 =	sshra.s32 s10, $0x4;
	s11 =	simm.s32 @!p2 $0x0;
	s9 =	simm.s32 @!p1 $0x0  }
0x377: {  	s8 =	ssub.s32 s8, s9;
	s9 =	ssub.s32 s10, s11  }
0x378: {  	p1 =	slt.s32 s8, s9  }
0x379: {  	s9 =	smov.u32 @p1 s8  }
0x37a: {  	p1 =	slt.s32 s9, $0x1  }
.Ltmp54:
0x37b: {  	_ = 	snop;
	(pc) =	sbr.rel @p1 .LBB2_80-.Ltmp54, $2  }
0x37c: {  	_ =	sdelay $0x2  }
0x37d: {  	s6 =	sshll.u32 s6, $0x2  }
0x37e: {  	s8 =	sadd.s32 s6, s17  }
0x37f: {  	s8 =	sadd.s32 s4, s8  }
0x380: {  	s8 =	sadd.s32 s28, s8  }
0x381: {  	s8 =	sadd.s32 s26, s8  }
0x382: {  	s8 =	sadd.s32 s25, s8  }
0x383: {  	s8 =	sadd.s32 s24, s8  }
0x384: {  	s8 =	sadd.s32 s20, s8  }
0x385: {  	s8 =	sadd.s32 s19, s8  }
0x386: {  	s8 =	sadd.s32 s18, s8  }
0x387: {  	p1 =	sne.s32 s9, $0x1;
	s8 =	sadd.s32 s16, s8  }
.Ltmp55:
0x388: {  	s8 =	sadd.s32 s0, s8;
	(pc) =	sbr.rel @!p1 .LBB2_79-.Ltmp55, $4  }
0x389: {  	s8 =	sadd.s32 s1, s8  }
0x38a: {  	s8 =	sshra.s32 s8, $0x2  }
0x38b: {  	s10 =	sadd.s32 $0x6840, s8;
	s11 =	sadd.s32 $0x5820, s8;
	s12 =	sadd.s32 $0x4800, s8  }
0x38c: {  	s17 =	simm.s32 $0x118E;
	s9 =	sadd.s32 $0xFFFFFFFF, s9;
	s8 =	simm.s32 $0x4638;
	v6 =	vmov s12;
	v5 =	vmov s11;
	v4 =	vmov s10  }
.LBB2_78:
0x38d: {  	p1 =	sne.s32 s9, $0x1;
	v7 =	vld [tilespmem:s17+$0x7860];
	_ =	sdelay $0x4  }
0x38e: {  	[tilespmem:v6+s17+$0xFFFFEE72 ss:$0x1] =	vst.idx.msk $0xffff, v7  }
0x38f: {  	v7 =	vld [tilespmem:s17+$0x8C70];
	_ =	sdelay $0x4  }
0x390: {  	[tilespmem:v5+s17+$0xFFFFEE72 ss:$0x1] =	vst.idx.msk $0xffff, v7  }
0x391: {  	v7 =	vld [tilespmem:s17+$0xA080]  }
.Ltmp56:
0x392: {  	(pc) =	sbr.rel @p1 .LBB2_78-.Ltmp56, $3  }
0x393: {  	_ =	sdelay $0x1  }
0x394: {  	s8 =	sadd.s32 $0x40, s8  }
0x395: {  	s9 =	sadd.s32 $0xFFFFFFFF, s9;
	[tilespmem:v4+s17+$0xFFFFEE72 ss:$0x1] =	vst.idx.msk $0xffff, v7;
	s17 =	sshra.s32 s8, $0x2  }
.LBB2_79:
0x396: {  	v7 =	vld [tilespmem:s17+$0x7860];
	_ =	sdelay $0x4  }
0x397: {  	[tilespmem:v6+s17+$0xFFFFEE72 ss:$0x1] =	vst.idx.msk $0xffff, v7  }
0x398: {  	v6 =	vld [tilespmem:s17+$0x8C70];
	_ =	sdelay $0x4  }
0x399: {  	[tilespmem:v5+s17+$0xFFFFEE72 ss:$0x1] =	vst.idx.msk $0xffff, v6  }
0x39a: {  	v5 =	vld [tilespmem:s17+$0xA080];
	_ =	sdelay $0x4  }
0x39b: {  	[tilespmem:v4+s17+$0xFFFFEE72 ss:$0x1] =	vst.idx.msk $0xffff, v5  }
.LBB2_80:
0x39c: {  	v4 =	vsel vm15, $0x0, v3  }
0x39d: {  	(xrf0) =	vadd.scan.msk.s32 $0xffff, v4;
	_ =	sdelay $0x5  }
0x39e: {  	v4, _, _ =	vpop (xrf0)  }
0x39f: {  	(v2sf) =	vpush v4, $0xF;
	_ =	sdelay $0xc  }
0x3a0: {  	s7 =	sadd.s32 s5, s7  }
0x3a1: {  	s10 =	ssub.s32 $0x100F, s7;
	p1 =	sne.s32 s7, $0x100F  }
0x3a2: {  	s7 =	simm.s32 $0x1;
	s11 =	sshra.s32 s10, $0x1F;
	s8 =	spop (v2sf)  }
0x3a3: {  	s7 =	simm.s32 @!p1 $0x0;
	s12 =	sand.u32 $0xF, s10;
	s8 =	sadd.s32 $0xF, s8  }
0x3a4: {  	s7 =	sor.u32 s7, s11;
	p4 =	sne.s32 s12, $0x0;
	s9 =	sshra.s32 s8, $0x1F  }
0x3a5: {  	s17 =	sshrl.u32 s11, $0x1C;
	p3 =	sne.s32 s7, $0x1;
	s9 =	sshrl.u32 s9, $0x1C  }
0x3a6: {  	p2 =	slt.s32 s8, $0x1;
	s9 =	sadd.s32 s9, s8;
	s8 =	sand.u32 $0xF, s8  }
0x3a7: {  	p6 =	por !p4, !p3;
	p5 =	sne.s32 s8, $0x0;
	s13 =	sshra.s32 s9, $0x4  }
0x3a8: {  	s8 =	simm.s32 $0x1;
	s9 =	sadd.s32 s17, s10;
	p1 =	por !p2, !p5  }
0x3a9: {  	s10 =	simm.s32 $0x1;
	p2 =	por !p6, !p6;
	p1 =	por !p1, !p1  }
0x3aa: {  	s9 =	sshra.s32 s9, $0x4;
	s10 =	simm.s32 @!p2 $0x0;
	s8 =	simm.s32 @!p1 $0x0  }
0x3ab: {  	s7 =	ssub.s32 s9, s10;
	s8 =	ssub.s32 s13, s8  }
0x3ac: {  	p1 =	slt.s32 s8, s7  }
0x3ad: {  	s7 =	smov.u32 @p1 s8  }
0x3ae: {  	p1 =	slt.s32 s7, $0x1  }
.Ltmp57:
0x3af: {  	_ = 	snop;
	(pc) =	sbr.rel @p1 .LBB2_84-.Ltmp57, $1  }
0x3b0: {  	_ =	sdelay $0x3  }
0x3b1: {  	s5 =	sshll.u32 s5, $0x2  }
0x3b2: {  	s5 =	sadd.s32 s5, s30  }
0x3b3: {  	s5 =	sadd.s32 s6, s5  }
0x3b4: {  	s4 =	sadd.s32 s4, s5  }
0x3b5: {  	s4 =	sadd.s32 s28, s4  }
0x3b6: {  	s4 =	sadd.s32 s26, s4  }
0x3b7: {  	s4 =	sadd.s32 s25, s4  }
0x3b8: {  	s4 =	sadd.s32 s24, s4  }
0x3b9: {  	s4 =	sadd.s32 s20, s4  }
0x3ba: {  	s4 =	sadd.s32 s19, s4  }
0x3bb: {  	s4 =	sadd.s32 s18, s4  }
0x3bc: {  	s4 =	sadd.s32 s16, s4  }
0x3bd: {  	p1 =	sne.s32 s7, $0x1;
	s0 =	sadd.s32 s0, s4  }
.Ltmp58:
0x3be: {  	s0 =	sadd.s32 s1, s0;
	(pc) =	sbr.rel @!p1 .LBB2_83-.Ltmp58, $4  }
0x3bf: {  	s0 =	sadd.s32 s31, s0  }
0x3c0: {  	s0 =	sshra.s32 s0, $0x2  }
0x3c1: {  	s30 =	sadd.s32 $0x6840, s0;
	s31 =	sadd.s32 $0x5820, s0;
	s0 =	sadd.s32 $0x4800, s0  }
0x3c2: {  	s4 =	sadd.s32 $0xFFFFFFFF, s7;
	s1 =	simm.s32 $0x4B3C;
	v6 =	vmov s0;
	v5 =	vmov s31;
	v4 =	vmov s30;
	s0 =	simm.s32 $0x12CF  }
.LBB2_82:
0x3c3: {  	p1 =	sne.s32 s4, $0x1;
	v7 =	vld [tilespmem:s0+$0x7860];
	_ =	sdelay $0x4  }
0x3c4: {  	[tilespmem:v6+s0+$0xFFFFED31 ss:$0x1] =	vst.idx.msk $0xffff, v7  }
0x3c5: {  	v7 =	vld [tilespmem:s0+$0x8C70];
	_ =	sdelay $0x4  }
0x3c6: {  	[tilespmem:v5+s0+$0xFFFFED31 ss:$0x1] =	vst.idx.msk $0xffff, v7  }
0x3c7: {  	v7 =	vld [tilespmem:s0+$0xA080]  }
.Ltmp59:
0x3c8: {  	(pc) =	sbr.rel @p1 .LBB2_82-.Ltmp59, $3  }
0x3c9: {  	_ =	sdelay $0x1  }
0x3ca: {  	s1 =	sadd.s32 $0x40, s1  }
0x3cb: {  	s4 =	sadd.s32 $0xFFFFFFFF, s4;
	[tilespmem:v4+s0+$0xFFFFED31 ss:$0x1] =	vst.idx.msk $0xffff, v7;
	s0 =	sshra.s32 s1, $0x2  }
.Ltmp60:
0x3cc: {  	_ = 	snop;
	(pc) =	sbr.rel .LBB2_83-.Ltmp60, $1  }
0x3cd: {  	_ =	sdelay $0x3  }
.LBB2_10:
.Ltmp61:
0x3ce: {  	(pc) =	sbr.rel .LBB2_14-.Ltmp61, $3  }
0x3cf: {  	_ =	sdelay $0x1  }
0x3d0: {  	s7 =	simm.s32 $0x4800;
	s17 =	simm.s32 $0x8C70  }
0x3d1: {  	s18 =	simm.s32 $0x5820;
	s20 =	simm.s32 $0xA080;
	s19 =	simm.s32 $0x6840  }
.LBB2_17:
.Ltmp62:
0x3d2: {  	(pc) =	sbr.rel .LBB2_21-.Ltmp62, $3  }
0x3d3: {  	_ =	sdelay $0x1  }
0x3d4: {  	s17 =	smov.u32 s6;
	s20 =	simm.s32 $0x8DB1  }
0x3d5: {  	s18 =	smov.u32 s4;
	s24 =	simm.s32 $0xA1C1;
	s19 =	smov.u32 s1  }
.LBB2_24:
.Ltmp63:
0x3d6: {  	(pc) =	sbr.rel .LBB2_28-.Ltmp63, $3  }
0x3d7: {  	_ =	sdelay $0x1  }
0x3d8: {  	s18 =	smov.u32 s16;
	s24 =	simm.s32 $0x8EF2  }
0x3d9: {  	s19 =	smov.u32 s6;
	s25 =	simm.s32 $0xA302;
	s20 =	smov.u32 s4  }
.LBB2_31:
.Ltmp64:
0x3da: {  	(pc) =	sbr.rel .LBB2_35-.Ltmp64, $3  }
0x3db: {  	_ =	sdelay $0x1  }
0x3dc: {  	s19 =	smov.u32 s17;
	s25 =	simm.s32 $0x9033  }
0x3dd: {  	s20 =	smov.u32 s7;
	s26 =	simm.s32 $0xA443;
	s24 =	smov.u32 s6  }
.LBB2_12:
.Ltmp65:
0x3de: {  	(pc) =	sbr.rel .LBB2_14-.Ltmp65, $3  }
0x3df: {  	_ =	sdelay $0x1  }
0x3e0: {  	s7 =	simm.s32 $0x4800;
	s17 =	simm.s32 $0x8C70  }
0x3e1: {  	s18 =	simm.s32 $0x5820;
	s20 =	simm.s32 $0xA080;
	s19 =	simm.s32 $0x6840  }
.LBB2_19:
.Ltmp66:
0x3e2: {  	(pc) =	sbr.rel .LBB2_21-.Ltmp66, $3  }
0x3e3: {  	_ =	sdelay $0x1  }
0x3e4: {  	s17 =	smov.u32 s6;
	s20 =	simm.s32 $0x8DB1  }
0x3e5: {  	s18 =	smov.u32 s4;
	s24 =	simm.s32 $0xA1C1;
	s19 =	smov.u32 s1  }
.LBB2_26:
.Ltmp67:
0x3e6: {  	(pc) =	sbr.rel .LBB2_28-.Ltmp67, $3  }
0x3e7: {  	_ =	sdelay $0x1  }
0x3e8: {  	s18 =	smov.u32 s16;
	s24 =	simm.s32 $0x8EF2  }
0x3e9: {  	s19 =	smov.u32 s6;
	s25 =	simm.s32 $0xA302;
	s20 =	smov.u32 s4  }
.LBB2_33:
.Ltmp68:
0x3ea: {  	(pc) =	sbr.rel .LBB2_35-.Ltmp68, $3  }
0x3eb: {  	_ =	sdelay $0x1  }
0x3ec: {  	s19 =	smov.u32 s17;
	s25 =	simm.s32 $0x9033  }
0x3ed: {  	s20 =	smov.u32 s7;
	s26 =	simm.s32 $0xA443;
	s24 =	smov.u32 s6  }
.LBB2_85:
0x3ee: {  	_ =	sfence.sel $0x180000  }
0x3ef: {  	[bflag:$0x0] =	sbarrier.arrive $0xFFFF  }
0x3f0: {  	_ =	strace $0x90000047  }
0x3f1: {  	s0 =	stileid.u32;
	[bflag:$0x2] =	sbarrier.arrive $0xFFFF  }
0x3f2: {  	p0 =	sne.s32 s0, $0x0;
	s0 =	rddreg [dreg:$0x1]  }
0x3f3: {  	s0 =	sadd.s32 @!p0 $0x100000, s0  }
0x3f4: {  	[sflag:s0] =	ssyncadd.tile.s32 @!p0 $0x1;
	_ =	shalt  }
.Lfunc_end2:
_tile_overlayer_lowered:
.L_overlay_start_2:
0x3f5: {  	(tag) =	ssettag $0x2  }
0x3f6: {  	s0 =	rddreg [dreg:$0x0];
	s2 =	stileid.u32  }
0x3f7: {  	s1 =	rddreg [dreg:$0x1];
	p0 =	sne.s32 s2, $0x0  }
0x3f8: {  	s3 =	rddreg [dreg:$0x2];
	[bflag:$0x3] =	sbarrier.arrive $0xFFFF;
	s2 =	simm.s32 @!p0 $0x1C01  }
0x3f9: {  	[timem:s3], [sflag:s2] =	dma.local @!p0 [hbm:s0], s1  }
0x3fa: {  	s0 =	simm.s32 @!p0 $0x1  }
0x3fb: {  	_ =	swait.ge @!p0 [sflag:s0], s1  }
0x3fc: {  	s1 =	ssub.s32 @!p0 $0x0, s1;
	[sflag:s0] =	ssyncset.done @!p0 $0x0  }
0x3fd: {  	[sflag:s0] =	ssyncadd.s32 @!p0 s1  }
0x3fe: {  	[bflag:$0x3] =	sbarrier.arrive $0xFFFF  }
0x3ff: {  	_ =	shalt  }

</sc_bundles>
